<compile_context>
chip_gen: v7x
topology: tpu7x:2x2x1
jax: 0.10.2.dev20260603
libtpu: 0.0.44.dev20260713+nightly
codegen_flags: <defaults>
</compile_context>

<pallas_src>
import functools

import jax
import jax.numpy as jnp
from jax import lax
from jax.experimental import pallas as pl
from jax.experimental.pallas import tpu as pltpu
from jax.experimental.pallas import tpu_sc as plsc

N = 10000
E = 320000
D_IN = 128
HID = 64

NC = 2
NS = 16
NW = NC * NS

CH = 80
EPT = E // NW
STEPS = EPT // CH
K = 5
GROUPS = STEPS // K
NPAD = 10240
RPT = NPAD // NS

DEGW = 16

NJOBS = 4


def _dot(a, b):
    return jnp.dot(a.astype(jnp.bfloat16), b.astype(jnp.bfloat16),
                   preferred_element_type=jnp.float32)


_mesh = plsc.VectorSubcoreMesh(core_axis_name="c", subcore_axis_name="s")


def _deg_body(dst_hbm, ones_hbm, zeros_hbm, out_hbm,
              idx_all, ones_v, acc_sp, ssem):
    sub = lax.axis_index("s")
    core = lax.axis_index("c")
    wid = core * NS + sub

    r0 = pl.multiple_of(sub * RPT, RPT)
    pltpu.sync_copy(zeros_hbm.at[pl.ds(r0, RPT)], acc_sp.at[pl.ds(r0, RPT)])
    pltpu.sync_copy(dst_hbm.at[wid], idx_all)
    pltpu.sync_copy(ones_hbm, ones_v)
    plsc.subcore_barrier()

    def grp(g, _):
        base = g * K
        descs = [
            pltpu.async_copy(ones_v, acc_sp.at[idx_all.at[base + b]],
                             ssem, add=True)
            for b in range(K)
        ]
        for d in descs:
            d.wait()
        return _

    lax.fori_loop(0, GROUPS, grp, None)
    plsc.subcore_barrier()
    pltpu.sync_copy(acc_sp.at[pl.ds(r0, RPT)],
                    out_hbm.at[pl.ds(core * NPAD + r0, RPT)])


_deg_kernel = pl.kernel(
    _deg_body,
    out_type=jax.ShapeDtypeStruct((NC * NPAD, DEGW), jnp.float32),
    mesh=_mesh,
    compiler_params=pltpu.CompilerParams(use_tc_tiling_on_sc=False),
    scratch_types=[
        pltpu.VMEM((STEPS, CH), jnp.int32),
        pltpu.VMEM((CH, DEGW), jnp.float32),
        pltpu.VMEM_SHARED((NPAD, DEGW), jnp.float32),
        pltpu.SemaphoreType.DMA,
    ],
)


def _agg_body(hws_hbm, src_hbm, dst_hbm, zeros_hbm, out_hbm,
              sidx_all, didx_all, rows_v, acc_sp, gsem, ssem):
    sub = lax.axis_index("s")
    core = lax.axis_index("c")
    wid = core * NS + sub

    r0 = pl.multiple_of(sub * RPT, RPT)
    pltpu.sync_copy(zeros_hbm.at[pl.ds(r0, RPT)], acc_sp.at[pl.ds(r0, RPT)])
    pltpu.sync_copy(src_hbm.at[wid], sidx_all)
    pltpu.sync_copy(dst_hbm.at[wid], didx_all)
    plsc.subcore_barrier()

    def grp(g, _):
        base = g * K
        gds = [
            pltpu.async_copy(hws_hbm.at[sidx_all.at[base + b]],
                             rows_v.at[b], gsem)
            for b in range(K)
        ]
        for d in gds:
            d.wait()
        sds = [
            pltpu.async_copy(rows_v.at[b], acc_sp.at[didx_all.at[base + b]],
                             ssem, add=True)
            for b in range(K)
        ]
        for d in sds:
            d.wait()
        return _

    lax.fori_loop(0, GROUPS, grp, None)
    plsc.subcore_barrier()
    pltpu.sync_copy(acc_sp.at[pl.ds(r0, RPT)],
                    out_hbm.at[pl.ds(core * NPAD + r0, RPT)])


_agg_kernel = pl.kernel(
    _agg_body,
    out_type=jax.ShapeDtypeStruct((NC * NPAD, HID), jnp.float32),
    mesh=_mesh,
    compiler_params=pltpu.CompilerParams(use_tc_tiling_on_sc=False),
    scratch_types=[
        pltpu.VMEM((STEPS, CH), jnp.int32),
        pltpu.VMEM((STEPS, CH), jnp.int32),
        pltpu.VMEM((K, CH, HID), jnp.float32),
        pltpu.VMEM_SHARED((NPAD, HID), jnp.float32),
        pltpu.SemaphoreType.DMA,
        pltpu.SemaphoreType.DMA,
    ],
)


def _h1pre_body(za_hbm, zb_hbm, idx_hbm, out_hbm, idx_all, rows_v,
                gsem, asem, ssem):
    sub = lax.axis_index("s")
    core = lax.axis_index("c")
    wid = core * NS + sub
    tbase = pl.multiple_of(wid * EPT, CH)

    for j in range(NJOBS):
        pltpu.sync_copy(idx_hbm.at[j, wid], idx_all.at[j])

    def run_set(st):
        def grp(g, _):
            base = g * K
            gds = [
                pltpu.async_copy(za_hbm.at[idx_all.at[2 * st, base + b]],
                                 rows_v.at[b], gsem)
                for b in range(K)
            ]
            for d in gds:
                d.wait()
            ads = [
                pltpu.async_copy(zb_hbm.at[idx_all.at[2 * st + 1, base + b]],
                                 rows_v.at[b], asem, add=True)
                for b in range(K)
            ]
            for d in ads:
                d.wait()
            sds = [
                pltpu.async_copy(
                    rows_v.at[b],
                    out_hbm.at[st, pl.ds(tbase + (base + b) * CH, CH)],
                    ssem)
                for b in range(K)
            ]
            for d in sds:
                d.wait()
            return _

        lax.fori_loop(0, GROUPS, grp, None)

    for st in range(2):
        run_set(st)


_h1pre_kernel = pl.kernel(
    _h1pre_body,
    out_type=jax.ShapeDtypeStruct((2, E, 2 * HID), jnp.float32),
    mesh=_mesh,
    compiler_params=pltpu.CompilerParams(use_tc_tiling_on_sc=False),
    scratch_types=[
        pltpu.VMEM((NJOBS, STEPS, CH), jnp.int32),
        pltpu.VMEM((K, CH, 2 * HID), jnp.float32),
        pltpu.SemaphoreType.DMA,
        pltpu.SemaphoreType.DMA,
        pltpu.SemaphoreType.DMA,
    ],
)


def _prescale_body(degp_ref, x_ref, w_ref, hws_ref, dinv_ref):
    deg = degp_ref[0, 0:N, 0:1] + degp_ref[1, 0:N, 0:1] + 1.0
    dinv = 1.0 / jnp.sqrt(deg)
    hw = _dot(x_ref[...], w_ref[...])
    hws_ref[...] = hw * dinv
    dinv_ref[...] = dinv


def _prescale(degp, x, w):
    return pl.pallas_call(
        _prescale_body,
        out_shape=(jax.ShapeDtypeStruct((N, HID), jnp.float32),
                   jax.ShapeDtypeStruct((N, 1), jnp.float32)),
    )(degp, x, w)


def _post_mid_body(aggp_ref, hws_ref, dinv_ref, b_ref, w_ref, out_ref):
    acc = aggp_ref[0, 0:N] + aggp_ref[1, 0:N] + hws_ref[...]
    h = jnp.maximum(acc * dinv_ref[...] + b_ref[...], 0.0)
    out_ref[...] = _dot(h, w_ref[...]) * dinv_ref[...]


def _post_mid(aggp, hws, dinv, b, w):
    return pl.pallas_call(
        _post_mid_body,
        out_shape=jax.ShapeDtypeStruct((N, HID), jnp.float32),
    )(aggp, hws, dinv, b, w)


def _post_final_body(aggp_ref, hws_ref, dinv_ref, b_ref, wa_ref, wb_ref,
                     z_ref, za_ref, zb_ref):
    acc = aggp_ref[0, 0:N] + aggp_ref[1, 0:N] + hws_ref[...]
    z = jnp.maximum(acc * dinv_ref[...] + b_ref[...], 0.0)
    z_ref[...] = z
    za_ref[...] = _dot(z, wa_ref[...])
    zb_ref[...] = _dot(z, wb_ref[...])


def _post_final(aggp, hws, dinv, b, wa, wb):
    return pl.pallas_call(
        _post_final_body,
        out_shape=(jax.ShapeDtypeStruct((N, HID), jnp.float32),
                   jax.ShapeDtypeStruct((N, 2 * HID), jnp.float32),
                   jax.ShapeDtypeStruct((N, 2 * HID), jnp.float32)),
    )(aggp, hws, dinv, b, wa, wb)


EBLK = 6400
NEBLK = E // EBLK


def _mlp_body(g_ref, b1_ref, w2_ref, b2_ref, w3_ref, b3_ref, out_ref):
    w2 = w2_ref[...].astype(jnp.bfloat16)
    w3b = w3_ref[...].astype(jnp.bfloat16).astype(jnp.float32)
    for st in range(2):
        h1 = jnp.maximum(g_ref[st] + b1_ref[...], 0.0)
        h2 = jnp.dot(h1.astype(jnp.bfloat16), w2,
                     preferred_element_type=jnp.float32)
        h2 = jnp.maximum(h2 + b2_ref[...], 0.0)
        h2b = h2.astype(jnp.bfloat16).astype(jnp.float32)
        v = jnp.sum(h2b * w3b, axis=1) + b3_ref[0, 0]
        out_ref[st, :] = v


def _link_mlp(g, b1, w2, b2, w3, b3):
    return pl.pallas_call(
        _mlp_body,
        grid=(NEBLK,),
        in_specs=[
            pl.BlockSpec((2, EBLK, 2 * HID), lambda i: (0, i, 0)),
            pl.BlockSpec((1, 2 * HID), lambda i: (0, 0)),
            pl.BlockSpec((2 * HID, HID), lambda i: (0, 0)),
            pl.BlockSpec((1, HID), lambda i: (0, 0)),
            pl.BlockSpec((1, HID), lambda i: (0, 0)),
            pl.BlockSpec((1, 1), lambda i: (0, 0)),
        ],
        out_specs=pl.BlockSpec((2, EBLK), lambda i: (0, i)),
        out_shape=jax.ShapeDtypeStruct((2, E), jnp.float32),
    )(g, b1, w2, b2, w3, b3)


def kernel(x, edge_index, neg_edge_index, W1, b1, W2, b2,
           lpW1, lpb1, lpW2, lpb2, lpW3, lpb3):
    src3 = edge_index[0].reshape(NW, STEPS, CH)
    dst3 = edge_index[1].reshape(NW, STEPS, CH)
    zeros_h = jnp.zeros((NPAD, HID), jnp.float32)
    zeros_d = jnp.zeros((NPAD, DEGW), jnp.float32)
    ones_d = jnp.ones((CH, DEGW), jnp.float32)

    degp = _deg_kernel(dst3, ones_d, zeros_d)
    degp = degp.reshape(NC, NPAD, DEGW)

    hws1, dinv = _prescale(degp, x, W1)
    agg1 = _agg_kernel(hws1, src3, dst3, zeros_h).reshape(NC, NPAD, HID)
    hws2 = _post_mid(agg1, hws1, dinv, b1.reshape(1, HID), W2)
    agg2 = _agg_kernel(hws2, src3, dst3, zeros_h).reshape(NC, NPAD, HID)
    wa = lpW1[:HID]
    wb = lpW1[HID:]
    z, za, zb = _post_final(agg2, hws2, dinv, b2.reshape(1, HID), wa, wb)

    idx4 = jnp.stack([edge_index[0], edge_index[1],
                      neg_edge_index[0], neg_edge_index[1]])
    idx4 = idx4.reshape(NJOBS, NW, STEPS, CH)
    h1pre = _h1pre_kernel(za, zb, idx4)

    preds = _link_mlp(h1pre, lpb1.reshape(1, 2 * HID), lpW2,
                      lpb2.reshape(1, HID), lpW3.reshape(1, HID),
                      lpb3.reshape(1, 1))
    return (preds[0], preds[1], z)

# --- scband reference (transcript-rebuilt; emitter-appended) ---
"""Pipeline reference for scband-gcnlink-predictor-62371515072904 (READ-ONLY COPY).

The authoritative reference and input builder live on the scoring server;
editing this copy changes nothing except your own understanding.
"""

import jax, jax.numpy as jnp
import numpy as np

N = 10000
E = 320000
D_IN = 128
HID = 64


def setup_inputs(seed: int = 0) -> dict:
    key = jax.random.key(seed)
    ks = jax.random.split(key, 16)
    x = jax.random.normal(ks[0], (N, D_IN), dtype=jnp.float32)
    edge_index = jax.random.randint(ks[1], (2, E), 0, N, dtype=jnp.int32)
    neg_edge_index = jax.random.randint(ks[2], (2, E), 0, N, dtype=jnp.int32)
    s = 0.1
    W1 = jax.random.normal(ks[3], (D_IN, HID), dtype=jnp.float32) * s
    b1 = jnp.zeros((HID,), dtype=jnp.float32)
    W2 = jax.random.normal(ks[4], (HID, HID), dtype=jnp.float32) * s
    b2 = jnp.zeros((HID,), dtype=jnp.float32)
    lpW1 = jax.random.normal(ks[5], (2 * HID, 128), dtype=jnp.float32) * s
    lpb1 = jnp.zeros((128,), dtype=jnp.float32)
    lpW2 = jax.random.normal(ks[6], (128, 64), dtype=jnp.float32) * s
    lpb2 = jnp.zeros((64,), dtype=jnp.float32)
    lpW3 = jax.random.normal(ks[7], (64, 1), dtype=jnp.float32) * s
    lpb3 = jnp.zeros((1,), dtype=jnp.float32)
    return {"x": x, "edge_index": edge_index, "neg_edge_index": neg_edge_index,
            "W1": W1, "b1": b1, "W2": W2, "b2": b2,
            "lpW1": lpW1, "lpb1": lpb1, "lpW2": lpW2, "lpb2": lpb2,
            "lpW3": lpW3, "lpb3": lpb3}


def _gcn_norm(edge_index, n, dtype):
    # add self loops
    loop = jnp.arange(n, dtype=edge_index.dtype)
    src = jnp.concatenate([edge_index[0], loop])
    dst = jnp.concatenate([edge_index[1], loop])
    deg = jnp.zeros((n,), dtype=dtype).at[dst].add(1.0)
    dinv = jnp.where(deg > 0, 1.0 / jnp.sqrt(deg), 0.0)
    norm = dinv[src] * dinv[dst]
    return src, dst, norm


def _conv(h, src, dst, norm, W, b, n):
    hw = h @ W
    msgs = hw[src] * norm[:, None]
    out = jnp.zeros((n, W.shape[1]), dtype=h.dtype).at[dst].add(msgs)
    return out + b


def _predict_link(z, ei, lpW1, lpb1, lpW2, lpb2, lpW3, lpb3):
    h = jnp.concatenate([z[ei[0]], z[ei[1]]], axis=1)
    h = jax.nn.relu(h @ lpW1 + lpb1)
    h = jax.nn.relu(h @ lpW2 + lpb2)
    return (h @ lpW3 + lpb3).squeeze(-1)


def reference(x, edge_index, neg_edge_index, W1, b1, W2, b2,
              lpW1, lpb1, lpW2, lpb2, lpW3, lpb3):
    n = x.shape[0]
    src, dst, norm = _gcn_norm(edge_index, n, x.dtype)
    h = jax.nn.relu(_conv(x, src, dst, norm, W1, b1, n))
    # dropout: eval mode -> identity
    z = jax.nn.relu(_conv(h, src, dst, norm, W2, b2, n))
    pos_pred = _predict_link(z, edge_index, lpW1, lpb1, lpW2, lpb2, lpW3, lpb3)
    neg_pred = _predict_link(z, neg_edge_index, lpW1, lpb1, lpW2, lpb2, lpW3, lpb3)
    return (pos_pred, neg_pred, z)

if __name__ == "__main__":
    import jax
    _d = setup_inputs()
    print(jax.jit(kernel)(*tuple(_d.values())))

</pallas_src>

<mosaic_0001>
#map = affine_map<(d0, d1) -> (0, 0)>
#map1 = affine_map<(d0, d1) -> (0, 0, 0, 0)>
#map2 = affine_map<(d0, d1) -> (0, 0, 0)>
module attributes {stable_mosaic.version = 14 : i64} {
  func.func @_h1pre_body(%arg0: i32, %arg1: i32, %arg2: memref<10000x128xf32, #tpu.memory_space<hbm>>, %arg3: memref<10000x128xf32, #tpu.memory_space<hbm>>, %arg4: memref<4x32x125x80xi32, #tpu.memory_space<hbm>>, %arg5: memref<2x320000x128xf32, #tpu.memory_space<hbm>>, %arg6: memref<4x125x80xi32, #tpu.memory_space<vmem>>, %arg7: memref<5x80x128xf32, #tpu.memory_space<vmem>>, %arg8: memref<!tpu.dma_semaphore, #tpu.memory_space<semaphore_mem>>, %arg9: memref<!tpu.dma_semaphore, #tpu.memory_space<semaphore_mem>>, %arg10: memref<!tpu.dma_semaphore, #tpu.memory_space<semaphore_mem>>) attributes {dimension_semantics = [#tpu.dimension_semantics<core_parallel>, #tpu.dimension_semantics<subcore_parallel>], iteration_bounds = array<i64: 2, 16>, scalar_prefetch = 0 : i64, scratch_operands = 5 : i64, tpu.core_type = #tpu.core_type<sc_vector_subcore>, window_params = [{transform_indices = #map}, {transform_indices = #map}, {transform_indices = #map1}, {transform_indices = #map2}]} {
    %mul3A = arith.constant 16 : i32
    %mul3A_0 = arith.muli %arg0, %mul3A : i32
    %add3A = arith.addi %mul3A_0, %arg1 : i32
    %mul3A_1 = arith.constant 10000 : i32
    %mul3A_2 = arith.muli %add3A, %mul3A_1 : i32
    %multiple_of3A = tpu.assume_multiple %mul3A_2, 80 : i32
    %run_scoped3A = arith.constant 0 : i32
    %run_scoped3A_3 = arith.constant 0 : i32
    "tpu.region"() ({
      %run_scoped3A_19 = tpu.sem_alloc : memref<!tpu.dma_semaphore, #tpu.memory_space<semaphore_mem>>
      %dma_start3A = arith.constant 0 : i32
      %dma_start3A_20 = arith.constant 0 : i32
      %dma_start3A_21 = tpu.memref_slice %arg6[%run_scoped3A_3, %dma_start3A, %dma_start3A_20] : memref<4x125x80xi32, #tpu.memory_space<vmem>> -> memref<1x125x80xi32, #tpu.memory_space<vmem>>
      %dma_start3A_22 = tpu.memref_squeeze %dma_start3A_21 : memref<1x125x80xi32, #tpu.memory_space<vmem>> -> memref<125x80xi32, #tpu.memory_space<vmem>>
      %dma_start3A_23 = arith.constant 0 : i32
      %dma_start3A_24 = arith.constant 0 : i32
      %dma_start3A_25 = tpu.memref_slice %arg4[%run_scoped3A, %add3A, %dma_start3A_23, %dma_start3A_24] : memref<4x32x125x80xi32, #tpu.memory_space<hbm>> -> memref<1x1x125x80xi32, #tpu.memory_space<hbm>>
      %dma_start3A_26 = tpu.memref_squeeze %dma_start3A_25 : memref<1x1x125x80xi32, #tpu.memory_space<hbm>> -> memref<125x80xi32, #tpu.memory_space<hbm>>
      %dma_start3A_27 = arith.constant 0 : i32
      %dma_start3A_28 = arith.constant 0 : i32
      %dma_start3A_29 = tpu.memref_slice %arg6[%run_scoped3A_3, %dma_start3A_27, %dma_start3A_28] : memref<4x125x80xi32, #tpu.memory_space<vmem>> -> memref<1x125x80xi32, #tpu.memory_space<vmem>>
      %dma_start3A_30 = tpu.memref_squeeze %dma_start3A_29 : memref<1x125x80xi32, #tpu.memory_space<vmem>> -> memref<125x80xi32, #tpu.memory_space<vmem>>
      %dma_start3A_31 = arith.constant 0 : i32
      %dma_start3A_32 = arith.constant 0 : i32
      %dma_start3A_33 = tpu.memref_slice %arg4[%run_scoped3A, %add3A, %dma_start3A_31, %dma_start3A_32] : memref<4x32x125x80xi32, #tpu.memory_space<hbm>> -> memref<1x1x125x80xi32, #tpu.memory_space<hbm>>
      %dma_start3A_34 = tpu.memref_squeeze %dma_start3A_33 : memref<1x1x125x80xi32, #tpu.memory_space<hbm>> -> memref<125x80xi32, #tpu.memory_space<hbm>>
      tpu.enqueue_dma source(%dma_start3A_34 : memref<125x80xi32, #tpu.memory_space<hbm>>) target(%dma_start3A_30 : memref<125x80xi32, #tpu.memory_space<vmem>>) target_semaphore(%run_scoped3A_19 : memref<!tpu.dma_semaphore, #tpu.memory_space<semaphore_mem>>)
      %dma_wait3A = arith.constant 0 : i32
      %dma_wait3A_35 = arith.constant 0 : i32
      %dma_wait3A_36 = tpu.memref_slice %arg6[%run_scoped3A_3, %dma_wait3A, %dma_wait3A_35] : memref<4x125x80xi32, #tpu.memory_space<vmem>> -> memref<1x125x80xi32, #tpu.memory_space<vmem>>
      %dma_wait3A_37 = tpu.memref_squeeze %dma_wait3A_36 : memref<1x125x80xi32, #tpu.memory_space<vmem>> -> memref<125x80xi32, #tpu.memory_space<vmem>>
      %dma_wait3A_38 = arith.constant 0 : i32
      %dma_wait3A_39 = arith.constant 0 : i32
      %dma_wait3A_40 = tpu.memref_slice %arg4[%run_scoped3A, %add3A, %dma_wait3A_38, %dma_wait3A_39] : memref<4x32x125x80xi32, #tpu.memory_space<hbm>> -> memref<1x1x125x80xi32, #tpu.memory_space<hbm>>
      %dma_wait3A_41 = tpu.memref_squeeze %dma_wait3A_40 : memref<1x1x125x80xi32, #tpu.memory_space<hbm>> -> memref<125x80xi32, #tpu.memory_space<hbm>>
      %dma_wait3A_42 = arith.constant 0 : i32
      %dma_wait3A_43 = arith.constant 0 : i32
      %dma_wait3A_44 = tpu.memref_slice %arg6[%run_scoped3A_3, %dma_wait3A_42, %dma_wait3A_43] : memref<4x125x80xi32, #tpu.memory_space<vmem>> -> memref<1x125x80xi32, #tpu.memory_space<vmem>>
      %dma_wait3A_45 = tpu.memref_squeeze %dma_wait3A_44 : memref<1x125x80xi32, #tpu.memory_space<vmem>> -> memref<125x80xi32, #tpu.memory_space<vmem>>
      %dma_wait3A_46 = arith.constant 0 : i32
      %dma_wait3A_47 = arith.constant 0 : i32
      %dma_wait3A_48 = tpu.memref_slice %arg4[%run_scoped3A, %add3A, %dma_wait3A_46, %dma_wait3A_47] : memref<4x32x125x80xi32, #tpu.memory_space<hbm>> -> memref<1x1x125x80xi32, #tpu.memory_space<hbm>>
      %dma_wait3A_49 = tpu.memref_squeeze %dma_wait3A_48 : memref<1x1x125x80xi32, #tpu.memory_space<hbm>> -> memref<125x80xi32, #tpu.memory_space<hbm>>
      tpu.wait_dma2 semaphore(%run_scoped3A_19 : memref<!tpu.dma_semaphore, #tpu.memory_space<semaphore_mem>>) src(%dma_wait3A_49 : memref<125x80xi32, #tpu.memory_space<hbm>>) dst(%dma_wait3A_45 : memref<125x80xi32, #tpu.memory_space<vmem>>)
      tpu.yield
    }) : () -> ()
    %run_scoped3A_4 = arith.constant 1 : i32
    %run_scoped3A_5 = arith.constant 1 : i32
    "tpu.region"() ({
      %run_scoped3A_19 = tpu.sem_alloc : memref<!tpu.dma_semaphore, #tpu.memory_space<semaphore_mem>>
      %dma_start3A = arith.constant 0 : i32
      %dma_start3A_20 = arith.constant 0 : i32
      %dma_start3A_21 = tpu.memref_slice %arg6[%run_scoped3A_5, %dma_start3A, %dma_start3A_20] : memref<4x125x80xi32, #tpu.memory_space<vmem>> -> memref<1x125x80xi32, #tpu.memory_space<vmem>>
      %dma_start3A_22 = tpu.memref_squeeze %dma_start3A_21 : memref<1x125x80xi32, #tpu.memory_space<vmem>> -> memref<125x80xi32, #tpu.memory_space<vmem>>
      %dma_start3A_23 = arith.constant 0 : i32
      %dma_start3A_24 = arith.constant 0 : i32
      %dma_start3A_25 = tpu.memref_slice %arg4[%run_scoped3A_4, %add3A, %dma_start3A_23, %dma_start3A_24] : memref<4x32x125x80xi32, #tpu.memory_space<hbm>> -> memref<1x1x125x80xi32, #tpu.memory_space<hbm>>
      %dma_start3A_26 = tpu.memref_squeeze %dma_start3A_25 : memref<1x1x125x80xi32, #tpu.memory_space<hbm>> -> memref<125x80xi32, #tpu.memory_space<hbm>>
      %dma_start3A_27 = arith.constant 0 : i32
      %dma_start3A_28 = arith.constant 0 : i32
      %dma_start3A_29 = tpu.memref_slice %arg6[%run_scoped3A_5, %dma_start3A_27, %dma_start3A_28] : memref<4x125x80xi32, #tpu.memory_space<vmem>> -> memref<1x125x80xi32, #tpu.memory_space<vmem>>
      %dma_start3A_30 = tpu.memref_squeeze %dma_start3A_29 : memref<1x125x80xi32, #tpu.memory_space<vmem>> -> memref<125x80xi32, #tpu.memory_space<vmem>>
      %dma_start3A_31 = arith.constant 0 : i32
      %dma_start3A_32 = arith.constant 0 : i32
      %dma_start3A_33 = tpu.memref_slice %arg4[%run_scoped3A_4, %add3A, %dma_start3A_31, %dma_start3A_32] : memref<4x32x125x80xi32, #tpu.memory_space<hbm>> -> memref<1x1x125x80xi32, #tpu.memory_space<hbm>>
      %dma_start3A_34 = tpu.memref_squeeze %dma_start3A_33 : memref<1x1x125x80xi32, #tpu.memory_space<hbm>> -> memref<125x80xi32, #tpu.memory_space<hbm>>
      tpu.enqueue_dma source(%dma_start3A_34 : memref<125x80xi32, #tpu.memory_space<hbm>>) target(%dma_start3A_30 : memref<125x80xi32, #tpu.memory_space<vmem>>) target_semaphore(%run_scoped3A_19 : memref<!tpu.dma_semaphore, #tpu.memory_space<semaphore_mem>>)
      %dma_wait3A = arith.constant 0 : i32
      %dma_wait3A_35 = arith.constant 0 : i32
      %dma_wait3A_36 = tpu.memref_slice %arg6[%run_scoped3A_5, %dma_wait3A, %dma_wait3A_35] : memref<4x125x80xi32, #tpu.memory_space<vmem>> -> memref<1x125x80xi32, #tpu.memory_space<vmem>>
      %dma_wait3A_37 = tpu.memref_squeeze %dma_wait3A_36 : memref<1x125x80xi32, #tpu.memory_space<vmem>> -> memref<125x80xi32, #tpu.memory_space<vmem>>
      %dma_wait3A_38 = arith.constant 0 : i32
      %dma_wait3A_39 = arith.constant 0 : i32
      %dma_wait3A_40 = tpu.memref_slice %arg4[%run_scoped3A_4, %add3A, %dma_wait3A_38, %dma_wait3A_39] : memref<4x32x125x80xi32, #tpu.memory_space<hbm>> -> memref<1x1x125x80xi32, #tpu.memory_space<hbm>>
      %dma_wait3A_41 = tpu.memref_squeeze %dma_wait3A_40 : memref<1x1x125x80xi32, #tpu.memory_space<hbm>> -> memref<125x80xi32, #tpu.memory_space<hbm>>
      %dma_wait3A_42 = arith.constant 0 : i32
      %dma_wait3A_43 = arith.constant 0 : i32
      %dma_wait3A_44 = tpu.memref_slice %arg6[%run_scoped3A_5, %dma_wait3A_42, %dma_wait3A_43] : memref<4x125x80xi32, #tpu.memory_space<vmem>> -> memref<1x125x80xi32, #tpu.memory_space<vmem>>
      %dma_wait3A_45 = tpu.memref_squeeze %dma_wait3A_44 : memref<1x125x80xi32, #tpu.memory_space<vmem>> -> memref<125x80xi32, #tpu.memory_space<vmem>>
      %dma_wait3A_46 = arith.constant 0 : i32
      %dma_wait3A_47 = arith.constant 0 : i32
      %dma_wait3A_48 = tpu.memref_slice %arg4[%run_scoped3A_4, %add3A, %dma_wait3A_46, %dma_wait3A_47] : memref<4x32x125x80xi32, #tpu.memory_space<hbm>> -> memref<1x1x125x80xi32, #tpu.memory_space<hbm>>
      %dma_wait3A_49 = tpu.memref_squeeze %dma_wait3A_48 : memref<1x1x125x80xi32, #tpu.memory_space<hbm>> -> memref<125x80xi32, #tpu.memory_space<hbm>>
      tpu.wait_dma2 semaphore(%run_scoped3A_19 : memref<!tpu.dma_semaphore, #tpu.memory_space<semaphore_mem>>) src(%dma_wait3A_49 : memref<125x80xi32, #tpu.memory_space<hbm>>) dst(%dma_wait3A_45 : memref<125x80xi32, #tpu.memory_space<vmem>>)
      tpu.yield
    }) : () -> ()
    %run_scoped3A_6 = arith.constant 2 : i32
    %run_scoped3A_7 = arith.constant 2 : i32
    "tpu.region"() ({
      %run_scoped3A_19 = tpu.sem_alloc : memref<!tpu.dma_semaphore, #tpu.memory_space<semaphore_mem>>
      %dma_start3A = arith.constant 0 : i32
      %dma_start3A_20 = arith.constant 0 : i32
      %dma_start3A_21 = tpu.memref_slice %arg6[%run_scoped3A_7, %dma_start3A, %dma_start3A_20] : memref<4x125x80xi32, #tpu.memory_space<vmem>> -> memref<1x125x80xi32, #tpu.memory_space<vmem>>
      %dma_start3A_22 = tpu.memref_squeeze %dma_start3A_21 : memref<1x125x80xi32, #tpu.memory_space<vmem>> -> memref<125x80xi32, #tpu.memory_space<vmem>>
      %dma_start3A_23 = arith.constant 0 : i32
      %dma_start3A_24 = arith.constant 0 : i32
      %dma_start3A_25 = tpu.memref_slice %arg4[%run_scoped3A_6, %add3A, %dma_start3A_23, %dma_start3A_24] : memref<4x32x125x80xi32, #tpu.memory_space<hbm>> -> memref<1x1x125x80xi32, #tpu.memory_space<hbm>>
      %dma_start3A_26 = tpu.memref_squeeze %dma_start3A_25 : memref<1x1x125x80xi32, #tpu.memory_space<hbm>> -> memref<125x80xi32, #tpu.memory_space<hbm>>
      %dma_start3A_27 = arith.constant 0 : i32
      %dma_start3A_28 = arith.constant 0 : i32
      %dma_start3A_29 = tpu.memref_slice %arg6[%run_scoped3A_7, %dma_start3A_27, %dma_start3A_28] : memref<4x125x80xi32, #tpu.memory_space<vmem>> -> memref<1x125x80xi32, #tpu.memory_space<vmem>>
      %dma_start3A_30 = tpu.memref_squeeze %dma_start3A_29 : memref<1x125x80xi32, #tpu.memory_space<vmem>> -> memref<125x80xi32, #tpu.memory_space<vmem>>
      %dma_start3A_31 = arith.constant 0 : i32
      %dma_start3A_32 = arith.constant 0 : i32
      %dma_start3A_33 = tpu.memref_slice %arg4[%run_scoped3A_6, %add3A, %dma_start3A_31, %dma_start3A_32] : memref<4x32x125x80xi32, #tpu.memory_space<hbm>> -> memref<1x1x125x80xi32, #tpu.memory_space<hbm>>
      %dma_start3A_34 = tpu.memref_squeeze %dma_start3A_33 : memref<1x1x125x80xi32, #tpu.memory_space<hbm>> -> memref<125x80xi32, #tpu.memory_space<hbm>>
      tpu.enqueue_dma source(%dma_start3A_34 : memref<125x80xi32, #tpu.memory_space<hbm>>) target(%dma_start3A_30 : memref<125x80xi32, #tpu.memory_space<vmem>>) target_semaphore(%run_scoped3A_19 : memref<!tpu.dma_semaphore, #tpu.memory_space<semaphore_mem>>)
      %dma_wait3A = arith.constant 0 : i32
      %dma_wait3A_35 = arith.constant 0 : i32
      %dma_wait3A_36 = tpu.memref_slice %arg6[%run_scoped3A_7, %dma_wait3A, %dma_wait3A_35] : memref<4x125x80xi32, #tpu.memory_space<vmem>> -> memref<1x125x80xi32, #tpu.memory_space<vmem>>
      %dma_wait3A_37 = tpu.memref_squeeze %dma_wait3A_36 : memref<1x125x80xi32, #tpu.memory_space<vmem>> -> memref<125x80xi32, #tpu.memory_space<vmem>>
      %dma_wait3A_38 = arith.constant 0 : i32
      %dma_wait3A_39 = arith.constant 0 : i32
      %dma_wait3A_40 = tpu.memref_slice %arg4[%run_scoped3A_6, %add3A, %dma_wait3A_38, %dma_wait3A_39] : memref<4x32x125x80xi32, #tpu.memory_space<hbm>> -> memref<1x1x125x80xi32, #tpu.memory_space<hbm>>
      %dma_wait3A_41 = tpu.memref_squeeze %dma_wait3A_40 : memref<1x1x125x80xi32, #tpu.memory_space<hbm>> -> memref<125x80xi32, #tpu.memory_space<hbm>>
      %dma_wait3A_42 = arith.constant 0 : i32
      %dma_wait3A_43 = arith.constant 0 : i32
      %dma_wait3A_44 = tpu.memref_slice %arg6[%run_scoped3A_7, %dma_wait3A_42, %dma_wait3A_43] : memref<4x125x80xi32, #tpu.memory_space<vmem>> -> memref<1x125x80xi32, #tpu.memory_space<vmem>>
      %dma_wait3A_45 = tpu.memref_squeeze %dma_wait3A_44 : memref<1x125x80xi32, #tpu.memory_space<vmem>> -> memref<125x80xi32, #tpu.memory_space<vmem>>
      %dma_wait3A_46 = arith.constant 0 : i32
      %dma_wait3A_47 = arith.constant 0 : i32
      %dma_wait3A_48 = tpu.memref_slice %arg4[%run_scoped3A_6, %add3A, %dma_wait3A_46, %dma_wait3A_47] : memref<4x32x125x80xi32, #tpu.memory_space<hbm>> -> memref<1x1x125x80xi32, #tpu.memory_space<hbm>>
      %dma_wait3A_49 = tpu.memref_squeeze %dma_wait3A_48 : memref<1x1x125x80xi32, #tpu.memory_space<hbm>> -> memref<125x80xi32, #tpu.memory_space<hbm>>
      tpu.wait_dma2 semaphore(%run_scoped3A_19 : memref<!tpu.dma_semaphore, #tpu.memory_space<semaphore_mem>>) src(%dma_wait3A_49 : memref<125x80xi32, #tpu.memory_space<hbm>>) dst(%dma_wait3A_45 : memref<125x80xi32, #tpu.memory_space<vmem>>)
      tpu.yield
    }) : () -> ()
    %run_scoped3A_8 = arith.constant 3 : i32
    %run_scoped3A_9 = arith.constant 3 : i32
    "tpu.region"() ({
      %run_scoped3A_19 = tpu.sem_alloc : memref<!tpu.dma_semaphore, #tpu.memory_space<semaphore_mem>>
      %dma_start3A = arith.constant 0 : i32
      %dma_start3A_20 = arith.constant 0 : i32
      %dma_start3A_21 = tpu.memref_slice %arg6[%run_scoped3A_9, %dma_start3A, %dma_start3A_20] : memref<4x125x80xi32, #tpu.memory_space<vmem>> -> memref<1x125x80xi32, #tpu.memory_space<vmem>>
      %dma_start3A_22 = tpu.memref_squeeze %dma_start3A_21 : memref<1x125x80xi32, #tpu.memory_space<vmem>> -> memref<125x80xi32, #tpu.memory_space<vmem>>
      %dma_start3A_23 = arith.constant 0 : i32
      %dma_start3A_24 = arith.constant 0 : i32
      %dma_start3A_25 = tpu.memref_slice %arg4[%run_scoped3A_8, %add3A, %dma_start3A_23, %dma_start3A_24] : memref<4x32x125x80xi32, #tpu.memory_space<hbm>> -> memref<1x1x125x80xi32, #tpu.memory_space<hbm>>
      %dma_start3A_26 = tpu.memref_squeeze %dma_start3A_25 : memref<1x1x125x80xi32, #tpu.memory_space<hbm>> -> memref<125x80xi32, #tpu.memory_space<hbm>>
      %dma_start3A_27 = arith.constant 0 : i32
      %dma_start3A_28 = arith.constant 0 : i32
      %dma_start3A_29 = tpu.memref_slice %arg6[%run_scoped3A_9, %dma_start3A_27, %dma_start3A_28] : memref<4x125x80xi32, #tpu.memory_space<vmem>> -> memref<1x125x80xi32, #tpu.memory_space<vmem>>
      %dma_start3A_30 = tpu.memref_squeeze %dma_start3A_29 : memref<1x125x80xi32, #tpu.memory_space<vmem>> -> memref<125x80xi32, #tpu.memory_space<vmem>>
      %dma_start3A_31 = arith.constant 0 : i32
      %dma_start3A_32 = arith.constant 0 : i32
      %dma_start3A_33 = tpu.memref_slice %arg4[%run_scoped3A_8, %add3A, %dma_start3A_31, %dma_start3A_32] : memref<4x32x125x80xi32, #tpu.memory_space<hbm>> -> memref<1x1x125x80xi32, #tpu.memory_space<hbm>>
      %dma_start3A_34 = tpu.memref_squeeze %dma_start3A_33 : memref<1x1x125x80xi32, #tpu.memory_space<hbm>> -> memref<125x80xi32, #tpu.memory_space<hbm>>
      tpu.enqueue_dma source(%dma_start3A_34 : memref<125x80xi32, #tpu.memory_space<hbm>>) target(%dma_start3A_30 : memref<125x80xi32, #tpu.memory_space<vmem>>) target_semaphore(%run_scoped3A_19 : memref<!tpu.dma_semaphore, #tpu.memory_space<semaphore_mem>>)
      %dma_wait3A = arith.constant 0 : i32
      %dma_wait3A_35 = arith.constant 0 : i32
      %dma_wait3A_36 = tpu.memref_slice %arg6[%run_scoped3A_9, %dma_wait3A, %dma_wait3A_35] : memref<4x125x80xi32, #tpu.memory_space<vmem>> -> memref<1x125x80xi32, #tpu.memory_space<vmem>>
      %dma_wait3A_37 = tpu.memref_squeeze %dma_wait3A_36 : memref<1x125x80xi32, #tpu.memory_space<vmem>> -> memref<125x80xi32, #tpu.memory_space<vmem>>
      %dma_wait3A_38 = arith.constant 0 : i32
      %dma_wait3A_39 = arith.constant 0 : i32
      %dma_wait3A_40 = tpu.memref_slice %arg4[%run_scoped3A_8, %add3A, %dma_wait3A_38, %dma_wait3A_39] : memref<4x32x125x80xi32, #tpu.memory_space<hbm>> -> memref<1x1x125x80xi32, #tpu.memory_space<hbm>>
      %dma_wait3A_41 = tpu.memref_squeeze %dma_wait3A_40 : memref<1x1x125x80xi32, #tpu.memory_space<hbm>> -> memref<125x80xi32, #tpu.memory_space<hbm>>
      %dma_wait3A_42 = arith.constant 0 : i32
      %dma_wait3A_43 = arith.constant 0 : i32
      %dma_wait3A_44 = tpu.memref_slice %arg6[%run_scoped3A_9, %dma_wait3A_42, %dma_wait3A_43] : memref<4x125x80xi32, #tpu.memory_space<vmem>> -> memref<1x125x80xi32, #tpu.memory_space<vmem>>
      %dma_wait3A_45 = tpu.memref_squeeze %dma_wait3A_44 : memref<1x125x80xi32, #tpu.memory_space<vmem>> -> memref<125x80xi32, #tpu.memory_space<vmem>>
      %dma_wait3A_46 = arith.constant 0 : i32
      %dma_wait3A_47 = arith.constant 0 : i32
      %dma_wait3A_48 = tpu.memref_slice %arg4[%run_scoped3A_8, %add3A, %dma_wait3A_46, %dma_wait3A_47] : memref<4x32x125x80xi32, #tpu.memory_space<hbm>> -> memref<1x1x125x80xi32, #tpu.memory_space<hbm>>
      %dma_wait3A_49 = tpu.memref_squeeze %dma_wait3A_48 : memref<1x1x125x80xi32, #tpu.memory_space<hbm>> -> memref<125x80xi32, #tpu.memory_space<hbm>>
      tpu.wait_dma2 semaphore(%run_scoped3A_19 : memref<!tpu.dma_semaphore, #tpu.memory_space<semaphore_mem>>) src(%dma_wait3A_49 : memref<125x80xi32, #tpu.memory_space<hbm>>) dst(%dma_wait3A_45 : memref<125x80xi32, #tpu.memory_space<vmem>>)
      tpu.yield
    }) : () -> ()
    %scan3A = arith.constant 0 : i32
    %scan3A_10 = arith.constant 25 : i32
    %scan3A_11 = arith.addi %scan3A, %scan3A_10 : i32
    %scan3A_12 = arith.constant 1 : i32
    scf.for %scan3A_19 = %scan3A to %scan3A_11 step %scan3A_12  : i32 {
      %mul3A_20 = arith.constant 5 : i32
      %mul3A_21 = arith.muli %scan3A_19, %mul3A_20 : i32
      %add3A_22 = arith.constant 0 : i32
      %add3A_23 = arith.addi %mul3A_21, %add3A_22 : i32
      %dma_start3A = arith.constant 0 : i32
      %dma_start3A_24 = arith.constant 0 : i32
      %dma_start3A_25 = arith.constant 0 : i32
      %dma_start3A_26 = arith.constant 0 : i32
      %dma_start3A_27 = tpu.memref_slice %arg7[%dma_start3A_24, %dma_start3A_25, %dma_start3A_26] : memref<5x80x128xf32, #tpu.memory_space<vmem>> -> memref<1x80x128xf32, #tpu.memory_space<vmem>>
      %dma_start3A_28 = tpu.memref_squeeze %dma_start3A_27 : memref<1x80x128xf32, #tpu.memory_space<vmem>> -> memref<80x128xf32, #tpu.memory_space<vmem>>
      %dma_start3A_29 = arith.constant 0 : i32
      %dma_start3A_30 = tpu.memref_slice %arg6[%dma_start3A, %add3A_23, %dma_start3A_29] : memref<4x125x80xi32, #tpu.memory_space<vmem>> -> memref<1x1x80xi32, #tpu.memory_space<vmem>>
      %dma_start3A_31 = tpu.memref_squeeze %dma_start3A_30 : memref<1x1x80xi32, #tpu.memory_space<vmem>> -> memref<80xi32, #tpu.memory_space<vmem>>
      %dma_start3A_32 = arith.constant 0 : i32
      %dma_start3A_33 = arith.constant 0 : i32
      %dma_start3A_34 = tpu.memref_slice %arg2[%dma_start3A_32, %dma_start3A_33] : memref<10000x128xf32, #tpu.memory_space<hbm>> -> memref<10000x128xf32, #tpu.memory_space<hbm>>
      tpu.enqueue_indirect_dma source(%dma_start3A_34 : memref<10000x128xf32, #tpu.memory_space<hbm>>) target(%dma_start3A_28 : memref<80x128xf32, #tpu.memory_space<vmem>>) offsets(%dma_start3A_31 : memref<80xi32, #tpu.memory_space<vmem>>) semaphore(%arg8 : memref<!tpu.dma_semaphore, #tpu.memory_space<semaphore_mem>>)
      %add3A_35 = arith.constant 1 : i32
      %add3A_36 = arith.addi %mul3A_21, %add3A_35 : i32
      %dma_start3A_37 = arith.constant 0 : i32
      %dma_start3A_38 = arith.constant 1 : i32
      %dma_start3A_39 = arith.constant 0 : i32
      %dma_start3A_40 = arith.constant 0 : i32
      %dma_start3A_41 = tpu.memref_slice %arg7[%dma_start3A_38, %dma_start3A_39, %dma_start3A_40] : memref<5x80x128xf32, #tpu.memory_space<vmem>> -> memref<1x80x128xf32, #tpu.memory_space<vmem>>
      %dma_start3A_42 = tpu.memref_squeeze %dma_start3A_41 : memref<1x80x128xf32, #tpu.memory_space<vmem>> -> memref<80x128xf32, #tpu.memory_space<vmem>>
      %dma_start3A_43 = arith.constant 0 : i32
      %dma_start3A_44 = tpu.memref_slice %arg6[%dma_start3A_37, %add3A_36, %dma_start3A_43] : memref<4x125x80xi32, #tpu.memory_space<vmem>> -> memref<1x1x80xi32, #tpu.memory_space<vmem>>
      %dma_start3A_45 = tpu.memref_squeeze %dma_start3A_44 : memref<1x1x80xi32, #tpu.memory_space<vmem>> -> memref<80xi32, #tpu.memory_space<vmem>>
      %dma_start3A_46 = arith.constant 0 : i32
      %dma_start3A_47 = arith.constant 0 : i32
      %dma_start3A_48 = tpu.memref_slice %arg2[%dma_start3A_46, %dma_start3A_47] : memref<10000x128xf32, #tpu.memory_space<hbm>> -> memref<10000x128xf32, #tpu.memory_space<hbm>>
      tpu.enqueue_indirect_dma source(%dma_start3A_48 : memref<10000x128xf32, #tpu.memory_space<hbm>>) target(%dma_start3A_42 : memref<80x128xf32, #tpu.memory_space<vmem>>) offsets(%dma_start3A_45 : memref<80xi32, #tpu.memory_space<vmem>>) semaphore(%arg8 : memref<!tpu.dma_semaphore, #tpu.memory_space<semaphore_mem>>)
      %add3A_49 = arith.constant 2 : i32
      %add3A_50 = arith.addi %mul3A_21, %add3A_49 : i32
      %dma_start3A_51 = arith.constant 0 : i32
      %dma_start3A_52 = arith.constant 2 : i32
      %dma_start3A_53 = arith.constant 0 : i32
      %dma_start3A_54 = arith.constant 0 : i32
      %dma_start3A_55 = tpu.memref_slice %arg7[%dma_start3A_52, %dma_start3A_53, %dma_start3A_54] : memref<5x80x128xf32, #tpu.memory_space<vmem>> -> memref<1x80x128xf32, #tpu.memory_space<vmem>>
      %dma_start3A_56 = tpu.memref_squeeze %dma_start3A_55 : memref<1x80x128xf32, #tpu.memory_space<vmem>> -> memref<80x128xf32, #tpu.memory_space<vmem>>
      %dma_start3A_57 = arith.constant 0 : i32
      %dma_start3A_58 = tpu.memref_slice %arg6[%dma_start3A_51, %add3A_50, %dma_start3A_57] : memref<4x125x80xi32, #tpu.memory_space<vmem>> -> memref<1x1x80xi32, #tpu.memory_space<vmem>>
      %dma_start3A_59 = tpu.memref_squeeze %dma_start3A_58 : memref<1x1x80xi32, #tpu.memory_space<vmem>> -> memref<80xi32, #tpu.memory_space<vmem>>
      %dma_start3A_60 = arith.constant 0 : i32
      %dma_start3A_61 = arith.constant 0 : i32
      %dma_start3A_62 = tpu.memref_slice %arg2[%dma_start3A_60, %dma_start3A_61] : memref<10000x128xf32, #tpu.memory_space<hbm>> -> memref<10000x128xf32, #tpu.memory_space<hbm>>
      tpu.enqueue_indirect_dma source(%dma_start3A_62 : memref<10000x128xf32, #tpu.memory_space<hbm>>) target(%dma_start3A_56 : memref<80x128xf32, #tpu.memory_space<vmem>>) offsets(%dma_start3A_59 : memref<80xi32, #tpu.memory_space<vmem>>) semaphore(%arg8 : memref<!tpu.dma_semaphore, #tpu.memory_space<semaphore_mem>>)
      %add3A_63 = arith.constant 3 : i32
      %add3A_64 = arith.addi %mul3A_21, %add3A_63 : i32
      %dma_start3A_65 = arith.constant 0 : i32
      %dma_start3A_66 = arith.constant 3 : i32
      %dma_start3A_67 = arith.constant 0 : i32
      %dma_start3A_68 = arith.constant 0 : i32
      %dma_start3A_69 = tpu.memref_slice %arg7[%dma_start3A_66, %dma_start3A_67, %dma_start3A_68] : memref<5x80x128xf32, #tpu.memory_space<vmem>> -> memref<1x80x128xf32, #tpu.memory_space<vmem>>
      %dma_start3A_70 = tpu.memref_squeeze %dma_start3A_69 : memref<1x80x128xf32, #tpu.memory_space<vmem>> -> memref<80x128xf32, #tpu.memory_space<vmem>>
      %dma_start3A_71 = arith.constant 0 : i32
      %dma_start3A_72 = tpu.memref_slice %arg6[%dma_start3A_65, %add3A_64, %dma_start3A_71] : memref<4x125x80xi32, #tpu.memory_space<vmem>> -> memref<1x1x80xi32, #tpu.memory_space<vmem>>
      %dma_start3A_73 = tpu.memref_squeeze %dma_start3A_72 : memref<1x1x80xi32, #tpu.memory_space<vmem>> -> memref<80xi32, #tpu.memory_space<vmem>>
      %dma_start3A_74 = arith.constant 0 : i32
      %dma_start3A_75 = arith.constant 0 : i32
      %dma_start3A_76 = tpu.memref_slice %arg2[%dma_start3A_74, %dma_start3A_75] : memref<10000x128xf32, #tpu.memory_space<hbm>> -> memref<10000x128xf32, #tpu.memory_space<hbm>>
      tpu.enqueue_indirect_dma source(%dma_start3A_76 : memref<10000x128xf32, #tpu.memory_space<hbm>>) target(%dma_start3A_70 : memref<80x128xf32, #tpu.memory_space<vmem>>) offsets(%dma_start3A_73 : memref<80xi32, #tpu.memory_space<vmem>>) semaphore(%arg8 : memref<!tpu.dma_semaphore, #tpu.memory_space<semaphore_mem>>)
      %add3A_77 = arith.constant 4 : i32
      %add3A_78 = arith.addi %mul3A_21, %add3A_77 : i32
      %dma_start3A_79 = arith.constant 0 : i32
      %dma_start3A_80 = arith.constant 4 : i32
      %dma_start3A_81 = arith.constant 0 : i32
      %dma_start3A_82 = arith.constant 0 : i32
      %dma_start3A_83 = tpu.memref_slice %arg7[%dma_start3A_80, %dma_start3A_81, %dma_start3A_82] : memref<5x80x128xf32, #tpu.memory_space<vmem>> -> memref<1x80x128xf32, #tpu.memory_space<vmem>>
      %dma_start3A_84 = tpu.memref_squeeze %dma_start3A_83 : memref<1x80x128xf32, #tpu.memory_space<vmem>> -> memref<80x128xf32, #tpu.memory_space<vmem>>
      %dma_start3A_85 = arith.constant 0 : i32
      %dma_start3A_86 = tpu.memref_slice %arg6[%dma_start3A_79, %add3A_78, %dma_start3A_85] : memref<4x125x80xi32, #tpu.memory_space<vmem>> -> memref<1x1x80xi32, #tpu.memory_space<vmem>>
      %dma_start3A_87 = tpu.memref_squeeze %dma_start3A_86 : memref<1x1x80xi32, #tpu.memory_space<vmem>> -> memref<80xi32, #tpu.memory_space<vmem>>
      %dma_start3A_88 = arith.constant 0 : i32
      %dma_start3A_89 = arith.constant 0 : i32
      %dma_start3A_90 = tpu.memref_slice %arg2[%dma_start3A_88, %dma_start3A_89] : memref<10000x128xf32, #tpu.memory_space<hbm>> -> memref<10000x128xf32, #tpu.memory_space<hbm>>
      tpu.enqueue_indirect_dma source(%dma_start3A_90 : memref<10000x128xf32, #tpu.memory_space<hbm>>) target(%dma_start3A_84 : memref<80x128xf32, #tpu.memory_space<vmem>>) offsets(%dma_start3A_87 : memref<80xi32, #tpu.memory_space<vmem>>) semaphore(%arg8 : memref<!tpu.dma_semaphore, #tpu.memory_space<semaphore_mem>>)
      %dma_wait3A = arith.constant 0 : i32
      %dma_wait3A_91 = arith.constant 0 : i32
      %dma_wait3A_92 = arith.constant 0 : i32
      %dma_wait3A_93 = arith.constant 0 : i32
      %dma_wait3A_94 = tpu.memref_slice %arg7[%dma_wait3A_91, %dma_wait3A_92, %dma_wait3A_93] : memref<5x80x128xf32, #tpu.memory_space<vmem>> -> memref<1x80x128xf32, #tpu.memory_space<vmem>>
      %dma_wait3A_95 = tpu.memref_squeeze %dma_wait3A_94 : memref<1x80x128xf32, #tpu.memory_space<vmem>> -> memref<80x128xf32, #tpu.memory_space<vmem>>
      %dma_wait3A_96 = arith.constant 0 : i32
      %dma_wait3A_97 = tpu.memref_slice %arg6[%dma_wait3A, %add3A_23, %dma_wait3A_96] : memref<4x125x80xi32, #tpu.memory_space<vmem>> -> memref<1x1x80xi32, #tpu.memory_space<vmem>>
      %dma_wait3A_98 = tpu.memref_squeeze %dma_wait3A_97 : memref<1x1x80xi32, #tpu.memory_space<vmem>> -> memref<80xi32, #tpu.memory_space<vmem>>
      %dma_wait3A_99 = arith.constant 0 : i32
      %dma_wait3A_100 = arith.constant 0 : i32
      %dma_wait3A_101 = tpu.memref_slice %arg2[%dma_wait3A_99, %dma_wait3A_100] : memref<10000x128xf32, #tpu.memory_space<hbm>> -> memref<10000x128xf32, #tpu.memory_space<hbm>>
      tpu.wait_indirect_dma semaphore(%arg8 : memref<!tpu.dma_semaphore, #tpu.memory_space<semaphore_mem>>) src(%dma_wait3A_101 : memref<10000x128xf32, #tpu.memory_space<hbm>>) dst(%dma_wait3A_95 : memref<80x128xf32, #tpu.memory_space<vmem>>)
      %dma_wait3A_102 = arith.constant 0 : i32
      %dma_wait3A_103 = arith.constant 1 : i32
      %dma_wait3A_104 = arith.constant 0 : i32
      %dma_wait3A_105 = arith.constant 0 : i32
      %dma_wait3A_106 = tpu.memref_slice %arg7[%dma_wait3A_103, %dma_wait3A_104, %dma_wait3A_105] : memref<5x80x128xf32, #tpu.memory_space<vmem>> -> memref<1x80x128xf32, #tpu.memory_space<vmem>>
      %dma_wait3A_107 = tpu.memref_squeeze %dma_wait3A_106 : memref<1x80x128xf32, #tpu.memory_space<vmem>> -> memref<80x128xf32, #tpu.memory_space<vmem>>
      %dma_wait3A_108 = arith.constant 0 : i32
      %dma_wait3A_109 = tpu.memref_slice %arg6[%dma_wait3A_102, %add3A_36, %dma_wait3A_108] : memref<4x125x80xi32, #tpu.memory_space<vmem>> -> memref<1x1x80xi32, #tpu.memory_space<vmem>>
      %dma_wait3A_110 = tpu.memref_squeeze %dma_wait3A_109 : memref<1x1x80xi32, #tpu.memory_space<vmem>> -> memref<80xi32, #tpu.memory_space<vmem>>
      %dma_wait3A_111 = arith.constant 0 : i32
      %dma_wait3A_112 = arith.constant 0 : i32
      %dma_wait3A_113 = tpu.memref_slice %arg2[%dma_wait3A_111, %dma_wait3A_112] : memref<10000x128xf32, #tpu.memory_space<hbm>> -> memref<10000x128xf32, #tpu.memory_space<hbm>>
      tpu.wait_indirect_dma semaphore(%arg8 : memref<!tpu.dma_semaphore, #tpu.memory_space<semaphore_mem>>) src(%dma_wait3A_113 : memref<10000x128xf32, #tpu.memory_space<hbm>>) dst(%dma_wait3A_107 : memref<80x128xf32, #tpu.memory_space<vmem>>)
      %dma_wait3A_114 = arith.constant 0 : i32
      %dma_wait3A_115 = arith.constant 2 : i32
      %dma_wait3A_116 = arith.constant 0 : i32
      %dma_wait3A_117 = arith.constant 0 : i32
      %dma_wait3A_118 = tpu.memref_slice %arg7[%dma_wait3A_115, %dma_wait3A_116, %dma_wait3A_117] : memref<5x80x128xf32, #tpu.memory_space<vmem>> -> memref<1x80x128xf32, #tpu.memory_space<vmem>>
      %dma_wait3A_119 = tpu.memref_squeeze %dma_wait3A_118 : memref<1x80x128xf32, #tpu.memory_space<vmem>> -> memref<80x128xf32, #tpu.memory_space<vmem>>
      %dma_wait3A_120 = arith.constant 0 : i32
      %dma_wait3A_121 = tpu.memref_slice %arg6[%dma_wait3A_114, %add3A_50, %dma_wait3A_120] : memref<4x125x80xi32, #tpu.memory_space<vmem>> -> memref<1x1x80xi32, #tpu.memory_space<vmem>>
      %dma_wait3A_122 = tpu.memref_squeeze %dma_wait3A_121 : memref<1x1x80xi32, #tpu.memory_space<vmem>> -> memref<80xi32, #tpu.memory_space<vmem>>
      %dma_wait3A_123 = arith.constant 0 : i32
      %dma_wait3A_124 = arith.constant 0 : i32
      %dma_wait3A_125 = tpu.memref_slice %arg2[%dma_wait3A_123, %dma_wait3A_124] : memref<10000x128xf32, #tpu.memory_space<hbm>> -> memref<10000x128xf32, #tpu.memory_space<hbm>>
      tpu.wait_indirect_dma semaphore(%arg8 : memref<!tpu.dma_semaphore, #tpu.memory_space<semaphore_mem>>) src(%dma_wait3A_125 : memref<10000x128xf32, #tpu.memory_space<hbm>>) dst(%dma_wait3A_119 : memref<80x128xf32, #tpu.memory_space<vmem>>)
      %dma_wait3A_126 = arith.constant 0 : i32
      %dma_wait3A_127 = arith.constant 3 : i32
      %dma_wait3A_128 = arith.constant 0 : i32
      %dma_wait3A_129 = arith.constant 0 : i32
      %dma_wait3A_130 = tpu.memref_slice %arg7[%dma_wait3A_127, %dma_wait3A_128, %dma_wait3A_129] : memref<5x80x128xf32, #tpu.memory_space<vmem>> -> memref<1x80x128xf32, #tpu.memory_space<vmem>>
      %dma_wait3A_131 = tpu.memref_squeeze %dma_wait3A_130 : memref<1x80x128xf32, #tpu.memory_space<vmem>> -> memref<80x128xf32, #tpu.memory_space<vmem>>
      %dma_wait3A_132 = arith.constant 0 : i32
      %dma_wait3A_133 = tpu.memref_slice %arg6[%dma_wait3A_126, %add3A_64, %dma_wait3A_132] : memref<4x125x80xi32, #tpu.memory_space<vmem>> -> memref<1x1x80xi32, #tpu.memory_space<vmem>>
      %dma_wait3A_134 = tpu.memref_squeeze %dma_wait3A_133 : memref<1x1x80xi32, #tpu.memory_space<vmem>> -> memref<80xi32, #tpu.memory_space<vmem>>
      %dma_wait3A_135 = arith.constant 0 : i32
      %dma_wait3A_136 = arith.constant 0 : i32
      %dma_wait3A_137 = tpu.memref_slice %arg2[%dma_wait3A_135, %dma_wait3A_136] : memref<10000x128xf32, #tpu.memory_space<hbm>> -> memref<10000x128xf32, #tpu.memory_space<hbm>>
      tpu.wait_indirect_dma semaphore(%arg8 : memref<!tpu.dma_semaphore, #tpu.memory_space<semaphore_mem>>) src(%dma_wait3A_137 : memref<10000x128xf32, #tpu.memory_space<hbm>>) dst(%dma_wait3A_131 : memref<80x128xf32, #tpu.memory_space<vmem>>)
      %dma_wait3A_138 = arith.constant 0 : i32
      %dma_wait3A_139 = arith.constant 4 : i32
      %dma_wait3A_140 = arith.constant 0 : i32
      %dma_wait3A_141 = arith.constant 0 : i32
      %dma_wait3A_142 = tpu.memref_slice %arg7[%dma_wait3A_139, %dma_wait3A_140, %dma_wait3A_141] : memref<5x80x128xf32, #tpu.memory_space<vmem>> -> memref<1x80x128xf32, #tpu.memory_space<vmem>>
      %dma_wait3A_143 = tpu.memref_squeeze %dma_wait3A_142 : memref<1x80x128xf32, #tpu.memory_space<vmem>> -> memref<80x128xf32, #tpu.memory_space<vmem>>
      %dma_wait3A_144 = arith.constant 0 : i32
      %dma_wait3A_145 = tpu.memref_slice %arg6[%dma_wait3A_138, %add3A_78, %dma_wait3A_144] : memref<4x125x80xi32, #tpu.memory_space<vmem>> -> memref<1x1x80xi32, #tpu.memory_space<vmem>>
      %dma_wait3A_146 = tpu.memref_squeeze %dma_wait3A_145 : memref<1x1x80xi32, #tpu.memory_space<vmem>> -> memref<80xi32, #tpu.memory_space<vmem>>
      %dma_wait3A_147 = arith.constant 0 : i32
      %dma_wait3A_148 = arith.constant 0 : i32
      %dma_wait3A_149 = tpu.memref_slice %arg2[%dma_wait3A_147, %dma_wait3A_148] : memref<10000x128xf32, #tpu.memory_space<hbm>> -> memref<10000x128xf32, #tpu.memory_space<hbm>>
      tpu.wait_indirect_dma semaphore(%arg8 : memref<!tpu.dma_semaphore, #tpu.memory_space<semaphore_mem>>) src(%dma_wait3A_149 : memref<10000x128xf32, #tpu.memory_space<hbm>>) dst(%dma_wait3A_143 : memref<80x128xf32, #tpu.memory_space<vmem>>)
      %add3A_150 = arith.constant 0 : i32
      %add3A_151 = arith.addi %mul3A_21, %add3A_150 : i32
      %dma_start3A_152 = arith.constant 1 : i32
      %dma_start3A_153 = arith.constant 0 : i32
      %dma_start3A_154 = arith.constant 0 : i32
      %dma_start3A_155 = arith.constant 0 : i32
      %dma_start3A_156 = tpu.memref_slice %arg7[%dma_start3A_153, %dma_start3A_154, %dma_start3A_155] : memref<5x80x128xf32, #tpu.memory_space<vmem>> -> memref<1x80x128xf32, #tpu.memory_space<vmem>>
      %dma_start3A_157 = tpu.memref_squeeze %dma_start3A_156 : memref<1x80x128xf32, #tpu.memory_space<vmem>> -> memref<80x128xf32, #tpu.memory_space<vmem>>
      %dma_start3A_158 = arith.constant 0 : i32
      %dma_start3A_159 = tpu.memref_slice %arg6[%dma_start3A_152, %add3A_151, %dma_start3A_158] : memref<4x125x80xi32, #tpu.memory_space<vmem>> -> memref<1x1x80xi32, #tpu.memory_space<vmem>>
      %dma_start3A_160 = tpu.memref_squeeze %dma_start3A_159 : memref<1x1x80xi32, #tpu.memory_space<vmem>> -> memref<80xi32, #tpu.memory_space<vmem>>
      %dma_start3A_161 = arith.constant 0 : i32
      %dma_start3A_162 = arith.constant 0 : i32
      %dma_start3A_163 = tpu.memref_slice %arg3[%dma_start3A_161, %dma_start3A_162] : memref<10000x128xf32, #tpu.memory_space<hbm>> -> memref<10000x128xf32, #tpu.memory_space<hbm>>
      tpu.enqueue_indirect_dma source(%dma_start3A_163 : memref<10000x128xf32, #tpu.memory_space<hbm>>) target(%dma_start3A_157 : memref<80x128xf32, #tpu.memory_space<vmem>>) offsets(%dma_start3A_160 : memref<80xi32, #tpu.memory_space<vmem>>) semaphore(%arg9 : memref<!tpu.dma_semaphore, #tpu.memory_space<semaphore_mem>>) {add = true}
      %add3A_164 = arith.constant 1 : i32
      %add3A_165 = arith.addi %mul3A_21, %add3A_164 : i32
      %dma_start3A_166 = arith.constant 1 : i32
      %dma_start3A_167 = arith.constant 1 : i32
      %dma_start3A_168 = arith.constant 0 : i32
      %dma_start3A_169 = arith.constant 0 : i32
      %dma_start3A_170 = tpu.memref_slice %arg7[%dma_start3A_167, %dma_start3A_168, %dma_start3A_169] : memref<5x80x128xf32, #tpu.memory_space<vmem>> -> memref<1x80x128xf32, #tpu.memory_space<vmem>>
      %dma_start3A_171 = tpu.memref_squeeze %dma_start3A_170 : memref<1x80x128xf32, #tpu.memory_space<vmem>> -> memref<80x128xf32, #tpu.memory_space<vmem>>
      %dma_start3A_172 = arith.constant 0 : i32
      %dma_start3A_173 = tpu.memref_slice %arg6[%dma_start3A_166, %add3A_165, %dma_start3A_172] : memref<4x125x80xi32, #tpu.memory_space<vmem>> -> memref<1x1x80xi32, #tpu.memory_space<vmem>>
      %dma_start3A_174 = tpu.memref_squeeze %dma_start3A_173 : memref<1x1x80xi32, #tpu.memory_space<vmem>> -> memref<80xi32, #tpu.memory_space<vmem>>
      %dma_start3A_175 = arith.constant 0 : i32
      %dma_start3A_176 = arith.constant 0 : i32
      %dma_start3A_177 = tpu.memref_slice %arg3[%dma_start3A_175, %dma_start3A_176] : memref<10000x128xf32, #tpu.memory_space<hbm>> -> memref<10000x128xf32, #tpu.memory_space<hbm>>
      tpu.enqueue_indirect_dma source(%dma_start3A_177 : memref<10000x128xf32, #tpu.memory_space<hbm>>) target(%dma_start3A_171 : memref<80x128xf32, #tpu.memory_space<vmem>>) offsets(%dma_start3A_174 : memref<80xi32, #tpu.memory_space<vmem>>) semaphore(%arg9 : memref<!tpu.dma_semaphore, #tpu.memory_space<semaphore_mem>>) {add = true}
      %add3A_178 = arith.constant 2 : i32
      %add3A_179 = arith.addi %mul3A_21, %add3A_178 : i32
      %dma_start3A_180 = arith.constant 1 : i32
      %dma_start3A_181 = arith.constant 2 : i32
      %dma_start3A_182 = arith.constant 0 : i32
      %dma_start3A_183 = arith.constant 0 : i32
      %dma_start3A_184 = tpu.memref_slice %arg7[%dma_start3A_181, %dma_start3A_182, %dma_start3A_183] : memref<5x80x128xf32, #tpu.memory_space<vmem>> -> memref<1x80x128xf32, #tpu.memory_space<vmem>>
      %dma_start3A_185 = tpu.memref_squeeze %dma_start3A_184 : memref<1x80x128xf32, #tpu.memory_space<vmem>> -> memref<80x128xf32, #tpu.memory_space<vmem>>
      %dma_start3A_186 = arith.constant 0 : i32
      %dma_start3A_187 = tpu.memref_slice %arg6[%dma_start3A_180, %add3A_179, %dma_start3A_186] : memref<4x125x80xi32, #tpu.memory_space<vmem>> -> memref<1x1x80xi32, #tpu.memory_space<vmem>>
      %dma_start3A_188 = tpu.memref_squeeze %dma_start3A_187 : memref<1x1x80xi32, #tpu.memory_space<vmem>> -> memref<80xi32, #tpu.memory_space<vmem>>
      %dma_start3A_189 = arith.constant 0 : i32
      %dma_start3A_190 = arith.constant 0 : i32
      %dma_start3A_191 = tpu.memref_slice %arg3[%dma_start3A_189, %dma_start3A_190] : memref<10000x128xf32, #tpu.memory_space<hbm>> -> memref<10000x128xf32, #tpu.memory_space<hbm>>
      tpu.enqueue_indirect_dma source(%dma_start3A_191 : memref<10000x128xf32, #tpu.memory_space<hbm>>) target(%dma_start3A_185 : memref<80x128xf32, #tpu.memory_space<vmem>>) offsets(%dma_start3A_188 : memref<80xi32, #tpu.memory_space<vmem>>) semaphore(%arg9 : memref<!tpu.dma_semaphore, #tpu.memory_space<semaphore_mem>>) {add = true}
      %add3A_192 = arith.constant 3 : i32
      %add3A_193 = arith.addi %mul3A_21, %add3A_192 : i32
      %dma_start3A_194 = arith.constant 1 : i32
      %dma_start3A_195 = arith.constant 3 : i32
      %dma_start3A_196 = arith.constant 0 : i32
      %dma_start3A_197 = arith.constant 0 : i32
      %dma_start3A_198 = tpu.memref_slice %arg7[%dma_start3A_195, %dma_start3A_196, %dma_start3A_197] : memref<5x80x128xf32, #tpu.memory_space<vmem>> -> memref<1x80x128xf32, #tpu.memory_space<vmem>>
      %dma_start3A_199 = tpu.memref_squeeze %dma_start3A_198 : memref<1x80x128xf32, #tpu.memory_space<vmem>> -> memref<80x128xf32, #tpu.memory_space<vmem>>
      %dma_start3A_200 = arith.constant 0 : i32
      %dma_start3A_201 = tpu.memref_slice %arg6[%dma_start3A_194, %add3A_193, %dma_start3A_200] : memref<4x125x80xi32, #tpu.memory_space<vmem>> -> memref<1x1x80xi32, #tpu.memory_space<vmem>>
      %dma_start3A_202 = tpu.memref_squeeze %dma_start3A_201 : memref<1x1x80xi32, #tpu.memory_space<vmem>> -> memref<80xi32, #tpu.memory_space<vmem>>
      %dma_start3A_203 = arith.constant 0 : i32
      %dma_start3A_204 = arith.constant 0 : i32
      %dma_start3A_205 = tpu.memref_slice %arg3[%dma_start3A_203, %dma_start3A_204] : memref<10000x128xf32, #tpu.memory_space<hbm>> -> memref<10000x128xf32, #tpu.memory_space<hbm>>
      tpu.enqueue_indirect_dma source(%dma_start3A_205 : memref<10000x128xf32, #tpu.memory_space<hbm>>) target(%dma_start3A_199 : memref<80x128xf32, #tpu.memory_space<vmem>>) offsets(%dma_start3A_202 : memref<80xi32, #tpu.memory_space<vmem>>) semaphore(%arg9 : memref<!tpu.dma_semaphore, #tpu.memory_space<semaphore_mem>>) {add = true}
      %add3A_206 = arith.constant 4 : i32
      %add3A_207 = arith.addi %mul3A_21, %add3A_206 : i32
      %dma_start3A_208 = arith.constant 1 : i32
      %dma_start3A_209 = arith.constant 4 : i32
      %dma_start3A_210 = arith.constant 0 : i32
      %dma_start3A_211 = arith.constant 0 : i32
      %dma_start3A_212 = tpu.memref_slice %arg7[%dma_start3A_209, %dma_start3A_210, %dma_start3A_211] : memref<5x80x128xf32, #tpu.memory_space<vmem>> -> memref<1x80x128xf32, #tpu.memory_space<vmem>>
      %dma_start3A_213 = tpu.memref_squeeze %dma_start3A_212 : memref<1x80x128xf32, #tpu.memory_space<vmem>> -> memref<80x128xf32, #tpu.memory_space<vmem>>
      %dma_start3A_214 = arith.constant 0 : i32
      %dma_start3A_215 = tpu.memref_slice %arg6[%dma_start3A_208, %add3A_207, %dma_start3A_214] : memref<4x125x80xi32, #tpu.memory_space<vmem>> -> memref<1x1x80xi32, #tpu.memory_space<vmem>>
      %dma_start3A_216 = tpu.memref_squeeze %dma_start3A_215 : memref<1x1x80xi32, #tpu.memory_space<vmem>> -> memref<80xi32, #tpu.memory_space<vmem>>
      %dma_start3A_217 = arith.constant 0 : i32
      %dma_start3A_218 = arith.constant 0 : i32
      %dma_start3A_219 = tpu.memref_slice %arg3[%dma_start3A_217, %dma_start3A_218] : memref<10000x128xf32, #tpu.memory_space<hbm>> -> memref<10000x128xf32, #tpu.memory_space<hbm>>
      tpu.enqueue_indirect_dma source(%dma_start3A_219 : memref<10000x128xf32, #tpu.memory_space<hbm>>) target(%dma_start3A_213 : memref<80x128xf32, #tpu.memory_space<vmem>>) offsets(%dma_start3A_216 : memref<80xi32, #tpu.memory_space<vmem>>) semaphore(%arg9 : memref<!tpu.dma_semaphore, #tpu.memory_space<semaphore_mem>>) {add = true}
      %dma_wait3A_220 = arith.constant 1 : i32
      %dma_wait3A_221 = arith.constant 0 : i32
      %dma_wait3A_222 = arith.constant 0 : i32
      %dma_wait3A_223 = arith.constant 0 : i32
      %dma_wait3A_224 = tpu.memref_slice %arg7[%dma_wait3A_221, %dma_wait3A_222, %dma_wait3A_223] : memref<5x80x128xf32, #tpu.memory_space<vmem>> -> memref<1x80x128xf32, #tpu.memory_space<vmem>>
      %dma_wait3A_225 = tpu.memref_squeeze %dma_wait3A_224 : memref<1x80x128xf32, #tpu.memory_space<vmem>> -> memref<80x128xf32, #tpu.memory_space<vmem>>
      %dma_wait3A_226 = arith.constant 0 : i32
      %dma_wait3A_227 = tpu.memref_slice %arg6[%dma_wait3A_220, %add3A_151, %dma_wait3A_226] : memref<4x125x80xi32, #tpu.memory_space<vmem>> -> memref<1x1x80xi32, #tpu.memory_space<vmem>>
      %dma_wait3A_228 = tpu.memref_squeeze %dma_wait3A_227 : memref<1x1x80xi32, #tpu.memory_space<vmem>> -> memref<80xi32, #tpu.memory_space<vmem>>
      %dma_wait3A_229 = arith.constant 0 : i32
      %dma_wait3A_230 = arith.constant 0 : i32
      %dma_wait3A_231 = tpu.memref_slice %arg3[%dma_wait3A_229, %dma_wait3A_230] : memref<10000x128xf32, #tpu.memory_space<hbm>> -> memref<10000x128xf32, #tpu.memory_space<hbm>>
      tpu.wait_indirect_dma semaphore(%arg9 : memref<!tpu.dma_semaphore, #tpu.memory_space<semaphore_mem>>) src(%dma_wait3A_231 : memref<10000x128xf32, #tpu.memory_space<hbm>>) dst(%dma_wait3A_225 : memref<80x128xf32, #tpu.memory_space<vmem>>)
      %dma_wait3A_232 = arith.constant 1 : i32
      %dma_wait3A_233 = arith.constant 1 : i32
      %dma_wait3A_234 = arith.constant 0 : i32
      %dma_wait3A_235 = arith.constant 0 : i32
      %dma_wait3A_236 = tpu.memref_slice %arg7[%dma_wait3A_233, %dma_wait3A_234, %dma_wait3A_235] : memref<5x80x128xf32, #tpu.memory_space<vmem>> -> memref<1x80x128xf32, #tpu.memory_space<vmem>>
      %dma_wait3A_237 = tpu.memref_squeeze %dma_wait3A_236 : memref<1x80x128xf32, #tpu.memory_space<vmem>> -> memref<80x128xf32, #tpu.memory_space<vmem>>
      %dma_wait3A_238 = arith.constant 0 : i32
      %dma_wait3A_239 = tpu.memref_slice %arg6[%dma_wait3A_232, %add3A_165, %dma_wait3A_238] : memref<4x125x80xi32, #tpu.memory_space<vmem>> -> memref<1x1x80xi32, #tpu.memory_space<vmem>>
      %dma_wait3A_240 = tpu.memref_squeeze %dma_wait3A_239 : memref<1x1x80xi32, #tpu.memory_space<vmem>> -> memref<80xi32, #tpu.memory_space<vmem>>
      %dma_wait3A_241 = arith.constant 0 : i32
      %dma_wait3A_242 = arith.constant 0 : i32
      %dma_wait3A_243 = tpu.memref_slice %arg3[%dma_wait3A_241, %dma_wait3A_242] : memref<10000x128xf32, #tpu.memory_space<hbm>> -> memref<10000x128xf32, #tpu.memory_space<hbm>>
      tpu.wait_indirect_dma semaphore(%arg9 : memref<!tpu.dma_semaphore, #tpu.memory_space<semaphore_mem>>) src(%dma_wait3A_243 : memref<10000x128xf32, #tpu.memory_space<hbm>>) dst(%dma_wait3A_237 : memref<80x128xf32, #tpu.memory_space<vmem>>)
      %dma_wait3A_244 = arith.constant 1 : i32
      %dma_wait3A_245 = arith.constant 2 : i32
      %dma_wait3A_246 = arith.constant 0 : i32
      %dma_wait3A_247 = arith.constant 0 : i32
      %dma_wait3A_248 = tpu.memref_slice %arg7[%dma_wait3A_245, %dma_wait3A_246, %dma_wait3A_247] : memref<5x80x128xf32, #tpu.memory_space<vmem>> -> memref<1x80x128xf32, #tpu.memory_space<vmem>>
      %dma_wait3A_249 = tpu.memref_squeeze %dma_wait3A_248 : memref<1x80x128xf32, #tpu.memory_space<vmem>> -> memref<80x128xf32, #tpu.memory_space<vmem>>
      %dma_wait3A_250 = arith.constant 0 : i32
      %dma_wait3A_251 = tpu.memref_slice %arg6[%dma_wait3A_244, %add3A_179, %dma_wait3A_250] : memref<4x125x80xi32, #tpu.memory_space<vmem>> -> memref<1x1x80xi32, #tpu.memory_space<vmem>>
      %dma_wait3A_252 = tpu.memref_squeeze %dma_wait3A_251 : memref<1x1x80xi32, #tpu.memory_space<vmem>> -> memref<80xi32, #tpu.memory_space<vmem>>
      %dma_wait3A_253 = arith.constant 0 : i32
      %dma_wait3A_254 = arith.constant 0 : i32
      %dma_wait3A_255 = tpu.memref_slice %arg3[%dma_wait3A_253, %dma_wait3A_254] : memref<10000x128xf32, #tpu.memory_space<hbm>> -> memref<10000x128xf32, #tpu.memory_space<hbm>>
      tpu.wait_indirect_dma semaphore(%arg9 : memref<!tpu.dma_semaphore, #tpu.memory_space<semaphore_mem>>) src(%dma_wait3A_255 : memref<10000x128xf32, #tpu.memory_space<hbm>>) dst(%dma_wait3A_249 : memref<80x128xf32, #tpu.memory_space<vmem>>)
      %dma_wait3A_256 = arith.constant 1 : i32
      %dma_wait3A_257 = arith.constant 3 : i32
      %dma_wait3A_258 = arith.constant 0 : i32
      %dma_wait3A_259 = arith.constant 0 : i32
      %dma_wait3A_260 = tpu.memref_slice %arg7[%dma_wait3A_257, %dma_wait3A_258, %dma_wait3A_259] : memref<5x80x128xf32, #tpu.memory_space<vmem>> -> memref<1x80x128xf32, #tpu.memory_space<vmem>>
      %dma_wait3A_261 = tpu.memref_squeeze %dma_wait3A_260 : memref<1x80x128xf32, #tpu.memory_space<vmem>> -> memref<80x128xf32, #tpu.memory_space<vmem>>
      %dma_wait3A_262 = arith.constant 0 : i32
      %dma_wait3A_263 = tpu.memref_slice %arg6[%dma_wait3A_256, %add3A_193, %dma_wait3A_262] : memref<4x125x80xi32, #tpu.memory_space<vmem>> -> memref<1x1x80xi32, #tpu.memory_space<vmem>>
      %dma_wait3A_264 = tpu.memref_squeeze %dma_wait3A_263 : memref<1x1x80xi32, #tpu.memory_space<vmem>> -> memref<80xi32, #tpu.memory_space<vmem>>
      %dma_wait3A_265 = arith.constant 0 : i32
      %dma_wait3A_266 = arith.constant 0 : i32
      %dma_wait3A_267 = tpu.memref_slice %arg3[%dma_wait3A_265, %dma_wait3A_266] : memref<10000x128xf32, #tpu.memory_space<hbm>> -> memref<10000x128xf32, #tpu.memory_space<hbm>>
      tpu.wait_indirect_dma semaphore(%arg9 : memref<!tpu.dma_semaphore, #tpu.memory_space<semaphore_mem>>) src(%dma_wait3A_267 : memref<10000x128xf32, #tpu.memory_space<hbm>>) dst(%dma_wait3A_261 : memref<80x128xf32, #tpu.memory_space<vmem>>)
      %dma_wait3A_268 = arith.constant 1 : i32
      %dma_wait3A_269 = arith.constant 4 : i32
      %dma_wait3A_270 = arith.constant 0 : i32
      %dma_wait3A_271 = arith.constant 0 : i32
      %dma_wait3A_272 = tpu.memref_slice %arg7[%dma_wait3A_269, %dma_wait3A_270, %dma_wait3A_271] : memref<5x80x128xf32, #tpu.memory_space<vmem>> -> memref<1x80x128xf32, #tpu.memory_space<vmem>>
      %dma_wait3A_273 = tpu.memref_squeeze %dma_wait3A_272 : memref<1x80x128xf32, #tpu.memory_space<vmem>> -> memref<80x128xf32, #tpu.memory_space<vmem>>
      %dma_wait3A_274 = arith.constant 0 : i32
      %dma_wait3A_275 = tpu.memref_slice %arg6[%dma_wait3A_268, %add3A_207, %dma_wait3A_274] : memref<4x125x80xi32, #tpu.memory_space<vmem>> -> memref<1x1x80xi32, #tpu.memory_space<vmem>>
      %dma_wait3A_276 = tpu.memref_squeeze %dma_wait3A_275 : memref<1x1x80xi32, #tpu.memory_space<vmem>> -> memref<80xi32, #tpu.memory_space<vmem>>
      %dma_wait3A_277 = arith.constant 0 : i32
      %dma_wait3A_278 = arith.constant 0 : i32
      %dma_wait3A_279 = tpu.memref_slice %arg3[%dma_wait3A_277, %dma_wait3A_278] : memref<10000x128xf32, #tpu.memory_space<hbm>> -> memref<10000x128xf32, #tpu.memory_space<hbm>>
      tpu.wait_indirect_dma semaphore(%arg9 : memref<!tpu.dma_semaphore, #tpu.memory_space<semaphore_mem>>) src(%dma_wait3A_279 : memref<10000x128xf32, #tpu.memory_space<hbm>>) dst(%dma_wait3A_273 : memref<80x128xf32, #tpu.memory_space<vmem>>)
      %add3A_280 = arith.constant 0 : i32
      %add3A_281 = arith.addi %mul3A_21, %add3A_280 : i32
      %mul3A_282 = arith.constant 80 : i32
      %mul3A_283 = arith.muli %add3A_281, %mul3A_282 : i32
      %add3A_284 = arith.addi %multiple_of3A, %mul3A_283 : i32
      %dma_start3A_285 = arith.constant 0 : i32
      %dma_start3A_286 = arith.constant 0 : i32
      %dma_start3A_287 = arith.constant 0 : i32
      %dma_start3A_288 = arith.constant 0 : i32
      %dma_start3A_289 = tpu.memref_slice %arg7[%dma_start3A_285, %dma_start3A_287, %dma_start3A_288] : memref<5x80x128xf32, #tpu.memory_space<vmem>> -> memref<1x80x128xf32, #tpu.memory_space<vmem>>
      %dma_start3A_290 = tpu.memref_squeeze %dma_start3A_289 : memref<1x80x128xf32, #tpu.memory_space<vmem>> -> memref<80x128xf32, #tpu.memory_space<vmem>>
      %dma_start3A_291 = arith.constant 0 : i32
      %dma_start3A_292 = tpu.memref_slice %arg5[%dma_start3A_286, %add3A_284, %dma_start3A_291] : memref<2x320000x128xf32, #tpu.memory_space<hbm>> -> memref<1x80x128xf32, #tpu.memory_space<hbm>>
      %dma_start3A_293 = tpu.memref_squeeze %dma_start3A_292 : memref<1x80x128xf32, #tpu.memory_space<hbm>> -> memref<80x128xf32, #tpu.memory_space<hbm>>
      %dma_start3A_294 = arith.constant 0 : i32
      %dma_start3A_295 = tpu.memref_slice %arg5[%dma_start3A_286, %add3A_284, %dma_start3A_294] : memref<2x320000x128xf32, #tpu.memory_space<hbm>> -> memref<1x80x128xf32, #tpu.memory_space<hbm>>
      %dma_start3A_296 = tpu.memref_squeeze %dma_start3A_295 : memref<1x80x128xf32, #tpu.memory_space<hbm>> -> memref<80x128xf32, #tpu.memory_space<hbm>>
      %dma_start3A_297 = arith.constant 0 : i32
      %dma_start3A_298 = arith.constant 0 : i32
      %dma_start3A_299 = tpu.memref_slice %arg7[%dma_start3A_285, %dma_start3A_297, %dma_start3A_298] : memref<5x80x128xf32, #tpu.memory_space<vmem>> -> memref<1x80x128xf32, #tpu.memory_space<vmem>>
      %dma_start3A_300 = tpu.memref_squeeze %dma_start3A_299 : memref<1x80x128xf32, #tpu.memory_space<vmem>> -> memref<80x128xf32, #tpu.memory_space<vmem>>
      tpu.enqueue_dma source(%dma_start3A_300 : memref<80x128xf32, #tpu.memory_space<vmem>>) target(%dma_start3A_296 : memref<80x128xf32, #tpu.memory_space<hbm>>) target_semaphore(%arg10 : memref<!tpu.dma_semaphore, #tpu.memory_space<semaphore_mem>>)
      %add3A_301 = arith.constant 1 : i32
      %add3A_302 = arith.addi %mul3A_21, %add3A_301 : i32
      %mul3A_303 = arith.constant 80 : i32
      %mul3A_304 = arith.muli %add3A_302, %mul3A_303 : i32
      %add3A_305 = arith.addi %multiple_of3A, %mul3A_304 : i32
      %dma_start3A_306 = arith.constant 1 : i32
      %dma_start3A_307 = arith.constant 0 : i32
      %dma_start3A_308 = arith.constant 0 : i32
      %dma_start3A_309 = arith.constant 0 : i32
      %dma_start3A_310 = tpu.memref_slice %arg7[%dma_start3A_306, %dma_start3A_308, %dma_start3A_309] : memref<5x80x128xf32, #tpu.memory_space<vmem>> -> memref<1x80x128xf32, #tpu.memory_space<vmem>>
      %dma_start3A_311 = tpu.memref_squeeze %dma_start3A_310 : memref<1x80x128xf32, #tpu.memory_space<vmem>> -> memref<80x128xf32, #tpu.memory_space<vmem>>
      %dma_start3A_312 = arith.constant 0 : i32
      %dma_start3A_313 = tpu.memref_slice %arg5[%dma_start3A_307, %add3A_305, %dma_start3A_312] : memref<2x320000x128xf32, #tpu.memory_space<hbm>> -> memref<1x80x128xf32, #tpu.memory_space<hbm>>
      %dma_start3A_314 = tpu.memref_squeeze %dma_start3A_313 : memref<1x80x128xf32, #tpu.memory_space<hbm>> -> memref<80x128xf32, #tpu.memory_space<hbm>>
      %dma_start3A_315 = arith.constant 0 : i32
      %dma_start3A_316 = tpu.memref_slice %arg5[%dma_start3A_307, %add3A_305, %dma_start3A_315] : memref<2x320000x128xf32, #tpu.memory_space<hbm>> -> memref<1x80x128xf32, #tpu.memory_space<hbm>>
      %dma_start3A_317 = tpu.memref_squeeze %dma_start3A_316 : memref<1x80x128xf32, #tpu.memory_space<hbm>> -> memref<80x128xf32, #tpu.memory_space<hbm>>
      %dma_start3A_318 = arith.constant 0 : i32
      %dma_start3A_319 = arith.constant 0 : i32
      %dma_start3A_320 = tpu.memref_slice %arg7[%dma_start3A_306, %dma_start3A_318, %dma_start3A_319] : memref<5x80x128xf32, #tpu.memory_space<vmem>> -> memref<1x80x128xf32, #tpu.memory_space<vmem>>
      %dma_start3A_321 = tpu.memref_squeeze %dma_start3A_320 : memref<1x80x128xf32, #tpu.memory_space<vmem>> -> memref<80x128xf32, #tpu.memory_space<vmem>>
      tpu.enqueue_dma source(%dma_start3A_321 : memref<80x128xf32, #tpu.memory_space<vmem>>) target(%dma_start3A_317 : memref<80x128xf32, #tpu.memory_space<hbm>>) target_semaphore(%arg10 : memref<!tpu.dma_semaphore, #tpu.memory_space<semaphore_mem>>)
      %add3A_322 = arith.constant 2 : i32
      %add3A_323 = arith.addi %mul3A_21, %add3A_322 : i32
      %mul3A_324 = arith.constant 80 : i32
      %mul3A_325 = arith.muli %add3A_323, %mul3A_324 : i32
      %add3A_326 = arith.addi %multiple_of3A, %mul3A_325 : i32
      %dma_start3A_327 = arith.constant 2 : i32
      %dma_start3A_328 = arith.constant 0 : i32
      %dma_start3A_329 = arith.constant 0 : i32
      %dma_start3A_330 = arith.constant 0 : i32
      %dma_start3A_331 = tpu.memref_slice %arg7[%dma_start3A_327, %dma_start3A_329, %dma_start3A_330] : memref<5x80x128xf32, #tpu.memory_space<vmem>> -> memref<1x80x128xf32, #tpu.memory_space<vmem>>
      %dma_start3A_332 = tpu.memref_squeeze %dma_start3A_331 : memref<1x80x128xf32, #tpu.memory_space<vmem>> -> memref<80x128xf32, #tpu.memory_space<vmem>>
      %dma_start3A_333 = arith.constant 0 : i32
      %dma_start3A_334 = tpu.memref_slice %arg5[%dma_start3A_328, %add3A_326, %dma_start3A_333] : memref<2x320000x128xf32, #tpu.memory_space<hbm>> -> memref<1x80x128xf32, #tpu.memory_space<hbm>>
      %dma_start3A_335 = tpu.memref_squeeze %dma_start3A_334 : memref<1x80x128xf32, #tpu.memory_space<hbm>> -> memref<80x128xf32, #tpu.memory_space<hbm>>
      %dma_start3A_336 = arith.constant 0 : i32
      %dma_start3A_337 = tpu.memref_slice %arg5[%dma_start3A_328, %add3A_326, %dma_start3A_336] : memref<2x320000x128xf32, #tpu.memory_space<hbm>> -> memref<1x80x128xf32, #tpu.memory_space<hbm>>
      %dma_start3A_338 = tpu.memref_squeeze %dma_start3A_337 : memref<1x80x128xf32, #tpu.memory_space<hbm>> -> memref<80x128xf32, #tpu.memory_space<hbm>>
      %dma_start3A_339 = arith.constant 0 : i32
      %dma_start3A_340 = arith.constant 0 : i32
      %dma_start3A_341 = tpu.memref_slice %arg7[%dma_start3A_327, %dma_start3A_339, %dma_start3A_340] : memref<5x80x128xf32, #tpu.memory_space<vmem>> -> memref<1x80x128xf32, #tpu.memory_space<vmem>>
      %dma_start3A_342 = tpu.memref_squeeze %dma_start3A_341 : memref<1x80x128xf32, #tpu.memory_space<vmem>> -> memref<80x128xf32, #tpu.memory_space<vmem>>
      tpu.enqueue_dma source(%dma_start3A_342 : memref<80x128xf32, #tpu.memory_space<vmem>>) target(%dma_start3A_338 : memref<80x128xf32, #tpu.memory_space<hbm>>) target_semaphore(%arg10 : memref<!tpu.dma_semaphore, #tpu.memory_space<semaphore_mem>>)
      %add3A_343 = arith.constant 3 : i32
      %add3A_344 = arith.addi %mul3A_21, %add3A_343 : i32
      %mul3A_345 = arith.constant 80 : i32
      %mul3A_346 = arith.muli %add3A_344, %mul3A_345 : i32
      %add3A_347 = arith.addi %multiple_of3A, %mul3A_346 : i32
      %dma_start3A_348 = arith.constant 3 : i32
      %dma_start3A_349 = arith.constant 0 : i32
      %dma_start3A_350 = arith.constant 0 : i32
      %dma_start3A_351 = arith.constant 0 : i32
      %dma_start3A_352 = tpu.memref_slice %arg7[%dma_start3A_348, %dma_start3A_350, %dma_start3A_351] : memref<5x80x128xf32, #tpu.memory_space<vmem>> -> memref<1x80x128xf32, #tpu.memory_space<vmem>>
      %dma_start3A_353 = tpu.memref_squeeze %dma_start3A_352 : memref<1x80x128xf32, #tpu.memory_space<vmem>> -> memref<80x128xf32, #tpu.memory_space<vmem>>
      %dma_start3A_354 = arith.constant 0 : i32
      %dma_start3A_355 = tpu.memref_slice %arg5[%dma_start3A_349, %add3A_347, %dma_start3A_354] : memref<2x320000x128xf32, #tpu.memory_space<hbm>> -> memref<1x80x128xf32, #tpu.memory_space<hbm>>
      %dma_start3A_356 = tpu.memref_squeeze %dma_start3A_355 : memref<1x80x128xf32, #tpu.memory_space<hbm>> -> memref<80x128xf32, #tpu.memory_space<hbm>>
      %dma_start3A_357 = arith.constant 0 : i32
      %dma_start3A_358 = tpu.memref_slice %arg5[%dma_start3A_349, %add3A_347, %dma_start3A_357] : memref<2x320000x128xf32, #tpu.memory_space<hbm>> -> memref<1x80x128xf32, #tpu.memory_space<hbm>>
      %dma_start3A_359 = tpu.memref_squeeze %dma_start3A_358 : memref<1x80x128xf32, #tpu.memory_space<hbm>> -> memref<80x128xf32, #tpu.memory_space<hbm>>
      %dma_start3A_360 = arith.constant 0 : i32
      %dma_start3A_361 = arith.constant 0 : i32
      %dma_start3A_362 = tpu.memref_slice %arg7[%dma_start3A_348, %dma_start3A_360, %dma_start3A_361] : memref<5x80x128xf32, #tpu.memory_space<vmem>> -> memref<1x80x128xf32, #tpu.memory_space<vmem>>
      %dma_start3A_363 = tpu.memref_squeeze %dma_start3A_362 : memref<1x80x128xf32, #tpu.memory_space<vmem>> -> memref<80x128xf32, #tpu.memory_space<vmem>>
      tpu.enqueue_dma source(%dma_start3A_363 : memref<80x128xf32, #tpu.memory_space<vmem>>) target(%dma_start3A_359 : memref<80x128xf32, #tpu.memory_space<hbm>>) target_semaphore(%arg10 : memref<!tpu.dma_semaphore, #tpu.memory_space<semaphore_mem>>)
      %add3A_364 = arith.constant 4 : i32
      %add3A_365 = arith.addi %mul3A_21, %add3A_364 : i32
      %mul3A_366 = arith.constant 80 : i32
      %mul3A_367 = arith.muli %add3A_365, %mul3A_366 : i32
      %add3A_368 = arith.addi %multiple_of3A, %mul3A_367 : i32
      %dma_start3A_369 = arith.constant 4 : i32
      %dma_start3A_370 = arith.constant 0 : i32
      %dma_start3A_371 = arith.constant 0 : i32
      %dma_start3A_372 = arith.constant 0 : i32
      %dma_start3A_373 = tpu.memref_slice %arg7[%dma_start3A_369, %dma_start3A_371, %dma_start3A_372] : memref<5x80x128xf32, #tpu.memory_space<vmem>> -> memref<1x80x128xf32, #tpu.memory_space<vmem>>
      %dma_start3A_374 = tpu.memref_squeeze %dma_start3A_373 : memref<1x80x128xf32, #tpu.memory_space<vmem>> -> memref<80x128xf32, #tpu.memory_space<vmem>>
      %dma_start3A_375 = arith.constant 0 : i32
      %dma_start3A_376 = tpu.memref_slice %arg5[%dma_start3A_370, %add3A_368, %dma_start3A_375] : memref<2x320000x128xf32, #tpu.memory_space<hbm>> -> memref<1x80x128xf32, #tpu.memory_space<hbm>>
      %dma_start3A_377 = tpu.memref_squeeze %dma_start3A_376 : memref<1x80x128xf32, #tpu.memory_space<hbm>> -> memref<80x128xf32, #tpu.memory_space<hbm>>
      %dma_start3A_378 = arith.constant 0 : i32
      %dma_start3A_379 = tpu.memref_slice %arg5[%dma_start3A_370, %add3A_368, %dma_start3A_378] : memref<2x320000x128xf32, #tpu.memory_space<hbm>> -> memref<1x80x128xf32, #tpu.memory_space<hbm>>
      %dma_start3A_380 = tpu.memref_squeeze %dma_start3A_379 : memref<1x80x128xf32, #tpu.memory_space<hbm>> -> memref<80x128xf32, #tpu.memory_space<hbm>>
      %dma_start3A_381 = arith.constant 0 : i32
      %dma_start3A_382 = arith.constant 0 : i32
      %dma_start3A_383 = tpu.memref_slice %arg7[%dma_start3A_369, %dma_start3A_381, %dma_start3A_382] : memref<5x80x128xf32, #tpu.memory_space<vmem>> -> memref<1x80x128xf32, #tpu.memory_space<vmem>>
      %dma_start3A_384 = tpu.memref_squeeze %dma_start3A_383 : memref<1x80x128xf32, #tpu.memory_space<vmem>> -> memref<80x128xf32, #tpu.memory_space<vmem>>
      tpu.enqueue_dma source(%dma_start3A_384 : memref<80x128xf32, #tpu.memory_space<vmem>>) target(%dma_start3A_380 : memref<80x128xf32, #tpu.memory_space<hbm>>) target_semaphore(%arg10 : memref<!tpu.dma_semaphore, #tpu.memory_space<semaphore_mem>>)
      %dma_wait3A_385 = arith.constant 0 : i32
      %dma_wait3A_386 = arith.constant 0 : i32
      %dma_wait3A_387 = arith.constant 0 : i32
      %dma_wait3A_388 = arith.constant 0 : i32
      %dma_wait3A_389 = tpu.memref_slice %arg7[%dma_wait3A_385, %dma_wait3A_387, %dma_wait3A_388] : memref<5x80x128xf32, #tpu.memory_space<vmem>> -> memref<1x80x128xf32, #tpu.memory_space<vmem>>
      %dma_wait3A_390 = tpu.memref_squeeze %dma_wait3A_389 : memref<1x80x128xf32, #tpu.memory_space<vmem>> -> memref<80x128xf32, #tpu.memory_space<vmem>>
      %dma_wait3A_391 = arith.constant 0 : i32
      %dma_wait3A_392 = tpu.memref_slice %arg5[%dma_wait3A_386, %add3A_284, %dma_wait3A_391] : memref<2x320000x128xf32, #tpu.memory_space<hbm>> -> memref<1x80x128xf32, #tpu.memory_space<hbm>>
      %dma_wait3A_393 = tpu.memref_squeeze %dma_wait3A_392 : memref<1x80x128xf32, #tpu.memory_space<hbm>> -> memref<80x128xf32, #tpu.memory_space<hbm>>
      %dma_wait3A_394 = arith.constant 0 : i32
      %dma_wait3A_395 = tpu.memref_slice %arg5[%dma_wait3A_386, %add3A_284, %dma_wait3A_394] : memref<2x320000x128xf32, #tpu.memory_space<hbm>> -> memref<1x80x128xf32, #tpu.memory_space<hbm>>
      %dma_wait3A_396 = tpu.memref_squeeze %dma_wait3A_395 : memref<1x80x128xf32, #tpu.memory_space<hbm>> -> memref<80x128xf32, #tpu.memory_space<hbm>>
      %dma_wait3A_397 = arith.constant 0 : i32
      %dma_wait3A_398 = arith.constant 0 : i32
      %dma_wait3A_399 = tpu.memref_slice %arg7[%dma_wait3A_385, %dma_wait3A_397, %dma_wait3A_398] : memref<5x80x128xf32, #tpu.memory_space<vmem>> -> memref<1x80x128xf32, #tpu.memory_space<vmem>>
      %dma_wait3A_400 = tpu.memref_squeeze %dma_wait3A_399 : memref<1x80x128xf32, #tpu.memory_space<vmem>> -> memref<80x128xf32, #tpu.memory_space<vmem>>
      tpu.wait_dma2 semaphore(%arg10 : memref<!tpu.dma_semaphore, #tpu.memory_space<semaphore_mem>>) src(%dma_wait3A_400 : memref<80x128xf32, #tpu.memory_space<vmem>>) dst(%dma_wait3A_396 : memref<80x128xf32, #tpu.memory_space<hbm>>)
      %dma_wait3A_401 = arith.constant 1 : i32
      %dma_wait3A_402 = arith.constant 0 : i32
      %dma_wait3A_403 = arith.constant 0 : i32
      %dma_wait3A_404 = arith.constant 0 : i32
      %dma_wait3A_405 = tpu.memref_slice %arg7[%dma_wait3A_401, %dma_wait3A_403, %dma_wait3A_404] : memref<5x80x128xf32, #tpu.memory_space<vmem>> -> memref<1x80x128xf32, #tpu.memory_space<vmem>>
      %dma_wait3A_406 = tpu.memref_squeeze %dma_wait3A_405 : memref<1x80x128xf32, #tpu.memory_space<vmem>> -> memref<80x128xf32, #tpu.memory_space<vmem>>
      %dma_wait3A_407 = arith.constant 0 : i32
      %dma_wait3A_408 = tpu.memref_slice %arg5[%dma_wait3A_402, %add3A_305, %dma_wait3A_407] : memref<2x320000x128xf32, #tpu.memory_space<hbm>> -> memref<1x80x128xf32, #tpu.memory_space<hbm>>
      %dma_wait3A_409 = tpu.memref_squeeze %dma_wait3A_408 : memref<1x80x128xf32, #tpu.memory_space<hbm>> -> memref<80x128xf32, #tpu.memory_space<hbm>>
      %dma_wait3A_410 = arith.constant 0 : i32
      %dma_wait3A_411 = tpu.memref_slice %arg5[%dma_wait3A_402, %add3A_305, %dma_wait3A_410] : memref<2x320000x128xf32, #tpu.memory_space<hbm>> -> memref<1x80x128xf32, #tpu.memory_space<hbm>>
      %dma_wait3A_412 = tpu.memref_squeeze %dma_wait3A_411 : memref<1x80x128xf32, #tpu.memory_space<hbm>> -> memref<80x128xf32, #tpu.memory_space<hbm>>
      %dma_wait3A_413 = arith.constant 0 : i32
      %dma_wait3A_414 = arith.constant 0 : i32
      %dma_wait3A_415 = tpu.memref_slice %arg7[%dma_wait3A_401, %dma_wait3A_413, %dma_wait3A_414] : memref<5x80x128xf32, #tpu.memory_space<vmem>> -> memref<1x80x128xf32, #tpu.memory_space<vmem>>
      %dma_wait3A_416 = tpu.memref_squeeze %dma_wait3A_415 : memref<1x80x128xf32, #tpu.memory_space<vmem>> -> memref<80x128xf32, #tpu.memory_space<vmem>>
      tpu.wait_dma2 semaphore(%arg10 : memref<!tpu.dma_semaphore, #tpu.memory_space<semaphore_mem>>) src(%dma_wait3A_416 : memref<80x128xf32, #tpu.memory_space<vmem>>) dst(%dma_wait3A_412 : memref<80x128xf32, #tpu.memory_space<hbm>>)
      %dma_wait3A_417 = arith.constant 2 : i32
      %dma_wait3A_418 = arith.constant 0 : i32
      %dma_wait3A_419 = arith.constant 0 : i32
      %dma_wait3A_420 = arith.constant 0 : i32
      %dma_wait3A_421 = tpu.memref_slice %arg7[%dma_wait3A_417, %dma_wait3A_419, %dma_wait3A_420] : memref<5x80x128xf32, #tpu.memory_space<vmem>> -> memref<1x80x128xf32, #tpu.memory_space<vmem>>
      %dma_wait3A_422 = tpu.memref_squeeze %dma_wait3A_421 : memref<1x80x128xf32, #tpu.memory_space<vmem>> -> memref<80x128xf32, #tpu.memory_space<vmem>>
      %dma_wait3A_423 = arith.constant 0 : i32
      %dma_wait3A_424 = tpu.memref_slice %arg5[%dma_wait3A_418, %add3A_326, %dma_wait3A_423] : memref<2x320000x128xf32, #tpu.memory_space<hbm>> -> memref<1x80x128xf32, #tpu.memory_space<hbm>>
      %dma_wait3A_425 = tpu.memref_squeeze %dma_wait3A_424 : memref<1x80x128xf32, #tpu.memory_space<hbm>> -> memref<80x128xf32, #tpu.memory_space<hbm>>
      %dma_wait3A_426 = arith.constant 0 : i32
      %dma_wait3A_427 = tpu.memref_slice %arg5[%dma_wait3A_418, %add3A_326, %dma_wait3A_426] : memref<2x320000x128xf32, #tpu.memory_space<hbm>> -> memref<1x80x128xf32, #tpu.memory_space<hbm>>
      %dma_wait3A_428 = tpu.memref_squeeze %dma_wait3A_427 : memref<1x80x128xf32, #tpu.memory_space<hbm>> -> memref<80x128xf32, #tpu.memory_space<hbm>>
      %dma_wait3A_429 = arith.constant 0 : i32
      %dma_wait3A_430 = arith.constant 0 : i32
      %dma_wait3A_431 = tpu.memref_slice %arg7[%dma_wait3A_417, %dma_wait3A_429, %dma_wait3A_430] : memref<5x80x128xf32, #tpu.memory_space<vmem>> -> memref<1x80x128xf32, #tpu.memory_space<vmem>>
      %dma_wait3A_432 = tpu.memref_squeeze %dma_wait3A_431 : memref<1x80x128xf32, #tpu.memory_space<vmem>> -> memref<80x128xf32, #tpu.memory_space<vmem>>
      tpu.wait_dma2 semaphore(%arg10 : memref<!tpu.dma_semaphore, #tpu.memory_space<semaphore_mem>>) src(%dma_wait3A_432 : memref<80x128xf32, #tpu.memory_space<vmem>>) dst(%dma_wait3A_428 : memref<80x128xf32, #tpu.memory_space<hbm>>)
      %dma_wait3A_433 = arith.constant 3 : i32
      %dma_wait3A_434 = arith.constant 0 : i32
      %dma_wait3A_435 = arith.constant 0 : i32
      %dma_wait3A_436 = arith.constant 0 : i32
      %dma_wait3A_437 = tpu.memref_slice %arg7[%dma_wait3A_433, %dma_wait3A_435, %dma_wait3A_436] : memref<5x80x128xf32, #tpu.memory_space<vmem>> -> memref<1x80x128xf32, #tpu.memory_space<vmem>>
      %dma_wait3A_438 = tpu.memref_squeeze %dma_wait3A_437 : memref<1x80x128xf32, #tpu.memory_space<vmem>> -> memref<80x128xf32, #tpu.memory_space<vmem>>
      %dma_wait3A_439 = arith.constant 0 : i32
      %dma_wait3A_440 = tpu.memref_slice %arg5[%dma_wait3A_434, %add3A_347, %dma_wait3A_439] : memref<2x320000x128xf32, #tpu.memory_space<hbm>> -> memref<1x80x128xf32, #tpu.memory_space<hbm>>
      %dma_wait3A_441 = tpu.memref_squeeze %dma_wait3A_440 : memref<1x80x128xf32, #tpu.memory_space<hbm>> -> memref<80x128xf32, #tpu.memory_space<hbm>>
      %dma_wait3A_442 = arith.constant 0 : i32
      %dma_wait3A_443 = tpu.memref_slice %arg5[%dma_wait3A_434, %add3A_347, %dma_wait3A_442] : memref<2x320000x128xf32, #tpu.memory_space<hbm>> -> memref<1x80x128xf32, #tpu.memory_space<hbm>>
      %dma_wait3A_444 = tpu.memref_squeeze %dma_wait3A_443 : memref<1x80x128xf32, #tpu.memory_space<hbm>> -> memref<80x128xf32, #tpu.memory_space<hbm>>
      %dma_wait3A_445 = arith.constant 0 : i32
      %dma_wait3A_446 = arith.constant 0 : i32
      %dma_wait3A_447 = tpu.memref_slice %arg7[%dma_wait3A_433, %dma_wait3A_445, %dma_wait3A_446] : memref<5x80x128xf32, #tpu.memory_space<vmem>> -> memref<1x80x128xf32, #tpu.memory_space<vmem>>
      %dma_wait3A_448 = tpu.memref_squeeze %dma_wait3A_447 : memref<1x80x128xf32, #tpu.memory_space<vmem>> -> memref<80x128xf32, #tpu.memory_space<vmem>>
      tpu.wait_dma2 semaphore(%arg10 : memref<!tpu.dma_semaphore, #tpu.memory_space<semaphore_mem>>) src(%dma_wait3A_448 : memref<80x128xf32, #tpu.memory_space<vmem>>) dst(%dma_wait3A_444 : memref<80x128xf32, #tpu.memory_space<hbm>>)
      %dma_wait3A_449 = arith.constant 4 : i32
      %dma_wait3A_450 = arith.constant 0 : i32
      %dma_wait3A_451 = arith.constant 0 : i32
      %dma_wait3A_452 = arith.constant 0 : i32
      %dma_wait3A_453 = tpu.memref_slice %arg7[%dma_wait3A_449, %dma_wait3A_451, %dma_wait3A_452] : memref<5x80x128xf32, #tpu.memory_space<vmem>> -> memref<1x80x128xf32, #tpu.memory_space<vmem>>
      %dma_wait3A_454 = tpu.memref_squeeze %dma_wait3A_453 : memref<1x80x128xf32, #tpu.memory_space<vmem>> -> memref<80x128xf32, #tpu.memory_space<vmem>>
      %dma_wait3A_455 = arith.constant 0 : i32
      %dma_wait3A_456 = tpu.memref_slice %arg5[%dma_wait3A_450, %add3A_368, %dma_wait3A_455] : memref<2x320000x128xf32, #tpu.memory_space<hbm>> -> memref<1x80x128xf32, #tpu.memory_space<hbm>>
      %dma_wait3A_457 = tpu.memref_squeeze %dma_wait3A_456 : memref<1x80x128xf32, #tpu.memory_space<hbm>> -> memref<80x128xf32, #tpu.memory_space<hbm>>
      %dma_wait3A_458 = arith.constant 0 : i32
      %dma_wait3A_459 = tpu.memref_slice %arg5[%dma_wait3A_450, %add3A_368, %dma_wait3A_458] : memref<2x320000x128xf32, #tpu.memory_space<hbm>> -> memref<1x80x128xf32, #tpu.memory_space<hbm>>
      %dma_wait3A_460 = tpu.memref_squeeze %dma_wait3A_459 : memref<1x80x128xf32, #tpu.memory_space<hbm>> -> memref<80x128xf32, #tpu.memory_space<hbm>>
      %dma_wait3A_461 = arith.constant 0 : i32
      %dma_wait3A_462 = arith.constant 0 : i32
      %dma_wait3A_463 = tpu.memref_slice %arg7[%dma_wait3A_449, %dma_wait3A_461, %dma_wait3A_462] : memref<5x80x128xf32, #tpu.memory_space<vmem>> -> memref<1x80x128xf32, #tpu.memory_space<vmem>>
      %dma_wait3A_464 = tpu.memref_squeeze %dma_wait3A_463 : memref<1x80x128xf32, #tpu.memory_space<vmem>> -> memref<80x128xf32, #tpu.memory_space<vmem>>
      tpu.wait_dma2 semaphore(%arg10 : memref<!tpu.dma_semaphore, #tpu.memory_space<semaphore_mem>>) src(%dma_wait3A_464 : memref<80x128xf32, #tpu.memory_space<vmem>>) dst(%dma_wait3A_460 : memref<80x128xf32, #tpu.memory_space<hbm>>)
    }
    %scan3A_13 = arith.constant 25 : i32
    %scan3A_14 = arith.constant 0 : i32
    %scan3A_15 = arith.constant 25 : i32
    %scan3A_16 = arith.addi %scan3A_14, %scan3A_15 : i32
    %scan3A_17 = arith.constant 1 : i32
    scf.for %scan3A_19 = %scan3A_14 to %scan3A_16 step %scan3A_17  : i32 {
      %mul3A_20 = arith.constant 5 : i32
      %mul3A_21 = arith.muli %scan3A_19, %mul3A_20 : i32
      %add3A_22 = arith.constant 0 : i32
      %add3A_23 = arith.addi %mul3A_21, %add3A_22 : i32
      %dma_start3A = arith.constant 2 : i32
      %dma_start3A_24 = arith.constant 0 : i32
      %dma_start3A_25 = arith.constant 0 : i32
      %dma_start3A_26 = arith.constant 0 : i32
      %dma_start3A_27 = tpu.memref_slice %arg7[%dma_start3A_24, %dma_start3A_25, %dma_start3A_26] : memref<5x80x128xf32, #tpu.memory_space<vmem>> -> memref<1x80x128xf32, #tpu.memory_space<vmem>>
      %dma_start3A_28 = tpu.memref_squeeze %dma_start3A_27 : memref<1x80x128xf32, #tpu.memory_space<vmem>> -> memref<80x128xf32, #tpu.memory_space<vmem>>
      %dma_start3A_29 = arith.constant 0 : i32
      %dma_start3A_30 = tpu.memref_slice %arg6[%dma_start3A, %add3A_23, %dma_start3A_29] : memref<4x125x80xi32, #tpu.memory_space<vmem>> -> memref<1x1x80xi32, #tpu.memory_space<vmem>>
      %dma_start3A_31 = tpu.memref_squeeze %dma_start3A_30 : memref<1x1x80xi32, #tpu.memory_space<vmem>> -> memref<80xi32, #tpu.memory_space<vmem>>
      %dma_start3A_32 = arith.constant 0 : i32
      %dma_start3A_33 = arith.constant 0 : i32
      %dma_start3A_34 = tpu.memref_slice %arg2[%dma_start3A_32, %dma_start3A_33] : memref<10000x128xf32, #tpu.memory_space<hbm>> -> memref<10000x128xf32, #tpu.memory_space<hbm>>
      tpu.enqueue_indirect_dma source(%dma_start3A_34 : memref<10000x128xf32, #tpu.memory_space<hbm>>) target(%dma_start3A_28 : memref<80x128xf32, #tpu.memory_space<vmem>>) offsets(%dma_start3A_31 : memref<80xi32, #tpu.memory_space<vmem>>) semaphore(%arg8 : memref<!tpu.dma_semaphore, #tpu.memory_space<semaphore_mem>>)
      %add3A_35 = arith.constant 1 : i32
      %add3A_36 = arith.addi %mul3A_21, %add3A_35 : i32
      %dma_start3A_37 = arith.constant 2 : i32
      %dma_start3A_38 = arith.constant 1 : i32
      %dma_start3A_39 = arith.constant 0 : i32
      %dma_start3A_40 = arith.constant 0 : i32
      %dma_start3A_41 = tpu.memref_slice %arg7[%dma_start3A_38, %dma_start3A_39, %dma_start3A_40] : memref<5x80x128xf32, #tpu.memory_space<vmem>> -> memref<1x80x128xf32, #tpu.memory_space<vmem>>
      %dma_start3A_42 = tpu.memref_squeeze %dma_start3A_41 : memref<1x80x128xf32, #tpu.memory_space<vmem>> -> memref<80x128xf32, #tpu.memory_space<vmem>>
      %dma_start3A_43 = arith.constant 0 : i32
      %dma_start3A_44 = tpu.memref_slice %arg6[%dma_start3A_37, %add3A_36, %dma_start3A_43] : memref<4x125x80xi32, #tpu.memory_space<vmem>> -> memref<1x1x80xi32, #tpu.memory_space<vmem>>
      %dma_start3A_45 = tpu.memref_squeeze %dma_start3A_44 : memref<1x1x80xi32, #tpu.memory_space<vmem>> -> memref<80xi32, #tpu.memory_space<vmem>>
      %dma_start3A_46 = arith.constant 0 : i32
      %dma_start3A_47 = arith.constant 0 : i32
      %dma_start3A_48 = tpu.memref_slice %arg2[%dma_start3A_46, %dma_start3A_47] : memref<10000x128xf32, #tpu.memory_space<hbm>> -> memref<10000x128xf32, #tpu.memory_space<hbm>>
      tpu.enqueue_indirect_dma source(%dma_start3A_48 : memref<10000x128xf32, #tpu.memory_space<hbm>>) target(%dma_start3A_42 : memref<80x128xf32, #tpu.memory_space<vmem>>) offsets(%dma_start3A_45 : memref<80xi32, #tpu.memory_space<vmem>>) semaphore(%arg8 : memref<!tpu.dma_semaphore, #tpu.memory_space<semaphore_mem>>)
      %add3A_49 = arith.constant 2 : i32
      %add3A_50 = arith.addi %mul3A_21, %add3A_49 : i32
      %dma_start3A_51 = arith.constant 2 : i32
      %dma_start3A_52 = arith.constant 2 : i32
      %dma_start3A_53 = arith.constant 0 : i32
      %dma_start3A_54 = arith.constant 0 : i32
      %dma_start3A_55 = tpu.memref_slice %arg7[%dma_start3A_52, %dma_start3A_53, %dma_start3A_54] : memref<5x80x128xf32, #tpu.memory_space<vmem>> -> memref<1x80x128xf32, #tpu.memory_space<vmem>>
      %dma_start3A_56 = tpu.memref_squeeze %dma_start3A_55 : memref<1x80x128xf32, #tpu.memory_space<vmem>> -> memref<80x128xf32, #tpu.memory_space<vmem>>
      %dma_start3A_57 = arith.constant 0 : i32
      %dma_start3A_58 = tpu.memref_slice %arg6[%dma_start3A_51, %add3A_50, %dma_start3A_57] : memref<4x125x80xi32, #tpu.memory_space<vmem>> -> memref<1x1x80xi32, #tpu.memory_space<vmem>>
      %dma_start3A_59 = tpu.memref_squeeze %dma_start3A_58 : memref<1x1x80xi32, #tpu.memory_space<vmem>> -> memref<80xi32, #tpu.memory_space<vmem>>
      %dma_start3A_60 = arith.constant 0 : i32
      %dma_start3A_61 = arith.constant 0 : i32
      %dma_start3A_62 = tpu.memref_slice %arg2[%dma_start3A_60, %dma_start3A_61] : memref<10000x128xf32, #tpu.memory_space<hbm>> -> memref<10000x128xf32, #tpu.memory_space<hbm>>
      tpu.enqueue_indirect_dma source(%dma_start3A_62 : memref<10000x128xf32, #tpu.memory_space<hbm>>) target(%dma_start3A_56 : memref<80x128xf32, #tpu.memory_space<vmem>>) offsets(%dma_start3A_59 : memref<80xi32, #tpu.memory_space<vmem>>) semaphore(%arg8 : memref<!tpu.dma_semaphore, #tpu.memory_space<semaphore_mem>>)
      %add3A_63 = arith.constant 3 : i32
      %add3A_64 = arith.addi %mul3A_21, %add3A_63 : i32
      %dma_start3A_65 = arith.constant 2 : i32
      %dma_start3A_66 = arith.constant 3 : i32
      %dma_start3A_67 = arith.constant 0 : i32
      %dma_start3A_68 = arith.constant 0 : i32
      %dma_start3A_69 = tpu.memref_slice %arg7[%dma_start3A_66, %dma_start3A_67, %dma_start3A_68] : memref<5x80x128xf32, #tpu.memory_space<vmem>> -> memref<1x80x128xf32, #tpu.memory_space<vmem>>
      %dma_start3A_70 = tpu.memref_squeeze %dma_start3A_69 : memref<1x80x128xf32, #tpu.memory_space<vmem>> -> memref<80x128xf32, #tpu.memory_space<vmem>>
      %dma_start3A_71 = arith.constant 0 : i32
      %dma_start3A_72 = tpu.memref_slice %arg6[%dma_start3A_65, %add3A_64, %dma_start3A_71] : memref<4x125x80xi32, #tpu.memory_space<vmem>> -> memref<1x1x80xi32, #tpu.memory_space<vmem>>
      %dma_start3A_73 = tpu.memref_squeeze %dma_start3A_72 : memref<1x1x80xi32, #tpu.memory_space<vmem>> -> memref<80xi32, #tpu.memory_space<vmem>>
      %dma_start3A_74 = arith.constant 0 : i32
      %dma_start3A_75 = arith.constant 0 : i32
      %dma_start3A_76 = tpu.memref_slice %arg2[%dma_start3A_74, %dma_start3A_75] : memref<10000x128xf32, #tpu.memory_space<hbm>> -> memref<10000x128xf32, #tpu.memory_space<hbm>>
      tpu.enqueue_indirect_dma source(%dma_start3A_76 : memref<10000x128xf32, #tpu.memory_space<hbm>>) target(%dma_start3A_70 : memref<80x128xf32, #tpu.memory_space<vmem>>) offsets(%dma_start3A_73 : memref<80xi32, #tpu.memory_space<vmem>>) semaphore(%arg8 : memref<!tpu.dma_semaphore, #tpu.memory_space<semaphore_mem>>)
      %add3A_77 = arith.constant 4 : i32
      %add3A_78 = arith.addi %mul3A_21, %add3A_77 : i32
      %dma_start3A_79 = arith.constant 2 : i32
      %dma_start3A_80 = arith.constant 4 : i32
      %dma_start3A_81 = arith.constant 0 : i32
      %dma_start3A_82 = arith.constant 0 : i32
      %dma_start3A_83 = tpu.memref_slice %arg7[%dma_start3A_80, %dma_start3A_81, %dma_start3A_82] : memref<5x80x128xf32, #tpu.memory_space<vmem>> -> memref<1x80x128xf32, #tpu.memory_space<vmem>>
      %dma_start3A_84 = tpu.memref_squeeze %dma_start3A_83 : memref<1x80x128xf32, #tpu.memory_space<vmem>> -> memref<80x128xf32, #tpu.memory_space<vmem>>
      %dma_start3A_85 = arith.constant 0 : i32
      %dma_start3A_86 = tpu.memref_slice %arg6[%dma_start3A_79, %add3A_78, %dma_start3A_85] : memref<4x125x80xi32, #tpu.memory_space<vmem>> -> memref<1x1x80xi32, #tpu.memory_space<vmem>>
      %dma_start3A_87 = tpu.memref_squeeze %dma_start3A_86 : memref<1x1x80xi32, #tpu.memory_space<vmem>> -> memref<80xi32, #tpu.memory_space<vmem>>
      %dma_start3A_88 = arith.constant 0 : i32
      %dma_start3A_89 = arith.constant 0 : i32
      %dma_start3A_90 = tpu.memref_slice %arg2[%dma_start3A_88, %dma_start3A_89] : memref<10000x128xf32, #tpu.memory_space<hbm>> -> memref<10000x128xf32, #tpu.memory_space<hbm>>
      tpu.enqueue_indirect_dma source(%dma_start3A_90 : memref<10000x128xf32, #tpu.memory_space<hbm>>) target(%dma_start3A_84 : memref<80x128xf32, #tpu.memory_space<vmem>>) offsets(%dma_start3A_87 : memref<80xi32, #tpu.memory_space<vmem>>) semaphore(%arg8 : memref<!tpu.dma_semaphore, #tpu.memory_space<semaphore_mem>>)
      %dma_wait3A = arith.constant 2 : i32
      %dma_wait3A_91 = arith.constant 0 : i32
      %dma_wait3A_92 = arith.constant 0 : i32
      %dma_wait3A_93 = arith.constant 0 : i32
      %dma_wait3A_94 = tpu.memref_slice %arg7[%dma_wait3A_91, %dma_wait3A_92, %dma_wait3A_93] : memref<5x80x128xf32, #tpu.memory_space<vmem>> -> memref<1x80x128xf32, #tpu.memory_space<vmem>>
      %dma_wait3A_95 = tpu.memref_squeeze %dma_wait3A_94 : memref<1x80x128xf32, #tpu.memory_space<vmem>> -> memref<80x128xf32, #tpu.memory_space<vmem>>
      %dma_wait3A_96 = arith.constant 0 : i32
      %dma_wait3A_97 = tpu.memref_slice %arg6[%dma_wait3A, %add3A_23, %dma_wait3A_96] : memref<4x125x80xi32, #tpu.memory_space<vmem>> -> memref<1x1x80xi32, #tpu.memory_space<vmem>>
      %dma_wait3A_98 = tpu.memref_squeeze %dma_wait3A_97 : memref<1x1x80xi32, #tpu.memory_space<vmem>> -> memref<80xi32, #tpu.memory_space<vmem>>
      %dma_wait3A_99 = arith.constant 0 : i32
      %dma_wait3A_100 = arith.constant 0 : i32
      %dma_wait3A_101 = tpu.memref_slice %arg2[%dma_wait3A_99, %dma_wait3A_100] : memref<10000x128xf32, #tpu.memory_space<hbm>> -> memref<10000x128xf32, #tpu.memory_space<hbm>>
      tpu.wait_indirect_dma semaphore(%arg8 : memref<!tpu.dma_semaphore, #tpu.memory_space<semaphore_mem>>) src(%dma_wait3A_101 : memref<10000x128xf32, #tpu.memory_space<hbm>>) dst(%dma_wait3A_95 : memref<80x128xf32, #tpu.memory_space<vmem>>)
      %dma_wait3A_102 = arith.constant 2 : i32
      %dma_wait3A_103 = arith.constant 1 : i32
      %dma_wait3A_104 = arith.constant 0 : i32
      %dma_wait3A_105 = arith.constant 0 : i32
      %dma_wait3A_106 = tpu.memref_slice %arg7[%dma_wait3A_103, %dma_wait3A_104, %dma_wait3A_105] : memref<5x80x128xf32, #tpu.memory_space<vmem>> -> memref<1x80x128xf32, #tpu.memory_space<vmem>>
      %dma_wait3A_107 = tpu.memref_squeeze %dma_wait3A_106 : memref<1x80x128xf32, #tpu.memory_space<vmem>> -> memref<80x128xf32, #tpu.memory_space<vmem>>
      %dma_wait3A_108 = arith.constant 0 : i32
      %dma_wait3A_109 = tpu.memref_slice %arg6[%dma_wait3A_102, %add3A_36, %dma_wait3A_108] : memref<4x125x80xi32, #tpu.memory_space<vmem>> -> memref<1x1x80xi32, #tpu.memory_space<vmem>>
      %dma_wait3A_110 = tpu.memref_squeeze %dma_wait3A_109 : memref<1x1x80xi32, #tpu.memory_space<vmem>> -> memref<80xi32, #tpu.memory_space<vmem>>
      %dma_wait3A_111 = arith.constant 0 : i32
      %dma_wait3A_112 = arith.constant 0 : i32
      %dma_wait3A_113 = tpu.memref_slice %arg2[%dma_wait3A_111, %dma_wait3A_112] : memref<10000x128xf32, #tpu.memory_space<hbm>> -> memref<10000x128xf32, #tpu.memory_space<hbm>>
      tpu.wait_indirect_dma semaphore(%arg8 : memref<!tpu.dma_semaphore, #tpu.memory_space<semaphore_mem>>) src(%dma_wait3A_113 : memref<10000x128xf32, #tpu.memory_space<hbm>>) dst(%dma_wait3A_107 : memref<80x128xf32, #tpu.memory_space<vmem>>)
      %dma_wait3A_114 = arith.constant 2 : i32
      %dma_wait3A_115 = arith.constant 2 : i32
      %dma_wait3A_116 = arith.constant 0 : i32
      %dma_wait3A_117 = arith.constant 0 : i32
      %dma_wait3A_118 = tpu.memref_slice %arg7[%dma_wait3A_115, %dma_wait3A_116, %dma_wait3A_117] : memref<5x80x128xf32, #tpu.memory_space<vmem>> -> memref<1x80x128xf32, #tpu.memory_space<vmem>>
      %dma_wait3A_119 = tpu.memref_squeeze %dma_wait3A_118 : memref<1x80x128xf32, #tpu.memory_space<vmem>> -> memref<80x128xf32, #tpu.memory_space<vmem>>
      %dma_wait3A_120 = arith.constant 0 : i32
      %dma_wait3A_121 = tpu.memref_slice %arg6[%dma_wait3A_114, %add3A_50, %dma_wait3A_120] : memref<4x125x80xi32, #tpu.memory_space<vmem>> -> memref<1x1x80xi32, #tpu.memory_space<vmem>>
      %dma_wait3A_122 = tpu.memref_squeeze %dma_wait3A_121 : memref<1x1x80xi32, #tpu.memory_space<vmem>> -> memref<80xi32, #tpu.memory_space<vmem>>
      %dma_wait3A_123 = arith.constant 0 : i32
      %dma_wait3A_124 = arith.constant 0 : i32
      %dma_wait3A_125 = tpu.memref_slice %arg2[%dma_wait3A_123, %dma_wait3A_124] : memref<10000x128xf32, #tpu.memory_space<hbm>> -> memref<10000x128xf32, #tpu.memory_space<hbm>>
      tpu.wait_indirect_dma semaphore(%arg8 : memref<!tpu.dma_semaphore, #tpu.memory_space<semaphore_mem>>) src(%dma_wait3A_125 : memref<10000x128xf32, #tpu.memory_space<hbm>>) dst(%dma_wait3A_119 : memref<80x128xf32, #tpu.memory_space<vmem>>)
      %dma_wait3A_126 = arith.constant 2 : i32
      %dma_wait3A_127 = arith.constant 3 : i32
      %dma_wait3A_128 = arith.constant 0 : i32
      %dma_wait3A_129 = arith.constant 0 : i32
      %dma_wait3A_130 = tpu.memref_slice %arg7[%dma_wait3A_127, %dma_wait3A_128, %dma_wait3A_129] : memref<5x80x128xf32, #tpu.memory_space<vmem>> -> memref<1x80x128xf32, #tpu.memory_space<vmem>>
      %dma_wait3A_131 = tpu.memref_squeeze %dma_wait3A_130 : memref<1x80x128xf32, #tpu.memory_space<vmem>> -> memref<80x128xf32, #tpu.memory_space<vmem>>
      %dma_wait3A_132 = arith.constant 0 : i32
      %dma_wait3A_133 = tpu.memref_slice %arg6[%dma_wait3A_126, %add3A_64, %dma_wait3A_132] : memref<4x125x80xi32, #tpu.memory_space<vmem>> -> memref<1x1x80xi32, #tpu.memory_space<vmem>>
      %dma_wait3A_134 = tpu.memref_squeeze %dma_wait3A_133 : memref<1x1x80xi32, #tpu.memory_space<vmem>> -> memref<80xi32, #tpu.memory_space<vmem>>
      %dma_wait3A_135 = arith.constant 0 : i32
      %dma_wait3A_136 = arith.constant 0 : i32
      %dma_wait3A_137 = tpu.memref_slice %arg2[%dma_wait3A_135, %dma_wait3A_136] : memref<10000x128xf32, #tpu.memory_space<hbm>> -> memref<10000x128xf32, #tpu.memory_space<hbm>>
      tpu.wait_indirect_dma semaphore(%arg8 : memref<!tpu.dma_semaphore, #tpu.memory_space<semaphore_mem>>) src(%dma_wait3A_137 : memref<10000x128xf32, #tpu.memory_space<hbm>>) dst(%dma_wait3A_131 : memref<80x128xf32, #tpu.memory_space<vmem>>)
      %dma_wait3A_138 = arith.constant 2 : i32
      %dma_wait3A_139 = arith.constant 4 : i32
      %dma_wait3A_140 = arith.constant 0 : i32
      %dma_wait3A_141 = arith.constant 0 : i32
      %dma_wait3A_142 = tpu.memref_slice %arg7[%dma_wait3A_139, %dma_wait3A_140, %dma_wait3A_141] : memref<5x80x128xf32, #tpu.memory_space<vmem>> -> memref<1x80x128xf32, #tpu.memory_space<vmem>>
      %dma_wait3A_143 = tpu.memref_squeeze %dma_wait3A_142 : memref<1x80x128xf32, #tpu.memory_space<vmem>> -> memref<80x128xf32, #tpu.memory_space<vmem>>
      %dma_wait3A_144 = arith.constant 0 : i32
      %dma_wait3A_145 = tpu.memref_slice %arg6[%dma_wait3A_138, %add3A_78, %dma_wait3A_144] : memref<4x125x80xi32, #tpu.memory_space<vmem>> -> memref<1x1x80xi32, #tpu.memory_space<vmem>>
      %dma_wait3A_146 = tpu.memref_squeeze %dma_wait3A_145 : memref<1x1x80xi32, #tpu.memory_space<vmem>> -> memref<80xi32, #tpu.memory_space<vmem>>
      %dma_wait3A_147 = arith.constant 0 : i32
      %dma_wait3A_148 = arith.constant 0 : i32
      %dma_wait3A_149 = tpu.memref_slice %arg2[%dma_wait3A_147, %dma_wait3A_148] : memref<10000x128xf32, #tpu.memory_space<hbm>> -> memref<10000x128xf32, #tpu.memory_space<hbm>>
      tpu.wait_indirect_dma semaphore(%arg8 : memref<!tpu.dma_semaphore, #tpu.memory_space<semaphore_mem>>) src(%dma_wait3A_149 : memref<10000x128xf32, #tpu.memory_space<hbm>>) dst(%dma_wait3A_143 : memref<80x128xf32, #tpu.memory_space<vmem>>)
      %add3A_150 = arith.constant 0 : i32
      %add3A_151 = arith.addi %mul3A_21, %add3A_150 : i32
      %dma_start3A_152 = arith.constant 3 : i32
      %dma_start3A_153 = arith.constant 0 : i32
      %dma_start3A_154 = arith.constant 0 : i32
      %dma_start3A_155 = arith.constant 0 : i32
      %dma_start3A_156 = tpu.memref_slice %arg7[%dma_start3A_153, %dma_start3A_154, %dma_start3A_155] : memref<5x80x128xf32, #tpu.memory_space<vmem>> -> memref<1x80x128xf32, #tpu.memory_space<vmem>>
      %dma_start3A_157 = tpu.memref_squeeze %dma_start3A_156 : memref<1x80x128xf32, #tpu.memory_space<vmem>> -> memref<80x128xf32, #tpu.memory_space<vmem>>
      %dma_start3A_158 = arith.constant 0 : i32
      %dma_start3A_159 = tpu.memref_slice %arg6[%dma_start3A_152, %add3A_151, %dma_start3A_158] : memref<4x125x80xi32, #tpu.memory_space<vmem>> -> memref<1x1x80xi32, #tpu.memory_space<vmem>>
      %dma_start3A_160 = tpu.memref_squeeze %dma_start3A_159 : memref<1x1x80xi32, #tpu.memory_space<vmem>> -> memref<80xi32, #tpu.memory_space<vmem>>
      %dma_start3A_161 = arith.constant 0 : i32
      %dma_start3A_162 = arith.constant 0 : i32
      %dma_start3A_163 = tpu.memref_slice %arg3[%dma_start3A_161, %dma_start3A_162] : memref<10000x128xf32, #tpu.memory_space<hbm>> -> memref<10000x128xf32, #tpu.memory_space<hbm>>
      tpu.enqueue_indirect_dma source(%dma_start3A_163 : memref<10000x128xf32, #tpu.memory_space<hbm>>) target(%dma_start3A_157 : memref<80x128xf32, #tpu.memory_space<vmem>>) offsets(%dma_start3A_160 : memref<80xi32, #tpu.memory_space<vmem>>) semaphore(%arg9 : memref<!tpu.dma_semaphore, #tpu.memory_space<semaphore_mem>>) {add = true}
      %add3A_164 = arith.constant 1 : i32
      %add3A_165 = arith.addi %mul3A_21, %add3A_164 : i32
      %dma_start3A_166 = arith.constant 3 : i32
      %dma_start3A_167 = arith.constant 1 : i32
      %dma_start3A_168 = arith.constant 0 : i32
      %dma_start3A_169 = arith.constant 0 : i32
      %dma_start3A_170 = tpu.memref_slice %arg7[%dma_start3A_167, %dma_start3A_168, %dma_start3A_169] : memref<5x80x128xf32, #tpu.memory_space<vmem>> -> memref<1x80x128xf32, #tpu.memory_space<vmem>>
      %dma_start3A_171 = tpu.memref_squeeze %dma_start3A_170 : memref<1x80x128xf32, #tpu.memory_space<vmem>> -> memref<80x128xf32, #tpu.memory_space<vmem>>
      %dma_start3A_172 = arith.constant 0 : i32
      %dma_start3A_173 = tpu.memref_slice %arg6[%dma_start3A_166, %add3A_165, %dma_start3A_172] : memref<4x125x80xi32, #tpu.memory_space<vmem>> -> memref<1x1x80xi32, #tpu.memory_space<vmem>>
      %dma_start3A_174 = tpu.memref_squeeze %dma_start3A_173 : memref<1x1x80xi32, #tpu.memory_space<vmem>> -> memref<80xi32, #tpu.memory_space<vmem>>
      %dma_start3A_175 = arith.constant 0 : i32
      %dma_start3A_176 = arith.constant 0 : i32
      %dma_start3A_177 = tpu.memref_slice %arg3[%dma_start3A_175, %dma_start3A_176] : memref<10000x128xf32, #tpu.memory_space<hbm>> -> memref<10000x128xf32, #tpu.memory_space<hbm>>
      tpu.enqueue_indirect_dma source(%dma_start3A_177 : memref<10000x128xf32, #tpu.memory_space<hbm>>) target(%dma_start3A_171 : memref<80x128xf32, #tpu.memory_space<vmem>>) offsets(%dma_start3A_174 : memref<80xi32, #tpu.memory_space<vmem>>) semaphore(%arg9 : memref<!tpu.dma_semaphore, #tpu.memory_space<semaphore_mem>>) {add = true}
      %add3A_178 = arith.constant 2 : i32
      %add3A_179 = arith.addi %mul3A_21, %add3A_178 : i32
      %dma_start3A_180 = arith.constant 3 : i32
      %dma_start3A_181 = arith.constant 2 : i32
      %dma_start3A_182 = arith.constant 0 : i32
      %dma_start3A_183 = arith.constant 0 : i32
      %dma_start3A_184 = tpu.memref_slice %arg7[%dma_start3A_181, %dma_start3A_182, %dma_start3A_183] : memref<5x80x128xf32, #tpu.memory_space<vmem>> -> memref<1x80x128xf32, #tpu.memory_space<vmem>>
      %dma_start3A_185 = tpu.memref_squeeze %dma_start3A_184 : memref<1x80x128xf32, #tpu.memory_space<vmem>> -> memref<80x128xf32, #tpu.memory_space<vmem>>
      %dma_start3A_186 = arith.constant 0 : i32
      %dma_start3A_187 = tpu.memref_slice %arg6[%dma_start3A_180, %add3A_179, %dma_start3A_186] : memref<4x125x80xi32, #tpu.memory_space<vmem>> -> memref<1x1x80xi32, #tpu.memory_space<vmem>>
      %dma_start3A_188 = tpu.memref_squeeze %dma_start3A_187 : memref<1x1x80xi32, #tpu.memory_space<vmem>> -> memref<80xi32, #tpu.memory_space<vmem>>
      %dma_start3A_189 = arith.constant 0 : i32
      %dma_start3A_190 = arith.constant 0 : i32
      %dma_start3A_191 = tpu.memref_slice %arg3[%dma_start3A_189, %dma_start3A_190] : memref<10000x128xf32, #tpu.memory_space<hbm>> -> memref<10000x128xf32, #tpu.memory_space<hbm>>
      tpu.enqueue_indirect_dma source(%dma_start3A_191 : memref<10000x128xf32, #tpu.memory_space<hbm>>) target(%dma_start3A_185 : memref<80x128xf32, #tpu.memory_space<vmem>>) offsets(%dma_start3A_188 : memref<80xi32, #tpu.memory_space<vmem>>) semaphore(%arg9 : memref<!tpu.dma_semaphore, #tpu.memory_space<semaphore_mem>>) {add = true}
      %add3A_192 = arith.constant 3 : i32
      %add3A_193 = arith.addi %mul3A_21, %add3A_192 : i32
      %dma_start3A_194 = arith.constant 3 : i32
      %dma_start3A_195 = arith.constant 3 : i32
      %dma_start3A_196 = arith.constant 0 : i32
      %dma_start3A_197 = arith.constant 0 : i32
      %dma_start3A_198 = tpu.memref_slice %arg7[%dma_start3A_195, %dma_start3A_196, %dma_start3A_197] : memref<5x80x128xf32, #tpu.memory_space<vmem>> -> memref<1x80x128xf32, #tpu.memory_space<vmem>>
      %dma_start3A_199 = tpu.memref_squeeze %dma_start3A_198 : memref<1x80x128xf32, #tpu.memory_space<vmem>> -> memref<80x128xf32, #tpu.memory_space<vmem>>
      %dma_start3A_200 = arith.constant 0 : i32
      %dma_start3A_201 = tpu.memref_slice %arg6[%dma_start3A_194, %add3A_193, %dma_start3A_200] : memref<4x125x80xi32, #tpu.memory_space<vmem>> -> memref<1x1x80xi32, #tpu.memory_space<vmem>>
      %dma_start3A_202 = tpu.memref_squeeze %dma_start3A_201 : memref<1x1x80xi32, #tpu.memory_space<vmem>> -> memref<80xi32, #tpu.memory_space<vmem>>
      %dma_start3A_203 = arith.constant 0 : i32
      %dma_start3A_204 = arith.constant 0 : i32
      %dma_start3A_205 = tpu.memref_slice %arg3[%dma_start3A_203, %dma_start3A_204] : memref<10000x128xf32, #tpu.memory_space<hbm>> -> memref<10000x128xf32, #tpu.memory_space<hbm>>
      tpu.enqueue_indirect_dma source(%dma_start3A_205 : memref<10000x128xf32, #tpu.memory_space<hbm>>) target(%dma_start3A_199 : memref<80x128xf32, #tpu.memory_space<vmem>>) offsets(%dma_start3A_202 : memref<80xi32, #tpu.memory_space<vmem>>) semaphore(%arg9 : memref<!tpu.dma_semaphore, #tpu.memory_space<semaphore_mem>>) {add = true}
      %add3A_206 = arith.constant 4 : i32
      %add3A_207 = arith.addi %mul3A_21, %add3A_206 : i32
      %dma_start3A_208 = arith.constant 3 : i32
      %dma_start3A_209 = arith.constant 4 : i32
      %dma_start3A_210 = arith.constant 0 : i32
      %dma_start3A_211 = arith.constant 0 : i32
      %dma_start3A_212 = tpu.memref_slice %arg7[%dma_start3A_209, %dma_start3A_210, %dma_start3A_211] : memref<5x80x128xf32, #tpu.memory_space<vmem>> -> memref<1x80x128xf32, #tpu.memory_space<vmem>>
      %dma_start3A_213 = tpu.memref_squeeze %dma_start3A_212 : memref<1x80x128xf32, #tpu.memory_space<vmem>> -> memref<80x128xf32, #tpu.memory_space<vmem>>
      %dma_start3A_214 = arith.constant 0 : i32
      %dma_start3A_215 = tpu.memref_slice %arg6[%dma_start3A_208, %add3A_207, %dma_start3A_214] : memref<4x125x80xi32, #tpu.memory_space<vmem>> -> memref<1x1x80xi32, #tpu.memory_space<vmem>>
      %dma_start3A_216 = tpu.memref_squeeze %dma_start3A_215 : memref<1x1x80xi32, #tpu.memory_space<vmem>> -> memref<80xi32, #tpu.memory_space<vmem>>
      %dma_start3A_217 = arith.constant 0 : i32
      %dma_start3A_218 = arith.constant 0 : i32
      %dma_start3A_219 = tpu.memref_slice %arg3[%dma_start3A_217, %dma_start3A_218] : memref<10000x128xf32, #tpu.memory_space<hbm>> -> memref<10000x128xf32, #tpu.memory_space<hbm>>
      tpu.enqueue_indirect_dma source(%dma_start3A_219 : memref<10000x128xf32, #tpu.memory_space<hbm>>) target(%dma_start3A_213 : memref<80x128xf32, #tpu.memory_space<vmem>>) offsets(%dma_start3A_216 : memref<80xi32, #tpu.memory_space<vmem>>) semaphore(%arg9 : memref<!tpu.dma_semaphore, #tpu.memory_space<semaphore_mem>>) {add = true}
      %dma_wait3A_220 = arith.constant 3 : i32
      %dma_wait3A_221 = arith.constant 0 : i32
      %dma_wait3A_222 = arith.constant 0 : i32
      %dma_wait3A_223 = arith.constant 0 : i32
      %dma_wait3A_224 = tpu.memref_slice %arg7[%dma_wait3A_221, %dma_wait3A_222, %dma_wait3A_223] : memref<5x80x128xf32, #tpu.memory_space<vmem>> -> memref<1x80x128xf32, #tpu.memory_space<vmem>>
      %dma_wait3A_225 = tpu.memref_squeeze %dma_wait3A_224 : memref<1x80x128xf32, #tpu.memory_space<vmem>> -> memref<80x128xf32, #tpu.memory_space<vmem>>
      %dma_wait3A_226 = arith.constant 0 : i32
      %dma_wait3A_227 = tpu.memref_slice %arg6[%dma_wait3A_220, %add3A_151, %dma_wait3A_226] : memref<4x125x80xi32, #tpu.memory_space<vmem>> -> memref<1x1x80xi32, #tpu.memory_space<vmem>>
      %dma_wait3A_228 = tpu.memref_squeeze %dma_wait3A_227 : memref<1x1x80xi32, #tpu.memory_space<vmem>> -> memref<80xi32, #tpu.memory_space<vmem>>
      %dma_wait3A_229 = arith.constant 0 : i32
      %dma_wait3A_230 = arith.constant 0 : i32
      %dma_wait3A_231 = tpu.memref_slice %arg3[%dma_wait3A_229, %dma_wait3A_230] : memref<10000x128xf32, #tpu.memory_space<hbm>> -> memref<10000x128xf32, #tpu.memory_space<hbm>>
      tpu.wait_indirect_dma semaphore(%arg9 : memref<!tpu.dma_semaphore, #tpu.memory_space<semaphore_mem>>) src(%dma_wait3A_231 : memref<10000x128xf32, #tpu.memory_space<hbm>>) dst(%dma_wait3A_225 : memref<80x128xf32, #tpu.memory_space<vmem>>)
      %dma_wait3A_232 = arith.constant 3 : i32
      %dma_wait3A_233 = arith.constant 1 : i32
      %dma_wait3A_234 = arith.constant 0 : i32
      %dma_wait3A_235 = arith.constant 0 : i32
      %dma_wait3A_236 = tpu.memref_slice %arg7[%dma_wait3A_233, %dma_wait3A_234, %dma_wait3A_235] : memref<5x80x128xf32, #tpu.memory_space<vmem>> -> memref<1x80x128xf32, #tpu.memory_space<vmem>>
      %dma_wait3A_237 = tpu.memref_squeeze %dma_wait3A_236 : memref<1x80x128xf32, #tpu.memory_space<vmem>> -> memref<80x128xf32, #tpu.memory_space<vmem>>
      %dma_wait3A_238 = arith.constant 0 : i32
      %dma_wait3A_239 = tpu.memref_slice %arg6[%dma_wait3A_232, %add3A_165, %dma_wait3A_238] : memref<4x125x80xi32, #tpu.memory_space<vmem>> -> memref<1x1x80xi32, #tpu.memory_space<vmem>>
      %dma_wait3A_240 = tpu.memref_squeeze %dma_wait3A_239 : memref<1x1x80xi32, #tpu.memory_space<vmem>> -> memref<80xi32, #tpu.memory_space<vmem>>
      %dma_wait3A_241 = arith.constant 0 : i32
      %dma_wait3A_242 = arith.constant 0 : i32
      %dma_wait3A_243 = tpu.memref_slice %arg3[%dma_wait3A_241, %dma_wait3A_242] : memref<10000x128xf32, #tpu.memory_space<hbm>> -> memref<10000x128xf32, #tpu.memory_space<hbm>>
      tpu.wait_indirect_dma semaphore(%arg9 : memref<!tpu.dma_semaphore, #tpu.memory_space<semaphore_mem>>) src(%dma_wait3A_243 : memref<10000x128xf32, #tpu.memory_space<hbm>>) dst(%dma_wait3A_237 : memref<80x128xf32, #tpu.memory_space<vmem>>)
      %dma_wait3A_244 = arith.constant 3 : i32
      %dma_wait3A_245 = arith.constant 2 : i32
      %dma_wait3A_246 = arith.constant 0 : i32
      %dma_wait3A_247 = arith.constant 0 : i32
      %dma_wait3A_248 = tpu.memref_slice %arg7[%dma_wait3A_245, %dma_wait3A_246, %dma_wait3A_247] : memref<5x80x128xf32, #tpu.memory_space<vmem>> -> memref<1x80x128xf32, #tpu.memory_space<vmem>>
      %dma_wait3A_249 = tpu.memref_squeeze %dma_wait3A_248 : memref<1x80x128xf32, #tpu.memory_space<vmem>> -> memref<80x128xf32, #tpu.memory_space<vmem>>
      %dma_wait3A_250 = arith.constant 0 : i32
      %dma_wait3A_251 = tpu.memref_slice %arg6[%dma_wait3A_244, %add3A_179, %dma_wait3A_250] : memref<4x125x80xi32, #tpu.memory_space<vmem>> -> memref<1x1x80xi32, #tpu.memory_space<vmem>>
      %dma_wait3A_252 = tpu.memref_squeeze %dma_wait3A_251 : memref<1x1x80xi32, #tpu.memory_space<vmem>> -> memref<80xi32, #tpu.memory_space<vmem>>
      %dma_wait3A_253 = arith.constant 0 : i32
      %dma_wait3A_254 = arith.constant 0 : i32
      %dma_wait3A_255 = tpu.memref_slice %arg3[%dma_wait3A_253, %dma_wait3A_254] : memref<10000x128xf32, #tpu.memory_space<hbm>> -> memref<10000x128xf32, #tpu.memory_space<hbm>>
      tpu.wait_indirect_dma semaphore(%arg9 : memref<!tpu.dma_semaphore, #tpu.memory_space<semaphore_mem>>) src(%dma_wait3A_255 : memref<10000x128xf32, #tpu.memory_space<hbm>>) dst(%dma_wait3A_249 : memref<80x128xf32, #tpu.memory_space<vmem>>)
      %dma_wait3A_256 = arith.constant 3 : i32
      %dma_wait3A_257 = arith.constant 3 : i32
      %dma_wait3A_258 = arith.constant 0 : i32
      %dma_wait3A_259 = arith.constant 0 : i32
      %dma_wait3A_260 = tpu.memref_slice %arg7[%dma_wait3A_257, %dma_wait3A_258, %dma_wait3A_259] : memref<5x80x128xf32, #tpu.memory_space<vmem>> -> memref<1x80x128xf32, #tpu.memory_space<vmem>>
      %dma_wait3A_261 = tpu.memref_squeeze %dma_wait3A_260 : memref<1x80x128xf32, #tpu.memory_space<vmem>> -> memref<80x128xf32, #tpu.memory_space<vmem>>
      %dma_wait3A_262 = arith.constant 0 : i32
      %dma_wait3A_263 = tpu.memref_slice %arg6[%dma_wait3A_256, %add3A_193, %dma_wait3A_262] : memref<4x125x80xi32, #tpu.memory_space<vmem>> -> memref<1x1x80xi32, #tpu.memory_space<vmem>>
      %dma_wait3A_264 = tpu.memref_squeeze %dma_wait3A_263 : memref<1x1x80xi32, #tpu.memory_space<vmem>> -> memref<80xi32, #tpu.memory_space<vmem>>
      %dma_wait3A_265 = arith.constant 0 : i32
      %dma_wait3A_266 = arith.constant 0 : i32
      %dma_wait3A_267 = tpu.memref_slice %arg3[%dma_wait3A_265, %dma_wait3A_266] : memref<10000x128xf32, #tpu.memory_space<hbm>> -> memref<10000x128xf32, #tpu.memory_space<hbm>>
      tpu.wait_indirect_dma semaphore(%arg9 : memref<!tpu.dma_semaphore, #tpu.memory_space<semaphore_mem>>) src(%dma_wait3A_267 : memref<10000x128xf32, #tpu.memory_space<hbm>>) dst(%dma_wait3A_261 : memref<80x128xf32, #tpu.memory_space<vmem>>)
      %dma_wait3A_268 = arith.constant 3 : i32
      %dma_wait3A_269 = arith.constant 4 : i32
      %dma_wait3A_270 = arith.constant 0 : i32
      %dma_wait3A_271 = arith.constant 0 : i32
      %dma_wait3A_272 = tpu.memref_slice %arg7[%dma_wait3A_269, %dma_wait3A_270, %dma_wait3A_271] : memref<5x80x128xf32, #tpu.memory_space<vmem>> -> memref<1x80x128xf32, #tpu.memory_space<vmem>>
      %dma_wait3A_273 = tpu.memref_squeeze %dma_wait3A_272 : memref<1x80x128xf32, #tpu.memory_space<vmem>> -> memref<80x128xf32, #tpu.memory_space<vmem>>
      %dma_wait3A_274 = arith.constant 0 : i32
      %dma_wait3A_275 = tpu.memref_slice %arg6[%dma_wait3A_268, %add3A_207, %dma_wait3A_274] : memref<4x125x80xi32, #tpu.memory_space<vmem>> -> memref<1x1x80xi32, #tpu.memory_space<vmem>>
      %dma_wait3A_276 = tpu.memref_squeeze %dma_wait3A_275 : memref<1x1x80xi32, #tpu.memory_space<vmem>> -> memref<80xi32, #tpu.memory_space<vmem>>
      %dma_wait3A_277 = arith.constant 0 : i32
      %dma_wait3A_278 = arith.constant 0 : i32
      %dma_wait3A_279 = tpu.memref_slice %arg3[%dma_wait3A_277, %dma_wait3A_278] : memref<10000x128xf32, #tpu.memory_space<hbm>> -> memref<10000x128xf32, #tpu.memory_space<hbm>>
      tpu.wait_indirect_dma semaphore(%arg9 : memref<!tpu.dma_semaphore, #tpu.memory_space<semaphore_mem>>) src(%dma_wait3A_279 : memref<10000x128xf32, #tpu.memory_space<hbm>>) dst(%dma_wait3A_273 : memref<80x128xf32, #tpu.memory_space<vmem>>)
      %add3A_280 = arith.constant 0 : i32
      %add3A_281 = arith.addi %mul3A_21, %add3A_280 : i32
      %mul3A_282 = arith.constant 80 : i32
      %mul3A_283 = arith.muli %add3A_281, %mul3A_282 : i32
      %add3A_284 = arith.addi %multiple_of3A, %mul3A_283 : i32
      %dma_start3A_285 = arith.constant 0 : i32
      %dma_start3A_286 = arith.constant 1 : i32
      %dma_start3A_287 = arith.constant 0 : i32
      %dma_start3A_288 = arith.constant 0 : i32
      %dma_start3A_289 = tpu.memref_slice %arg7[%dma_start3A_285, %dma_start3A_287, %dma_start3A_288] : memref<5x80x128xf32, #tpu.memory_space<vmem>> -> memref<1x80x128xf32, #tpu.memory_space<vmem>>
      %dma_start3A_290 = tpu.memref_squeeze %dma_start3A_289 : memref<1x80x128xf32, #tpu.memory_space<vmem>> -> memref<80x128xf32, #tpu.memory_space<vmem>>
      %dma_start3A_291 = arith.constant 0 : i32
      %dma_start3A_292 = tpu.memref_slice %arg5[%dma_start3A_286, %add3A_284, %dma_start3A_291] : memref<2x320000x128xf32, #tpu.memory_space<hbm>> -> memref<1x80x128xf32, #tpu.memory_space<hbm>>
      %dma_start3A_293 = tpu.memref_squeeze %dma_start3A_292 : memref<1x80x128xf32, #tpu.memory_space<hbm>> -> memref<80x128xf32, #tpu.memory_space<hbm>>
      %dma_start3A_294 = arith.constant 0 : i32
      %dma_start3A_295 = tpu.memref_slice %arg5[%dma_start3A_286, %add3A_284, %dma_start3A_294] : memref<2x320000x128xf32, #tpu.memory_space<hbm>> -> memref<1x80x128xf32, #tpu.memory_space<hbm>>
      %dma_start3A_296 = tpu.memref_squeeze %dma_start3A_295 : memref<1x80x128xf32, #tpu.memory_space<hbm>> -> memref<80x128xf32, #tpu.memory_space<hbm>>
      %dma_start3A_297 = arith.constant 0 : i32
      %dma_start3A_298 = arith.constant 0 : i32
      %dma_start3A_299 = tpu.memref_slice %arg7[%dma_start3A_285, %dma_start3A_297, %dma_start3A_298] : memref<5x80x128xf32, #tpu.memory_space<vmem>> -> memref<1x80x128xf32, #tpu.memory_space<vmem>>
      %dma_start3A_300 = tpu.memref_squeeze %dma_start3A_299 : memref<1x80x128xf32, #tpu.memory_space<vmem>> -> memref<80x128xf32, #tpu.memory_space<vmem>>
      tpu.enqueue_dma source(%dma_start3A_300 : memref<80x128xf32, #tpu.memory_space<vmem>>) target(%dma_start3A_296 : memref<80x128xf32, #tpu.memory_space<hbm>>) target_semaphore(%arg10 : memref<!tpu.dma_semaphore, #tpu.memory_space<semaphore_mem>>)
      %add3A_301 = arith.constant 1 : i32
      %add3A_302 = arith.addi %mul3A_21, %add3A_301 : i32
      %mul3A_303 = arith.constant 80 : i32
      %mul3A_304 = arith.muli %add3A_302, %mul3A_303 : i32
      %add3A_305 = arith.addi %multiple_of3A, %mul3A_304 : i32
      %dma_start3A_306 = arith.constant 1 : i32
      %dma_start3A_307 = arith.constant 1 : i32
      %dma_start3A_308 = arith.constant 0 : i32
      %dma_start3A_309 = arith.constant 0 : i32
      %dma_start3A_310 = tpu.memref_slice %arg7[%dma_start3A_306, %dma_start3A_308, %dma_start3A_309] : memref<5x80x128xf32, #tpu.memory_space<vmem>> -> memref<1x80x128xf32, #tpu.memory_space<vmem>>
      %dma_start3A_311 = tpu.memref_squeeze %dma_start3A_310 : memref<1x80x128xf32, #tpu.memory_space<vmem>> -> memref<80x128xf32, #tpu.memory_space<vmem>>
      %dma_start3A_312 = arith.constant 0 : i32
      %dma_start3A_313 = tpu.memref_slice %arg5[%dma_start3A_307, %add3A_305, %dma_start3A_312] : memref<2x320000x128xf32, #tpu.memory_space<hbm>> -> memref<1x80x128xf32, #tpu.memory_space<hbm>>
      %dma_start3A_314 = tpu.memref_squeeze %dma_start3A_313 : memref<1x80x128xf32, #tpu.memory_space<hbm>> -> memref<80x128xf32, #tpu.memory_space<hbm>>
      %dma_start3A_315 = arith.constant 0 : i32
      %dma_start3A_316 = tpu.memref_slice %arg5[%dma_start3A_307, %add3A_305, %dma_start3A_315] : memref<2x320000x128xf32, #tpu.memory_space<hbm>> -> memref<1x80x128xf32, #tpu.memory_space<hbm>>
      %dma_start3A_317 = tpu.memref_squeeze %dma_start3A_316 : memref<1x80x128xf32, #tpu.memory_space<hbm>> -> memref<80x128xf32, #tpu.memory_space<hbm>>
      %dma_start3A_318 = arith.constant 0 : i32
      %dma_start3A_319 = arith.constant 0 : i32
      %dma_start3A_320 = tpu.memref_slice %arg7[%dma_start3A_306, %dma_start3A_318, %dma_start3A_319] : memref<5x80x128xf32, #tpu.memory_space<vmem>> -> memref<1x80x128xf32, #tpu.memory_space<vmem>>
      %dma_start3A_321 = tpu.memref_squeeze %dma_start3A_320 : memref<1x80x128xf32, #tpu.memory_space<vmem>> -> memref<80x128xf32, #tpu.memory_space<vmem>>
      tpu.enqueue_dma source(%dma_start3A_321 : memref<80x128xf32, #tpu.memory_space<vmem>>) target(%dma_start3A_317 : memref<80x128xf32, #tpu.memory_space<hbm>>) target_semaphore(%arg10 : memref<!tpu.dma_semaphore, #tpu.memory_space<semaphore_mem>>)
      %add3A_322 = arith.constant 2 : i32
      %add3A_323 = arith.addi %mul3A_21, %add3A_322 : i32
      %mul3A_324 = arith.constant 80 : i32
      %mul3A_325 = arith.muli %add3A_323, %mul3A_324 : i32
      %add3A_326 = arith.addi %multiple_of3A, %mul3A_325 : i32
      %dma_start3A_327 = arith.constant 2 : i32
      %dma_start3A_328 = arith.constant 1 : i32
      %dma_start3A_329 = arith.constant 0 : i32
      %dma_start3A_330 = arith.constant 0 : i32
      %dma_start3A_331 = tpu.memref_slice %arg7[%dma_start3A_327, %dma_start3A_329, %dma_start3A_330] : memref<5x80x128xf32, #tpu.memory_space<vmem>> -> memref<1x80x128xf32, #tpu.memory_space<vmem>>
      %dma_start3A_332 = tpu.memref_squeeze %dma_start3A_331 : memref<1x80x128xf32, #tpu.memory_space<vmem>> -> memref<80x128xf32, #tpu.memory_space<vmem>>
      %dma_start3A_333 = arith.constant 0 : i32
      %dma_start3A_334 = tpu.memref_slice %arg5[%dma_start3A_328, %add3A_326, %dma_start3A_333] : memref<2x320000x128xf32, #tpu.memory_space<hbm>> -> memref<1x80x128xf32, #tpu.memory_space<hbm>>
      %dma_start3A_335 = tpu.memref_squeeze %dma_start3A_334 : memref<1x80x128xf32, #tpu.memory_space<hbm>> -> memref<80x128xf32, #tpu.memory_space<hbm>>
      %dma_start3A_336 = arith.constant 0 : i32
      %dma_start3A_337 = tpu.memref_slice %arg5[%dma_start3A_328, %add3A_326, %dma_start3A_336] : memref<2x320000x128xf32, #tpu.memory_space<hbm>> -> memref<1x80x128xf32, #tpu.memory_space<hbm>>
      %dma_start3A_338 = tpu.memref_squeeze %dma_start3A_337 : memref<1x80x128xf32, #tpu.memory_space<hbm>> -> memref<80x128xf32, #tpu.memory_space<hbm>>
      %dma_start3A_339 = arith.constant 0 : i32
      %dma_start3A_340 = arith.constant 0 : i32
      %dma_start3A_341 = tpu.memref_slice %arg7[%dma_start3A_327, %dma_start3A_339, %dma_start3A_340] : memref<5x80x128xf32, #tpu.memory_space<vmem>> -> memref<1x80x128xf32, #tpu.memory_space<vmem>>
      %dma_start3A_342 = tpu.memref_squeeze %dma_start3A_341 : memref<1x80x128xf32, #tpu.memory_space<vmem>> -> memref<80x128xf32, #tpu.memory_space<vmem>>
      tpu.enqueue_dma source(%dma_start3A_342 : memref<80x128xf32, #tpu.memory_space<vmem>>) target(%dma_start3A_338 : memref<80x128xf32, #tpu.memory_space<hbm>>) target_semaphore(%arg10 : memref<!tpu.dma_semaphore, #tpu.memory_space<semaphore_mem>>)
      %add3A_343 = arith.constant 3 : i32
      %add3A_344 = arith.addi %mul3A_21, %add3A_343 : i32
      %mul3A_345 = arith.constant 80 : i32
      %mul3A_346 = arith.muli %add3A_344, %mul3A_345 : i32
      %add3A_347 = arith.addi %multiple_of3A, %mul3A_346 : i32
      %dma_start3A_348 = arith.constant 3 : i32
      %dma_start3A_349 = arith.constant 1 : i32
      %dma_start3A_350 = arith.constant 0 : i32
      %dma_start3A_351 = arith.constant 0 : i32
      %dma_start3A_352 = tpu.memref_slice %arg7[%dma_start3A_348, %dma_start3A_350, %dma_start3A_351] : memref<5x80x128xf32, #tpu.memory_space<vmem>> -> memref<1x80x128xf32, #tpu.memory_space<vmem>>
      %dma_start3A_353 = tpu.memref_squeeze %dma_start3A_352 : memref<1x80x128xf32, #tpu.memory_space<vmem>> -> memref<80x128xf32, #tpu.memory_space<vmem>>
      %dma_start3A_354 = arith.constant 0 : i32
      %dma_start3A_355 = tpu.memref_slice %arg5[%dma_start3A_349, %add3A_347, %dma_start3A_354] : memref<2x320000x128xf32, #tpu.memory_space<hbm>> -> memref<1x80x128xf32, #tpu.memory_space<hbm>>
      %dma_start3A_356 = tpu.memref_squeeze %dma_start3A_355 : memref<1x80x128xf32, #tpu.memory_space<hbm>> -> memref<80x128xf32, #tpu.memory_space<hbm>>
      %dma_start3A_357 = arith.constant 0 : i32
      %dma_start3A_358 = tpu.memref_slice %arg5[%dma_start3A_349, %add3A_347, %dma_start3A_357] : memref<2x320000x128xf32, #tpu.memory_space<hbm>> -> memref<1x80x128xf32, #tpu.memory_space<hbm>>
      %dma_start3A_359 = tpu.memref_squeeze %dma_start3A_358 : memref<1x80x128xf32, #tpu.memory_space<hbm>> -> memref<80x128xf32, #tpu.memory_space<hbm>>
      %dma_start3A_360 = arith.constant 0 : i32
      %dma_start3A_361 = arith.constant 0 : i32
      %dma_start3A_362 = tpu.memref_slice %arg7[%dma_start3A_348, %dma_start3A_360, %dma_start3A_361] : memref<5x80x128xf32, #tpu.memory_space<vmem>> -> memref<1x80x128xf32, #tpu.memory_space<vmem>>
      %dma_start3A_363 = tpu.memref_squeeze %dma_start3A_362 : memref<1x80x128xf32, #tpu.memory_space<vmem>> -> memref<80x128xf32, #tpu.memory_space<vmem>>
      tpu.enqueue_dma source(%dma_start3A_363 : memref<80x128xf32, #tpu.memory_space<vmem>>) target(%dma_start3A_359 : memref<80x128xf32, #tpu.memory_space<hbm>>) target_semaphore(%arg10 : memref<!tpu.dma_semaphore, #tpu.memory_space<semaphore_mem>>)
      %add3A_364 = arith.constant 4 : i32
      %add3A_365 = arith.addi %mul3A_21, %add3A_364 : i32
      %mul3A_366 = arith.constant 80 : i32
      %mul3A_367 = arith.muli %add3A_365, %mul3A_366 : i32
      %add3A_368 = arith.addi %multiple_of3A, %mul3A_367 : i32
      %dma_start3A_369 = arith.constant 4 : i32
      %dma_start3A_370 = arith.constant 1 : i32
      %dma_start3A_371 = arith.constant 0 : i32
      %dma_start3A_372 = arith.constant 0 : i32
      %dma_start3A_373 = tpu.memref_slice %arg7[%dma_start3A_369, %dma_start3A_371, %dma_start3A_372] : memref<5x80x128xf32, #tpu.memory_space<vmem>> -> memref<1x80x128xf32, #tpu.memory_space<vmem>>
      %dma_start3A_374 = tpu.memref_squeeze %dma_start3A_373 : memref<1x80x128xf32, #tpu.memory_space<vmem>> -> memref<80x128xf32, #tpu.memory_space<vmem>>
      %dma_start3A_375 = arith.constant 0 : i32
      %dma_start3A_376 = tpu.memref_slice %arg5[%dma_start3A_370, %add3A_368, %dma_start3A_375] : memref<2x320000x128xf32, #tpu.memory_space<hbm>> -> memref<1x80x128xf32, #tpu.memory_space<hbm>>
      %dma_start3A_377 = tpu.memref_squeeze %dma_start3A_376 : memref<1x80x128xf32, #tpu.memory_space<hbm>> -> memref<80x128xf32, #tpu.memory_space<hbm>>
      %dma_start3A_378 = arith.constant 0 : i32
      %dma_start3A_379 = tpu.memref_slice %arg5[%dma_start3A_370, %add3A_368, %dma_start3A_378] : memref<2x320000x128xf32, #tpu.memory_space<hbm>> -> memref<1x80x128xf32, #tpu.memory_space<hbm>>
      %dma_start3A_380 = tpu.memref_squeeze %dma_start3A_379 : memref<1x80x128xf32, #tpu.memory_space<hbm>> -> memref<80x128xf32, #tpu.memory_space<hbm>>
      %dma_start3A_381 = arith.constant 0 : i32
      %dma_start3A_382 = arith.constant 0 : i32
      %dma_start3A_383 = tpu.memref_slice %arg7[%dma_start3A_369, %dma_start3A_381, %dma_start3A_382] : memref<5x80x128xf32, #tpu.memory_space<vmem>> -> memref<1x80x128xf32, #tpu.memory_space<vmem>>
      %dma_start3A_384 = tpu.memref_squeeze %dma_start3A_383 : memref<1x80x128xf32, #tpu.memory_space<vmem>> -> memref<80x128xf32, #tpu.memory_space<vmem>>
      tpu.enqueue_dma source(%dma_start3A_384 : memref<80x128xf32, #tpu.memory_space<vmem>>) target(%dma_start3A_380 : memref<80x128xf32, #tpu.memory_space<hbm>>) target_semaphore(%arg10 : memref<!tpu.dma_semaphore, #tpu.memory_space<semaphore_mem>>)
      %dma_wait3A_385 = arith.constant 0 : i32
      %dma_wait3A_386 = arith.constant 1 : i32
      %dma_wait3A_387 = arith.constant 0 : i32
      %dma_wait3A_388 = arith.constant 0 : i32
      %dma_wait3A_389 = tpu.memref_slice %arg7[%dma_wait3A_385, %dma_wait3A_387, %dma_wait3A_388] : memref<5x80x128xf32, #tpu.memory_space<vmem>> -> memref<1x80x128xf32, #tpu.memory_space<vmem>>
      %dma_wait3A_390 = tpu.memref_squeeze %dma_wait3A_389 : memref<1x80x128xf32, #tpu.memory_space<vmem>> -> memref<80x128xf32, #tpu.memory_space<vmem>>
      %dma_wait3A_391 = arith.constant 0 : i32
      %dma_wait3A_392 = tpu.memref_slice %arg5[%dma_wait3A_386, %add3A_284, %dma_wait3A_391] : memref<2x320000x128xf32, #tpu.memory_space<hbm>> -> memref<1x80x128xf32, #tpu.memory_space<hbm>>
      %dma_wait3A_393 = tpu.memref_squeeze %dma_wait3A_392 : memref<1x80x128xf32, #tpu.memory_space<hbm>> -> memref<80x128xf32, #tpu.memory_space<hbm>>
      %dma_wait3A_394 = arith.constant 0 : i32
      %dma_wait3A_395 = tpu.memref_slice %arg5[%dma_wait3A_386, %add3A_284, %dma_wait3A_394] : memref<2x320000x128xf32, #tpu.memory_space<hbm>> -> memref<1x80x128xf32, #tpu.memory_space<hbm>>
      %dma_wait3A_396 = tpu.memref_squeeze %dma_wait3A_395 : memref<1x80x128xf32, #tpu.memory_space<hbm>> -> memref<80x128xf32, #tpu.memory_space<hbm>>
      %dma_wait3A_397 = arith.constant 0 : i32
      %dma_wait3A_398 = arith.constant 0 : i32
      %dma_wait3A_399 = tpu.memref_slice %arg7[%dma_wait3A_385, %dma_wait3A_397, %dma_wait3A_398] : memref<5x80x128xf32, #tpu.memory_space<vmem>> -> memref<1x80x128xf32, #tpu.memory_space<vmem>>
      %dma_wait3A_400 = tpu.memref_squeeze %dma_wait3A_399 : memref<1x80x128xf32, #tpu.memory_space<vmem>> -> memref<80x128xf32, #tpu.memory_space<vmem>>
      tpu.wait_dma2 semaphore(%arg10 : memref<!tpu.dma_semaphore, #tpu.memory_space<semaphore_mem>>) src(%dma_wait3A_400 : memref<80x128xf32, #tpu.memory_space<vmem>>) dst(%dma_wait3A_396 : memref<80x128xf32, #tpu.memory_space<hbm>>)
      %dma_wait3A_401 = arith.constant 1 : i32
      %dma_wait3A_402 = arith.constant 1 : i32
      %dma_wait3A_403 = arith.constant 0 : i32
      %dma_wait3A_404 = arith.constant 0 : i32
      %dma_wait3A_405 = tpu.memref_slice %arg7[%dma_wait3A_401, %dma_wait3A_403, %dma_wait3A_404] : memref<5x80x128xf32, #tpu.memory_space<vmem>> -> memref<1x80x128xf32, #tpu.memory_space<vmem>>
      %dma_wait3A_406 = tpu.memref_squeeze %dma_wait3A_405 : memref<1x80x128xf32, #tpu.memory_space<vmem>> -> memref<80x128xf32, #tpu.memory_space<vmem>>
      %dma_wait3A_407 = arith.constant 0 : i32
      %dma_wait3A_408 = tpu.memref_slice %arg5[%dma_wait3A_402, %add3A_305, %dma_wait3A_407] : memref<2x320000x128xf32, #tpu.memory_space<hbm>> -> memref<1x80x128xf32, #tpu.memory_space<hbm>>
      %dma_wait3A_409 = tpu.memref_squeeze %dma_wait3A_408 : memref<1x80x128xf32, #tpu.memory_space<hbm>> -> memref<80x128xf32, #tpu.memory_space<hbm>>
      %dma_wait3A_410 = arith.constant 0 : i32
      %dma_wait3A_411 = tpu.memref_slice %arg5[%dma_wait3A_402, %add3A_305, %dma_wait3A_410] : memref<2x320000x128xf32, #tpu.memory_space<hbm>> -> memref<1x80x128xf32, #tpu.memory_space<hbm>>
      %dma_wait3A_412 = tpu.memref_squeeze %dma_wait3A_411 : memref<1x80x128xf32, #tpu.memory_space<hbm>> -> memref<80x128xf32, #tpu.memory_space<hbm>>
      %dma_wait3A_413 = arith.constant 0 : i32
      %dma_wait3A_414 = arith.constant 0 : i32
      %dma_wait3A_415 = tpu.memref_slice %arg7[%dma_wait3A_401, %dma_wait3A_413, %dma_wait3A_414] : memref<5x80x128xf32, #tpu.memory_space<vmem>> -> memref<1x80x128xf32, #tpu.memory_space<vmem>>
      %dma_wait3A_416 = tpu.memref_squeeze %dma_wait3A_415 : memref<1x80x128xf32, #tpu.memory_space<vmem>> -> memref<80x128xf32, #tpu.memory_space<vmem>>
      tpu.wait_dma2 semaphore(%arg10 : memref<!tpu.dma_semaphore, #tpu.memory_space<semaphore_mem>>) src(%dma_wait3A_416 : memref<80x128xf32, #tpu.memory_space<vmem>>) dst(%dma_wait3A_412 : memref<80x128xf32, #tpu.memory_space<hbm>>)
      %dma_wait3A_417 = arith.constant 2 : i32
      %dma_wait3A_418 = arith.constant 1 : i32
      %dma_wait3A_419 = arith.constant 0 : i32
      %dma_wait3A_420 = arith.constant 0 : i32
      %dma_wait3A_421 = tpu.memref_slice %arg7[%dma_wait3A_417, %dma_wait3A_419, %dma_wait3A_420] : memref<5x80x128xf32, #tpu.memory_space<vmem>> -> memref<1x80x128xf32, #tpu.memory_space<vmem>>
      %dma_wait3A_422 = tpu.memref_squeeze %dma_wait3A_421 : memref<1x80x128xf32, #tpu.memory_space<vmem>> -> memref<80x128xf32, #tpu.memory_space<vmem>>
      %dma_wait3A_423 = arith.constant 0 : i32
      %dma_wait3A_424 = tpu.memref_slice %arg5[%dma_wait3A_418, %add3A_326, %dma_wait3A_423] : memref<2x320000x128xf32, #tpu.memory_space<hbm>> -> memref<1x80x128xf32, #tpu.memory_space<hbm>>
      %dma_wait3A_425 = tpu.memref_squeeze %dma_wait3A_424 : memref<1x80x128xf32, #tpu.memory_space<hbm>> -> memref<80x128xf32, #tpu.memory_space<hbm>>
      %dma_wait3A_426 = arith.constant 0 : i32
      %dma_wait3A_427 = tpu.memref_slice %arg5[%dma_wait3A_418, %add3A_326, %dma_wait3A_426] : memref<2x320000x128xf32, #tpu.memory_space<hbm>> -> memref<1x80x128xf32, #tpu.memory_space<hbm>>
      %dma_wait3A_428 = tpu.memref_squeeze %dma_wait3A_427 : memref<1x80x128xf32, #tpu.memory_space<hbm>> -> memref<80x128xf32, #tpu.memory_space<hbm>>
      %dma_wait3A_429 = arith.constant 0 : i32
      %dma_wait3A_430 = arith.constant 0 : i32
      %dma_wait3A_431 = tpu.memref_slice %arg7[%dma_wait3A_417, %dma_wait3A_429, %dma_wait3A_430] : memref<5x80x128xf32, #tpu.memory_space<vmem>> -> memref<1x80x128xf32, #tpu.memory_space<vmem>>
      %dma_wait3A_432 = tpu.memref_squeeze %dma_wait3A_431 : memref<1x80x128xf32, #tpu.memory_space<vmem>> -> memref<80x128xf32, #tpu.memory_space<vmem>>
      tpu.wait_dma2 semaphore(%arg10 : memref<!tpu.dma_semaphore, #tpu.memory_space<semaphore_mem>>) src(%dma_wait3A_432 : memref<80x128xf32, #tpu.memory_space<vmem>>) dst(%dma_wait3A_428 : memref<80x128xf32, #tpu.memory_space<hbm>>)
      %dma_wait3A_433 = arith.constant 3 : i32
      %dma_wait3A_434 = arith.constant 1 : i32
      %dma_wait3A_435 = arith.constant 0 : i32
      %dma_wait3A_436 = arith.constant 0 : i32
      %dma_wait3A_437 = tpu.memref_slice %arg7[%dma_wait3A_433, %dma_wait3A_435, %dma_wait3A_436] : memref<5x80x128xf32, #tpu.memory_space<vmem>> -> memref<1x80x128xf32, #tpu.memory_space<vmem>>
      %dma_wait3A_438 = tpu.memref_squeeze %dma_wait3A_437 : memref<1x80x128xf32, #tpu.memory_space<vmem>> -> memref<80x128xf32, #tpu.memory_space<vmem>>
      %dma_wait3A_439 = arith.constant 0 : i32
      %dma_wait3A_440 = tpu.memref_slice %arg5[%dma_wait3A_434, %add3A_347, %dma_wait3A_439] : memref<2x320000x128xf32, #tpu.memory_space<hbm>> -> memref<1x80x128xf32, #tpu.memory_space<hbm>>
      %dma_wait3A_441 = tpu.memref_squeeze %dma_wait3A_440 : memref<1x80x128xf32, #tpu.memory_space<hbm>> -> memref<80x128xf32, #tpu.memory_space<hbm>>
      %dma_wait3A_442 = arith.constant 0 : i32
      %dma_wait3A_443 = tpu.memref_slice %arg5[%dma_wait3A_434, %add3A_347, %dma_wait3A_442] : memref<2x320000x128xf32, #tpu.memory_space<hbm>> -> memref<1x80x128xf32, #tpu.memory_space<hbm>>
      %dma_wait3A_444 = tpu.memref_squeeze %dma_wait3A_443 : memref<1x80x128xf32, #tpu.memory_space<hbm>> -> memref<80x128xf32, #tpu.memory_space<hbm>>
      %dma_wait3A_445 = arith.constant 0 : i32
      %dma_wait3A_446 = arith.constant 0 : i32
      %dma_wait3A_447 = tpu.memref_slice %arg7[%dma_wait3A_433, %dma_wait3A_445, %dma_wait3A_446] : memref<5x80x128xf32, #tpu.memory_space<vmem>> -> memref<1x80x128xf32, #tpu.memory_space<vmem>>
      %dma_wait3A_448 = tpu.memref_squeeze %dma_wait3A_447 : memref<1x80x128xf32, #tpu.memory_space<vmem>> -> memref<80x128xf32, #tpu.memory_space<vmem>>
      tpu.wait_dma2 semaphore(%arg10 : memref<!tpu.dma_semaphore, #tpu.memory_space<semaphore_mem>>) src(%dma_wait3A_448 : memref<80x128xf32, #tpu.memory_space<vmem>>) dst(%dma_wait3A_444 : memref<80x128xf32, #tpu.memory_space<hbm>>)
      %dma_wait3A_449 = arith.constant 4 : i32
      %dma_wait3A_450 = arith.constant 1 : i32
      %dma_wait3A_451 = arith.constant 0 : i32
      %dma_wait3A_452 = arith.constant 0 : i32
      %dma_wait3A_453 = tpu.memref_slice %arg7[%dma_wait3A_449, %dma_wait3A_451, %dma_wait3A_452] : memref<5x80x128xf32, #tpu.memory_space<vmem>> -> memref<1x80x128xf32, #tpu.memory_space<vmem>>
      %dma_wait3A_454 = tpu.memref_squeeze %dma_wait3A_453 : memref<1x80x128xf32, #tpu.memory_space<vmem>> -> memref<80x128xf32, #tpu.memory_space<vmem>>
      %dma_wait3A_455 = arith.constant 0 : i32
      %dma_wait3A_456 = tpu.memref_slice %arg5[%dma_wait3A_450, %add3A_368, %dma_wait3A_455] : memref<2x320000x128xf32, #tpu.memory_space<hbm>> -> memref<1x80x128xf32, #tpu.memory_space<hbm>>
      %dma_wait3A_457 = tpu.memref_squeeze %dma_wait3A_456 : memref<1x80x128xf32, #tpu.memory_space<hbm>> -> memref<80x128xf32, #tpu.memory_space<hbm>>
      %dma_wait3A_458 = arith.constant 0 : i32
      %dma_wait3A_459 = tpu.memref_slice %arg5[%dma_wait3A_450, %add3A_368, %dma_wait3A_458] : memref<2x320000x128xf32, #tpu.memory_space<hbm>> -> memref<1x80x128xf32, #tpu.memory_space<hbm>>
      %dma_wait3A_460 = tpu.memref_squeeze %dma_wait3A_459 : memref<1x80x128xf32, #tpu.memory_space<hbm>> -> memref<80x128xf32, #tpu.memory_space<hbm>>
      %dma_wait3A_461 = arith.constant 0 : i32
      %dma_wait3A_462 = arith.constant 0 : i32
      %dma_wait3A_463 = tpu.memref_slice %arg7[%dma_wait3A_449, %dma_wait3A_461, %dma_wait3A_462] : memref<5x80x128xf32, #tpu.memory_space<vmem>> -> memref<1x80x128xf32, #tpu.memory_space<vmem>>
      %dma_wait3A_464 = tpu.memref_squeeze %dma_wait3A_463 : memref<1x80x128xf32, #tpu.memory_space<vmem>> -> memref<80x128xf32, #tpu.memory_space<vmem>>
      tpu.wait_dma2 semaphore(%arg10 : memref<!tpu.dma_semaphore, #tpu.memory_space<semaphore_mem>>) src(%dma_wait3A_464 : memref<80x128xf32, #tpu.memory_space<vmem>>) dst(%dma_wait3A_460 : memref<80x128xf32, #tpu.memory_space<hbm>>)
    }
    %scan3A_18 = arith.constant 25 : i32
    return
  }
}

#map = affine_map<(d0, d1) -> (0, 0, 0)>
#map1 = affine_map<(d0, d1) -> (0, 0)>
module attributes {stable_mosaic.version = 14 : i64} {
  func.func @_deg_body(%arg0: i32, %arg1: i32, %arg2: memref<32x125x80xi32, #tpu.memory_space<hbm>>, %arg3: memref<80x16xf32, #tpu.memory_space<hbm>>, %arg4: memref<10240x16xf32, #tpu.memory_space<hbm>>, %arg5: memref<20480x16xf32, #tpu.memory_space<hbm>>, %arg6: memref<125x80xi32, #tpu.memory_space<vmem>>, %arg7: memref<80x16xf32, #tpu.memory_space<vmem>>, %arg8: memref<10240x16xf32, #tpu.memory_space<vmem_shared>>, %arg9: memref<!tpu.dma_semaphore, #tpu.memory_space<semaphore_mem>>) attributes {dimension_semantics = [#tpu.dimension_semantics<core_parallel>, #tpu.dimension_semantics<subcore_parallel>], iteration_bounds = array<i64: 2, 16>, scalar_prefetch = 0 : i64, scratch_operands = 4 : i64, tpu.core_type = #tpu.core_type<sc_vector_subcore>, window_params = [{transform_indices = #map}, {transform_indices = #map1}, {transform_indices = #map1}, {transform_indices = #map1}]} {
    %mul3A = arith.constant 16 : i32
    %mul3A_0 = arith.muli %arg0, %mul3A : i32
    %add3A = arith.addi %mul3A_0, %arg1 : i32
    %mul3A_1 = arith.constant 640 : i32
    %mul3A_2 = arith.muli %arg1, %mul3A_1 : i32
    %multiple_of3A = tpu.assume_multiple %mul3A_2, 640 : i32
    "tpu.region"() ({
      %run_scoped3A = tpu.sem_alloc : memref<!tpu.dma_semaphore, #tpu.memory_space<semaphore_mem>>
      %dma_start3A = arith.constant 0 : i32
      %dma_start3A_11 = tpu.memref_slice %arg8[%multiple_of3A, %dma_start3A] : memref<10240x16xf32, #tpu.memory_space<vmem_shared>> -> memref<640x16xf32, #tpu.memory_space<vmem_shared>>
      %dma_start3A_12 = arith.constant 0 : i32
      %dma_start3A_13 = tpu.memref_slice %arg4[%multiple_of3A, %dma_start3A_12] : memref<10240x16xf32, #tpu.memory_space<hbm>> -> memref<640x16xf32, #tpu.memory_space<hbm>>
      tpu.enqueue_dma source(%dma_start3A_13 : memref<640x16xf32, #tpu.memory_space<hbm>>) target(%dma_start3A_11 : memref<640x16xf32, #tpu.memory_space<vmem_shared>>) target_semaphore(%run_scoped3A : memref<!tpu.dma_semaphore, #tpu.memory_space<semaphore_mem>>)
      %dma_wait3A = arith.constant 0 : i32
      %dma_wait3A_14 = tpu.memref_slice %arg8[%multiple_of3A, %dma_wait3A] : memref<10240x16xf32, #tpu.memory_space<vmem_shared>> -> memref<640x16xf32, #tpu.memory_space<vmem_shared>>
      %dma_wait3A_15 = arith.constant 0 : i32
      %dma_wait3A_16 = tpu.memref_slice %arg4[%multiple_of3A, %dma_wait3A_15] : memref<10240x16xf32, #tpu.memory_space<hbm>> -> memref<640x16xf32, #tpu.memory_space<hbm>>
      tpu.wait_dma2 semaphore(%run_scoped3A : memref<!tpu.dma_semaphore, #tpu.memory_space<semaphore_mem>>) src(%dma_wait3A_16 : memref<640x16xf32, #tpu.memory_space<hbm>>) dst(%dma_wait3A_14 : memref<640x16xf32, #tpu.memory_space<vmem_shared>>)
      tpu.yield
    }) : () -> ()
    "tpu.region"() ({
      %run_scoped3A = tpu.sem_alloc : memref<!tpu.dma_semaphore, #tpu.memory_space<semaphore_mem>>
      %dma_start3A = arith.constant 0 : i32
      %dma_start3A_11 = arith.constant 0 : i32
      %dma_start3A_12 = tpu.memref_slice %arg2[%add3A, %dma_start3A, %dma_start3A_11] : memref<32x125x80xi32, #tpu.memory_space<hbm>> -> memref<1x125x80xi32, #tpu.memory_space<hbm>>
      %dma_start3A_13 = tpu.memref_squeeze %dma_start3A_12 : memref<1x125x80xi32, #tpu.memory_space<hbm>> -> memref<125x80xi32, #tpu.memory_space<hbm>>
      %dma_start3A_14 = arith.constant 0 : i32
      %dma_start3A_15 = arith.constant 0 : i32
      %dma_start3A_16 = tpu.memref_slice %arg2[%add3A, %dma_start3A_14, %dma_start3A_15] : memref<32x125x80xi32, #tpu.memory_space<hbm>> -> memref<1x125x80xi32, #tpu.memory_space<hbm>>
      %dma_start3A_17 = tpu.memref_squeeze %dma_start3A_16 : memref<1x125x80xi32, #tpu.memory_space<hbm>> -> memref<125x80xi32, #tpu.memory_space<hbm>>
      tpu.enqueue_dma source(%dma_start3A_17 : memref<125x80xi32, #tpu.memory_space<hbm>>) target(%arg6 : memref<125x80xi32, #tpu.memory_space<vmem>>) target_semaphore(%run_scoped3A : memref<!tpu.dma_semaphore, #tpu.memory_space<semaphore_mem>>)
      %dma_wait3A = arith.constant 0 : i32
      %dma_wait3A_18 = arith.constant 0 : i32
      %dma_wait3A_19 = tpu.memref_slice %arg2[%add3A, %dma_wait3A, %dma_wait3A_18] : memref<32x125x80xi32, #tpu.memory_space<hbm>> -> memref<1x125x80xi32, #tpu.memory_space<hbm>>
      %dma_wait3A_20 = tpu.memref_squeeze %dma_wait3A_19 : memref<1x125x80xi32, #tpu.memory_space<hbm>> -> memref<125x80xi32, #tpu.memory_space<hbm>>
      %dma_wait3A_21 = arith.constant 0 : i32
      %dma_wait3A_22 = arith.constant 0 : i32
      %dma_wait3A_23 = tpu.memref_slice %arg2[%add3A, %dma_wait3A_21, %dma_wait3A_22] : memref<32x125x80xi32, #tpu.memory_space<hbm>> -> memref<1x125x80xi32, #tpu.memory_space<hbm>>
      %dma_wait3A_24 = tpu.memref_squeeze %dma_wait3A_23 : memref<1x125x80xi32, #tpu.memory_space<hbm>> -> memref<125x80xi32, #tpu.memory_space<hbm>>
      tpu.wait_dma2 semaphore(%run_scoped3A : memref<!tpu.dma_semaphore, #tpu.memory_space<semaphore_mem>>) src(%dma_wait3A_24 : memref<125x80xi32, #tpu.memory_space<hbm>>) dst(%arg6 : memref<125x80xi32, #tpu.memory_space<vmem>>)
      tpu.yield
    }) : () -> ()
    "tpu.region"() ({
      %run_scoped3A = tpu.sem_alloc : memref<!tpu.dma_semaphore, #tpu.memory_space<semaphore_mem>>
      tpu.enqueue_dma source(%arg3 : memref<80x16xf32, #tpu.memory_space<hbm>>) target(%arg7 : memref<80x16xf32, #tpu.memory_space<vmem>>) target_semaphore(%run_scoped3A : memref<!tpu.dma_semaphore, #tpu.memory_space<semaphore_mem>>)
      tpu.wait_dma2 semaphore(%run_scoped3A : memref<!tpu.dma_semaphore, #tpu.memory_space<semaphore_mem>>) src(%arg3 : memref<80x16xf32, #tpu.memory_space<hbm>>) dst(%arg7 : memref<80x16xf32, #tpu.memory_space<vmem>>)
      tpu.yield
    }) : () -> ()
    %barrier3A = arith.constant 0 : index
    tpu.barrier barrier_id(%barrier3A)
    %scan3A = arith.constant 0 : i32
    %scan3A_3 = arith.constant 25 : i32
    %scan3A_4 = arith.addi %scan3A, %scan3A_3 : i32
    %scan3A_5 = arith.constant 1 : i32
    scf.for %scan3A_11 = %scan3A to %scan3A_4 step %scan3A_5  : i32 {
      %mul3A_12 = arith.constant 5 : i32
      %mul3A_13 = arith.muli %scan3A_11, %mul3A_12 : i32
      %add3A_14 = arith.constant 0 : i32
      %add3A_15 = arith.addi %mul3A_13, %add3A_14 : i32
      %dma_start3A = arith.constant 0 : i32
      %dma_start3A_16 = tpu.memref_slice %arg6[%add3A_15, %dma_start3A] : memref<125x80xi32, #tpu.memory_space<vmem>> -> memref<1x80xi32, #tpu.memory_space<vmem>>
      %dma_start3A_17 = tpu.memref_squeeze %dma_start3A_16 : memref<1x80xi32, #tpu.memory_space<vmem>> -> memref<80xi32, #tpu.memory_space<vmem>>
      %dma_start3A_18 = arith.constant 0 : i32
      %dma_start3A_19 = arith.constant 0 : i32
      %dma_start3A_20 = tpu.memref_slice %arg8[%dma_start3A_18, %dma_start3A_19] : memref<10240x16xf32, #tpu.memory_space<vmem_shared>> -> memref<10240x16xf32, #tpu.memory_space<vmem_shared>>
      tpu.enqueue_indirect_dma source(%arg7 : memref<80x16xf32, #tpu.memory_space<vmem>>) target(%dma_start3A_20 : memref<10240x16xf32, #tpu.memory_space<vmem_shared>>) offsets(%dma_start3A_17 : memref<80xi32, #tpu.memory_space<vmem>>) semaphore(%arg9 : memref<!tpu.dma_semaphore, #tpu.memory_space<semaphore_mem>>) {add = true}
      %add3A_21 = arith.constant 1 : i32
      %add3A_22 = arith.addi %mul3A_13, %add3A_21 : i32
      %dma_start3A_23 = arith.constant 0 : i32
      %dma_start3A_24 = tpu.memref_slice %arg6[%add3A_22, %dma_start3A_23] : memref<125x80xi32, #tpu.memory_space<vmem>> -> memref<1x80xi32, #tpu.memory_space<vmem>>
      %dma_start3A_25 = tpu.memref_squeeze %dma_start3A_24 : memref<1x80xi32, #tpu.memory_space<vmem>> -> memref<80xi32, #tpu.memory_space<vmem>>
      %dma_start3A_26 = arith.constant 0 : i32
      %dma_start3A_27 = arith.constant 0 : i32
      %dma_start3A_28 = tpu.memref_slice %arg8[%dma_start3A_26, %dma_start3A_27] : memref<10240x16xf32, #tpu.memory_space<vmem_shared>> -> memref<10240x16xf32, #tpu.memory_space<vmem_shared>>
      tpu.enqueue_indirect_dma source(%arg7 : memref<80x16xf32, #tpu.memory_space<vmem>>) target(%dma_start3A_28 : memref<10240x16xf32, #tpu.memory_space<vmem_shared>>) offsets(%dma_start3A_25 : memref<80xi32, #tpu.memory_space<vmem>>) semaphore(%arg9 : memref<!tpu.dma_semaphore, #tpu.memory_space<semaphore_mem>>) {add = true}
      %add3A_29 = arith.constant 2 : i32
      %add3A_30 = arith.addi %mul3A_13, %add3A_29 : i32
      %dma_start3A_31 = arith.constant 0 : i32
      %dma_start3A_32 = tpu.memref_slice %arg6[%add3A_30, %dma_start3A_31] : memref<125x80xi32, #tpu.memory_space<vmem>> -> memref<1x80xi32, #tpu.memory_space<vmem>>
      %dma_start3A_33 = tpu.memref_squeeze %dma_start3A_32 : memref<1x80xi32, #tpu.memory_space<vmem>> -> memref<80xi32, #tpu.memory_space<vmem>>
      %dma_start3A_34 = arith.constant 0 : i32
      %dma_start3A_35 = arith.constant 0 : i32
      %dma_start3A_36 = tpu.memref_slice %arg8[%dma_start3A_34, %dma_start3A_35] : memref<10240x16xf32, #tpu.memory_space<vmem_shared>> -> memref<10240x16xf32, #tpu.memory_space<vmem_shared>>
      tpu.enqueue_indirect_dma source(%arg7 : memref<80x16xf32, #tpu.memory_space<vmem>>) target(%dma_start3A_36 : memref<10240x16xf32, #tpu.memory_space<vmem_shared>>) offsets(%dma_start3A_33 : memref<80xi32, #tpu.memory_space<vmem>>) semaphore(%arg9 : memref<!tpu.dma_semaphore, #tpu.memory_space<semaphore_mem>>) {add = true}
      %add3A_37 = arith.constant 3 : i32
      %add3A_38 = arith.addi %mul3A_13, %add3A_37 : i32
      %dma_start3A_39 = arith.constant 0 : i32
      %dma_start3A_40 = tpu.memref_slice %arg6[%add3A_38, %dma_start3A_39] : memref<125x80xi32, #tpu.memory_space<vmem>> -> memref<1x80xi32, #tpu.memory_space<vmem>>
      %dma_start3A_41 = tpu.memref_squeeze %dma_start3A_40 : memref<1x80xi32, #tpu.memory_space<vmem>> -> memref<80xi32, #tpu.memory_space<vmem>>
      %dma_start3A_42 = arith.constant 0 : i32
      %dma_start3A_43 = arith.constant 0 : i32
      %dma_start3A_44 = tpu.memref_slice %arg8[%dma_start3A_42, %dma_start3A_43] : memref<10240x16xf32, #tpu.memory_space<vmem_shared>> -> memref<10240x16xf32, #tpu.memory_space<vmem_shared>>
      tpu.enqueue_indirect_dma source(%arg7 : memref<80x16xf32, #tpu.memory_space<vmem>>) target(%dma_start3A_44 : memref<10240x16xf32, #tpu.memory_space<vmem_shared>>) offsets(%dma_start3A_41 : memref<80xi32, #tpu.memory_space<vmem>>) semaphore(%arg9 : memref<!tpu.dma_semaphore, #tpu.memory_space<semaphore_mem>>) {add = true}
      %add3A_45 = arith.constant 4 : i32
      %add3A_46 = arith.addi %mul3A_13, %add3A_45 : i32
      %dma_start3A_47 = arith.constant 0 : i32
      %dma_start3A_48 = tpu.memref_slice %arg6[%add3A_46, %dma_start3A_47] : memref<125x80xi32, #tpu.memory_space<vmem>> -> memref<1x80xi32, #tpu.memory_space<vmem>>
      %dma_start3A_49 = tpu.memref_squeeze %dma_start3A_48 : memref<1x80xi32, #tpu.memory_space<vmem>> -> memref<80xi32, #tpu.memory_space<vmem>>
      %dma_start3A_50 = arith.constant 0 : i32
      %dma_start3A_51 = arith.constant 0 : i32
      %dma_start3A_52 = tpu.memref_slice %arg8[%dma_start3A_50, %dma_start3A_51] : memref<10240x16xf32, #tpu.memory_space<vmem_shared>> -> memref<10240x16xf32, #tpu.memory_space<vmem_shared>>
      tpu.enqueue_indirect_dma source(%arg7 : memref<80x16xf32, #tpu.memory_space<vmem>>) target(%dma_start3A_52 : memref<10240x16xf32, #tpu.memory_space<vmem_shared>>) offsets(%dma_start3A_49 : memref<80xi32, #tpu.memory_space<vmem>>) semaphore(%arg9 : memref<!tpu.dma_semaphore, #tpu.memory_space<semaphore_mem>>) {add = true}
      %dma_wait3A = arith.constant 0 : i32
      %dma_wait3A_53 = tpu.memref_slice %arg6[%add3A_15, %dma_wait3A] : memref<125x80xi32, #tpu.memory_space<vmem>> -> memref<1x80xi32, #tpu.memory_space<vmem>>
      %dma_wait3A_54 = tpu.memref_squeeze %dma_wait3A_53 : memref<1x80xi32, #tpu.memory_space<vmem>> -> memref<80xi32, #tpu.memory_space<vmem>>
      %dma_wait3A_55 = arith.constant 0 : i32
      %dma_wait3A_56 = arith.constant 0 : i32
      %dma_wait3A_57 = tpu.memref_slice %arg8[%dma_wait3A_55, %dma_wait3A_56] : memref<10240x16xf32, #tpu.memory_space<vmem_shared>> -> memref<10240x16xf32, #tpu.memory_space<vmem_shared>>
      tpu.wait_indirect_dma semaphore(%arg9 : memref<!tpu.dma_semaphore, #tpu.memory_space<semaphore_mem>>) src(%arg7 : memref<80x16xf32, #tpu.memory_space<vmem>>) dst(%dma_wait3A_57 : memref<10240x16xf32, #tpu.memory_space<vmem_shared>>)
      %dma_wait3A_58 = arith.constant 0 : i32
      %dma_wait3A_59 = tpu.memref_slice %arg6[%add3A_22, %dma_wait3A_58] : memref<125x80xi32, #tpu.memory_space<vmem>> -> memref<1x80xi32, #tpu.memory_space<vmem>>
      %dma_wait3A_60 = tpu.memref_squeeze %dma_wait3A_59 : memref<1x80xi32, #tpu.memory_space<vmem>> -> memref<80xi32, #tpu.memory_space<vmem>>
      %dma_wait3A_61 = arith.constant 0 : i32
      %dma_wait3A_62 = arith.constant 0 : i32
      %dma_wait3A_63 = tpu.memref_slice %arg8[%dma_wait3A_61, %dma_wait3A_62] : memref<10240x16xf32, #tpu.memory_space<vmem_shared>> -> memref<10240x16xf32, #tpu.memory_space<vmem_shared>>
      tpu.wait_indirect_dma semaphore(%arg9 : memref<!tpu.dma_semaphore, #tpu.memory_space<semaphore_mem>>) src(%arg7 : memref<80x16xf32, #tpu.memory_space<vmem>>) dst(%dma_wait3A_63 : memref<10240x16xf32, #tpu.memory_space<vmem_shared>>)
      %dma_wait3A_64 = arith.constant 0 : i32
      %dma_wait3A_65 = tpu.memref_slice %arg6[%add3A_30, %dma_wait3A_64] : memref<125x80xi32, #tpu.memory_space<vmem>> -> memref<1x80xi32, #tpu.memory_space<vmem>>
      %dma_wait3A_66 = tpu.memref_squeeze %dma_wait3A_65 : memref<1x80xi32, #tpu.memory_space<vmem>> -> memref<80xi32, #tpu.memory_space<vmem>>
      %dma_wait3A_67 = arith.constant 0 : i32
      %dma_wait3A_68 = arith.constant 0 : i32
      %dma_wait3A_69 = tpu.memref_slice %arg8[%dma_wait3A_67, %dma_wait3A_68] : memref<10240x16xf32, #tpu.memory_space<vmem_shared>> -> memref<10240x16xf32, #tpu.memory_space<vmem_shared>>
      tpu.wait_indirect_dma semaphore(%arg9 : memref<!tpu.dma_semaphore, #tpu.memory_space<semaphore_mem>>) src(%arg7 : memref<80x16xf32, #tpu.memory_space<vmem>>) dst(%dma_wait3A_69 : memref<10240x16xf32, #tpu.memory_space<vmem_shared>>)
      %dma_wait3A_70 = arith.constant 0 : i32
      %dma_wait3A_71 = tpu.memref_slice %arg6[%add3A_38, %dma_wait3A_70] : memref<125x80xi32, #tpu.memory_space<vmem>> -> memref<1x80xi32, #tpu.memory_space<vmem>>
      %dma_wait3A_72 = tpu.memref_squeeze %dma_wait3A_71 : memref<1x80xi32, #tpu.memory_space<vmem>> -> memref<80xi32, #tpu.memory_space<vmem>>
      %dma_wait3A_73 = arith.constant 0 : i32
      %dma_wait3A_74 = arith.constant 0 : i32
      %dma_wait3A_75 = tpu.memref_slice %arg8[%dma_wait3A_73, %dma_wait3A_74] : memref<10240x16xf32, #tpu.memory_space<vmem_shared>> -> memref<10240x16xf32, #tpu.memory_space<vmem_shared>>
      tpu.wait_indirect_dma semaphore(%arg9 : memref<!tpu.dma_semaphore, #tpu.memory_space<semaphore_mem>>) src(%arg7 : memref<80x16xf32, #tpu.memory_space<vmem>>) dst(%dma_wait3A_75 : memref<10240x16xf32, #tpu.memory_space<vmem_shared>>)
      %dma_wait3A_76 = arith.constant 0 : i32
      %dma_wait3A_77 = tpu.memref_slice %arg6[%add3A_46, %dma_wait3A_76] : memref<125x80xi32, #tpu.memory_space<vmem>> -> memref<1x80xi32, #tpu.memory_space<vmem>>
      %dma_wait3A_78 = tpu.memref_squeeze %dma_wait3A_77 : memref<1x80xi32, #tpu.memory_space<vmem>> -> memref<80xi32, #tpu.memory_space<vmem>>
      %dma_wait3A_79 = arith.constant 0 : i32
      %dma_wait3A_80 = arith.constant 0 : i32
      %dma_wait3A_81 = tpu.memref_slice %arg8[%dma_wait3A_79, %dma_wait3A_80] : memref<10240x16xf32, #tpu.memory_space<vmem_shared>> -> memref<10240x16xf32, #tpu.memory_space<vmem_shared>>
      tpu.wait_indirect_dma semaphore(%arg9 : memref<!tpu.dma_semaphore, #tpu.memory_space<semaphore_mem>>) src(%arg7 : memref<80x16xf32, #tpu.memory_space<vmem>>) dst(%dma_wait3A_81 : memref<10240x16xf32, #tpu.memory_space<vmem_shared>>)
    }
    %scan3A_6 = arith.constant 25 : i32
    %barrier3A_7 = arith.constant 0 : index
    tpu.barrier barrier_id(%barrier3A_7)
    %mul3A_8 = arith.constant 10240 : i32
    %mul3A_9 = arith.muli %arg0, %mul3A_8 : i32
    %add3A_10 = arith.addi %mul3A_9, %multiple_of3A : i32
    "tpu.region"() ({
      %run_scoped3A = tpu.sem_alloc : memref<!tpu.dma_semaphore, #tpu.memory_space<semaphore_mem>>
      %dma_start3A = arith.constant 0 : i32
      %dma_start3A_11 = tpu.memref_slice %arg5[%add3A_10, %dma_start3A] : memref<20480x16xf32, #tpu.memory_space<hbm>> -> memref<640x16xf32, #tpu.memory_space<hbm>>
      %dma_start3A_12 = arith.constant 0 : i32
      %dma_start3A_13 = tpu.memref_slice %arg8[%multiple_of3A, %dma_start3A_12] : memref<10240x16xf32, #tpu.memory_space<vmem_shared>> -> memref<640x16xf32, #tpu.memory_space<vmem_shared>>
      tpu.enqueue_dma source(%dma_start3A_13 : memref<640x16xf32, #tpu.memory_space<vmem_shared>>) target(%dma_start3A_11 : memref<640x16xf32, #tpu.memory_space<hbm>>) target_semaphore(%run_scoped3A : memref<!tpu.dma_semaphore, #tpu.memory_space<semaphore_mem>>)
      %dma_wait3A = arith.constant 0 : i32
      %dma_wait3A_14 = tpu.memref_slice %arg5[%add3A_10, %dma_wait3A] : memref<20480x16xf32, #tpu.memory_space<hbm>> -> memref<640x16xf32, #tpu.memory_space<hbm>>
      %dma_wait3A_15 = arith.constant 0 : i32
      %dma_wait3A_16 = tpu.memref_slice %arg8[%multiple_of3A, %dma_wait3A_15] : memref<10240x16xf32, #tpu.memory_space<vmem_shared>> -> memref<640x16xf32, #tpu.memory_space<vmem_shared>>
      tpu.wait_dma2 semaphore(%run_scoped3A : memref<!tpu.dma_semaphore, #tpu.memory_space<semaphore_mem>>) src(%dma_wait3A_16 : memref<640x16xf32, #tpu.memory_space<vmem_shared>>) dst(%dma_wait3A_14 : memref<640x16xf32, #tpu.memory_space<hbm>>)
      tpu.yield
    }) : () -> ()
    return
  }
}

#map = affine_map<(d0, d1) -> (0, 0)>
#map1 = affine_map<(d0, d1) -> (0, 0, 0)>
module attributes {stable_mosaic.version = 14 : i64} {
  func.func @_agg_body(%arg0: i32, %arg1: i32, %arg2: memref<10000x64xf32, #tpu.memory_space<hbm>>, %arg3: memref<32x125x80xi32, #tpu.memory_space<hbm>>, %arg4: memref<32x125x80xi32, #tpu.memory_space<hbm>>, %arg5: memref<10240x64xf32, #tpu.memory_space<hbm>>, %arg6: memref<20480x64xf32, #tpu.memory_space<hbm>>, %arg7: memref<125x80xi32, #tpu.memory_space<vmem>>, %arg8: memref<125x80xi32, #tpu.memory_space<vmem>>, %arg9: memref<5x80x64xf32, #tpu.memory_space<vmem>>, %arg10: memref<10240x64xf32, #tpu.memory_space<vmem_shared>>, %arg11: memref<!tpu.dma_semaphore, #tpu.memory_space<semaphore_mem>>, %arg12: memref<!tpu.dma_semaphore, #tpu.memory_space<semaphore_mem>>) attributes {dimension_semantics = [#tpu.dimension_semantics<core_parallel>, #tpu.dimension_semantics<subcore_parallel>], iteration_bounds = array<i64: 2, 16>, scalar_prefetch = 0 : i64, scratch_operands = 6 : i64, tpu.core_type = #tpu.core_type<sc_vector_subcore>, window_params = [{transform_indices = #map}, {transform_indices = #map1}, {transform_indices = #map1}, {transform_indices = #map}, {transform_indices = #map}]} {
    %mul3A = arith.constant 16 : i32
    %mul3A_0 = arith.muli %arg0, %mul3A : i32
    %add3A = arith.addi %mul3A_0, %arg1 : i32
    %mul3A_1 = arith.constant 640 : i32
    %mul3A_2 = arith.muli %arg1, %mul3A_1 : i32
    %multiple_of3A = tpu.assume_multiple %mul3A_2, 640 : i32
    "tpu.region"() ({
      %run_scoped3A = tpu.sem_alloc : memref<!tpu.dma_semaphore, #tpu.memory_space<semaphore_mem>>
      %dma_start3A = arith.constant 0 : i32
      %dma_start3A_11 = tpu.memref_slice %arg10[%multiple_of3A, %dma_start3A] : memref<10240x64xf32, #tpu.memory_space<vmem_shared>> -> memref<640x64xf32, #tpu.memory_space<vmem_shared>>
      %dma_start3A_12 = arith.constant 0 : i32
      %dma_start3A_13 = tpu.memref_slice %arg5[%multiple_of3A, %dma_start3A_12] : memref<10240x64xf32, #tpu.memory_space<hbm>> -> memref<640x64xf32, #tpu.memory_space<hbm>>
      tpu.enqueue_dma source(%dma_start3A_13 : memref<640x64xf32, #tpu.memory_space<hbm>>) target(%dma_start3A_11 : memref<640x64xf32, #tpu.memory_space<vmem_shared>>) target_semaphore(%run_scoped3A : memref<!tpu.dma_semaphore, #tpu.memory_space<semaphore_mem>>)
      %dma_wait3A = arith.constant 0 : i32
      %dma_wait3A_14 = tpu.memref_slice %arg10[%multiple_of3A, %dma_wait3A] : memref<10240x64xf32, #tpu.memory_space<vmem_shared>> -> memref<640x64xf32, #tpu.memory_space<vmem_shared>>
      %dma_wait3A_15 = arith.constant 0 : i32
      %dma_wait3A_16 = tpu.memref_slice %arg5[%multiple_of3A, %dma_wait3A_15] : memref<10240x64xf32, #tpu.memory_space<hbm>> -> memref<640x64xf32, #tpu.memory_space<hbm>>
      tpu.wait_dma2 semaphore(%run_scoped3A : memref<!tpu.dma_semaphore, #tpu.memory_space<semaphore_mem>>) src(%dma_wait3A_16 : memref<640x64xf32, #tpu.memory_space<hbm>>) dst(%dma_wait3A_14 : memref<640x64xf32, #tpu.memory_space<vmem_shared>>)
      tpu.yield
    }) : () -> ()
    "tpu.region"() ({
      %run_scoped3A = tpu.sem_alloc : memref<!tpu.dma_semaphore, #tpu.memory_space<semaphore_mem>>
      %dma_start3A = arith.constant 0 : i32
      %dma_start3A_11 = arith.constant 0 : i32
      %dma_start3A_12 = tpu.memref_slice %arg3[%add3A, %dma_start3A, %dma_start3A_11] : memref<32x125x80xi32, #tpu.memory_space<hbm>> -> memref<1x125x80xi32, #tpu.memory_space<hbm>>
      %dma_start3A_13 = tpu.memref_squeeze %dma_start3A_12 : memref<1x125x80xi32, #tpu.memory_space<hbm>> -> memref<125x80xi32, #tpu.memory_space<hbm>>
      %dma_start3A_14 = arith.constant 0 : i32
      %dma_start3A_15 = arith.constant 0 : i32
      %dma_start3A_16 = tpu.memref_slice %arg3[%add3A, %dma_start3A_14, %dma_start3A_15] : memref<32x125x80xi32, #tpu.memory_space<hbm>> -> memref<1x125x80xi32, #tpu.memory_space<hbm>>
      %dma_start3A_17 = tpu.memref_squeeze %dma_start3A_16 : memref<1x125x80xi32, #tpu.memory_space<hbm>> -> memref<125x80xi32, #tpu.memory_space<hbm>>
      tpu.enqueue_dma source(%dma_start3A_17 : memref<125x80xi32, #tpu.memory_space<hbm>>) target(%arg7 : memref<125x80xi32, #tpu.memory_space<vmem>>) target_semaphore(%run_scoped3A : memref<!tpu.dma_semaphore, #tpu.memory_space<semaphore_mem>>)
      %dma_wait3A = arith.constant 0 : i32
      %dma_wait3A_18 = arith.constant 0 : i32
      %dma_wait3A_19 = tpu.memref_slice %arg3[%add3A, %dma_wait3A, %dma_wait3A_18] : memref<32x125x80xi32, #tpu.memory_space<hbm>> -> memref<1x125x80xi32, #tpu.memory_space<hbm>>
      %dma_wait3A_20 = tpu.memref_squeeze %dma_wait3A_19 : memref<1x125x80xi32, #tpu.memory_space<hbm>> -> memref<125x80xi32, #tpu.memory_space<hbm>>
      %dma_wait3A_21 = arith.constant 0 : i32
      %dma_wait3A_22 = arith.constant 0 : i32
      %dma_wait3A_23 = tpu.memref_slice %arg3[%add3A, %dma_wait3A_21, %dma_wait3A_22] : memref<32x125x80xi32, #tpu.memory_space<hbm>> -> memref<1x125x80xi32, #tpu.memory_space<hbm>>
      %dma_wait3A_24 = tpu.memref_squeeze %dma_wait3A_23 : memref<1x125x80xi32, #tpu.memory_space<hbm>> -> memref<125x80xi32, #tpu.memory_space<hbm>>
      tpu.wait_dma2 semaphore(%run_scoped3A : memref<!tpu.dma_semaphore, #tpu.memory_space<semaphore_mem>>) src(%dma_wait3A_24 : memref<125x80xi32, #tpu.memory_space<hbm>>) dst(%arg7 : memref<125x80xi32, #tpu.memory_space<vmem>>)
      tpu.yield
    }) : () -> ()
    "tpu.region"() ({
      %run_scoped3A = tpu.sem_alloc : memref<!tpu.dma_semaphore, #tpu.memory_space<semaphore_mem>>
      %dma_start3A = arith.constant 0 : i32
      %dma_start3A_11 = arith.constant 0 : i32
      %dma_start3A_12 = tpu.memref_slice %arg4[%add3A, %dma_start3A, %dma_start3A_11] : memref<32x125x80xi32, #tpu.memory_space<hbm>> -> memref<1x125x80xi32, #tpu.memory_space<hbm>>
      %dma_start3A_13 = tpu.memref_squeeze %dma_start3A_12 : memref<1x125x80xi32, #tpu.memory_space<hbm>> -> memref<125x80xi32, #tpu.memory_space<hbm>>
      %dma_start3A_14 = arith.constant 0 : i32
      %dma_start3A_15 = arith.constant 0 : i32
      %dma_start3A_16 = tpu.memref_slice %arg4[%add3A, %dma_start3A_14, %dma_start3A_15] : memref<32x125x80xi32, #tpu.memory_space<hbm>> -> memref<1x125x80xi32, #tpu.memory_space<hbm>>
      %dma_start3A_17 = tpu.memref_squeeze %dma_start3A_16 : memref<1x125x80xi32, #tpu.memory_space<hbm>> -> memref<125x80xi32, #tpu.memory_space<hbm>>
      tpu.enqueue_dma source(%dma_start3A_17 : memref<125x80xi32, #tpu.memory_space<hbm>>) target(%arg8 : memref<125x80xi32, #tpu.memory_space<vmem>>) target_semaphore(%run_scoped3A : memref<!tpu.dma_semaphore, #tpu.memory_space<semaphore_mem>>)
      %dma_wait3A = arith.constant 0 : i32
      %dma_wait3A_18 = arith.constant 0 : i32
      %dma_wait3A_19 = tpu.memref_slice %arg4[%add3A, %dma_wait3A, %dma_wait3A_18] : memref<32x125x80xi32, #tpu.memory_space<hbm>> -> memref<1x125x80xi32, #tpu.memory_space<hbm>>
      %dma_wait3A_20 = tpu.memref_squeeze %dma_wait3A_19 : memref<1x125x80xi32, #tpu.memory_space<hbm>> -> memref<125x80xi32, #tpu.memory_space<hbm>>
      %dma_wait3A_21 = arith.constant 0 : i32
      %dma_wait3A_22 = arith.constant 0 : i32
      %dma_wait3A_23 = tpu.memref_slice %arg4[%add3A, %dma_wait3A_21, %dma_wait3A_22] : memref<32x125x80xi32, #tpu.memory_space<hbm>> -> memref<1x125x80xi32, #tpu.memory_space<hbm>>
      %dma_wait3A_24 = tpu.memref_squeeze %dma_wait3A_23 : memref<1x125x80xi32, #tpu.memory_space<hbm>> -> memref<125x80xi32, #tpu.memory_space<hbm>>
      tpu.wait_dma2 semaphore(%run_scoped3A : memref<!tpu.dma_semaphore, #tpu.memory_space<semaphore_mem>>) src(%dma_wait3A_24 : memref<125x80xi32, #tpu.memory_space<hbm>>) dst(%arg8 : memref<125x80xi32, #tpu.memory_space<vmem>>)
      tpu.yield
    }) : () -> ()
    %barrier3A = arith.constant 0 : index
    tpu.barrier barrier_id(%barrier3A)
    %scan3A = arith.constant 0 : i32
    %scan3A_3 = arith.constant 25 : i32
    %scan3A_4 = arith.addi %scan3A, %scan3A_3 : i32
    %scan3A_5 = arith.constant 1 : i32
    scf.for %scan3A_11 = %scan3A to %scan3A_4 step %scan3A_5  : i32 {
      %mul3A_12 = arith.constant 5 : i32
      %mul3A_13 = arith.muli %scan3A_11, %mul3A_12 : i32
      %add3A_14 = arith.constant 0 : i32
      %add3A_15 = arith.addi %mul3A_13, %add3A_14 : i32
      %dma_start3A = arith.constant 0 : i32
      %dma_start3A_16 = arith.constant 0 : i32
      %dma_start3A_17 = arith.constant 0 : i32
      %dma_start3A_18 = tpu.memref_slice %arg9[%dma_start3A, %dma_start3A_16, %dma_start3A_17] : memref<5x80x64xf32, #tpu.memory_space<vmem>> -> memref<1x80x64xf32, #tpu.memory_space<vmem>>
      %dma_start3A_19 = tpu.memref_squeeze %dma_start3A_18 : memref<1x80x64xf32, #tpu.memory_space<vmem>> -> memref<80x64xf32, #tpu.memory_space<vmem>>
      %dma_start3A_20 = arith.constant 0 : i32
      %dma_start3A_21 = tpu.memref_slice %arg7[%add3A_15, %dma_start3A_20] : memref<125x80xi32, #tpu.memory_space<vmem>> -> memref<1x80xi32, #tpu.memory_space<vmem>>
      %dma_start3A_22 = tpu.memref_squeeze %dma_start3A_21 : memref<1x80xi32, #tpu.memory_space<vmem>> -> memref<80xi32, #tpu.memory_space<vmem>>
      %dma_start3A_23 = arith.constant 0 : i32
      %dma_start3A_24 = arith.constant 0 : i32
      %dma_start3A_25 = tpu.memref_slice %arg2[%dma_start3A_23, %dma_start3A_24] : memref<10000x64xf32, #tpu.memory_space<hbm>> -> memref<10000x64xf32, #tpu.memory_space<hbm>>
      tpu.enqueue_indirect_dma source(%dma_start3A_25 : memref<10000x64xf32, #tpu.memory_space<hbm>>) target(%dma_start3A_19 : memref<80x64xf32, #tpu.memory_space<vmem>>) offsets(%dma_start3A_22 : memref<80xi32, #tpu.memory_space<vmem>>) semaphore(%arg11 : memref<!tpu.dma_semaphore, #tpu.memory_space<semaphore_mem>>)
      %add3A_26 = arith.constant 1 : i32
      %add3A_27 = arith.addi %mul3A_13, %add3A_26 : i32
      %dma_start3A_28 = arith.constant 1 : i32
      %dma_start3A_29 = arith.constant 0 : i32
      %dma_start3A_30 = arith.constant 0 : i32
      %dma_start3A_31 = tpu.memref_slice %arg9[%dma_start3A_28, %dma_start3A_29, %dma_start3A_30] : memref<5x80x64xf32, #tpu.memory_space<vmem>> -> memref<1x80x64xf32, #tpu.memory_space<vmem>>
      %dma_start3A_32 = tpu.memref_squeeze %dma_start3A_31 : memref<1x80x64xf32, #tpu.memory_space<vmem>> -> memref<80x64xf32, #tpu.memory_space<vmem>>
      %dma_start3A_33 = arith.constant 0 : i32
      %dma_start3A_34 = tpu.memref_slice %arg7[%add3A_27, %dma_start3A_33] : memref<125x80xi32, #tpu.memory_space<vmem>> -> memref<1x80xi32, #tpu.memory_space<vmem>>
      %dma_start3A_35 = tpu.memref_squeeze %dma_start3A_34 : memref<1x80xi32, #tpu.memory_space<vmem>> -> memref<80xi32, #tpu.memory_space<vmem>>
      %dma_start3A_36 = arith.constant 0 : i32
      %dma_start3A_37 = arith.constant 0 : i32
      %dma_start3A_38 = tpu.memref_slice %arg2[%dma_start3A_36, %dma_start3A_37] : memref<10000x64xf32, #tpu.memory_space<hbm>> -> memref<10000x64xf32, #tpu.memory_space<hbm>>
      tpu.enqueue_indirect_dma source(%dma_start3A_38 : memref<10000x64xf32, #tpu.memory_space<hbm>>) target(%dma_start3A_32 : memref<80x64xf32, #tpu.memory_space<vmem>>) offsets(%dma_start3A_35 : memref<80xi32, #tpu.memory_space<vmem>>) semaphore(%arg11 : memref<!tpu.dma_semaphore, #tpu.memory_space<semaphore_mem>>)
      %add3A_39 = arith.constant 2 : i32
      %add3A_40 = arith.addi %mul3A_13, %add3A_39 : i32
      %dma_start3A_41 = arith.constant 2 : i32
      %dma_start3A_42 = arith.constant 0 : i32
      %dma_start3A_43 = arith.constant 0 : i32
      %dma_start3A_44 = tpu.memref_slice %arg9[%dma_start3A_41, %dma_start3A_42, %dma_start3A_43] : memref<5x80x64xf32, #tpu.memory_space<vmem>> -> memref<1x80x64xf32, #tpu.memory_space<vmem>>
      %dma_start3A_45 = tpu.memref_squeeze %dma_start3A_44 : memref<1x80x64xf32, #tpu.memory_space<vmem>> -> memref<80x64xf32, #tpu.memory_space<vmem>>
      %dma_start3A_46 = arith.constant 0 : i32
      %dma_start3A_47 = tpu.memref_slice %arg7[%add3A_40, %dma_start3A_46] : memref<125x80xi32, #tpu.memory_space<vmem>> -> memref<1x80xi32, #tpu.memory_space<vmem>>
      %dma_start3A_48 = tpu.memref_squeeze %dma_start3A_47 : memref<1x80xi32, #tpu.memory_space<vmem>> -> memref<80xi32, #tpu.memory_space<vmem>>
      %dma_start3A_49 = arith.constant 0 : i32
      %dma_start3A_50 = arith.constant 0 : i32
      %dma_start3A_51 = tpu.memref_slice %arg2[%dma_start3A_49, %dma_start3A_50] : memref<10000x64xf32, #tpu.memory_space<hbm>> -> memref<10000x64xf32, #tpu.memory_space<hbm>>
      tpu.enqueue_indirect_dma source(%dma_start3A_51 : memref<10000x64xf32, #tpu.memory_space<hbm>>) target(%dma_start3A_45 : memref<80x64xf32, #tpu.memory_space<vmem>>) offsets(%dma_start3A_48 : memref<80xi32, #tpu.memory_space<vmem>>) semaphore(%arg11 : memref<!tpu.dma_semaphore, #tpu.memory_space<semaphore_mem>>)
      %add3A_52 = arith.constant 3 : i32
      %add3A_53 = arith.addi %mul3A_13, %add3A_52 : i32
      %dma_start3A_54 = arith.constant 3 : i32
      %dma_start3A_55 = arith.constant 0 : i32
      %dma_start3A_56 = arith.constant 0 : i32
      %dma_start3A_57 = tpu.memref_slice %arg9[%dma_start3A_54, %dma_start3A_55, %dma_start3A_56] : memref<5x80x64xf32, #tpu.memory_space<vmem>> -> memref<1x80x64xf32, #tpu.memory_space<vmem>>
      %dma_start3A_58 = tpu.memref_squeeze %dma_start3A_57 : memref<1x80x64xf32, #tpu.memory_space<vmem>> -> memref<80x64xf32, #tpu.memory_space<vmem>>
      %dma_start3A_59 = arith.constant 0 : i32
      %dma_start3A_60 = tpu.memref_slice %arg7[%add3A_53, %dma_start3A_59] : memref<125x80xi32, #tpu.memory_space<vmem>> -> memref<1x80xi32, #tpu.memory_space<vmem>>
      %dma_start3A_61 = tpu.memref_squeeze %dma_start3A_60 : memref<1x80xi32, #tpu.memory_space<vmem>> -> memref<80xi32, #tpu.memory_space<vmem>>
      %dma_start3A_62 = arith.constant 0 : i32
      %dma_start3A_63 = arith.constant 0 : i32
      %dma_start3A_64 = tpu.memref_slice %arg2[%dma_start3A_62, %dma_start3A_63] : memref<10000x64xf32, #tpu.memory_space<hbm>> -> memref<10000x64xf32, #tpu.memory_space<hbm>>
      tpu.enqueue_indirect_dma source(%dma_start3A_64 : memref<10000x64xf32, #tpu.memory_space<hbm>>) target(%dma_start3A_58 : memref<80x64xf32, #tpu.memory_space<vmem>>) offsets(%dma_start3A_61 : memref<80xi32, #tpu.memory_space<vmem>>) semaphore(%arg11 : memref<!tpu.dma_semaphore, #tpu.memory_space<semaphore_mem>>)
      %add3A_65 = arith.constant 4 : i32
      %add3A_66 = arith.addi %mul3A_13, %add3A_65 : i32
      %dma_start3A_67 = arith.constant 4 : i32
      %dma_start3A_68 = arith.constant 0 : i32
      %dma_start3A_69 = arith.constant 0 : i32
      %dma_start3A_70 = tpu.memref_slice %arg9[%dma_start3A_67, %dma_start3A_68, %dma_start3A_69] : memref<5x80x64xf32, #tpu.memory_space<vmem>> -> memref<1x80x64xf32, #tpu.memory_space<vmem>>
      %dma_start3A_71 = tpu.memref_squeeze %dma_start3A_70 : memref<1x80x64xf32, #tpu.memory_space<vmem>> -> memref<80x64xf32, #tpu.memory_space<vmem>>
      %dma_start3A_72 = arith.constant 0 : i32
      %dma_start3A_73 = tpu.memref_slice %arg7[%add3A_66, %dma_start3A_72] : memref<125x80xi32, #tpu.memory_space<vmem>> -> memref<1x80xi32, #tpu.memory_space<vmem>>
      %dma_start3A_74 = tpu.memref_squeeze %dma_start3A_73 : memref<1x80xi32, #tpu.memory_space<vmem>> -> memref<80xi32, #tpu.memory_space<vmem>>
      %dma_start3A_75 = arith.constant 0 : i32
      %dma_start3A_76 = arith.constant 0 : i32
      %dma_start3A_77 = tpu.memref_slice %arg2[%dma_start3A_75, %dma_start3A_76] : memref<10000x64xf32, #tpu.memory_space<hbm>> -> memref<10000x64xf32, #tpu.memory_space<hbm>>
      tpu.enqueue_indirect_dma source(%dma_start3A_77 : memref<10000x64xf32, #tpu.memory_space<hbm>>) target(%dma_start3A_71 : memref<80x64xf32, #tpu.memory_space<vmem>>) offsets(%dma_start3A_74 : memref<80xi32, #tpu.memory_space<vmem>>) semaphore(%arg11 : memref<!tpu.dma_semaphore, #tpu.memory_space<semaphore_mem>>)
      %dma_wait3A = arith.constant 0 : i32
      %dma_wait3A_78 = arith.constant 0 : i32
      %dma_wait3A_79 = arith.constant 0 : i32
      %dma_wait3A_80 = tpu.memref_slice %arg9[%dma_wait3A, %dma_wait3A_78, %dma_wait3A_79] : memref<5x80x64xf32, #tpu.memory_space<vmem>> -> memref<1x80x64xf32, #tpu.memory_space<vmem>>
      %dma_wait3A_81 = tpu.memref_squeeze %dma_wait3A_80 : memref<1x80x64xf32, #tpu.memory_space<vmem>> -> memref<80x64xf32, #tpu.memory_space<vmem>>
      %dma_wait3A_82 = arith.constant 0 : i32
      %dma_wait3A_83 = tpu.memref_slice %arg7[%add3A_15, %dma_wait3A_82] : memref<125x80xi32, #tpu.memory_space<vmem>> -> memref<1x80xi32, #tpu.memory_space<vmem>>
      %dma_wait3A_84 = tpu.memref_squeeze %dma_wait3A_83 : memref<1x80xi32, #tpu.memory_space<vmem>> -> memref<80xi32, #tpu.memory_space<vmem>>
      %dma_wait3A_85 = arith.constant 0 : i32
      %dma_wait3A_86 = arith.constant 0 : i32
      %dma_wait3A_87 = tpu.memref_slice %arg2[%dma_wait3A_85, %dma_wait3A_86] : memref<10000x64xf32, #tpu.memory_space<hbm>> -> memref<10000x64xf32, #tpu.memory_space<hbm>>
      tpu.wait_indirect_dma semaphore(%arg11 : memref<!tpu.dma_semaphore, #tpu.memory_space<semaphore_mem>>) src(%dma_wait3A_87 : memref<10000x64xf32, #tpu.memory_space<hbm>>) dst(%dma_wait3A_81 : memref<80x64xf32, #tpu.memory_space<vmem>>)
      %dma_wait3A_88 = arith.constant 1 : i32
      %dma_wait3A_89 = arith.constant 0 : i32
      %dma_wait3A_90 = arith.constant 0 : i32
      %dma_wait3A_91 = tpu.memref_slice %arg9[%dma_wait3A_88, %dma_wait3A_89, %dma_wait3A_90] : memref<5x80x64xf32, #tpu.memory_space<vmem>> -> memref<1x80x64xf32, #tpu.memory_space<vmem>>
      %dma_wait3A_92 = tpu.memref_squeeze %dma_wait3A_91 : memref<1x80x64xf32, #tpu.memory_space<vmem>> -> memref<80x64xf32, #tpu.memory_space<vmem>>
      %dma_wait3A_93 = arith.constant 0 : i32
      %dma_wait3A_94 = tpu.memref_slice %arg7[%add3A_27, %dma_wait3A_93] : memref<125x80xi32, #tpu.memory_space<vmem>> -> memref<1x80xi32, #tpu.memory_space<vmem>>
      %dma_wait3A_95 = tpu.memref_squeeze %dma_wait3A_94 : memref<1x80xi32, #tpu.memory_space<vmem>> -> memref<80xi32, #tpu.memory_space<vmem>>
      %dma_wait3A_96 = arith.constant 0 : i32
      %dma_wait3A_97 = arith.constant 0 : i32
      %dma_wait3A_98 = tpu.memref_slice %arg2[%dma_wait3A_96, %dma_wait3A_97] : memref<10000x64xf32, #tpu.memory_space<hbm>> -> memref<10000x64xf32, #tpu.memory_space<hbm>>
      tpu.wait_indirect_dma semaphore(%arg11 : memref<!tpu.dma_semaphore, #tpu.memory_space<semaphore_mem>>) src(%dma_wait3A_98 : memref<10000x64xf32, #tpu.memory_space<hbm>>) dst(%dma_wait3A_92 : memref<80x64xf32, #tpu.memory_space<vmem>>)
      %dma_wait3A_99 = arith.constant 2 : i32
      %dma_wait3A_100 = arith.constant 0 : i32
      %dma_wait3A_101 = arith.constant 0 : i32
      %dma_wait3A_102 = tpu.memref_slice %arg9[%dma_wait3A_99, %dma_wait3A_100, %dma_wait3A_101] : memref<5x80x64xf32, #tpu.memory_space<vmem>> -> memref<1x80x64xf32, #tpu.memory_space<vmem>>
      %dma_wait3A_103 = tpu.memref_squeeze %dma_wait3A_102 : memref<1x80x64xf32, #tpu.memory_space<vmem>> -> memref<80x64xf32, #tpu.memory_space<vmem>>
      %dma_wait3A_104 = arith.constant 0 : i32
      %dma_wait3A_105 = tpu.memref_slice %arg7[%add3A_40, %dma_wait3A_104] : memref<125x80xi32, #tpu.memory_space<vmem>> -> memref<1x80xi32, #tpu.memory_space<vmem>>
      %dma_wait3A_106 = tpu.memref_squeeze %dma_wait3A_105 : memref<1x80xi32, #tpu.memory_space<vmem>> -> memref<80xi32, #tpu.memory_space<vmem>>
      %dma_wait3A_107 = arith.constant 0 : i32
      %dma_wait3A_108 = arith.constant 0 : i32
      %dma_wait3A_109 = tpu.memref_slice %arg2[%dma_wait3A_107, %dma_wait3A_108] : memref<10000x64xf32, #tpu.memory_space<hbm>> -> memref<10000x64xf32, #tpu.memory_space<hbm>>
      tpu.wait_indirect_dma semaphore(%arg11 : memref<!tpu.dma_semaphore, #tpu.memory_space<semaphore_mem>>) src(%dma_wait3A_109 : memref<10000x64xf32, #tpu.memory_space<hbm>>) dst(%dma_wait3A_103 : memref<80x64xf32, #tpu.memory_space<vmem>>)
      %dma_wait3A_110 = arith.constant 3 : i32
      %dma_wait3A_111 = arith.constant 0 : i32
      %dma_wait3A_112 = arith.constant 0 : i32
      %dma_wait3A_113 = tpu.memref_slice %arg9[%dma_wait3A_110, %dma_wait3A_111, %dma_wait3A_112] : memref<5x80x64xf32, #tpu.memory_space<vmem>> -> memref<1x80x64xf32, #tpu.memory_space<vmem>>
      %dma_wait3A_114 = tpu.memref_squeeze %dma_wait3A_113 : memref<1x80x64xf32, #tpu.memory_space<vmem>> -> memref<80x64xf32, #tpu.memory_space<vmem>>
      %dma_wait3A_115 = arith.constant 0 : i32
      %dma_wait3A_116 = tpu.memref_slice %arg7[%add3A_53, %dma_wait3A_115] : memref<125x80xi32, #tpu.memory_space<vmem>> -> memref<1x80xi32, #tpu.memory_space<vmem>>
      %dma_wait3A_117 = tpu.memref_squeeze %dma_wait3A_116 : memref<1x80xi32, #tpu.memory_space<vmem>> -> memref<80xi32, #tpu.memory_space<vmem>>
      %dma_wait3A_118 = arith.constant 0 : i32
      %dma_wait3A_119 = arith.constant 0 : i32
      %dma_wait3A_120 = tpu.memref_slice %arg2[%dma_wait3A_118, %dma_wait3A_119] : memref<10000x64xf32, #tpu.memory_space<hbm>> -> memref<10000x64xf32, #tpu.memory_space<hbm>>
      tpu.wait_indirect_dma semaphore(%arg11 : memref<!tpu.dma_semaphore, #tpu.memory_space<semaphore_mem>>) src(%dma_wait3A_120 : memref<10000x64xf32, #tpu.memory_space<hbm>>) dst(%dma_wait3A_114 : memref<80x64xf32, #tpu.memory_space<vmem>>)
      %dma_wait3A_121 = arith.constant 4 : i32
      %dma_wait3A_122 = arith.constant 0 : i32
      %dma_wait3A_123 = arith.constant 0 : i32
      %dma_wait3A_124 = tpu.memref_slice %arg9[%dma_wait3A_121, %dma_wait3A_122, %dma_wait3A_123] : memref<5x80x64xf32, #tpu.memory_space<vmem>> -> memref<1x80x64xf32, #tpu.memory_space<vmem>>
      %dma_wait3A_125 = tpu.memref_squeeze %dma_wait3A_124 : memref<1x80x64xf32, #tpu.memory_space<vmem>> -> memref<80x64xf32, #tpu.memory_space<vmem>>
      %dma_wait3A_126 = arith.constant 0 : i32
      %dma_wait3A_127 = tpu.memref_slice %arg7[%add3A_66, %dma_wait3A_126] : memref<125x80xi32, #tpu.memory_space<vmem>> -> memref<1x80xi32, #tpu.memory_space<vmem>>
      %dma_wait3A_128 = tpu.memref_squeeze %dma_wait3A_127 : memref<1x80xi32, #tpu.memory_space<vmem>> -> memref<80xi32, #tpu.memory_space<vmem>>
      %dma_wait3A_129 = arith.constant 0 : i32
      %dma_wait3A_130 = arith.constant 0 : i32
      %dma_wait3A_131 = tpu.memref_slice %arg2[%dma_wait3A_129, %dma_wait3A_130] : memref<10000x64xf32, #tpu.memory_space<hbm>> -> memref<10000x64xf32, #tpu.memory_space<hbm>>
      tpu.wait_indirect_dma semaphore(%arg11 : memref<!tpu.dma_semaphore, #tpu.memory_space<semaphore_mem>>) src(%dma_wait3A_131 : memref<10000x64xf32, #tpu.memory_space<hbm>>) dst(%dma_wait3A_125 : memref<80x64xf32, #tpu.memory_space<vmem>>)
      %add3A_132 = arith.constant 0 : i32
      %add3A_133 = arith.addi %mul3A_13, %add3A_132 : i32
      %dma_start3A_134 = arith.constant 0 : i32
      %dma_start3A_135 = arith.constant 0 : i32
      %dma_start3A_136 = arith.constant 0 : i32
      %dma_start3A_137 = tpu.memref_slice %arg9[%dma_start3A_134, %dma_start3A_135, %dma_start3A_136] : memref<5x80x64xf32, #tpu.memory_space<vmem>> -> memref<1x80x64xf32, #tpu.memory_space<vmem>>
      %dma_start3A_138 = tpu.memref_squeeze %dma_start3A_137 : memref<1x80x64xf32, #tpu.memory_space<vmem>> -> memref<80x64xf32, #tpu.memory_space<vmem>>
      %dma_start3A_139 = arith.constant 0 : i32
      %dma_start3A_140 = tpu.memref_slice %arg8[%add3A_133, %dma_start3A_139] : memref<125x80xi32, #tpu.memory_space<vmem>> -> memref<1x80xi32, #tpu.memory_space<vmem>>
      %dma_start3A_141 = tpu.memref_squeeze %dma_start3A_140 : memref<1x80xi32, #tpu.memory_space<vmem>> -> memref<80xi32, #tpu.memory_space<vmem>>
      %dma_start3A_142 = arith.constant 0 : i32
      %dma_start3A_143 = arith.constant 0 : i32
      %dma_start3A_144 = tpu.memref_slice %arg10[%dma_start3A_142, %dma_start3A_143] : memref<10240x64xf32, #tpu.memory_space<vmem_shared>> -> memref<10240x64xf32, #tpu.memory_space<vmem_shared>>
      tpu.enqueue_indirect_dma source(%dma_start3A_138 : memref<80x64xf32, #tpu.memory_space<vmem>>) target(%dma_start3A_144 : memref<10240x64xf32, #tpu.memory_space<vmem_shared>>) offsets(%dma_start3A_141 : memref<80xi32, #tpu.memory_space<vmem>>) semaphore(%arg12 : memref<!tpu.dma_semaphore, #tpu.memory_space<semaphore_mem>>) {add = true}
      %add3A_145 = arith.constant 1 : i32
      %add3A_146 = arith.addi %mul3A_13, %add3A_145 : i32
      %dma_start3A_147 = arith.constant 1 : i32
      %dma_start3A_148 = arith.constant 0 : i32
      %dma_start3A_149 = arith.constant 0 : i32
      %dma_start3A_150 = tpu.memref_slice %arg9[%dma_start3A_147, %dma_start3A_148, %dma_start3A_149] : memref<5x80x64xf32, #tpu.memory_space<vmem>> -> memref<1x80x64xf32, #tpu.memory_space<vmem>>
      %dma_start3A_151 = tpu.memref_squeeze %dma_start3A_150 : memref<1x80x64xf32, #tpu.memory_space<vmem>> -> memref<80x64xf32, #tpu.memory_space<vmem>>
      %dma_start3A_152 = arith.constant 0 : i32
      %dma_start3A_153 = tpu.memref_slice %arg8[%add3A_146, %dma_start3A_152] : memref<125x80xi32, #tpu.memory_space<vmem>> -> memref<1x80xi32, #tpu.memory_space<vmem>>
      %dma_start3A_154 = tpu.memref_squeeze %dma_start3A_153 : memref<1x80xi32, #tpu.memory_space<vmem>> -> memref<80xi32, #tpu.memory_space<vmem>>
      %dma_start3A_155 = arith.constant 0 : i32
      %dma_start3A_156 = arith.constant 0 : i32
      %dma_start3A_157 = tpu.memref_slice %arg10[%dma_start3A_155, %dma_start3A_156] : memref<10240x64xf32, #tpu.memory_space<vmem_shared>> -> memref<10240x64xf32, #tpu.memory_space<vmem_shared>>
      tpu.enqueue_indirect_dma source(%dma_start3A_151 : memref<80x64xf32, #tpu.memory_space<vmem>>) target(%dma_start3A_157 : memref<10240x64xf32, #tpu.memory_space<vmem_shared>>) offsets(%dma_start3A_154 : memref<80xi32, #tpu.memory_space<vmem>>) semaphore(%arg12 : memref<!tpu.dma_semaphore, #tpu.memory_space<semaphore_mem>>) {add = true}
      %add3A_158 = arith.constant 2 : i32
      %add3A_159 = arith.addi %mul3A_13, %add3A_158 : i32
      %dma_start3A_160 = arith.constant 2 : i32
      %dma_start3A_161 = arith.constant 0 : i32
      %dma_start3A_162 = arith.constant 0 : i32
      %dma_start3A_163 = tpu.memref_slice %arg9[%dma_start3A_160, %dma_start3A_161, %dma_start3A_162] : memref<5x80x64xf32, #tpu.memory_space<vmem>> -> memref<1x80x64xf32, #tpu.memory_space<vmem>>
      %dma_start3A_164 = tpu.memref_squeeze %dma_start3A_163 : memref<1x80x64xf32, #tpu.memory_space<vmem>> -> memref<80x64xf32, #tpu.memory_space<vmem>>
      %dma_start3A_165 = arith.constant 0 : i32
      %dma_start3A_166 = tpu.memref_slice %arg8[%add3A_159, %dma_start3A_165] : memref<125x80xi32, #tpu.memory_space<vmem>> -> memref<1x80xi32, #tpu.memory_space<vmem>>
      %dma_start3A_167 = tpu.memref_squeeze %dma_start3A_166 : memref<1x80xi32, #tpu.memory_space<vmem>> -> memref<80xi32, #tpu.memory_space<vmem>>
      %dma_start3A_168 = arith.constant 0 : i32
      %dma_start3A_169 = arith.constant 0 : i32
      %dma_start3A_170 = tpu.memref_slice %arg10[%dma_start3A_168, %dma_start3A_169] : memref<10240x64xf32, #tpu.memory_space<vmem_shared>> -> memref<10240x64xf32, #tpu.memory_space<vmem_shared>>
      tpu.enqueue_indirect_dma source(%dma_start3A_164 : memref<80x64xf32, #tpu.memory_space<vmem>>) target(%dma_start3A_170 : memref<10240x64xf32, #tpu.memory_space<vmem_shared>>) offsets(%dma_start3A_167 : memref<80xi32, #tpu.memory_space<vmem>>) semaphore(%arg12 : memref<!tpu.dma_semaphore, #tpu.memory_space<semaphore_mem>>) {add = true}
      %add3A_171 = arith.constant 3 : i32
      %add3A_172 = arith.addi %mul3A_13, %add3A_171 : i32
      %dma_start3A_173 = arith.constant 3 : i32
      %dma_start3A_174 = arith.constant 0 : i32
      %dma_start3A_175 = arith.constant 0 : i32
      %dma_start3A_176 = tpu.memref_slice %arg9[%dma_start3A_173, %dma_start3A_174, %dma_start3A_175] : memref<5x80x64xf32, #tpu.memory_space<vmem>> -> memref<1x80x64xf32, #tpu.memory_space<vmem>>
      %dma_start3A_177 = tpu.memref_squeeze %dma_start3A_176 : memref<1x80x64xf32, #tpu.memory_space<vmem>> -> memref<80x64xf32, #tpu.memory_space<vmem>>
      %dma_start3A_178 = arith.constant 0 : i32
      %dma_start3A_179 = tpu.memref_slice %arg8[%add3A_172, %dma_start3A_178] : memref<125x80xi32, #tpu.memory_space<vmem>> -> memref<1x80xi32, #tpu.memory_space<vmem>>
      %dma_start3A_180 = tpu.memref_squeeze %dma_start3A_179 : memref<1x80xi32, #tpu.memory_space<vmem>> -> memref<80xi32, #tpu.memory_space<vmem>>
      %dma_start3A_181 = arith.constant 0 : i32
      %dma_start3A_182 = arith.constant 0 : i32
      %dma_start3A_183 = tpu.memref_slice %arg10[%dma_start3A_181, %dma_start3A_182] : memref<10240x64xf32, #tpu.memory_space<vmem_shared>> -> memref<10240x64xf32, #tpu.memory_space<vmem_shared>>
      tpu.enqueue_indirect_dma source(%dma_start3A_177 : memref<80x64xf32, #tpu.memory_space<vmem>>) target(%dma_start3A_183 : memref<10240x64xf32, #tpu.memory_space<vmem_shared>>) offsets(%dma_start3A_180 : memref<80xi32, #tpu.memory_space<vmem>>) semaphore(%arg12 : memref<!tpu.dma_semaphore, #tpu.memory_space<semaphore_mem>>) {add = true}
      %add3A_184 = arith.constant 4 : i32
      %add3A_185 = arith.addi %mul3A_13, %add3A_184 : i32
      %dma_start3A_186 = arith.constant 4 : i32
      %dma_start3A_187 = arith.constant 0 : i32
      %dma_start3A_188 = arith.constant 0 : i32
      %dma_start3A_189 = tpu.memref_slice %arg9[%dma_start3A_186, %dma_start3A_187, %dma_start3A_188] : memref<5x80x64xf32, #tpu.memory_space<vmem>> -> memref<1x80x64xf32, #tpu.memory_space<vmem>>
      %dma_start3A_190 = tpu.memref_squeeze %dma_start3A_189 : memref<1x80x64xf32, #tpu.memory_space<vmem>> -> memref<80x64xf32, #tpu.memory_space<vmem>>
      %dma_start3A_191 = arith.constant 0 : i32
      %dma_start3A_192 = tpu.memref_slice %arg8[%add3A_185, %dma_start3A_191] : memref<125x80xi32, #tpu.memory_space<vmem>> -> memref<1x80xi32, #tpu.memory_space<vmem>>
      %dma_start3A_193 = tpu.memref_squeeze %dma_start3A_192 : memref<1x80xi32, #tpu.memory_space<vmem>> -> memref<80xi32, #tpu.memory_space<vmem>>
      %dma_start3A_194 = arith.constant 0 : i32
      %dma_start3A_195 = arith.constant 0 : i32
      %dma_start3A_196 = tpu.memref_slice %arg10[%dma_start3A_194, %dma_start3A_195] : memref<10240x64xf32, #tpu.memory_space<vmem_shared>> -> memref<10240x64xf32, #tpu.memory_space<vmem_shared>>
      tpu.enqueue_indirect_dma source(%dma_start3A_190 : memref<80x64xf32, #tpu.memory_space<vmem>>) target(%dma_start3A_196 : memref<10240x64xf32, #tpu.memory_space<vmem_shared>>) offsets(%dma_start3A_193 : memref<80xi32, #tpu.memory_space<vmem>>) semaphore(%arg12 : memref<!tpu.dma_semaphore, #tpu.memory_space<semaphore_mem>>) {add = true}
      %dma_wait3A_197 = arith.constant 0 : i32
      %dma_wait3A_198 = arith.constant 0 : i32
      %dma_wait3A_199 = arith.constant 0 : i32
      %dma_wait3A_200 = tpu.memref_slice %arg9[%dma_wait3A_197, %dma_wait3A_198, %dma_wait3A_199] : memref<5x80x64xf32, #tpu.memory_space<vmem>> -> memref<1x80x64xf32, #tpu.memory_space<vmem>>
      %dma_wait3A_201 = tpu.memref_squeeze %dma_wait3A_200 : memref<1x80x64xf32, #tpu.memory_space<vmem>> -> memref<80x64xf32, #tpu.memory_space<vmem>>
      %dma_wait3A_202 = arith.constant 0 : i32
      %dma_wait3A_203 = tpu.memref_slice %arg8[%add3A_133, %dma_wait3A_202] : memref<125x80xi32, #tpu.memory_space<vmem>> -> memref<1x80xi32, #tpu.memory_space<vmem>>
      %dma_wait3A_204 = tpu.memref_squeeze %dma_wait3A_203 : memref<1x80xi32, #tpu.memory_space<vmem>> -> memref<80xi32, #tpu.memory_space<vmem>>
      %dma_wait3A_205 = arith.constant 0 : i32
      %dma_wait3A_206 = arith.constant 0 : i32
      %dma_wait3A_207 = tpu.memref_slice %arg10[%dma_wait3A_205, %dma_wait3A_206] : memref<10240x64xf32, #tpu.memory_space<vmem_shared>> -> memref<10240x64xf32, #tpu.memory_space<vmem_shared>>
      tpu.wait_indirect_dma semaphore(%arg12 : memref<!tpu.dma_semaphore, #tpu.memory_space<semaphore_mem>>) src(%dma_wait3A_201 : memref<80x64xf32, #tpu.memory_space<vmem>>) dst(%dma_wait3A_207 : memref<10240x64xf32, #tpu.memory_space<vmem_shared>>)
      %dma_wait3A_208 = arith.constant 1 : i32
      %dma_wait3A_209 = arith.constant 0 : i32
      %dma_wait3A_210 = arith.constant 0 : i32
      %dma_wait3A_211 = tpu.memref_slice %arg9[%dma_wait3A_208, %dma_wait3A_209, %dma_wait3A_210] : memref<5x80x64xf32, #tpu.memory_space<vmem>> -> memref<1x80x64xf32, #tpu.memory_space<vmem>>
      %dma_wait3A_212 = tpu.memref_squeeze %dma_wait3A_211 : memref<1x80x64xf32, #tpu.memory_space<vmem>> -> memref<80x64xf32, #tpu.memory_space<vmem>>
      %dma_wait3A_213 = arith.constant 0 : i32
      %dma_wait3A_214 = tpu.memref_slice %arg8[%add3A_146, %dma_wait3A_213] : memref<125x80xi32, #tpu.memory_space<vmem>> -> memref<1x80xi32, #tpu.memory_space<vmem>>
      %dma_wait3A_215 = tpu.memref_squeeze %dma_wait3A_214 : memref<1x80xi32, #tpu.memory_space<vmem>> -> memref<80xi32, #tpu.memory_space<vmem>>
      %dma_wait3A_216 = arith.constant 0 : i32
      %dma_wait3A_217 = arith.constant 0 : i32
      %dma_wait3A_218 = tpu.memref_slice %arg10[%dma_wait3A_216, %dma_wait3A_217] : memref<10240x64xf32, #tpu.memory_space<vmem_shared>> -> memref<10240x64xf32, #tpu.memory_space<vmem_shared>>
      tpu.wait_indirect_dma semaphore(%arg12 : memref<!tpu.dma_semaphore, #tpu.memory_space<semaphore_mem>>) src(%dma_wait3A_212 : memref<80x64xf32, #tpu.memory_space<vmem>>) dst(%dma_wait3A_218 : memref<10240x64xf32, #tpu.memory_space<vmem_shared>>)
      %dma_wait3A_219 = arith.constant 2 : i32
      %dma_wait3A_220 = arith.constant 0 : i32
      %dma_wait3A_221 = arith.constant 0 : i32
      %dma_wait3A_222 = tpu.memref_slice %arg9[%dma_wait3A_219, %dma_wait3A_220, %dma_wait3A_221] : memref<5x80x64xf32, #tpu.memory_space<vmem>> -> memref<1x80x64xf32, #tpu.memory_space<vmem>>
      %dma_wait3A_223 = tpu.memref_squeeze %dma_wait3A_222 : memref<1x80x64xf32, #tpu.memory_space<vmem>> -> memref<80x64xf32, #tpu.memory_space<vmem>>
      %dma_wait3A_224 = arith.constant 0 : i32
      %dma_wait3A_225 = tpu.memref_slice %arg8[%add3A_159, %dma_wait3A_224] : memref<125x80xi32, #tpu.memory_space<vmem>> -> memref<1x80xi32, #tpu.memory_space<vmem>>
      %dma_wait3A_226 = tpu.memref_squeeze %dma_wait3A_225 : memref<1x80xi32, #tpu.memory_space<vmem>> -> memref<80xi32, #tpu.memory_space<vmem>>
      %dma_wait3A_227 = arith.constant 0 : i32
      %dma_wait3A_228 = arith.constant 0 : i32
      %dma_wait3A_229 = tpu.memref_slice %arg10[%dma_wait3A_227, %dma_wait3A_228] : memref<10240x64xf32, #tpu.memory_space<vmem_shared>> -> memref<10240x64xf32, #tpu.memory_space<vmem_shared>>
      tpu.wait_indirect_dma semaphore(%arg12 : memref<!tpu.dma_semaphore, #tpu.memory_space<semaphore_mem>>) src(%dma_wait3A_223 : memref<80x64xf32, #tpu.memory_space<vmem>>) dst(%dma_wait3A_229 : memref<10240x64xf32, #tpu.memory_space<vmem_shared>>)
      %dma_wait3A_230 = arith.constant 3 : i32
      %dma_wait3A_231 = arith.constant 0 : i32
      %dma_wait3A_232 = arith.constant 0 : i32
      %dma_wait3A_233 = tpu.memref_slice %arg9[%dma_wait3A_230, %dma_wait3A_231, %dma_wait3A_232] : memref<5x80x64xf32, #tpu.memory_space<vmem>> -> memref<1x80x64xf32, #tpu.memory_space<vmem>>
      %dma_wait3A_234 = tpu.memref_squeeze %dma_wait3A_233 : memref<1x80x64xf32, #tpu.memory_space<vmem>> -> memref<80x64xf32, #tpu.memory_space<vmem>>
      %dma_wait3A_235 = arith.constant 0 : i32
      %dma_wait3A_236 = tpu.memref_slice %arg8[%add3A_172, %dma_wait3A_235] : memref<125x80xi32, #tpu.memory_space<vmem>> -> memref<1x80xi32, #tpu.memory_space<vmem>>
      %dma_wait3A_237 = tpu.memref_squeeze %dma_wait3A_236 : memref<1x80xi32, #tpu.memory_space<vmem>> -> memref<80xi32, #tpu.memory_space<vmem>>
      %dma_wait3A_238 = arith.constant 0 : i32
      %dma_wait3A_239 = arith.constant 0 : i32
      %dma_wait3A_240 = tpu.memref_slice %arg10[%dma_wait3A_238, %dma_wait3A_239] : memref<10240x64xf32, #tpu.memory_space<vmem_shared>> -> memref<10240x64xf32, #tpu.memory_space<vmem_shared>>
      tpu.wait_indirect_dma semaphore(%arg12 : memref<!tpu.dma_semaphore, #tpu.memory_space<semaphore_mem>>) src(%dma_wait3A_234 : memref<80x64xf32, #tpu.memory_space<vmem>>) dst(%dma_wait3A_240 : memref<10240x64xf32, #tpu.memory_space<vmem_shared>>)
      %dma_wait3A_241 = arith.constant 4 : i32
      %dma_wait3A_242 = arith.constant 0 : i32
      %dma_wait3A_243 = arith.constant 0 : i32
      %dma_wait3A_244 = tpu.memref_slice %arg9[%dma_wait3A_241, %dma_wait3A_242, %dma_wait3A_243] : memref<5x80x64xf32, #tpu.memory_space<vmem>> -> memref<1x80x64xf32, #tpu.memory_space<vmem>>
      %dma_wait3A_245 = tpu.memref_squeeze %dma_wait3A_244 : memref<1x80x64xf32, #tpu.memory_space<vmem>> -> memref<80x64xf32, #tpu.memory_space<vmem>>
      %dma_wait3A_246 = arith.constant 0 : i32
      %dma_wait3A_247 = tpu.memref_slice %arg8[%add3A_185, %dma_wait3A_246] : memref<125x80xi32, #tpu.memory_space<vmem>> -> memref<1x80xi32, #tpu.memory_space<vmem>>
      %dma_wait3A_248 = tpu.memref_squeeze %dma_wait3A_247 : memref<1x80xi32, #tpu.memory_space<vmem>> -> memref<80xi32, #tpu.memory_space<vmem>>
      %dma_wait3A_249 = arith.constant 0 : i32
      %dma_wait3A_250 = arith.constant 0 : i32
      %dma_wait3A_251 = tpu.memref_slice %arg10[%dma_wait3A_249, %dma_wait3A_250] : memref<10240x64xf32, #tpu.memory_space<vmem_shared>> -> memref<10240x64xf32, #tpu.memory_space<vmem_shared>>
      tpu.wait_indirect_dma semaphore(%arg12 : memref<!tpu.dma_semaphore, #tpu.memory_space<semaphore_mem>>) src(%dma_wait3A_245 : memref<80x64xf32, #tpu.memory_space<vmem>>) dst(%dma_wait3A_251 : memref<10240x64xf32, #tpu.memory_space<vmem_shared>>)
    }
    %scan3A_6 = arith.constant 25 : i32
    %barrier3A_7 = arith.constant 0 : index
    tpu.barrier barrier_id(%barrier3A_7)
    %mul3A_8 = arith.constant 10240 : i32
    %mul3A_9 = arith.muli %arg0, %mul3A_8 : i32
    %add3A_10 = arith.addi %mul3A_9, %multiple_of3A : i32
    "tpu.region"() ({
      %run_scoped3A = tpu.sem_alloc : memref<!tpu.dma_semaphore, #tpu.memory_space<semaphore_mem>>
      %dma_start3A = arith.constant 0 : i32
      %dma_start3A_11 = tpu.memref_slice %arg6[%add3A_10, %dma_start3A] : memref<20480x64xf32, #tpu.memory_space<hbm>> -> memref<640x64xf32, #tpu.memory_space<hbm>>
      %dma_start3A_12 = arith.constant 0 : i32
      %dma_start3A_13 = tpu.memref_slice %arg10[%multiple_of3A, %dma_start3A_12] : memref<10240x64xf32, #tpu.memory_space<vmem_shared>> -> memref<640x64xf32, #tpu.memory_space<vmem_shared>>
      tpu.enqueue_dma source(%dma_start3A_13 : memref<640x64xf32, #tpu.memory_space<vmem_shared>>) target(%dma_start3A_11 : memref<640x64xf32, #tpu.memory_space<hbm>>) target_semaphore(%run_scoped3A : memref<!tpu.dma_semaphore, #tpu.memory_space<semaphore_mem>>)
      %dma_wait3A = arith.constant 0 : i32
      %dma_wait3A_14 = tpu.memref_slice %arg6[%add3A_10, %dma_wait3A] : memref<20480x64xf32, #tpu.memory_space<hbm>> -> memref<640x64xf32, #tpu.memory_space<hbm>>
      %dma_wait3A_15 = arith.constant 0 : i32
      %dma_wait3A_16 = tpu.memref_slice %arg10[%multiple_of3A, %dma_wait3A_15] : memref<10240x64xf32, #tpu.memory_space<vmem_shared>> -> memref<640x64xf32, #tpu.memory_space<vmem_shared>>
      tpu.wait_dma2 semaphore(%run_scoped3A : memref<!tpu.dma_semaphore, #tpu.memory_space<semaphore_mem>>) src(%dma_wait3A_16 : memref<640x64xf32, #tpu.memory_space<vmem_shared>>) dst(%dma_wait3A_14 : memref<640x64xf32, #tpu.memory_space<hbm>>)
      tpu.yield
    }) : () -> ()
    return
  }
}

#map = affine_map<(d0, d1) -> (0, 0)>
#map1 = affine_map<(d0, d1) -> (0, 0, 0)>
module attributes {stable_mosaic.version = 14 : i64} {
  func.func @_agg_body(%arg0: i32, %arg1: i32, %arg2: memref<10000x64xf32, #tpu.memory_space<hbm>>, %arg3: memref<32x125x80xi32, #tpu.memory_space<hbm>>, %arg4: memref<32x125x80xi32, #tpu.memory_space<hbm>>, %arg5: memref<10240x64xf32, #tpu.memory_space<hbm>>, %arg6: memref<20480x64xf32, #tpu.memory_space<hbm>>, %arg7: memref<125x80xi32, #tpu.memory_space<vmem>>, %arg8: memref<125x80xi32, #tpu.memory_space<vmem>>, %arg9: memref<5x80x64xf32, #tpu.memory_space<vmem>>, %arg10: memref<10240x64xf32, #tpu.memory_space<vmem_shared>>, %arg11: memref<!tpu.dma_semaphore, #tpu.memory_space<semaphore_mem>>, %arg12: memref<!tpu.dma_semaphore, #tpu.memory_space<semaphore_mem>>) attributes {dimension_semantics = [#tpu.dimension_semantics<core_parallel>, #tpu.dimension_semantics<subcore_parallel>], iteration_bounds = array<i64: 2, 16>, scalar_prefetch = 0 : i64, scratch_operands = 6 : i64, tpu.core_type = #tpu.core_type<sc_vector_subcore>, window_params = [{transform_indices = #map}, {transform_indices = #map1}, {transform_indices = #map1}, {transform_indices = #map}, {transform_indices = #map}]} {
    %mul3A = arith.constant 16 : i32
    %mul3A_0 = arith.muli %arg0, %mul3A : i32
    %add3A = arith.addi %mul3A_0, %arg1 : i32
    %mul3A_1 = arith.constant 640 : i32
    %mul3A_2 = arith.muli %arg1, %mul3A_1 : i32
    %multiple_of3A = tpu.assume_multiple %mul3A_2, 640 : i32
    "tpu.region"() ({
      %run_scoped3A = tpu.sem_alloc : memref<!tpu.dma_semaphore, #tpu.memory_space<semaphore_mem>>
      %dma_start3A = arith.constant 0 : i32
      %dma_start3A_11 = tpu.memref_slice %arg10[%multiple_of3A, %dma_start3A] : memref<10240x64xf32, #tpu.memory_space<vmem_shared>> -> memref<640x64xf32, #tpu.memory_space<vmem_shared>>
      %dma_start3A_12 = arith.constant 0 : i32
      %dma_start3A_13 = tpu.memref_slice %arg5[%multiple_of3A, %dma_start3A_12] : memref<10240x64xf32, #tpu.memory_space<hbm>> -> memref<640x64xf32, #tpu.memory_space<hbm>>
      tpu.enqueue_dma source(%dma_start3A_13 : memref<640x64xf32, #tpu.memory_space<hbm>>) target(%dma_start3A_11 : memref<640x64xf32, #tpu.memory_space<vmem_shared>>) target_semaphore(%run_scoped3A : memref<!tpu.dma_semaphore, #tpu.memory_space<semaphore_mem>>)
      %dma_wait3A = arith.constant 0 : i32
      %dma_wait3A_14 = tpu.memref_slice %arg10[%multiple_of3A, %dma_wait3A] : memref<10240x64xf32, #tpu.memory_space<vmem_shared>> -> memref<640x64xf32, #tpu.memory_space<vmem_shared>>
      %dma_wait3A_15 = arith.constant 0 : i32
      %dma_wait3A_16 = tpu.memref_slice %arg5[%multiple_of3A, %dma_wait3A_15] : memref<10240x64xf32, #tpu.memory_space<hbm>> -> memref<640x64xf32, #tpu.memory_space<hbm>>
      tpu.wait_dma2 semaphore(%run_scoped3A : memref<!tpu.dma_semaphore, #tpu.memory_space<semaphore_mem>>) src(%dma_wait3A_16 : memref<640x64xf32, #tpu.memory_space<hbm>>) dst(%dma_wait3A_14 : memref<640x64xf32, #tpu.memory_space<vmem_shared>>)
      tpu.yield
    }) : () -> ()
    "tpu.region"() ({
      %run_scoped3A = tpu.sem_alloc : memref<!tpu.dma_semaphore, #tpu.memory_space<semaphore_mem>>
      %dma_start3A = arith.constant 0 : i32
      %dma_start3A_11 = arith.constant 0 : i32
      %dma_start3A_12 = tpu.memref_slice %arg3[%add3A, %dma_start3A, %dma_start3A_11] : memref<32x125x80xi32, #tpu.memory_space<hbm>> -> memref<1x125x80xi32, #tpu.memory_space<hbm>>
      %dma_start3A_13 = tpu.memref_squeeze %dma_start3A_12 : memref<1x125x80xi32, #tpu.memory_space<hbm>> -> memref<125x80xi32, #tpu.memory_space<hbm>>
      %dma_start3A_14 = arith.constant 0 : i32
      %dma_start3A_15 = arith.constant 0 : i32
      %dma_start3A_16 = tpu.memref_slice %arg3[%add3A, %dma_start3A_14, %dma_start3A_15] : memref<32x125x80xi32, #tpu.memory_space<hbm>> -> memref<1x125x80xi32, #tpu.memory_space<hbm>>
      %dma_start3A_17 = tpu.memref_squeeze %dma_start3A_16 : memref<1x125x80xi32, #tpu.memory_space<hbm>> -> memref<125x80xi32, #tpu.memory_space<hbm>>
      tpu.enqueue_dma source(%dma_start3A_17 : memref<125x80xi32, #tpu.memory_space<hbm>>) target(%arg7 : memref<125x80xi32, #tpu.memory_space<vmem>>) target_semaphore(%run_scoped3A : memref<!tpu.dma_semaphore, #tpu.memory_space<semaphore_mem>>)
      %dma_wait3A = arith.constant 0 : i32
      %dma_wait3A_18 = arith.constant 0 : i32
      %dma_wait3A_19 = tpu.memref_slice %arg3[%add3A, %dma_wait3A, %dma_wait3A_18] : memref<32x125x80xi32, #tpu.memory_space<hbm>> -> memref<1x125x80xi32, #tpu.memory_space<hbm>>
      %dma_wait3A_20 = tpu.memref_squeeze %dma_wait3A_19 : memref<1x125x80xi32, #tpu.memory_space<hbm>> -> memref<125x80xi32, #tpu.memory_space<hbm>>
      %dma_wait3A_21 = arith.constant 0 : i32
      %dma_wait3A_22 = arith.constant 0 : i32
      %dma_wait3A_23 = tpu.memref_slice %arg3[%add3A, %dma_wait3A_21, %dma_wait3A_22] : memref<32x125x80xi32, #tpu.memory_space<hbm>> -> memref<1x125x80xi32, #tpu.memory_space<hbm>>
      %dma_wait3A_24 = tpu.memref_squeeze %dma_wait3A_23 : memref<1x125x80xi32, #tpu.memory_space<hbm>> -> memref<125x80xi32, #tpu.memory_space<hbm>>
      tpu.wait_dma2 semaphore(%run_scoped3A : memref<!tpu.dma_semaphore, #tpu.memory_space<semaphore_mem>>) src(%dma_wait3A_24 : memref<125x80xi32, #tpu.memory_space<hbm>>) dst(%arg7 : memref<125x80xi32, #tpu.memory_space<vmem>>)
      tpu.yield
    }) : () -> ()
    "tpu.region"() ({
      %run_scoped3A = tpu.sem_alloc : memref<!tpu.dma_semaphore, #tpu.memory_space<semaphore_mem>>
      %dma_start3A = arith.constant 0 : i32
      %dma_start3A_11 = arith.constant 0 : i32
      %dma_start3A_12 = tpu.memref_slice %arg4[%add3A, %dma_start3A, %dma_start3A_11] : memref<32x125x80xi32, #tpu.memory_space<hbm>> -> memref<1x125x80xi32, #tpu.memory_space<hbm>>
      %dma_start3A_13 = tpu.memref_squeeze %dma_start3A_12 : memref<1x125x80xi32, #tpu.memory_space<hbm>> -> memref<125x80xi32, #tpu.memory_space<hbm>>
      %dma_start3A_14 = arith.constant 0 : i32
      %dma_start3A_15 = arith.constant 0 : i32
      %dma_start3A_16 = tpu.memref_slice %arg4[%add3A, %dma_start3A_14, %dma_start3A_15] : memref<32x125x80xi32, #tpu.memory_space<hbm>> -> memref<1x125x80xi32, #tpu.memory_space<hbm>>
      %dma_start3A_17 = tpu.memref_squeeze %dma_start3A_16 : memref<1x125x80xi32, #tpu.memory_space<hbm>> -> memref<125x80xi32, #tpu.memory_space<hbm>>
      tpu.enqueue_dma source(%dma_start3A_17 : memref<125x80xi32, #tpu.memory_space<hbm>>) target(%arg8 : memref<125x80xi32, #tpu.memory_space<vmem>>) target_semaphore(%run_scoped3A : memref<!tpu.dma_semaphore, #tpu.memory_space<semaphore_mem>>)
      %dma_wait3A = arith.constant 0 : i32
      %dma_wait3A_18 = arith.constant 0 : i32
      %dma_wait3A_19 = tpu.memref_slice %arg4[%add3A, %dma_wait3A, %dma_wait3A_18] : memref<32x125x80xi32, #tpu.memory_space<hbm>> -> memref<1x125x80xi32, #tpu.memory_space<hbm>>
      %dma_wait3A_20 = tpu.memref_squeeze %dma_wait3A_19 : memref<1x125x80xi32, #tpu.memory_space<hbm>> -> memref<125x80xi32, #tpu.memory_space<hbm>>
      %dma_wait3A_21 = arith.constant 0 : i32
      %dma_wait3A_22 = arith.constant 0 : i32
      %dma_wait3A_23 = tpu.memref_slice %arg4[%add3A, %dma_wait3A_21, %dma_wait3A_22] : memref<32x125x80xi32, #tpu.memory_space<hbm>> -> memref<1x125x80xi32, #tpu.memory_space<hbm>>
      %dma_wait3A_24 = tpu.memref_squeeze %dma_wait3A_23 : memref<1x125x80xi32, #tpu.memory_space<hbm>> -> memref<125x80xi32, #tpu.memory_space<hbm>>
      tpu.wait_dma2 semaphore(%run_scoped3A : memref<!tpu.dma_semaphore, #tpu.memory_space<semaphore_mem>>) src(%dma_wait3A_24 : memref<125x80xi32, #tpu.memory_space<hbm>>) dst(%arg8 : memref<125x80xi32, #tpu.memory_space<vmem>>)
      tpu.yield
    }) : () -> ()
    %barrier3A = arith.constant 0 : index
    tpu.barrier barrier_id(%barrier3A)
    %scan3A = arith.constant 0 : i32
    %scan3A_3 = arith.constant 25 : i32
    %scan3A_4 = arith.addi %scan3A, %scan3A_3 : i32
    %scan3A_5 = arith.constant 1 : i32
    scf.for %scan3A_11 = %scan3A to %scan3A_4 step %scan3A_5  : i32 {
      %mul3A_12 = arith.constant 5 : i32
      %mul3A_13 = arith.muli %scan3A_11, %mul3A_12 : i32
      %add3A_14 = arith.constant 0 : i32
      %add3A_15 = arith.addi %mul3A_13, %add3A_14 : i32
      %dma_start3A = arith.constant 0 : i32
      %dma_start3A_16 = arith.constant 0 : i32
      %dma_start3A_17 = arith.constant 0 : i32
      %dma_start3A_18 = tpu.memref_slice %arg9[%dma_start3A, %dma_start3A_16, %dma_start3A_17] : memref<5x80x64xf32, #tpu.memory_space<vmem>> -> memref<1x80x64xf32, #tpu.memory_space<vmem>>
      %dma_start3A_19 = tpu.memref_squeeze %dma_start3A_18 : memref<1x80x64xf32, #tpu.memory_space<vmem>> -> memref<80x64xf32, #tpu.memory_space<vmem>>
      %dma_start3A_20 = arith.constant 0 : i32
      %dma_start3A_21 = tpu.memref_slice %arg7[%add3A_15, %dma_start3A_20] : memref<125x80xi32, #tpu.memory_space<vmem>> -> memref<1x80xi32, #tpu.memory_space<vmem>>
      %dma_start3A_22 = tpu.memref_squeeze %dma_start3A_21 : memref<1x80xi32, #tpu.memory_space<vmem>> -> memref<80xi32, #tpu.memory_space<vmem>>
      %dma_start3A_23 = arith.constant 0 : i32
      %dma_start3A_24 = arith.constant 0 : i32
      %dma_start3A_25 = tpu.memref_slice %arg2[%dma_start3A_23, %dma_start3A_24] : memref<10000x64xf32, #tpu.memory_space<hbm>> -> memref<10000x64xf32, #tpu.memory_space<hbm>>
      tpu.enqueue_indirect_dma source(%dma_start3A_25 : memref<10000x64xf32, #tpu.memory_space<hbm>>) target(%dma_start3A_19 : memref<80x64xf32, #tpu.memory_space<vmem>>) offsets(%dma_start3A_22 : memref<80xi32, #tpu.memory_space<vmem>>) semaphore(%arg11 : memref<!tpu.dma_semaphore, #tpu.memory_space<semaphore_mem>>)
      %add3A_26 = arith.constant 1 : i32
      %add3A_27 = arith.addi %mul3A_13, %add3A_26 : i32
      %dma_start3A_28 = arith.constant 1 : i32
      %dma_start3A_29 = arith.constant 0 : i32
      %dma_start3A_30 = arith.constant 0 : i32
      %dma_start3A_31 = tpu.memref_slice %arg9[%dma_start3A_28, %dma_start3A_29, %dma_start3A_30] : memref<5x80x64xf32, #tpu.memory_space<vmem>> -> memref<1x80x64xf32, #tpu.memory_space<vmem>>
      %dma_start3A_32 = tpu.memref_squeeze %dma_start3A_31 : memref<1x80x64xf32, #tpu.memory_space<vmem>> -> memref<80x64xf32, #tpu.memory_space<vmem>>
      %dma_start3A_33 = arith.constant 0 : i32
      %dma_start3A_34 = tpu.memref_slice %arg7[%add3A_27, %dma_start3A_33] : memref<125x80xi32, #tpu.memory_space<vmem>> -> memref<1x80xi32, #tpu.memory_space<vmem>>
      %dma_start3A_35 = tpu.memref_squeeze %dma_start3A_34 : memref<1x80xi32, #tpu.memory_space<vmem>> -> memref<80xi32, #tpu.memory_space<vmem>>
      %dma_start3A_36 = arith.constant 0 : i32
      %dma_start3A_37 = arith.constant 0 : i32
      %dma_start3A_38 = tpu.memref_slice %arg2[%dma_start3A_36, %dma_start3A_37] : memref<10000x64xf32, #tpu.memory_space<hbm>> -> memref<10000x64xf32, #tpu.memory_space<hbm>>
      tpu.enqueue_indirect_dma source(%dma_start3A_38 : memref<10000x64xf32, #tpu.memory_space<hbm>>) target(%dma_start3A_32 : memref<80x64xf32, #tpu.memory_space<vmem>>) offsets(%dma_start3A_35 : memref<80xi32, #tpu.memory_space<vmem>>) semaphore(%arg11 : memref<!tpu.dma_semaphore, #tpu.memory_space<semaphore_mem>>)
      %add3A_39 = arith.constant 2 : i32
      %add3A_40 = arith.addi %mul3A_13, %add3A_39 : i32
      %dma_start3A_41 = arith.constant 2 : i32
      %dma_start3A_42 = arith.constant 0 : i32
      %dma_start3A_43 = arith.constant 0 : i32
      %dma_start3A_44 = tpu.memref_slice %arg9[%dma_start3A_41, %dma_start3A_42, %dma_start3A_43] : memref<5x80x64xf32, #tpu.memory_space<vmem>> -> memref<1x80x64xf32, #tpu.memory_space<vmem>>
      %dma_start3A_45 = tpu.memref_squeeze %dma_start3A_44 : memref<1x80x64xf32, #tpu.memory_space<vmem>> -> memref<80x64xf32, #tpu.memory_space<vmem>>
      %dma_start3A_46 = arith.constant 0 : i32
      %dma_start3A_47 = tpu.memref_slice %arg7[%add3A_40, %dma_start3A_46] : memref<125x80xi32, #tpu.memory_space<vmem>> -> memref<1x80xi32, #tpu.memory_space<vmem>>
      %dma_start3A_48 = tpu.memref_squeeze %dma_start3A_47 : memref<1x80xi32, #tpu.memory_space<vmem>> -> memref<80xi32, #tpu.memory_space<vmem>>
      %dma_start3A_49 = arith.constant 0 : i32
      %dma_start3A_50 = arith.constant 0 : i32
      %dma_start3A_51 = tpu.memref_slice %arg2[%dma_start3A_49, %dma_start3A_50] : memref<10000x64xf32, #tpu.memory_space<hbm>> -> memref<10000x64xf32, #tpu.memory_space<hbm>>
      tpu.enqueue_indirect_dma source(%dma_start3A_51 : memref<10000x64xf32, #tpu.memory_space<hbm>>) target(%dma_start3A_45 : memref<80x64xf32, #tpu.memory_space<vmem>>) offsets(%dma_start3A_48 : memref<80xi32, #tpu.memory_space<vmem>>) semaphore(%arg11 : memref<!tpu.dma_semaphore, #tpu.memory_space<semaphore_mem>>)
      %add3A_52 = arith.constant 3 : i32
      %add3A_53 = arith.addi %mul3A_13, %add3A_52 : i32
      %dma_start3A_54 = arith.constant 3 : i32
      %dma_start3A_55 = arith.constant 0 : i32
      %dma_start3A_56 = arith.constant 0 : i32
      %dma_start3A_57 = tpu.memref_slice %arg9[%dma_start3A_54, %dma_start3A_55, %dma_start3A_56] : memref<5x80x64xf32, #tpu.memory_space<vmem>> -> memref<1x80x64xf32, #tpu.memory_space<vmem>>
      %dma_start3A_58 = tpu.memref_squeeze %dma_start3A_57 : memref<1x80x64xf32, #tpu.memory_space<vmem>> -> memref<80x64xf32, #tpu.memory_space<vmem>>
      %dma_start3A_59 = arith.constant 0 : i32
      %dma_start3A_60 = tpu.memref_slice %arg7[%add3A_53, %dma_start3A_59] : memref<125x80xi32, #tpu.memory_space<vmem>> -> memref<1x80xi32, #tpu.memory_space<vmem>>
      %dma_start3A_61 = tpu.memref_squeeze %dma_start3A_60 : memref<1x80xi32, #tpu.memory_space<vmem>> -> memref<80xi32, #tpu.memory_space<vmem>>
      %dma_start3A_62 = arith.constant 0 : i32
      %dma_start3A_63 = arith.constant 0 : i32
      %dma_start3A_64 = tpu.memref_slice %arg2[%dma_start3A_62, %dma_start3A_63] : memref<10000x64xf32, #tpu.memory_space<hbm>> -> memref<10000x64xf32, #tpu.memory_space<hbm>>
      tpu.enqueue_indirect_dma source(%dma_start3A_64 : memref<10000x64xf32, #tpu.memory_space<hbm>>) target(%dma_start3A_58 : memref<80x64xf32, #tpu.memory_space<vmem>>) offsets(%dma_start3A_61 : memref<80xi32, #tpu.memory_space<vmem>>) semaphore(%arg11 : memref<!tpu.dma_semaphore, #tpu.memory_space<semaphore_mem>>)
      %add3A_65 = arith.constant 4 : i32
      %add3A_66 = arith.addi %mul3A_13, %add3A_65 : i32
      %dma_start3A_67 = arith.constant 4 : i32
      %dma_start3A_68 = arith.constant 0 : i32
      %dma_start3A_69 = arith.constant 0 : i32
      %dma_start3A_70 = tpu.memref_slice %arg9[%dma_start3A_67, %dma_start3A_68, %dma_start3A_69] : memref<5x80x64xf32, #tpu.memory_space<vmem>> -> memref<1x80x64xf32, #tpu.memory_space<vmem>>
      %dma_start3A_71 = tpu.memref_squeeze %dma_start3A_70 : memref<1x80x64xf32, #tpu.memory_space<vmem>> -> memref<80x64xf32, #tpu.memory_space<vmem>>
      %dma_start3A_72 = arith.constant 0 : i32
      %dma_start3A_73 = tpu.memref_slice %arg7[%add3A_66, %dma_start3A_72] : memref<125x80xi32, #tpu.memory_space<vmem>> -> memref<1x80xi32, #tpu.memory_space<vmem>>
      %dma_start3A_74 = tpu.memref_squeeze %dma_start3A_73 : memref<1x80xi32, #tpu.memory_space<vmem>> -> memref<80xi32, #tpu.memory_space<vmem>>
      %dma_start3A_75 = arith.constant 0 : i32
      %dma_start3A_76 = arith.constant 0 : i32
      %dma_start3A_77 = tpu.memref_slice %arg2[%dma_start3A_75, %dma_start3A_76] : memref<10000x64xf32, #tpu.memory_space<hbm>> -> memref<10000x64xf32, #tpu.memory_space<hbm>>
      tpu.enqueue_indirect_dma source(%dma_start3A_77 : memref<10000x64xf32, #tpu.memory_space<hbm>>) target(%dma_start3A_71 : memref<80x64xf32, #tpu.memory_space<vmem>>) offsets(%dma_start3A_74 : memref<80xi32, #tpu.memory_space<vmem>>) semaphore(%arg11 : memref<!tpu.dma_semaphore, #tpu.memory_space<semaphore_mem>>)
      %dma_wait3A = arith.constant 0 : i32
      %dma_wait3A_78 = arith.constant 0 : i32
      %dma_wait3A_79 = arith.constant 0 : i32
      %dma_wait3A_80 = tpu.memref_slice %arg9[%dma_wait3A, %dma_wait3A_78, %dma_wait3A_79] : memref<5x80x64xf32, #tpu.memory_space<vmem>> -> memref<1x80x64xf32, #tpu.memory_space<vmem>>
      %dma_wait3A_81 = tpu.memref_squeeze %dma_wait3A_80 : memref<1x80x64xf32, #tpu.memory_space<vmem>> -> memref<80x64xf32, #tpu.memory_space<vmem>>
      %dma_wait3A_82 = arith.constant 0 : i32
      %dma_wait3A_83 = tpu.memref_slice %arg7[%add3A_15, %dma_wait3A_82] : memref<125x80xi32, #tpu.memory_space<vmem>> -> memref<1x80xi32, #tpu.memory_space<vmem>>
      %dma_wait3A_84 = tpu.memref_squeeze %dma_wait3A_83 : memref<1x80xi32, #tpu.memory_space<vmem>> -> memref<80xi32, #tpu.memory_space<vmem>>
      %dma_wait3A_85 = arith.constant 0 : i32
      %dma_wait3A_86 = arith.constant 0 : i32
      %dma_wait3A_87 = tpu.memref_slice %arg2[%dma_wait3A_85, %dma_wait3A_86] : memref<10000x64xf32, #tpu.memory_space<hbm>> -> memref<10000x64xf32, #tpu.memory_space<hbm>>
      tpu.wait_indirect_dma semaphore(%arg11 : memref<!tpu.dma_semaphore, #tpu.memory_space<semaphore_mem>>) src(%dma_wait3A_87 : memref<10000x64xf32, #tpu.memory_space<hbm>>) dst(%dma_wait3A_81 : memref<80x64xf32, #tpu.memory_space<vmem>>)
      %dma_wait3A_88 = arith.constant 1 : i32
      %dma_wait3A_89 = arith.constant 0 : i32
      %dma_wait3A_90 = arith.constant 0 : i32
      %dma_wait3A_91 = tpu.memref_slice %arg9[%dma_wait3A_88, %dma_wait3A_89, %dma_wait3A_90] : memref<5x80x64xf32, #tpu.memory_space<vmem>> -> memref<1x80x64xf32, #tpu.memory_space<vmem>>
      %dma_wait3A_92 = tpu.memref_squeeze %dma_wait3A_91 : memref<1x80x64xf32, #tpu.memory_space<vmem>> -> memref<80x64xf32, #tpu.memory_space<vmem>>
      %dma_wait3A_93 = arith.constant 0 : i32
      %dma_wait3A_94 = tpu.memref_slice %arg7[%add3A_27, %dma_wait3A_93] : memref<125x80xi32, #tpu.memory_space<vmem>> -> memref<1x80xi32, #tpu.memory_space<vmem>>
      %dma_wait3A_95 = tpu.memref_squeeze %dma_wait3A_94 : memref<1x80xi32, #tpu.memory_space<vmem>> -> memref<80xi32, #tpu.memory_space<vmem>>
      %dma_wait3A_96 = arith.constant 0 : i32
      %dma_wait3A_97 = arith.constant 0 : i32
      %dma_wait3A_98 = tpu.memref_slice %arg2[%dma_wait3A_96, %dma_wait3A_97] : memref<10000x64xf32, #tpu.memory_space<hbm>> -> memref<10000x64xf32, #tpu.memory_space<hbm>>
      tpu.wait_indirect_dma semaphore(%arg11 : memref<!tpu.dma_semaphore, #tpu.memory_space<semaphore_mem>>) src(%dma_wait3A_98 : memref<10000x64xf32, #tpu.memory_space<hbm>>) dst(%dma_wait3A_92 : memref<80x64xf32, #tpu.memory_space<vmem>>)
      %dma_wait3A_99 = arith.constant 2 : i32
      %dma_wait3A_100 = arith.constant 0 : i32
      %dma_wait3A_101 = arith.constant 0 : i32
      %dma_wait3A_102 = tpu.memref_slice %arg9[%dma_wait3A_99, %dma_wait3A_100, %dma_wait3A_101] : memref<5x80x64xf32, #tpu.memory_space<vmem>> -> memref<1x80x64xf32, #tpu.memory_space<vmem>>
      %dma_wait3A_103 = tpu.memref_squeeze %dma_wait3A_102 : memref<1x80x64xf32, #tpu.memory_space<vmem>> -> memref<80x64xf32, #tpu.memory_space<vmem>>
      %dma_wait3A_104 = arith.constant 0 : i32
      %dma_wait3A_105 = tpu.memref_slice %arg7[%add3A_40, %dma_wait3A_104] : memref<125x80xi32, #tpu.memory_space<vmem>> -> memref<1x80xi32, #tpu.memory_space<vmem>>
      %dma_wait3A_106 = tpu.memref_squeeze %dma_wait3A_105 : memref<1x80xi32, #tpu.memory_space<vmem>> -> memref<80xi32, #tpu.memory_space<vmem>>
      %dma_wait3A_107 = arith.constant 0 : i32
      %dma_wait3A_108 = arith.constant 0 : i32
      %dma_wait3A_109 = tpu.memref_slice %arg2[%dma_wait3A_107, %dma_wait3A_108] : memref<10000x64xf32, #tpu.memory_space<hbm>> -> memref<10000x64xf32, #tpu.memory_space<hbm>>
      tpu.wait_indirect_dma semaphore(%arg11 : memref<!tpu.dma_semaphore, #tpu.memory_space<semaphore_mem>>) src(%dma_wait3A_109 : memref<10000x64xf32, #tpu.memory_space<hbm>>) dst(%dma_wait3A_103 : memref<80x64xf32, #tpu.memory_space<vmem>>)
      %dma_wait3A_110 = arith.constant 3 : i32
      %dma_wait3A_111 = arith.constant 0 : i32
      %dma_wait3A_112 = arith.constant 0 : i32
      %dma_wait3A_113 = tpu.memref_slice %arg9[%dma_wait3A_110, %dma_wait3A_111, %dma_wait3A_112] : memref<5x80x64xf32, #tpu.memory_space<vmem>> -> memref<1x80x64xf32, #tpu.memory_space<vmem>>
      %dma_wait3A_114 = tpu.memref_squeeze %dma_wait3A_113 : memref<1x80x64xf32, #tpu.memory_space<vmem>> -> memref<80x64xf32, #tpu.memory_space<vmem>>
      %dma_wait3A_115 = arith.constant 0 : i32
      %dma_wait3A_116 = tpu.memref_slice %arg7[%add3A_53, %dma_wait3A_115] : memref<125x80xi32, #tpu.memory_space<vmem>> -> memref<1x80xi32, #tpu.memory_space<vmem>>
      %dma_wait3A_117 = tpu.memref_squeeze %dma_wait3A_116 : memref<1x80xi32, #tpu.memory_space<vmem>> -> memref<80xi32, #tpu.memory_space<vmem>>
      %dma_wait3A_118 = arith.constant 0 : i32
      %dma_wait3A_119 = arith.constant 0 : i32
      %dma_wait3A_120 = tpu.memref_slice %arg2[%dma_wait3A_118, %dma_wait3A_119] : memref<10000x64xf32, #tpu.memory_space<hbm>> -> memref<10000x64xf32, #tpu.memory_space<hbm>>
      tpu.wait_indirect_dma semaphore(%arg11 : memref<!tpu.dma_semaphore, #tpu.memory_space<semaphore_mem>>) src(%dma_wait3A_120 : memref<10000x64xf32, #tpu.memory_space<hbm>>) dst(%dma_wait3A_114 : memref<80x64xf32, #tpu.memory_space<vmem>>)
      %dma_wait3A_121 = arith.constant 4 : i32
      %dma_wait3A_122 = arith.constant 0 : i32
      %dma_wait3A_123 = arith.constant 0 : i32
      %dma_wait3A_124 = tpu.memref_slice %arg9[%dma_wait3A_121, %dma_wait3A_122, %dma_wait3A_123] : memref<5x80x64xf32, #tpu.memory_space<vmem>> -> memref<1x80x64xf32, #tpu.memory_space<vmem>>
      %dma_wait3A_125 = tpu.memref_squeeze %dma_wait3A_124 : memref<1x80x64xf32, #tpu.memory_space<vmem>> -> memref<80x64xf32, #tpu.memory_space<vmem>>
      %dma_wait3A_126 = arith.constant 0 : i32
      %dma_wait3A_127 = tpu.memref_slice %arg7[%add3A_66, %dma_wait3A_126] : memref<125x80xi32, #tpu.memory_space<vmem>> -> memref<1x80xi32, #tpu.memory_space<vmem>>
      %dma_wait3A_128 = tpu.memref_squeeze %dma_wait3A_127 : memref<1x80xi32, #tpu.memory_space<vmem>> -> memref<80xi32, #tpu.memory_space<vmem>>
      %dma_wait3A_129 = arith.constant 0 : i32
      %dma_wait3A_130 = arith.constant 0 : i32
      %dma_wait3A_131 = tpu.memref_slice %arg2[%dma_wait3A_129, %dma_wait3A_130] : memref<10000x64xf32, #tpu.memory_space<hbm>> -> memref<10000x64xf32, #tpu.memory_space<hbm>>
      tpu.wait_indirect_dma semaphore(%arg11 : memref<!tpu.dma_semaphore, #tpu.memory_space<semaphore_mem>>) src(%dma_wait3A_131 : memref<10000x64xf32, #tpu.memory_space<hbm>>) dst(%dma_wait3A_125 : memref<80x64xf32, #tpu.memory_space<vmem>>)
      %add3A_132 = arith.constant 0 : i32
      %add3A_133 = arith.addi %mul3A_13, %add3A_132 : i32
      %dma_start3A_134 = arith.constant 0 : i32
      %dma_start3A_135 = arith.constant 0 : i32
      %dma_start3A_136 = arith.constant 0 : i32
      %dma_start3A_137 = tpu.memref_slice %arg9[%dma_start3A_134, %dma_start3A_135, %dma_start3A_136] : memref<5x80x64xf32, #tpu.memory_space<vmem>> -> memref<1x80x64xf32, #tpu.memory_space<vmem>>
      %dma_start3A_138 = tpu.memref_squeeze %dma_start3A_137 : memref<1x80x64xf32, #tpu.memory_space<vmem>> -> memref<80x64xf32, #tpu.memory_space<vmem>>
      %dma_start3A_139 = arith.constant 0 : i32
      %dma_start3A_140 = tpu.memref_slice %arg8[%add3A_133, %dma_start3A_139] : memref<125x80xi32, #tpu.memory_space<vmem>> -> memref<1x80xi32, #tpu.memory_space<vmem>>
      %dma_start3A_141 = tpu.memref_squeeze %dma_start3A_140 : memref<1x80xi32, #tpu.memory_space<vmem>> -> memref<80xi32, #tpu.memory_space<vmem>>
      %dma_start3A_142 = arith.constant 0 : i32
      %dma_start3A_143 = arith.constant 0 : i32
      %dma_start3A_144 = tpu.memref_slice %arg10[%dma_start3A_142, %dma_start3A_143] : memref<10240x64xf32, #tpu.memory_space<vmem_shared>> -> memref<10240x64xf32, #tpu.memory_space<vmem_shared>>
      tpu.enqueue_indirect_dma source(%dma_start3A_138 : memref<80x64xf32, #tpu.memory_space<vmem>>) target(%dma_start3A_144 : memref<10240x64xf32, #tpu.memory_space<vmem_shared>>) offsets(%dma_start3A_141 : memref<80xi32, #tpu.memory_space<vmem>>) semaphore(%arg12 : memref<!tpu.dma_semaphore, #tpu.memory_space<semaphore_mem>>) {add = true}
      %add3A_145 = arith.constant 1 : i32
      %add3A_146 = arith.addi %mul3A_13, %add3A_145 : i32
      %dma_start3A_147 = arith.constant 1 : i32
      %dma_start3A_148 = arith.constant 0 : i32
      %dma_start3A_149 = arith.constant 0 : i32
      %dma_start3A_150 = tpu.memref_slice %arg9[%dma_start3A_147, %dma_start3A_148, %dma_start3A_149] : memref<5x80x64xf32, #tpu.memory_space<vmem>> -> memref<1x80x64xf32, #tpu.memory_space<vmem>>
      %dma_start3A_151 = tpu.memref_squeeze %dma_start3A_150 : memref<1x80x64xf32, #tpu.memory_space<vmem>> -> memref<80x64xf32, #tpu.memory_space<vmem>>
      %dma_start3A_152 = arith.constant 0 : i32
      %dma_start3A_153 = tpu.memref_slice %arg8[%add3A_146, %dma_start3A_152] : memref<125x80xi32, #tpu.memory_space<vmem>> -> memref<1x80xi32, #tpu.memory_space<vmem>>
      %dma_start3A_154 = tpu.memref_squeeze %dma_start3A_153 : memref<1x80xi32, #tpu.memory_space<vmem>> -> memref<80xi32, #tpu.memory_space<vmem>>
      %dma_start3A_155 = arith.constant 0 : i32
      %dma_start3A_156 = arith.constant 0 : i32
      %dma_start3A_157 = tpu.memref_slice %arg10[%dma_start3A_155, %dma_start3A_156] : memref<10240x64xf32, #tpu.memory_space<vmem_shared>> -> memref<10240x64xf32, #tpu.memory_space<vmem_shared>>
      tpu.enqueue_indirect_dma source(%dma_start3A_151 : memref<80x64xf32, #tpu.memory_space<vmem>>) target(%dma_start3A_157 : memref<10240x64xf32, #tpu.memory_space<vmem_shared>>) offsets(%dma_start3A_154 : memref<80xi32, #tpu.memory_space<vmem>>) semaphore(%arg12 : memref<!tpu.dma_semaphore, #tpu.memory_space<semaphore_mem>>) {add = true}
      %add3A_158 = arith.constant 2 : i32
      %add3A_159 = arith.addi %mul3A_13, %add3A_158 : i32
      %dma_start3A_160 = arith.constant 2 : i32
      %dma_start3A_161 = arith.constant 0 : i32
      %dma_start3A_162 = arith.constant 0 : i32
      %dma_start3A_163 = tpu.memref_slice %arg9[%dma_start3A_160, %dma_start3A_161, %dma_start3A_162] : memref<5x80x64xf32, #tpu.memory_space<vmem>> -> memref<1x80x64xf32, #tpu.memory_space<vmem>>
      %dma_start3A_164 = tpu.memref_squeeze %dma_start3A_163 : memref<1x80x64xf32, #tpu.memory_space<vmem>> -> memref<80x64xf32, #tpu.memory_space<vmem>>
      %dma_start3A_165 = arith.constant 0 : i32
      %dma_start3A_166 = tpu.memref_slice %arg8[%add3A_159, %dma_start3A_165] : memref<125x80xi32, #tpu.memory_space<vmem>> -> memref<1x80xi32, #tpu.memory_space<vmem>>
      %dma_start3A_167 = tpu.memref_squeeze %dma_start3A_166 : memref<1x80xi32, #tpu.memory_space<vmem>> -> memref<80xi32, #tpu.memory_space<vmem>>
      %dma_start3A_168 = arith.constant 0 : i32
      %dma_start3A_169 = arith.constant 0 : i32
      %dma_start3A_170 = tpu.memref_slice %arg10[%dma_start3A_168, %dma_start3A_169] : memref<10240x64xf32, #tpu.memory_space<vmem_shared>> -> memref<10240x64xf32, #tpu.memory_space<vmem_shared>>
      tpu.enqueue_indirect_dma source(%dma_start3A_164 : memref<80x64xf32, #tpu.memory_space<vmem>>) target(%dma_start3A_170 : memref<10240x64xf32, #tpu.memory_space<vmem_shared>>) offsets(%dma_start3A_167 : memref<80xi32, #tpu.memory_space<vmem>>) semaphore(%arg12 : memref<!tpu.dma_semaphore, #tpu.memory_space<semaphore_mem>>) {add = true}
      %add3A_171 = arith.constant 3 : i32
      %add3A_172 = arith.addi %mul3A_13, %add3A_171 : i32
      %dma_start3A_173 = arith.constant 3 : i32
      %dma_start3A_174 = arith.constant 0 : i32
      %dma_start3A_175 = arith.constant 0 : i32
      %dma_start3A_176 = tpu.memref_slice %arg9[%dma_start3A_173, %dma_start3A_174, %dma_start3A_175] : memref<5x80x64xf32, #tpu.memory_space<vmem>> -> memref<1x80x64xf32, #tpu.memory_space<vmem>>
      %dma_start3A_177 = tpu.memref_squeeze %dma_start3A_176 : memref<1x80x64xf32, #tpu.memory_space<vmem>> -> memref<80x64xf32, #tpu.memory_space<vmem>>
      %dma_start3A_178 = arith.constant 0 : i32
      %dma_start3A_179 = tpu.memref_slice %arg8[%add3A_172, %dma_start3A_178] : memref<125x80xi32, #tpu.memory_space<vmem>> -> memref<1x80xi32, #tpu.memory_space<vmem>>
      %dma_start3A_180 = tpu.memref_squeeze %dma_start3A_179 : memref<1x80xi32, #tpu.memory_space<vmem>> -> memref<80xi32, #tpu.memory_space<vmem>>
      %dma_start3A_181 = arith.constant 0 : i32
      %dma_start3A_182 = arith.constant 0 : i32
      %dma_start3A_183 = tpu.memref_slice %arg10[%dma_start3A_181, %dma_start3A_182] : memref<10240x64xf32, #tpu.memory_space<vmem_shared>> -> memref<10240x64xf32, #tpu.memory_space<vmem_shared>>
      tpu.enqueue_indirect_dma source(%dma_start3A_177 : memref<80x64xf32, #tpu.memory_space<vmem>>) target(%dma_start3A_183 : memref<10240x64xf32, #tpu.memory_space<vmem_shared>>) offsets(%dma_start3A_180 : memref<80xi32, #tpu.memory_space<vmem>>) semaphore(%arg12 : memref<!tpu.dma_semaphore, #tpu.memory_space<semaphore_mem>>) {add = true}
      %add3A_184 = arith.constant 4 : i32
      %add3A_185 = arith.addi %mul3A_13, %add3A_184 : i32
      %dma_start3A_186 = arith.constant 4 : i32
      %dma_start3A_187 = arith.constant 0 : i32
      %dma_start3A_188 = arith.constant 0 : i32
      %dma_start3A_189 = tpu.memref_slice %arg9[%dma_start3A_186, %dma_start3A_187, %dma_start3A_188] : memref<5x80x64xf32, #tpu.memory_space<vmem>> -> memref<1x80x64xf32, #tpu.memory_space<vmem>>
      %dma_start3A_190 = tpu.memref_squeeze %dma_start3A_189 : memref<1x80x64xf32, #tpu.memory_space<vmem>> -> memref<80x64xf32, #tpu.memory_space<vmem>>
      %dma_start3A_191 = arith.constant 0 : i32
      %dma_start3A_192 = tpu.memref_slice %arg8[%add3A_185, %dma_start3A_191] : memref<125x80xi32, #tpu.memory_space<vmem>> -> memref<1x80xi32, #tpu.memory_space<vmem>>
      %dma_start3A_193 = tpu.memref_squeeze %dma_start3A_192 : memref<1x80xi32, #tpu.memory_space<vmem>> -> memref<80xi32, #tpu.memory_space<vmem>>
      %dma_start3A_194 = arith.constant 0 : i32
      %dma_start3A_195 = arith.constant 0 : i32
      %dma_start3A_196 = tpu.memref_slice %arg10[%dma_start3A_194, %dma_start3A_195] : memref<10240x64xf32, #tpu.memory_space<vmem_shared>> -> memref<10240x64xf32, #tpu.memory_space<vmem_shared>>
      tpu.enqueue_indirect_dma source(%dma_start3A_190 : memref<80x64xf32, #tpu.memory_space<vmem>>) target(%dma_start3A_196 : memref<10240x64xf32, #tpu.memory_space<vmem_shared>>) offsets(%dma_start3A_193 : memref<80xi32, #tpu.memory_space<vmem>>) semaphore(%arg12 : memref<!tpu.dma_semaphore, #tpu.memory_space<semaphore_mem>>) {add = true}
      %dma_wait3A_197 = arith.constant 0 : i32
      %dma_wait3A_198 = arith.constant 0 : i32
      %dma_wait3A_199 = arith.constant 0 : i32
      %dma_wait3A_200 = tpu.memref_slice %arg9[%dma_wait3A_197, %dma_wait3A_198, %dma_wait3A_199] : memref<5x80x64xf32, #tpu.memory_space<vmem>> -> memref<1x80x64xf32, #tpu.memory_space<vmem>>
      %dma_wait3A_201 = tpu.memref_squeeze %dma_wait3A_200 : memref<1x80x64xf32, #tpu.memory_space<vmem>> -> memref<80x64xf32, #tpu.memory_space<vmem>>
      %dma_wait3A_202 = arith.constant 0 : i32
      %dma_wait3A_203 = tpu.memref_slice %arg8[%add3A_133, %dma_wait3A_202] : memref<125x80xi32, #tpu.memory_space<vmem>> -> memref<1x80xi32, #tpu.memory_space<vmem>>
      %dma_wait3A_204 = tpu.memref_squeeze %dma_wait3A_203 : memref<1x80xi32, #tpu.memory_space<vmem>> -> memref<80xi32, #tpu.memory_space<vmem>>
      %dma_wait3A_205 = arith.constant 0 : i32
      %dma_wait3A_206 = arith.constant 0 : i32
      %dma_wait3A_207 = tpu.memref_slice %arg10[%dma_wait3A_205, %dma_wait3A_206] : memref<10240x64xf32, #tpu.memory_space<vmem_shared>> -> memref<10240x64xf32, #tpu.memory_space<vmem_shared>>
      tpu.wait_indirect_dma semaphore(%arg12 : memref<!tpu.dma_semaphore, #tpu.memory_space<semaphore_mem>>) src(%dma_wait3A_201 : memref<80x64xf32, #tpu.memory_space<vmem>>) dst(%dma_wait3A_207 : memref<10240x64xf32, #tpu.memory_space<vmem_shared>>)
      %dma_wait3A_208 = arith.constant 1 : i32
      %dma_wait3A_209 = arith.constant 0 : i32
      %dma_wait3A_210 = arith.constant 0 : i32
      %dma_wait3A_211 = tpu.memref_slice %arg9[%dma_wait3A_208, %dma_wait3A_209, %dma_wait3A_210] : memref<5x80x64xf32, #tpu.memory_space<vmem>> -> memref<1x80x64xf32, #tpu.memory_space<vmem>>
      %dma_wait3A_212 = tpu.memref_squeeze %dma_wait3A_211 : memref<1x80x64xf32, #tpu.memory_space<vmem>> -> memref<80x64xf32, #tpu.memory_space<vmem>>
      %dma_wait3A_213 = arith.constant 0 : i32
      %dma_wait3A_214 = tpu.memref_slice %arg8[%add3A_146, %dma_wait3A_213] : memref<125x80xi32, #tpu.memory_space<vmem>> -> memref<1x80xi32, #tpu.memory_space<vmem>>
      %dma_wait3A_215 = tpu.memref_squeeze %dma_wait3A_214 : memref<1x80xi32, #tpu.memory_space<vmem>> -> memref<80xi32, #tpu.memory_space<vmem>>
      %dma_wait3A_216 = arith.constant 0 : i32
      %dma_wait3A_217 = arith.constant 0 : i32
      %dma_wait3A_218 = tpu.memref_slice %arg10[%dma_wait3A_216, %dma_wait3A_217] : memref<10240x64xf32, #tpu.memory_space<vmem_shared>> -> memref<10240x64xf32, #tpu.memory_space<vmem_shared>>
      tpu.wait_indirect_dma semaphore(%arg12 : memref<!tpu.dma_semaphore, #tpu.memory_space<semaphore_mem>>) src(%dma_wait3A_212 : memref<80x64xf32, #tpu.memory_space<vmem>>) dst(%dma_wait3A_218 : memref<10240x64xf32, #tpu.memory_space<vmem_shared>>)
      %dma_wait3A_219 = arith.constant 2 : i32
      %dma_wait3A_220 = arith.constant 0 : i32
      %dma_wait3A_221 = arith.constant 0 : i32
      %dma_wait3A_222 = tpu.memref_slice %arg9[%dma_wait3A_219, %dma_wait3A_220, %dma_wait3A_221] : memref<5x80x64xf32, #tpu.memory_space<vmem>> -> memref<1x80x64xf32, #tpu.memory_space<vmem>>
      %dma_wait3A_223 = tpu.memref_squeeze %dma_wait3A_222 : memref<1x80x64xf32, #tpu.memory_space<vmem>> -> memref<80x64xf32, #tpu.memory_space<vmem>>
      %dma_wait3A_224 = arith.constant 0 : i32
      %dma_wait3A_225 = tpu.memref_slice %arg8[%add3A_159, %dma_wait3A_224] : memref<125x80xi32, #tpu.memory_space<vmem>> -> memref<1x80xi32, #tpu.memory_space<vmem>>
      %dma_wait3A_226 = tpu.memref_squeeze %dma_wait3A_225 : memref<1x80xi32, #tpu.memory_space<vmem>> -> memref<80xi32, #tpu.memory_space<vmem>>
      %dma_wait3A_227 = arith.constant 0 : i32
      %dma_wait3A_228 = arith.constant 0 : i32
      %dma_wait3A_229 = tpu.memref_slice %arg10[%dma_wait3A_227, %dma_wait3A_228] : memref<10240x64xf32, #tpu.memory_space<vmem_shared>> -> memref<10240x64xf32, #tpu.memory_space<vmem_shared>>
      tpu.wait_indirect_dma semaphore(%arg12 : memref<!tpu.dma_semaphore, #tpu.memory_space<semaphore_mem>>) src(%dma_wait3A_223 : memref<80x64xf32, #tpu.memory_space<vmem>>) dst(%dma_wait3A_229 : memref<10240x64xf32, #tpu.memory_space<vmem_shared>>)
      %dma_wait3A_230 = arith.constant 3 : i32
      %dma_wait3A_231 = arith.constant 0 : i32
      %dma_wait3A_232 = arith.constant 0 : i32
      %dma_wait3A_233 = tpu.memref_slice %arg9[%dma_wait3A_230, %dma_wait3A_231, %dma_wait3A_232] : memref<5x80x64xf32, #tpu.memory_space<vmem>> -> memref<1x80x64xf32, #tpu.memory_space<vmem>>
      %dma_wait3A_234 = tpu.memref_squeeze %dma_wait3A_233 : memref<1x80x64xf32, #tpu.memory_space<vmem>> -> memref<80x64xf32, #tpu.memory_space<vmem>>
      %dma_wait3A_235 = arith.constant 0 : i32
      %dma_wait3A_236 = tpu.memref_slice %arg8[%add3A_172, %dma_wait3A_235] : memref<125x80xi32, #tpu.memory_space<vmem>> -> memref<1x80xi32, #tpu.memory_space<vmem>>
      %dma_wait3A_237 = tpu.memref_squeeze %dma_wait3A_236 : memref<1x80xi32, #tpu.memory_space<vmem>> -> memref<80xi32, #tpu.memory_space<vmem>>
      %dma_wait3A_238 = arith.constant 0 : i32
      %dma_wait3A_239 = arith.constant 0 : i32
      %dma_wait3A_240 = tpu.memref_slice %arg10[%dma_wait3A_238, %dma_wait3A_239] : memref<10240x64xf32, #tpu.memory_space<vmem_shared>> -> memref<10240x64xf32, #tpu.memory_space<vmem_shared>>
      tpu.wait_indirect_dma semaphore(%arg12 : memref<!tpu.dma_semaphore, #tpu.memory_space<semaphore_mem>>) src(%dma_wait3A_234 : memref<80x64xf32, #tpu.memory_space<vmem>>) dst(%dma_wait3A_240 : memref<10240x64xf32, #tpu.memory_space<vmem_shared>>)
      %dma_wait3A_241 = arith.constant 4 : i32
      %dma_wait3A_242 = arith.constant 0 : i32
      %dma_wait3A_243 = arith.constant 0 : i32
      %dma_wait3A_244 = tpu.memref_slice %arg9[%dma_wait3A_241, %dma_wait3A_242, %dma_wait3A_243] : memref<5x80x64xf32, #tpu.memory_space<vmem>> -> memref<1x80x64xf32, #tpu.memory_space<vmem>>
      %dma_wait3A_245 = tpu.memref_squeeze %dma_wait3A_244 : memref<1x80x64xf32, #tpu.memory_space<vmem>> -> memref<80x64xf32, #tpu.memory_space<vmem>>
      %dma_wait3A_246 = arith.constant 0 : i32
      %dma_wait3A_247 = tpu.memref_slice %arg8[%add3A_185, %dma_wait3A_246] : memref<125x80xi32, #tpu.memory_space<vmem>> -> memref<1x80xi32, #tpu.memory_space<vmem>>
      %dma_wait3A_248 = tpu.memref_squeeze %dma_wait3A_247 : memref<1x80xi32, #tpu.memory_space<vmem>> -> memref<80xi32, #tpu.memory_space<vmem>>
      %dma_wait3A_249 = arith.constant 0 : i32
      %dma_wait3A_250 = arith.constant 0 : i32
      %dma_wait3A_251 = tpu.memref_slice %arg10[%dma_wait3A_249, %dma_wait3A_250] : memref<10240x64xf32, #tpu.memory_space<vmem_shared>> -> memref<10240x64xf32, #tpu.memory_space<vmem_shared>>
      tpu.wait_indirect_dma semaphore(%arg12 : memref<!tpu.dma_semaphore, #tpu.memory_space<semaphore_mem>>) src(%dma_wait3A_245 : memref<80x64xf32, #tpu.memory_space<vmem>>) dst(%dma_wait3A_251 : memref<10240x64xf32, #tpu.memory_space<vmem_shared>>)
    }
    %scan3A_6 = arith.constant 25 : i32
    %barrier3A_7 = arith.constant 0 : index
    tpu.barrier barrier_id(%barrier3A_7)
    %mul3A_8 = arith.constant 10240 : i32
    %mul3A_9 = arith.muli %arg0, %mul3A_8 : i32
    %add3A_10 = arith.addi %mul3A_9, %multiple_of3A : i32
    "tpu.region"() ({
      %run_scoped3A = tpu.sem_alloc : memref<!tpu.dma_semaphore, #tpu.memory_space<semaphore_mem>>
      %dma_start3A = arith.constant 0 : i32
      %dma_start3A_11 = tpu.memref_slice %arg6[%add3A_10, %dma_start3A] : memref<20480x64xf32, #tpu.memory_space<hbm>> -> memref<640x64xf32, #tpu.memory_space<hbm>>
      %dma_start3A_12 = arith.constant 0 : i32
      %dma_start3A_13 = tpu.memref_slice %arg10[%multiple_of3A, %dma_start3A_12] : memref<10240x64xf32, #tpu.memory_space<vmem_shared>> -> memref<640x64xf32, #tpu.memory_space<vmem_shared>>
      tpu.enqueue_dma source(%dma_start3A_13 : memref<640x64xf32, #tpu.memory_space<vmem_shared>>) target(%dma_start3A_11 : memref<640x64xf32, #tpu.memory_space<hbm>>) target_semaphore(%run_scoped3A : memref<!tpu.dma_semaphore, #tpu.memory_space<semaphore_mem>>)
      %dma_wait3A = arith.constant 0 : i32
      %dma_wait3A_14 = tpu.memref_slice %arg6[%add3A_10, %dma_wait3A] : memref<20480x64xf32, #tpu.memory_space<hbm>> -> memref<640x64xf32, #tpu.memory_space<hbm>>
      %dma_wait3A_15 = arith.constant 0 : i32
      %dma_wait3A_16 = tpu.memref_slice %arg10[%multiple_of3A, %dma_wait3A_15] : memref<10240x64xf32, #tpu.memory_space<vmem_shared>> -> memref<640x64xf32, #tpu.memory_space<vmem_shared>>
      tpu.wait_dma2 semaphore(%run_scoped3A : memref<!tpu.dma_semaphore, #tpu.memory_space<semaphore_mem>>) src(%dma_wait3A_16 : memref<640x64xf32, #tpu.memory_space<vmem_shared>>) dst(%dma_wait3A_14 : memref<640x64xf32, #tpu.memory_space<hbm>>)
      tpu.yield
    }) : () -> ()
    return
  }
}

module attributes {stable_mosaic.version = 14 : i64} {
  func.func @_prescale_body(%arg0: memref<2x10240x16xf32, #tpu.memory_space<vmem>>, %arg1: memref<10000x128xf32, #tpu.memory_space<vmem>>, %arg2: memref<128x64xf32, #tpu.memory_space<vmem>>, %arg3: memref<10000x64xf32, #tpu.memory_space<vmem>>, %arg4: memref<10000x1xf32, #tpu.memory_space<vmem>>) attributes {dimension_semantics = [], scalar_prefetch = 0 : i64, scratch_operands = 0 : i64, tpu.core_type = #tpu.core_type<tc>} {
    %get3A = arith.constant 0 : index
    %get3A_0 = arith.constant 0 : index
    %get3A_1 = arith.constant 0 : index
    %get3A_2 = vector.load %arg0[%get3A, %get3A_0, %get3A_1] : memref<2x10240x16xf32, #tpu.memory_space<vmem>>, vector<1x10000x1xf32>
    %get3A_3 = vector.shape_cast %get3A_2 : vector<1x10000x1xf32> to vector<10000x1xf32>
    %get3A_4 = arith.constant 1 : index
    %get3A_5 = arith.constant 0 : index
    %get3A_6 = arith.constant 0 : index
    %get3A_7 = vector.load %arg0[%get3A_4, %get3A_5, %get3A_6] : memref<2x10240x16xf32, #tpu.memory_space<vmem>>, vector<1x10000x1xf32>
    %get3A_8 = vector.shape_cast %get3A_7 : vector<1x10000x1xf32> to vector<10000x1xf32>
    %add3A = arith.addf %get3A_3, %get3A_8 : vector<10000x1xf32>
    %add3A_9 = arith.constant 1.000000e+00 : f32
    %add3A_10 = vector.broadcast %add3A_9 : f32 to vector<10000x1xf32>
    %add3A_11 = arith.addf %add3A, %add3A_10 : vector<10000x1xf32>
    %sqrt3A = math.sqrt %add3A_11 : vector<10000x1xf32>
    %div3A = arith.constant 1.000000e+00 : f32
    %div3A_12 = vector.broadcast %div3A : f32 to vector<10000x1xf32>
    %div3A_13 = arith.divf %div3A_12, %sqrt3A : vector<10000x1xf32>
    %get3A_14 = arith.constant 0 : index
    %get3A_15 = arith.constant 0 : index
    %get3A_16 = vector.load %arg1[%get3A_14, %get3A_15] : memref<10000x128xf32, #tpu.memory_space<vmem>>, vector<10000x128xf32>
    %get3A_17 = arith.constant 0 : index
    %get3A_18 = arith.constant 0 : index
    %get3A_19 = vector.load %arg2[%get3A_17, %get3A_18] : memref<128x64xf32, #tpu.memory_space<vmem>>, vector<128x64xf32>
    %convert_element_type3A = arith.truncf %get3A_16 : vector<10000x128xf32> to vector<10000x128xbf16>
    %convert_element_type3A_20 = arith.truncf %get3A_19 : vector<128x64xf32> to vector<128x64xbf16>
    %dot_general3A = arith.constant dense<0.000000e+00> : vector<10000x64xf32>
    %dot_general3A_21 = tpu.matmul %convert_element_type3A, %convert_element_type3A_20, %dot_general3A {dimension_numbers = #tpu.dot_dimension_numbers<[1], [0], [0], [1], [0, 0, 1, 1], [], []>, transpose_lhs_hint = false} : vector<10000x128xbf16>, vector<128x64xbf16>, vector<10000x64xf32> -> vector<10000x64xf32>
    %mul3A = vector.broadcast %div3A_13 : vector<10000x1xf32> to vector<10000x64xf32>
    %mul3A_22 = arith.mulf %dot_general3A_21, %mul3A : vector<10000x64xf32>
    %swap3A = arith.constant 0 : index
    %swap3A_23 = arith.constant 0 : index
    %swap3A_24 = vector.load %arg3[%swap3A, %swap3A_23] : memref<10000x64xf32, #tpu.memory_space<vmem>>, vector<10000x64xf32>
    tpu.vector_store %arg3[%swap3A, %swap3A_23], %mul3A_22 {strides = array<i32>} : memref<10000x64xf32, #tpu.memory_space<vmem>>, vector<10000x64xf32>,
    %swap3A_25 = arith.constant 0 : index
    %swap3A_26 = arith.constant 0 : index
    %swap3A_27 = vector.load %arg4[%swap3A_25, %swap3A_26] : memref<10000x1xf32, #tpu.memory_space<vmem>>, vector<10000x1xf32>
    tpu.vector_store %arg4[%swap3A_25, %swap3A_26], %div3A_13 {strides = array<i32>} : memref<10000x1xf32, #tpu.memory_space<vmem>>, vector<10000x1xf32>,
    return
  }
}

module attributes {stable_mosaic.version = 14 : i64} {
  func.func @_post_mid_body(%arg0: memref<2x10240x64xf32, #tpu.memory_space<vmem>>, %arg1: memref<10000x64xf32, #tpu.memory_space<vmem>>, %arg2: memref<10000x1xf32, #tpu.memory_space<vmem>>, %arg3: memref<1x64xf32, #tpu.memory_space<vmem>>, %arg4: memref<64x64xf32, #tpu.memory_space<vmem>>, %arg5: memref<10000x64xf32, #tpu.memory_space<vmem>>) attributes {dimension_semantics = [], scalar_prefetch = 0 : i64, scratch_operands = 0 : i64, tpu.core_type = #tpu.core_type<tc>} {
    %get3A = arith.constant 0 : index
    %get3A_0 = arith.constant 0 : index
    %get3A_1 = arith.constant 0 : index
    %get3A_2 = vector.load %arg0[%get3A, %get3A_0, %get3A_1] : memref<2x10240x64xf32, #tpu.memory_space<vmem>>, vector<1x10000x64xf32>
    %get3A_3 = vector.shape_cast %get3A_2 : vector<1x10000x64xf32> to vector<10000x64xf32>
    %get3A_4 = arith.constant 1 : index
    %get3A_5 = arith.constant 0 : index
    %get3A_6 = arith.constant 0 : index
    %get3A_7 = vector.load %arg0[%get3A_4, %get3A_5, %get3A_6] : memref<2x10240x64xf32, #tpu.memory_space<vmem>>, vector<1x10000x64xf32>
    %get3A_8 = vector.shape_cast %get3A_7 : vector<1x10000x64xf32> to vector<10000x64xf32>
    %add3A = arith.addf %get3A_3, %get3A_8 : vector<10000x64xf32>
    %get3A_9 = arith.constant 0 : index
    %get3A_10 = arith.constant 0 : index
    %get3A_11 = vector.load %arg1[%get3A_9, %get3A_10] : memref<10000x64xf32, #tpu.memory_space<vmem>>, vector<10000x64xf32>
    %add3A_12 = arith.addf %add3A, %get3A_11 : vector<10000x64xf32>
    %get3A_13 = arith.constant 0 : index
    %get3A_14 = arith.constant 0 : index
    %get3A_15 = vector.load %arg2[%get3A_13, %get3A_14] : memref<10000x1xf32, #tpu.memory_space<vmem>>, vector<10000x1xf32>
    %mul3A = vector.broadcast %get3A_15 : vector<10000x1xf32> to vector<10000x64xf32>
    %mul3A_16 = arith.mulf %add3A_12, %mul3A : vector<10000x64xf32>
    %get3A_17 = arith.constant 0 : index
    %get3A_18 = arith.constant 0 : index
    %get3A_19 = vector.load %arg3[%get3A_17, %get3A_18] : memref<1x64xf32, #tpu.memory_space<vmem>>, vector<1x64xf32>
    %add3A_20 = vector.broadcast %get3A_19 : vector<1x64xf32> to vector<10000x64xf32>
    %add3A_21 = arith.addf %mul3A_16, %add3A_20 : vector<10000x64xf32>
    %max3A = arith.constant 0.000000e+00 : f32
    %max3A_22 = vector.broadcast %max3A : f32 to vector<10000x64xf32>
    %max3A_23 = arith.maximumf %add3A_21, %max3A_22 : vector<10000x64xf32>
    %get3A_24 = arith.constant 0 : index
    %get3A_25 = arith.constant 0 : index
    %get3A_26 = vector.load %arg4[%get3A_24, %get3A_25] : memref<64x64xf32, #tpu.memory_space<vmem>>, vector<64x64xf32>
    %convert_element_type3A = arith.truncf %max3A_23 : vector<10000x64xf32> to vector<10000x64xbf16>
    %convert_element_type3A_27 = arith.truncf %get3A_26 : vector<64x64xf32> to vector<64x64xbf16>
    %dot_general3A = arith.constant dense<0.000000e+00> : vector<10000x64xf32>
    %dot_general3A_28 = tpu.matmul %convert_element_type3A, %convert_element_type3A_27, %dot_general3A {dimension_numbers = #tpu.dot_dimension_numbers<[1], [0], [0], [1], [0, 0, 1, 1], [], []>, transpose_lhs_hint = false} : vector<10000x64xbf16>, vector<64x64xbf16>, vector<10000x64xf32> -> vector<10000x64xf32>
    %get3A_29 = arith.constant 0 : index
    %get3A_30 = arith.constant 0 : index
    %get3A_31 = vector.load %arg2[%get3A_29, %get3A_30] : memref<10000x1xf32, #tpu.memory_space<vmem>>, vector<10000x1xf32>
    %mul3A_32 = vector.broadcast %get3A_31 : vector<10000x1xf32> to vector<10000x64xf32>
    %mul3A_33 = arith.mulf %dot_general3A_28, %mul3A_32 : vector<10000x64xf32>
    %swap3A = arith.constant 0 : index
    %swap3A_34 = arith.constant 0 : index
    %swap3A_35 = vector.load %arg5[%swap3A, %swap3A_34] : memref<10000x64xf32, #tpu.memory_space<vmem>>, vector<10000x64xf32>
    tpu.vector_store %arg5[%swap3A, %swap3A_34], %mul3A_33 {strides = array<i32>} : memref<10000x64xf32, #tpu.memory_space<vmem>>, vector<10000x64xf32>,
    return
  }
}

module attributes {stable_mosaic.version = 14 : i64} {
  func.func @_post_final_body(%arg0: memref<2x10240x64xf32, #tpu.memory_space<vmem>>, %arg1: memref<10000x64xf32, #tpu.memory_space<vmem>>, %arg2: memref<10000x1xf32, #tpu.memory_space<vmem>>, %arg3: memref<1x64xf32, #tpu.memory_space<vmem>>, %arg4: memref<64x128xf32, #tpu.memory_space<vmem>>, %arg5: memref<64x128xf32, #tpu.memory_space<vmem>>, %arg6: memref<10000x64xf32, #tpu.memory_space<vmem>>, %arg7: memref<10000x128xf32, #tpu.memory_space<vmem>>, %arg8: memref<10000x128xf32, #tpu.memory_space<vmem>>) attributes {dimension_semantics = [], scalar_prefetch = 0 : i64, scratch_operands = 0 : i64, tpu.core_type = #tpu.core_type<tc>} {
    %get3A = arith.constant 0 : index
    %get3A_0 = arith.constant 0 : index
    %get3A_1 = arith.constant 0 : index
    %get3A_2 = vector.load %arg0[%get3A, %get3A_0, %get3A_1] : memref<2x10240x64xf32, #tpu.memory_space<vmem>>, vector<1x10000x64xf32>
    %get3A_3 = vector.shape_cast %get3A_2 : vector<1x10000x64xf32> to vector<10000x64xf32>
    %get3A_4 = arith.constant 1 : index
    %get3A_5 = arith.constant 0 : index
    %get3A_6 = arith.constant 0 : index
    %get3A_7 = vector.load %arg0[%get3A_4, %get3A_5, %get3A_6] : memref<2x10240x64xf32, #tpu.memory_space<vmem>>, vector<1x10000x64xf32>
    %get3A_8 = vector.shape_cast %get3A_7 : vector<1x10000x64xf32> to vector<10000x64xf32>
    %add3A = arith.addf %get3A_3, %get3A_8 : vector<10000x64xf32>
    %get3A_9 = arith.constant 0 : index
    %get3A_10 = arith.constant 0 : index
    %get3A_11 = vector.load %arg1[%get3A_9, %get3A_10] : memref<10000x64xf32, #tpu.memory_space<vmem>>, vector<10000x64xf32>
    %add3A_12 = arith.addf %add3A, %get3A_11 : vector<10000x64xf32>
    %get3A_13 = arith.constant 0 : index
    %get3A_14 = arith.constant 0 : index
    %get3A_15 = vector.load %arg2[%get3A_13, %get3A_14] : memref<10000x1xf32, #tpu.memory_space<vmem>>, vector<10000x1xf32>
    %mul3A = vector.broadcast %get3A_15 : vector<10000x1xf32> to vector<10000x64xf32>
    %mul3A_16 = arith.mulf %add3A_12, %mul3A : vector<10000x64xf32>
    %get3A_17 = arith.constant 0 : index
    %get3A_18 = arith.constant 0 : index
    %get3A_19 = vector.load %arg3[%get3A_17, %get3A_18] : memref<1x64xf32, #tpu.memory_space<vmem>>, vector<1x64xf32>
    %add3A_20 = vector.broadcast %get3A_19 : vector<1x64xf32> to vector<10000x64xf32>
    %add3A_21 = arith.addf %mul3A_16, %add3A_20 : vector<10000x64xf32>
    %max3A = arith.constant 0.000000e+00 : f32
    %max3A_22 = vector.broadcast %max3A : f32 to vector<10000x64xf32>
    %max3A_23 = arith.maximumf %add3A_21, %max3A_22 : vector<10000x64xf32>
    %swap3A = arith.constant 0 : index
    %swap3A_24 = arith.constant 0 : index
    %swap3A_25 = vector.load %arg6[%swap3A, %swap3A_24] : memref<10000x64xf32, #tpu.memory_space<vmem>>, vector<10000x64xf32>
    tpu.vector_store %arg6[%swap3A, %swap3A_24], %max3A_23 {strides = array<i32>} : memref<10000x64xf32, #tpu.memory_space<vmem>>, vector<10000x64xf32>,
    %get3A_26 = arith.constant 0 : index
    %get3A_27 = arith.constant 0 : index
    %get3A_28 = vector.load %arg4[%get3A_26, %get3A_27] : memref<64x128xf32, #tpu.memory_space<vmem>>, vector<64x128xf32>
    %convert_element_type3A = arith.truncf %max3A_23 : vector<10000x64xf32> to vector<10000x64xbf16>
    %convert_element_type3A_29 = arith.truncf %get3A_28 : vector<64x128xf32> to vector<64x128xbf16>
    %dot_general3A = arith.constant dense<0.000000e+00> : vector<10000x128xf32>
    %dot_general3A_30 = tpu.matmul %convert_element_type3A, %convert_element_type3A_29, %dot_general3A {dimension_numbers = #tpu.dot_dimension_numbers<[1], [0], [0], [1], [0, 0, 1, 1], [], []>, transpose_lhs_hint = false} : vector<10000x64xbf16>, vector<64x128xbf16>, vector<10000x128xf32> -> vector<10000x128xf32>
    %swap3A_31 = arith.constant 0 : index
    %swap3A_32 = arith.constant 0 : index
    %swap3A_33 = vector.load %arg7[%swap3A_31, %swap3A_32] : memref<10000x128xf32, #tpu.memory_space<vmem>>, vector<10000x128xf32>
    tpu.vector_store %arg7[%swap3A_31, %swap3A_32], %dot_general3A_30 {strides = array<i32>} : memref<10000x128xf32, #tpu.memory_space<vmem>>, vector<10000x128xf32>,
    %get3A_34 = arith.constant 0 : index
    %get3A_35 = arith.constant 0 : index
    %get3A_36 = vector.load %arg5[%get3A_34, %get3A_35] : memref<64x128xf32, #tpu.memory_space<vmem>>, vector<64x128xf32>
    %convert_element_type3A_37 = arith.truncf %max3A_23 : vector<10000x64xf32> to vector<10000x64xbf16>
    %convert_element_type3A_38 = arith.truncf %get3A_36 : vector<64x128xf32> to vector<64x128xbf16>
    %dot_general3A_39 = arith.constant dense<0.000000e+00> : vector<10000x128xf32>
    %dot_general3A_40 = tpu.matmul %convert_element_type3A_37, %convert_element_type3A_38, %dot_general3A_39 {dimension_numbers = #tpu.dot_dimension_numbers<[1], [0], [0], [1], [0, 0, 1, 1], [], []>, transpose_lhs_hint = false} : vector<10000x64xbf16>, vector<64x128xbf16>, vector<10000x128xf32> -> vector<10000x128xf32>
    %swap3A_41 = arith.constant 0 : index
    %swap3A_42 = arith.constant 0 : index
    %swap3A_43 = vector.load %arg8[%swap3A_41, %swap3A_42] : memref<10000x128xf32, #tpu.memory_space<vmem>>, vector<10000x128xf32>
    tpu.vector_store %arg8[%swap3A_41, %swap3A_42], %dot_general3A_40 {strides = array<i32>} : memref<10000x128xf32, #tpu.memory_space<vmem>>, vector<10000x128xf32>,
    return
  }
}

module attributes {stable_mosaic.version = 14 : i64} {
  func.func @_mlp_body(%arg0: i32, %arg1: memref<2x6400x128xf32, #tpu.memory_space<vmem>>, %arg2: memref<1x128xf32, #tpu.memory_space<vmem>>, %arg3: memref<128x64xf32, #tpu.memory_space<vmem>>, %arg4: memref<1x64xf32, #tpu.memory_space<vmem>>, %arg5: memref<1x64xf32, #tpu.memory_space<vmem>>, %arg6: memref<1x1xf32, #tpu.memory_space<vmem>>, %arg7: memref<2x6400xf32, #tpu.memory_space<vmem>>) attributes {dimension_semantics = [#tpu.dimension_semantics<arbitrary>], iteration_bounds = array<i64: 50>, scalar_prefetch = 0 : i64, scratch_operands = 0 : i64, tpu.core_type = #tpu.core_type<tc>, window_params = [{transform_indices = @transform_0, window_bounds = array<i64: 2, 6400, 128>}, {pipeline_mode = #tpu.pipeline_mode<synchronous>, transform_indices = @transform_1, window_bounds = array<i64: 1, 128>}, {pipeline_mode = #tpu.pipeline_mode<synchronous>, transform_indices = @transform_2, window_bounds = array<i64: 128, 64>}, {pipeline_mode = #tpu.pipeline_mode<synchronous>, transform_indices = @transform_3, window_bounds = array<i64: 1, 64>}, {pipeline_mode = #tpu.pipeline_mode<synchronous>, transform_indices = @transform_4, window_bounds = array<i64: 1, 64>}, {pipeline_mode = #tpu.pipeline_mode<synchronous>, transform_indices = @transform_5, window_bounds = array<i64: 1, 1>}, {transform_indices = @transform_6, window_bounds = array<i64: 2, 6400>}]} {
    %get3A = arith.constant 0 : index
    %get3A_0 = arith.constant 0 : index
    %get3A_1 = vector.load %arg3[%get3A, %get3A_0] : memref<128x64xf32, #tpu.memory_space<vmem>>, vector<128x64xf32>
    %convert_element_type3A = arith.truncf %get3A_1 : vector<128x64xf32> to vector<128x64xbf16>
    %get3A_2 = arith.constant 0 : index
    %get3A_3 = arith.constant 0 : index
    %get3A_4 = vector.load %arg5[%get3A_2, %get3A_3] : memref<1x64xf32, #tpu.memory_space<vmem>>, vector<1x64xf32>
    %convert_element_type3A_5 = arith.truncf %get3A_4 : vector<1x64xf32> to vector<1x64xbf16>
    %convert_element_type3A_6 = arith.extf %convert_element_type3A_5 : vector<1x64xbf16> to vector<1x64xf32>
    %get3A_7 = arith.constant 0 : index
    %get3A_8 = arith.constant 0 : index
    %get3A_9 = arith.constant 0 : index
    %get3A_10 = vector.load %arg1[%get3A_7, %get3A_8, %get3A_9] : memref<2x6400x128xf32, #tpu.memory_space<vmem>>, vector<1x6400x128xf32>
    %get3A_11 = vector.shape_cast %get3A_10 : vector<1x6400x128xf32> to vector<6400x128xf32>
    %get3A_12 = arith.constant 0 : index
    %get3A_13 = arith.constant 0 : index
    %get3A_14 = vector.load %arg2[%get3A_12, %get3A_13] : memref<1x128xf32, #tpu.memory_space<vmem>>, vector<1x128xf32>
    %add3A = vector.broadcast %get3A_14 : vector<1x128xf32> to vector<6400x128xf32>
    %add3A_15 = arith.addf %get3A_11, %add3A : vector<6400x128xf32>
    %max3A = arith.constant 0.000000e+00 : f32
    %max3A_16 = vector.broadcast %max3A : f32 to vector<6400x128xf32>
    %max3A_17 = arith.maximumf %add3A_15, %max3A_16 : vector<6400x128xf32>
    %convert_element_type3A_18 = arith.truncf %max3A_17 : vector<6400x128xf32> to vector<6400x128xbf16>
    %dot_general3A = arith.constant dense<0.000000e+00> : vector<6400x64xf32>
    %dot_general3A_19 = tpu.matmul %convert_element_type3A_18, %convert_element_type3A, %dot_general3A {dimension_numbers = #tpu.dot_dimension_numbers<[1], [0], [0], [1], [0, 0, 1, 1], [], []>, transpose_lhs_hint = false} : vector<6400x128xbf16>, vector<128x64xbf16>, vector<6400x64xf32> -> vector<6400x64xf32>
    %get3A_20 = arith.constant 0 : index
    %get3A_21 = arith.constant 0 : index
    %get3A_22 = vector.load %arg4[%get3A_20, %get3A_21] : memref<1x64xf32, #tpu.memory_space<vmem>>, vector<1x64xf32>
    %add3A_23 = vector.broadcast %get3A_22 : vector<1x64xf32> to vector<6400x64xf32>
    %add3A_24 = arith.addf %dot_general3A_19, %add3A_23 : vector<6400x64xf32>
    %max3A_25 = arith.constant 0.000000e+00 : f32
    %max3A_26 = vector.broadcast %max3A_25 : f32 to vector<6400x64xf32>
    %max3A_27 = arith.maximumf %add3A_24, %max3A_26 : vector<6400x64xf32>
    %convert_element_type3A_28 = arith.truncf %max3A_27 : vector<6400x64xf32> to vector<6400x64xbf16>
    %convert_element_type3A_29 = arith.extf %convert_element_type3A_28 : vector<6400x64xbf16> to vector<6400x64xf32>
    %mul3A = vector.broadcast %convert_element_type3A_6 : vector<1x64xf32> to vector<6400x64xf32>
    %mul3A_30 = arith.mulf %convert_element_type3A_29, %mul3A : vector<6400x64xf32>
    %reduce_sum3A = arith.constant dense<0.000000e+00> : vector<6400xf32>
    %reduce_sum3A_31 = vector.multi_reduction <add>, %mul3A_30, %reduce_sum3A [1] : vector<6400x64xf32> to vector<6400xf32>
    %get3A_32 = arith.constant 0 : index
    %get3A_33 = arith.constant 0 : index
    %get3A_34 = vector.load %arg6[%get3A_32, %get3A_33] : memref<1x1xf32, #tpu.memory_space<vmem>>, vector<1x1xf32>
    %get3A_35 = vector.extract %get3A_34[0, 0] : f32 from vector<1x1xf32>
    %add3A_36 = vector.broadcast %get3A_35 : f32 to vector<6400xf32>
    %add3A_37 = arith.addf %reduce_sum3A_31, %add3A_36 : vector<6400xf32>
    %swap3A = arith.constant 0 : index
    %swap3A_38 = arith.constant 0 : index
    %swap3A_39 = vector.load %arg7[%swap3A, %swap3A_38] : memref<2x6400xf32, #tpu.memory_space<vmem>>, vector<1x6400xf32>
    %swap3A_40 = vector.shape_cast %swap3A_39 : vector<1x6400xf32> to vector<6400xf32>
    %swap3A_41 = vector.shape_cast %add3A_37 : vector<6400xf32> to vector<1x6400xf32>
    tpu.vector_store %arg7[%swap3A, %swap3A_38], %swap3A_41 {strides = array<i32>} : memref<2x6400xf32, #tpu.memory_space<vmem>>, vector<1x6400xf32>,
    %get3A_42 = arith.constant 1 : index
    %get3A_43 = arith.constant 0 : index
    %get3A_44 = arith.constant 0 : index
    %get3A_45 = vector.load %arg1[%get3A_42, %get3A_43, %get3A_44] : memref<2x6400x128xf32, #tpu.memory_space<vmem>>, vector<1x6400x128xf32>
    %get3A_46 = vector.shape_cast %get3A_45 : vector<1x6400x128xf32> to vector<6400x128xf32>
    %get3A_47 = arith.constant 0 : index
    %get3A_48 = arith.constant 0 : index
    %get3A_49 = vector.load %arg2[%get3A_47, %get3A_48] : memref<1x128xf32, #tpu.memory_space<vmem>>, vector<1x128xf32>
    %add3A_50 = vector.broadcast %get3A_49 : vector<1x128xf32> to vector<6400x128xf32>
    %add3A_51 = arith.addf %get3A_46, %add3A_50 : vector<6400x128xf32>
    %max3A_52 = arith.constant 0.000000e+00 : f32
    %max3A_53 = vector.broadcast %max3A_52 : f32 to vector<6400x128xf32>
    %max3A_54 = arith.maximumf %add3A_51, %max3A_53 : vector<6400x128xf32>
    %convert_element_type3A_55 = arith.truncf %max3A_54 : vector<6400x128xf32> to vector<6400x128xbf16>
    %dot_general3A_56 = arith.constant dense<0.000000e+00> : vector<6400x64xf32>
    %dot_general3A_57 = tpu.matmul %convert_element_type3A_55, %convert_element_type3A, %dot_general3A_56 {dimension_numbers = #tpu.dot_dimension_numbers<[1], [0], [0], [1], [0, 0, 1, 1], [], []>, transpose_lhs_hint = false} : vector<6400x128xbf16>, vector<128x64xbf16>, vector<6400x64xf32> -> vector<6400x64xf32>
    %get3A_58 = arith.constant 0 : index
    %get3A_59 = arith.constant 0 : index
    %get3A_60 = vector.load %arg4[%get3A_58, %get3A_59] : memref<1x64xf32, #tpu.memory_space<vmem>>, vector<1x64xf32>
    %add3A_61 = vector.broadcast %get3A_60 : vector<1x64xf32> to vector<6400x64xf32>
    %add3A_62 = arith.addf %dot_general3A_57, %add3A_61 : vector<6400x64xf32>
    %max3A_63 = arith.constant 0.000000e+00 : f32
    %max3A_64 = vector.broadcast %max3A_63 : f32 to vector<6400x64xf32>
    %max3A_65 = arith.maximumf %add3A_62, %max3A_64 : vector<6400x64xf32>
    %convert_element_type3A_66 = arith.truncf %max3A_65 : vector<6400x64xf32> to vector<6400x64xbf16>
    %convert_element_type3A_67 = arith.extf %convert_element_type3A_66 : vector<6400x64xbf16> to vector<6400x64xf32>
    %mul3A_68 = vector.broadcast %convert_element_type3A_6 : vector<1x64xf32> to vector<6400x64xf32>
    %mul3A_69 = arith.mulf %convert_element_type3A_67, %mul3A_68 : vector<6400x64xf32>
    %reduce_sum3A_70 = arith.constant dense<0.000000e+00> : vector<6400xf32>
    %reduce_sum3A_71 = vector.multi_reduction <add>, %mul3A_69, %reduce_sum3A_70 [1] : vector<6400x64xf32> to vector<6400xf32>
    %get3A_72 = arith.constant 0 : index
    %get3A_73 = arith.constant 0 : index
    %get3A_74 = vector.load %arg6[%get3A_72, %get3A_73] : memref<1x1xf32, #tpu.memory_space<vmem>>, vector<1x1xf32>
    %get3A_75 = vector.extract %get3A_74[0, 0] : f32 from vector<1x1xf32>
    %add3A_76 = vector.broadcast %get3A_75 : f32 to vector<6400xf32>
    %add3A_77 = arith.addf %reduce_sum3A_71, %add3A_76 : vector<6400xf32>
    %swap3A_78 = arith.constant 1 : index
    %swap3A_79 = arith.constant 0 : index
    %swap3A_80 = vector.load %arg7[%swap3A_78, %swap3A_79] : memref<2x6400xf32, #tpu.memory_space<vmem>>, vector<1x6400xf32>
    %swap3A_81 = vector.shape_cast %swap3A_80 : vector<1x6400xf32> to vector<6400xf32>
    %swap3A_82 = vector.shape_cast %add3A_77 : vector<6400xf32> to vector<1x6400xf32>
    tpu.vector_store %arg7[%swap3A_78, %swap3A_79], %swap3A_82 {strides = array<i32>} : memref<2x6400xf32, #tpu.memory_space<vmem>>, vector<1x6400xf32>,
    return
  }
  func.func @transform_0(%arg0: i32) -> (i32, i32, i32) {
    %c0_i32 = arith.constant 0 : i32
    %c0_i32_0 = arith.constant 0 : i32
    %c0_i32_1 = arith.constant 0 : i32
    return %c0_i32, %arg0, %c0_i32_0 : i32, i32, i32
  }
  func.func @transform_1(%arg0: i32) -> (i32, i32) {
    %c0_i32 = arith.constant 0 : i32
    %c0_i32_0 = arith.constant 0 : i32
    %c0_i32_1 = arith.constant 0 : i32
    return %c0_i32, %c0_i32_0 : i32, i32
  }
  func.func @transform_2(%arg0: i32) -> (i32, i32) {
    %c0_i32 = arith.constant 0 : i32
    %c0_i32_0 = arith.constant 0 : i32
    %c0_i32_1 = arith.constant 0 : i32
    return %c0_i32, %c0_i32_0 : i32, i32
  }
  func.func @transform_3(%arg0: i32) -> (i32, i32) {
    %c0_i32 = arith.constant 0 : i32
    %c0_i32_0 = arith.constant 0 : i32
    %c0_i32_1 = arith.constant 0 : i32
    return %c0_i32, %c0_i32_0 : i32, i32
  }
  func.func @transform_4(%arg0: i32) -> (i32, i32) {
    %c0_i32 = arith.constant 0 : i32
    %c0_i32_0 = arith.constant 0 : i32
    %c0_i32_1 = arith.constant 0 : i32
    return %c0_i32, %c0_i32_0 : i32, i32
  }
  func.func @transform_5(%arg0: i32) -> (i32, i32) {
    %c0_i32 = arith.constant 0 : i32
    %c0_i32_0 = arith.constant 0 : i32
    %c0_i32_1 = arith.constant 0 : i32
    return %c0_i32, %c0_i32_0 : i32, i32
  }
  func.func @transform_6(%arg0: i32) -> (i32, i32) {
    %c0_i32 = arith.constant 0 : i32
    %c0_i32_0 = arith.constant 0 : i32
    return %c0_i32, %arg0 : i32, i32
  }
}

</mosaic_0001>

<sc_bundles>
// kernel: kernel.10.cloned.1.call-start
scs
__scs_entry_jumppad:
0x0: {  	(pc) =	sbr.rel $0x88, $3  }
0x1: {  	(tag) =	ssettag $0x0;
	lr =	simm.s32 $0x1  }
0x2: {  	[smem:$0x3F94] =	sst lr;
	_ =	strace $0xD0000000  }
0x3: {  	_ = 	snop  }
0x4: {  	_ = 	snop  }
0x5: {  	_ = 	snop  }
0x6: {  	_ = 	snop  }
0x7: {  	_ = 	snop  }
__scs_overlays_trampoline_lowered:
0x8: {  	[smem:$0x3FA3] =	sst s0  }
0x9: {  	[smem:$0x3FA4] =	sst s1  }
0xa: {  	[smem:$0x3FA5] =	sst s2  }
0xb: {  	[smem:$0x3FA6] =	sst s3  }
0xc: {  	[smem:$0x3FA7] =	sst s4  }
0xd: {  	[smem:$0x3FA8] =	sst s5  }
0xe: {  	[smem:$0x3FA9] =	sst s6  }
0xf: {  	[smem:$0x3FAA] =	sst s7  }
0x10: {  	[smem:$0x3FAB] =	sst s8  }
0x11: {  	[smem:$0x3FAC] =	sst s9;
	s0 =	simm.s32 @!p0 $0x0  }
0x12: {  	s1 =	sld [smem:$0x3F92];
	s0 =	simm.s32 @p0 $0x1  }
0x13: {  	[smem:$0x3FAD] =	sst s0;
	s0 =	simm.s32 @!p1 $0x0  }
0x14: {  	s2 =	sld [smem:$0x3F91];
	s0 =	simm.s32 @p1 $0x1  }
0x15: {  	[smem:$0x3FAE] =	sst s0;
	s0 =	simm.s32 @!p2 $0x0  }
0x16: {  	s3 =	sld [smem:$0x3FDB];
	s0 =	simm.s32 @p2 $0x1  }
0x17: {  	s4 =	simm.s32 $0x1BF5;
	[smem:$0x3FB0] =	sst s0  }
0x18: {  	s0 =	sld [smem:$0x3F93];
	_ =	swait.ge [sflag:s4], $0x0  }
0x19: {  	s7 =	sld [smem:$0x3F94]  }
0x1a: {  	s8 =	sadd.s32 $0xFFFFE003, lr  }
0x1b: {  	s9 =	sadd.s32 $0xFFFFFEF7, lr;
	s5 =	simm.s32 $0xFFFFFFFF;
	p2 =	slt.u32 s8, $0xFFFFF086  }
0x1c: {  	p1 =	slt.u32 s9, $0xF7A;
	s5 =	simm.s32 @!p2 $0x0  }
0x1d: {  	s5 =	simm.s32 @p1 $0x1;
	p0 =	seq.s32 s7, s2  }
0x1e: {  	s7 =	smul.u32 @!p0 $0xF7A, s2;
	p2 =	seq.s32 @!p0 s5, $0x0  }
0x1f: {  	s9 =	smul.u32 $0xF7A, s1;
	s8 =	simm.s32 @!p0 $0x1BF5;
	p2 =	por !p2, p0  }
0x20: {  	[sflag:s8] =	ssyncset.s32 @!p0 $0xFFFFF086;
	s6 =	sadd.s32 @!p0 s3, s7;
	s7 =	simm.s32 @!p0 $0x108  }
0x21: {  	s3 =	sadd.s32 s3, s9;
	s6 =	sadd.s32 @!p0 $0x88, s6;
	s7 =	simm.s32 @p2 $0x1082  }
0x22: {  	[simem:s7], [sflag:s8] =	dma.local @!p0 [hbm:s6], $0xF7A  }
0x23: {  	s9 =	sor.u32 $0xD0000000, s2;
	s6 =	simm.s32 $0x108;
	_ =	swait.ge @!p0 [sflag:s8], $0x0  }
0x24: {  	s3 =	sadd.s32 $0x88, s3;
	s6 =	simm.s32 @!p1 $0x1082;
	[sflag:s4] =	ssyncset.s32 $0xFFFFF086  }
0x25: {  	[simem:s6], [sflag:s4] =	dma.local [hbm:s3], $0xF7A  }
0x26: {  	[smem:$0x3F94] =	sst s1;
	(tag) =	ssettag s2;
	_ =	strace s9  }
0x27: {  	s1 =	sld [smem:$0x3FA4]  }
0x28: {  	s2 =	sld [smem:$0x3FA5]  }
0x29: {  	s4 =	sld [smem:$0x3FA7]  }
0x2a: {  	p0 =	seq.s32 s5, $0x0;
	s5 =	sld [smem:$0x3FA8]  }
0x2b: {  	s6 =	sld [smem:$0x3FA9]  }
0x2c: {  	s7 =	sld [smem:$0x3FAA]  }
0x2d: {  	s3 =	simm.s32 $0x108;
	s8 =	sld [smem:$0x3FAB]  }
0x2e: {  	s3 =	simm.s32 @!p0 $0x1082;
	s9 =	sld [smem:$0x3FAC]  }
0x2f: {  	lr =	sadd.s32 s0, s3;
	s0 =	sld [smem:$0x3FA3]  }
0x30: {  	s3 =	sld [smem:$0x3FA6]  }
0x31: {  	[smem:$0x3FAF] =	sst s10  }
0x32: {  	s10 =	sld [smem:$0x3FAD];
	_ =	sdelay $0x3  }
0x33: {  	p0 =	seq.s32 s10, $0x1;
	s10 =	sld [smem:$0x3FAF];
	_ =	sdelay $0x3  }
0x34: {  	[smem:$0x3FAF] =	sst s10  }
0x35: {  	s10 =	sld [smem:$0x3FAE];
	_ =	sdelay $0x3  }
0x36: {  	p1 =	seq.s32 s10, $0x1;
	s10 =	sld [smem:$0x3FAF];
	_ =	sdelay $0x3  }
0x37: {  	[smem:$0x3FAF] =	sst s10  }
0x38: {  	s10 =	sld [smem:$0x3FB0]  }
0x39: {  	_ = 	snop;
	(pc) =	sbr.ind lr, $3  }
0x3a: {  	_ = 	snop  }
0x3b: {  	_ = 	snop  }
0x3c: {  	p2 =	seq.s32 s10, $0x1;
	s10 =	sld [smem:$0x3FAF]  }
0x3d: {  	_ =	shalt  }
0x3e: {  	_ =	shalt  }
0x3f: {  	_ =	shalt  }
0x40: {  	_ =	shalt  }
0x41: {  	_ =	shalt  }
0x42: {  	_ =	shalt  }
0x43: {  	_ =	shalt  }
0x44: {  	_ =	shalt  }
0x45: {  	_ =	shalt  }
0x46: {  	_ =	shalt  }
0x47: {  	_ =	shalt  }
0x48: {  	_ =	shalt  }
0x49: {  	_ =	shalt  }
0x4a: {  	_ =	shalt  }
0x4b: {  	_ =	shalt  }
0x4c: {  	_ =	shalt  }
0x4d: {  	_ =	shalt  }
0x4e: {  	_ =	shalt  }
0x4f: {  	_ =	shalt  }
0x50: {  	_ =	shalt  }
0x51: {  	_ =	shalt  }
0x52: {  	_ =	shalt  }
0x53: {  	_ =	shalt  }
0x54: {  	_ =	shalt  }
0x55: {  	_ =	shalt  }
0x56: {  	_ =	shalt  }
0x57: {  	_ =	shalt  }
0x58: {  	_ =	shalt  }
0x59: {  	_ =	shalt  }
0x5a: {  	_ =	shalt  }
0x5b: {  	_ =	shalt  }
0x5c: {  	_ =	shalt  }
0x5d: {  	_ =	shalt  }
0x5e: {  	_ =	shalt  }
0x5f: {  	_ =	shalt  }
0x60: {  	_ =	shalt  }
0x61: {  	_ =	shalt  }
0x62: {  	_ =	shalt  }
0x63: {  	_ =	shalt  }
0x64: {  	_ =	shalt  }
0x65: {  	_ =	shalt  }
0x66: {  	_ =	shalt  }
0x67: {  	_ =	shalt  }
0x68: {  	_ =	shalt  }
0x69: {  	_ =	shalt  }
0x6a: {  	_ =	shalt  }
0x6b: {  	_ =	shalt  }
0x6c: {  	_ =	shalt  }
0x6d: {  	_ =	shalt  }
0x6e: {  	_ =	shalt  }
0x6f: {  	_ =	shalt  }
0x70: {  	_ =	shalt  }
0x71: {  	_ =	shalt  }
0x72: {  	_ =	shalt  }
0x73: {  	_ =	shalt  }
0x74: {  	_ =	shalt  }
0x75: {  	_ =	shalt  }
0x76: {  	_ =	shalt  }
0x77: {  	_ =	shalt  }
0x78: {  	_ =	shalt  }
0x79: {  	_ =	shalt  }
0x7a: {  	_ =	shalt  }
0x7b: {  	_ =	shalt  }
0x7c: {  	_ =	shalt  }
0x7d: {  	_ =	shalt  }
0x7e: {  	_ =	shalt  }
0x7f: {  	_ =	shalt  }
0x80: {  	_ =	shalt  }
0x81: {  	_ =	shalt  }
0x82: {  	_ =	shalt  }
0x83: {  	_ =	shalt  }
0x84: {  	_ =	shalt  }
0x85: {  	_ =	shalt  }
0x86: {  	_ =	shalt  }
0x87: {  	_ =	shalt  }
.Lfunc_end0:
.L_simem_size_0:
called_computation_lowered:
.L_overlay_start_0:
0x88: {  	s2 =	sld [smem:$0x3FD9]  }
0x89: {  	s3 =	sld [smem:$0x3FFE];
	_ =	sdelay $0x1  }
0x8a: {  	s1 =	srdreg.scid  }
0x8b: {  	s0 =	sand.u32 $0x1, s1  }
0x8c: {  	s14 =	sshll.u32 s0, $0xA;
	s2 =	sadd.s32 s3, s2  }
0x8d: {  	s2 =	sadd.s32 s2, s14  }
0x8e: {  	[smem:$0x3FBB] =	sst s2  }
0x8f: {  	_ = 	snop  }
0x90: {  	s2 =	sld [smem:$0x3FD0];
	_ =	sdelay $0x2  }
0x91: {  	s15 =	simm.s32 $0xA;
	s4 =	simm.s32 $0x10  }
0x92: {  	[smem:s4], [sflag:s15] =	dma.local [hbm:s2], $0x1  }
0x93: {  	_ =	swait.eq [sflag:s15], $0x1  }
0x94: {  	[sflag:s15] =	ssyncset.done $0x0  }
0x95: {  	s16 =	sld [smem:$0x11];
	[sflag:s15] =	ssyncadd.s32 $0xFFFFFFFF  }
0x96: {  	s17 =	sld [smem:$0x12];
	(tm) =	ssettm $0x1  }
0x97: {  	s18 =	sld [smem:$0x3FFB];
	_ =	sdelay $0x3  }
0x98: {  	_ =	strace s18  }
0x99: {  	s4 =	sld [smem:$0x3FFC];
	_ =	sdelay $0x3  }
0x9a: {  	_ =	strace s4  }
0x9b: {  	s4 =	sld [smem:$0x3FFD];
	_ =	sdelay $0x3  }
0x9c: {  	_ =	strace s4  }
0x9d: {  	_ =	strace $0x8FFFFFFF  }
0x9e: {  	s19 =	sld [smem:$0x3FDB];
	_ =	sdelay $0x1  }
0x9f: {  	s5 =	simm.s32 $_scs_section_size  }
0xa0: {  	s6 =	simm.s32 $_size__tile_overlayer_lowered;
	s7 =	simm.s32 $_tile_overlayer_lowered  }
0xa1: {  	s22 =	simm.s32 $0x1BFF;
	s21 =	sshll.u32 s7, $0x1;
	s4 =	sadd.s32 s5, s19  }
0xa2: {  	s8 =	simm.s32 $0x0;
	s20 =	sshll.u32 s6, $0x1;
	s6 =	sadd.s32 s21, s4  }
0xa3: {  	[timem:s8], [sflag:s22] =	dma.local [hbm:s6], s20  }
0xa4: {  	_ =	swait.ge [sflag:s22], s20  }
0xa5: {  	s5 =	ssub.s32 $0x0, s20;
	[sflag:s22] =	ssyncset.done $0x0  }
0xa6: {  	[sflag:s22] =	ssyncadd.s32 s5;
	_ =	sdelay $0x1  }
0xa7: {  	s23 =	simm.s32 $0x1B8B  }
0xa8: {  	_ =	swait.ge [sflag:s23], $0x1  }
0xa9: {  	[sflag:s23] =	ssyncset.done $0x0  }
0xaa: {  	s25 =	simm.s32 $0x1B8E;
	s24 =	sld [smem:$0x3FFE];
	[sflag:s23] =	ssyncadd.s32 $0xFFFFFFFF  }
0xab: {  	s26 =	simm.s32 $execute0_lowered;
	[smem:$0x3FD2] =	sst s25  }
0xac: {  	s6 =	sshll.u32 s26, $0x1;
	_ =	strace $0x80000046;
	[dreg:$0x1] =	wrdreg $0xFFFFFFFF  }
0xad: {  	s28 =	simm.s32 $_size_execute0_lowered;
	s4 =	sadd.s32 s4, s6;
	[dreg:$0x0] =	wrdreg $0x0  }
0xae: {  	s6 =	sshll.u32 s28, $0x1;
	[dreg:$0x2] =	wrdreg s4  }
0xaf: {  	[dreg:$0x3] =	wrdreg s6  }
0xb0: {  	[dreg:$0x4] =	wrdreg $0xC0  }
0xb1: {  	_ =	task [dreg:s8], $0x5FFFF  }
0xb2: {  	[dreg:$0x1] =	wrdreg $0xFFFFFFFF  }
0xb3: {  	[dreg:$0x0] =	wrdreg $0x60  }
0xb4: {  	[dreg:$0x2] =	wrdreg s16  }
0xb5: {  	[dreg:$0x3] =	wrdreg s24  }
0xb6: {  	[dreg:$0x4] =	wrdreg s17  }
0xb7: {  	[dreg:$0x5] =	wrdreg $0x2C100  }
0xb8: {  	[dreg:$0x6] =	wrdreg $0x9  }
0xb9: {  	_ =	task.clear_ibuf [dreg:s8], $0x7FFFF;
	_ =	strace $0x90000046  }
0xba: {  	s29 =	simm.s32 $0x9;
	_ =	strace $0x80000048  }
0xbb: {  	_ =	swait.ge [sflag:s29], $0x1  }
0xbc: {  	[sflag:s29] =	ssyncadd.s32 $0xFFFFFFFF  }
0xbd: {  	_ =	strace $0x90000048  }
0xbe: {  	_ =	sfence  }
0xbf: {  	s30 =	sld [smem:$0x0];
	_ =	sdelay $0x2  }
0xc0: {  	s31 =	sshll.u32 s1, $0xD;
	s1 =	sshrl.u32 s1, $0x2  }
0xc1: {  	s3 =	sand.u32 $0x4000, s31;
	s1 =	sadd.s32 s1, s30  }
0xc2: {  	s0 =	sor.u32 s3, s0;
	s1 =	sshll.u32 s1, $0x11  }
0xc3: {  	s0 =	sor.u32 s1, s0  }
0xc4: {  	s0 =	sadd.s32 $0x8F2B, s0  }
0xc5: {  	[sflag:s0] =	ssyncadd.remote.s32 $0x1  }
0xc6: {  	_ =	sfence.sel $0xFFFF  }
0xc7: {  	[dreg:$0x0] =	wrdreg $0xFFFFFFFF;
	(pc) =	sbr.abs _section_cstart, $3  }
0xc8: {  	[dreg:$0x1] =	wrdreg $0xFFFFFFFF  }
0xc9: {  	_ =	task.clear_ibuf [dreg:s8], $0x2FFFF;
	_ =	strace $0x9FFFFFFF  }
0xca: {  	(tm) =	ssettm $0x7FFFFFFF  }
0xcb: {  	_ =	shalt  }
tec
execute0_lowered:
.L_overlay_start_1:
0x0: {  	(tag) =	ssettag $0x1  }
0x1: {  	s7 =	rddreg [dreg:$0x0]  }
0x2: {  	s5 =	rddreg [dreg:$0x1]  }
0x3: {  	s8 =	rddreg [dreg:$0x2]  }
0x4: {  	s2 =	rddreg [dreg:$0x3]  }
0x5: {  	s1 =	stileid.u32;
	s0 =	rddreg [dreg:$0x4];
	s3 =	simm.s32 $0x0  }
0x6: {  	s4 =	srdreg.scid;
	s14 =	simm.s32 $0x1;
	s15 =	simm.s32 $0x0  }
0x7: {  	s6 =	smul.u32 $0x2800, s1;
	[smem:$0x7FF] =	sst s3;
	s10 =	sand.u32 $0x1, s4  }
0x8: {  	s4 =	sadd.s32 $0x2A00, s5;
	s12 =	smul.u32 $0x500, s1;
	s31 =	sshll.u32 s1, $0x6  }
0x9: {  	_ =	strace $0x80000047;
	s28 =	ssub.s32 $0x2, s10;
	s13 =	sshll.u32 s10, $0x4  }
0xa: {  	s10 =	smul.u32 $0x5000, s10;
	s9 =	sshrl.u32 s6, $0x3;
	s11 =	sshrl.u32 s28, $0x1  }
0xb: {  	s29 =	sor.u32 s1, s13;
	s30 =	sadd.s32 s6, s2;
	s6 =	sor.u32 $0x1C02, s31  }
0xc: {  	s13 =	simm.s32 $0x50;
	s5 =	sadd.s32 s9, s5;
	s9 =	ssub.s32 s28, s11  }
0xd: {  	s11 =	smul.u32 $0x4E2, s29;
	s10 =	sadd.s32 s12, s10;
	s12 =	simm.s32 $0x2710  }
0xe: {  	s5 =	sadd.s32 $0x2C00, s5;
	s8 =	sadd.s32 s8, s10;
	s9 =	smax.u32 s9, $0x1  }
0xf: {  	s10 =	sshrl.u32 s30, $0x3;
	s7 =	sadd.s32 s7, s11;
	s11 =	simm.s32 $0x2  }
.LBB2_1:
0x10: {  	[spmem:s10], [sflag:s6] =	dma.local [hbm:s5], $0x500  }
0x11: {  	_ =	swait.ge [sflag:s11], $0x500  }
0x12: {  	[sflag:s11] =	ssyncset.done $0x0  }
0x13: {  	[sflag:s11] =	ssyncadd.s32 $0xFFFFFB00  }
0x14: {  	[tilespmem:s3], [sflag:$0x2] =	stream.linear.gather [hbm4b:s7+s3], $0x2710, $0x38;
	[tilespmem:$0x5410] =	vst v63  }
0x15: {  	_ =	swait.ge [sflag:s11], $0x2710  }
0x16: {  	[sflag:s11] =	ssyncset.done $0x0  }
0x17: {  	[sflag:s11] =	ssyncadd.s32 $0xFFFFD8F0  }
0x18: {  	[tilespmem:s12], [sflag:$0x2] =	stream.linear.gather [hbm4b:s4+s3], $0x500, $0x38;
	[tilespmem:$0x5410] =	vst v63  }
0x19: {  	_ =	swait.ge [sflag:s11], $0x500  }
0x1a: {  	[sflag:s11] =	ssyncset.done $0x0  }
0x1b: {  	[sflag:s11] =	ssyncadd.s32 $0xFFFFFB00  }
0x1c: {  	s16 =	simm.s32 $0x0;
	[bflag:$0x0] =	sbarrier.arrive $0xFFFF  }
0x1d: {  	[spmem:s2] =	stream.indirect.scatter.add.f32 [tilespmem:s12], [sflag:$0x1], $0x10, s16, s13, $0xb8;
	[tilespmem:$0x5410] =	vst v63  }
0x1e: {  	s28 =	simm.s32 $0x50  }
0x1f: {  	[spmem:s2] =	stream.indirect.scatter.add.f32 [tilespmem:s12], [sflag:$0x1], $0x10, s28, s13, $0xb8;
	[tilespmem:$0x5410] =	vst v63  }
0x20: {  	s29 =	simm.s32 $0xA0  }
0x21: {  	[spmem:s2] =	stream.indirect.scatter.add.f32 [tilespmem:s12], [sflag:$0x1], $0x10, s29, s13, $0xb8;
	[tilespmem:$0x5410] =	vst v63  }
0x22: {  	s30 =	simm.s32 $0xF0  }
0x23: {  	[spmem:s2] =	stream.indirect.scatter.add.f32 [tilespmem:s12], [sflag:$0x1], $0x10, s30, s13, $0xb8;
	[tilespmem:$0x5410] =	vst v63  }
0x24: {  	s31 =	simm.s32 $0x140  }
0x25: {  	[spmem:s2] =	stream.indirect.scatter.add.f32 [tilespmem:s12], [sflag:$0x1], $0x10, s31, s13, $0xb8;
	[tilespmem:$0x5410] =	vst v63  }
0x26: {  	_ =	swait.ge [sflag:s14], $0x500  }
0x27: {  	[sflag:s14] =	ssyncset.done $0x0  }
0x28: {  	[sflag:s14] =	ssyncadd.s32 $0xFFFFFB00  }
0x29: {  	_ =	swait.ge [sflag:s14], $0x500  }
0x2a: {  	[sflag:s14] =	ssyncset.done $0x0  }
0x2b: {  	[sflag:s14] =	ssyncadd.s32 $0xFFFFFB00  }
0x2c: {  	_ =	swait.ge [sflag:s14], $0x500  }
0x2d: {  	[sflag:s14] =	ssyncset.done $0x0  }
0x2e: {  	[sflag:s14] =	ssyncadd.s32 $0xFFFFFB00  }
0x2f: {  	_ =	swait.ge [sflag:s14], $0x500  }
0x30: {  	[sflag:s14] =	ssyncset.done $0x0  }
0x31: {  	[sflag:s14] =	ssyncadd.s32 $0xFFFFFB00  }
0x32: {  	_ =	swait.ge [sflag:s14], $0x500  }
0x33: {  	s17 =	simm.s32 $0xC80;
	s16 =	simm.s32 $0x640;
	[sflag:s14] =	ssyncset.done $0x0  }
.LBB2_2:
0x34: {  	s18 =	sshra.s32 s16, $0x2  }
0x35: {  	[sflag:s14] =	ssyncadd.s32 $0xFFFFFB00;
	s16 =	smov.u32 s17;
	s19 =	sadd.s32 $0x640, s17  }
0x36: {  	[spmem:s2] =	stream.indirect.scatter.add.f32 [tilespmem:s12], [sflag:$0x1], $0x10, s18, s13, $0xb8;
	[tilespmem:$0x5410] =	vst v63  }
0x37: {  	p0 =	sne.s32 s17, $0x9600;
	s17 =	sadd.s32 $0x50, s18  }
0x38: {  	[spmem:s2] =	stream.indirect.scatter.add.f32 [tilespmem:s12], [sflag:$0x1], $0x10, s17, s13, $0xb8;
	[tilespmem:$0x5410] =	vst v63  }
0x39: {  	s17 =	sadd.s32 $0xA0, s18  }
0x3a: {  	[spmem:s2] =	stream.indirect.scatter.add.f32 [tilespmem:s12], [sflag:$0x1], $0x10, s17, s13, $0xb8;
	[tilespmem:$0x5410] =	vst v63  }
0x3b: {  	s17 =	sadd.s32 $0xF0, s18  }
0x3c: {  	[spmem:s2] =	stream.indirect.scatter.add.f32 [tilespmem:s12], [sflag:$0x1], $0x10, s17, s13, $0xb8;
	[tilespmem:$0x5410] =	vst v63  }
0x3d: {  	s17 =	sadd.s32 $0x140, s18  }
0x3e: {  	[spmem:s2] =	stream.indirect.scatter.add.f32 [tilespmem:s12], [sflag:$0x1], $0x10, s17, s13, $0xb8;
	[tilespmem:$0x5410] =	vst v63  }
0x3f: {  	_ =	swait.ge [sflag:s14], $0x500  }
0x40: {  	[sflag:s14] =	ssyncset.done $0x0  }
0x41: {  	[sflag:s14] =	ssyncadd.s32 $0xFFFFFB00  }
0x42: {  	_ =	swait.ge [sflag:s14], $0x500  }
0x43: {  	[sflag:s14] =	ssyncset.done $0x0  }
0x44: {  	[sflag:s14] =	ssyncadd.s32 $0xFFFFFB00  }
0x45: {  	_ =	swait.ge [sflag:s14], $0x500  }
0x46: {  	[sflag:s14] =	ssyncset.done $0x0  }
0x47: {  	[sflag:s14] =	ssyncadd.s32 $0xFFFFFB00  }
.Ltmp0:
0x48: {  	_ =	swait.ge [sflag:s14], $0x500;
	(pc) =	sbr.rel @p0 .LBB2_2-.Ltmp0, $4  }
0x49: {  	[sflag:s14] =	ssyncset.done $0x0  }
0x4a: {  	[sflag:s14] =	ssyncadd.s32 $0xFFFFFB00  }
0x4b: {  	_ =	swait.ge [sflag:s14], $0x500  }
0x4c: {  	s17 =	smov.u32 s19;
	[sflag:s14] =	ssyncset.done $0x0  }
0x4d: {  	s16 =	sshra.s32 s16, $0x2;
	[sflag:s14] =	ssyncadd.s32 $0xFFFFFB00  }
0x4e: {  	[spmem:s2] =	stream.indirect.scatter.add.f32 [tilespmem:s12], [sflag:$0x1], $0x10, s16, s13, $0xb8;
	[tilespmem:$0x5410] =	vst v63  }
0x4f: {  	s17 =	sadd.s32 $0x50, s16  }
0x50: {  	[spmem:s2] =	stream.indirect.scatter.add.f32 [tilespmem:s12], [sflag:$0x1], $0x10, s17, s13, $0xb8;
	[tilespmem:$0x5410] =	vst v63  }
0x51: {  	s30 =	sadd.s32 $0xA0, s16  }
0x52: {  	[spmem:s2] =	stream.indirect.scatter.add.f32 [tilespmem:s12], [sflag:$0x1], $0x10, s30, s13, $0xb8;
	[tilespmem:$0x5410] =	vst v63  }
0x53: {  	s31 =	sadd.s32 $0xF0, s16  }
0x54: {  	[spmem:s2] =	stream.indirect.scatter.add.f32 [tilespmem:s12], [sflag:$0x1], $0x10, s31, s13, $0xb8;
	[tilespmem:$0x5410] =	vst v63  }
0x55: {  	s16 =	sadd.s32 $0x140, s16  }
0x56: {  	[spmem:s2] =	stream.indirect.scatter.add.f32 [tilespmem:s12], [sflag:$0x1], $0x10, s16, s13, $0xb8;
	[tilespmem:$0x5410] =	vst v63  }
0x57: {  	_ =	swait.ge [sflag:s14], $0x500  }
0x58: {  	[sflag:s14] =	ssyncset.done $0x0  }
0x59: {  	[sflag:s14] =	ssyncadd.s32 $0xFFFFFB00  }
0x5a: {  	_ =	swait.ge [sflag:s14], $0x500  }
0x5b: {  	[sflag:s14] =	ssyncset.done $0x0  }
0x5c: {  	[sflag:s14] =	ssyncadd.s32 $0xFFFFFB00  }
0x5d: {  	_ =	swait.ge [sflag:s14], $0x500  }
0x5e: {  	[sflag:s14] =	ssyncset.done $0x0  }
0x5f: {  	[sflag:s14] =	ssyncadd.s32 $0xFFFFFB00  }
0x60: {  	_ =	swait.ge [sflag:s14], $0x500  }
0x61: {  	[sflag:s14] =	ssyncset.done $0x0  }
0x62: {  	[sflag:s14] =	ssyncadd.s32 $0xFFFFFB00  }
0x63: {  	_ =	swait.ge [sflag:s14], $0x500  }
0x64: {  	s15 =	sadd.s32 $0x1, s15;
	[sflag:s14] =	ssyncset.done $0x0  }
0x65: {  	p0 =	sne.s32 s15, s9;
	[sflag:s14] =	ssyncadd.s32 $0xFFFFFB00  }
.Ltmp1:
0x66: {  	[bflag:$0x0] =	sbarrier.arrive $0xFFFF;
	(pc) =	sbr.rel @p0 .LBB2_1-.Ltmp1, $4  }
0x67: {  	[hbm:s8], [sflag:s6] =	dma.local [spmem:s10], $0x500  }
0x68: {  	_ =	swait.ge [sflag:s11], $0x500  }
0x69: {  	[sflag:s11] =	ssyncset.done $0x0  }
0x6a: {  	[sflag:s11] =	ssyncadd.s32 $0xFFFFFB00  }
0x6b: {  	_ =	sfence.sel $0x180000  }
0x6c: {  	[bflag:$0x0] =	sbarrier.arrive $0xFFFF  }
0x6d: {  	p0 =	sne.s32 s1, $0x0;
	_ =	strace $0x90000047  }
0x6e: {  	s0 =	sadd.s32 @!p0 $0x100000, s0;
	[bflag:$0x2] =	sbarrier.arrive $0xFFFF  }
0x6f: {  	[sflag:s0] =	ssyncadd.tile.s32 @!p0 $0x1;
	_ =	shalt  }
.Lfunc_end2:
_tile_overlayer_lowered:
.L_overlay_start_2:
0x70: {  	(tag) =	ssettag $0x2  }
0x71: {  	s0 =	rddreg [dreg:$0x0];
	s2 =	stileid.u32  }
0x72: {  	s1 =	rddreg [dreg:$0x1];
	p0 =	sne.s32 s2, $0x0  }
0x73: {  	s3 =	rddreg [dreg:$0x2];
	[bflag:$0x3] =	sbarrier.arrive $0xFFFF;
	s2 =	simm.s32 @!p0 $0x1C02  }
0x74: {  	[timem:s3], [sflag:s2] =	dma.local @!p0 [hbm:s0], s1  }
0x75: {  	s0 =	simm.s32 @!p0 $0x2  }
0x76: {  	_ =	swait.ge @!p0 [sflag:s0], s1  }
0x77: {  	s1 =	ssub.s32 @!p0 $0x0, s1;
	[sflag:s0] =	ssyncset.done @!p0 $0x0  }
0x78: {  	[sflag:s0] =	ssyncadd.s32 @!p0 s1  }
0x79: {  	[bflag:$0x3] =	sbarrier.arrive $0xFFFF  }
0x7a: {  	_ =	shalt  }

// kernel: kernel.13.cloned.1.call-start
scs
__scs_entry_jumppad:
0x0: {  	(pc) =	sbr.rel $0x88, $3  }
0x1: {  	(tag) =	ssettag $0x0;
	lr =	simm.s32 $0x1  }
0x2: {  	[smem:$0x3F94] =	sst lr;
	_ =	strace $0xD0000000  }
0x3: {  	_ = 	snop  }
0x4: {  	_ = 	snop  }
0x5: {  	_ = 	snop  }
0x6: {  	_ = 	snop  }
0x7: {  	_ = 	snop  }
__scs_overlays_trampoline_lowered:
0x8: {  	[smem:$0x3FA3] =	sst s0  }
0x9: {  	[smem:$0x3FA4] =	sst s1  }
0xa: {  	[smem:$0x3FA5] =	sst s2  }
0xb: {  	[smem:$0x3FA6] =	sst s3  }
0xc: {  	[smem:$0x3FA7] =	sst s4  }
0xd: {  	[smem:$0x3FA8] =	sst s5  }
0xe: {  	[smem:$0x3FA9] =	sst s6  }
0xf: {  	[smem:$0x3FAA] =	sst s7  }
0x10: {  	[smem:$0x3FAB] =	sst s8  }
0x11: {  	[smem:$0x3FAC] =	sst s9;
	s0 =	simm.s32 @!p0 $0x0  }
0x12: {  	s1 =	sld [smem:$0x3F92];
	s0 =	simm.s32 @p0 $0x1  }
0x13: {  	[smem:$0x3FAD] =	sst s0;
	s0 =	simm.s32 @!p1 $0x0  }
0x14: {  	s2 =	sld [smem:$0x3F91];
	s0 =	simm.s32 @p1 $0x1  }
0x15: {  	[smem:$0x3FAE] =	sst s0;
	s0 =	simm.s32 @!p2 $0x0  }
0x16: {  	s3 =	sld [smem:$0x3FDB];
	s0 =	simm.s32 @p2 $0x1  }
0x17: {  	s4 =	simm.s32 $0x1BF5;
	[smem:$0x3FB0] =	sst s0  }
0x18: {  	s0 =	sld [smem:$0x3F93];
	_ =	swait.ge [sflag:s4], $0x0  }
0x19: {  	s7 =	sld [smem:$0x3F94]  }
0x1a: {  	s8 =	sadd.s32 $0xFFFFE003, lr  }
0x1b: {  	s9 =	sadd.s32 $0xFFFFFEF7, lr;
	s5 =	simm.s32 $0xFFFFFFFF;
	p2 =	slt.u32 s8, $0xFFFFF086  }
0x1c: {  	p1 =	slt.u32 s9, $0xF7A;
	s5 =	simm.s32 @!p2 $0x0  }
0x1d: {  	s5 =	simm.s32 @p1 $0x1;
	p0 =	seq.s32 s7, s2  }
0x1e: {  	s7 =	smul.u32 @!p0 $0xF7A, s2;
	p2 =	seq.s32 @!p0 s5, $0x0  }
0x1f: {  	s9 =	smul.u32 $0xF7A, s1;
	s8 =	simm.s32 @!p0 $0x1BF5;
	p2 =	por !p2, p0  }
0x20: {  	[sflag:s8] =	ssyncset.s32 @!p0 $0xFFFFF086;
	s6 =	sadd.s32 @!p0 s3, s7;
	s7 =	simm.s32 @!p0 $0x108  }
0x21: {  	s3 =	sadd.s32 s3, s9;
	s6 =	sadd.s32 @!p0 $0x88, s6;
	s7 =	simm.s32 @p2 $0x1082  }
0x22: {  	[simem:s7], [sflag:s8] =	dma.local @!p0 [hbm:s6], $0xF7A  }
0x23: {  	s9 =	sor.u32 $0xD0000000, s2;
	s6 =	simm.s32 $0x108;
	_ =	swait.ge @!p0 [sflag:s8], $0x0  }
0x24: {  	s3 =	sadd.s32 $0x88, s3;
	s6 =	simm.s32 @!p1 $0x1082;
	[sflag:s4] =	ssyncset.s32 $0xFFFFF086  }
0x25: {  	[simem:s6], [sflag:s4] =	dma.local [hbm:s3], $0xF7A  }
0x26: {  	[smem:$0x3F94] =	sst s1;
	(tag) =	ssettag s2;
	_ =	strace s9  }
0x27: {  	s1 =	sld [smem:$0x3FA4]  }
0x28: {  	s2 =	sld [smem:$0x3FA5]  }
0x29: {  	s4 =	sld [smem:$0x3FA7]  }
0x2a: {  	p0 =	seq.s32 s5, $0x0;
	s5 =	sld [smem:$0x3FA8]  }
0x2b: {  	s6 =	sld [smem:$0x3FA9]  }
0x2c: {  	s7 =	sld [smem:$0x3FAA]  }
0x2d: {  	s3 =	simm.s32 $0x108;
	s8 =	sld [smem:$0x3FAB]  }
0x2e: {  	s3 =	simm.s32 @!p0 $0x1082;
	s9 =	sld [smem:$0x3FAC]  }
0x2f: {  	lr =	sadd.s32 s0, s3;
	s0 =	sld [smem:$0x3FA3]  }
0x30: {  	s3 =	sld [smem:$0x3FA6]  }
0x31: {  	[smem:$0x3FAF] =	sst s10  }
0x32: {  	s10 =	sld [smem:$0x3FAD];
	_ =	sdelay $0x3  }
0x33: {  	p0 =	seq.s32 s10, $0x1;
	s10 =	sld [smem:$0x3FAF];
	_ =	sdelay $0x3  }
0x34: {  	[smem:$0x3FAF] =	sst s10  }
0x35: {  	s10 =	sld [smem:$0x3FAE];
	_ =	sdelay $0x3  }
0x36: {  	p1 =	seq.s32 s10, $0x1;
	s10 =	sld [smem:$0x3FAF];
	_ =	sdelay $0x3  }
0x37: {  	[smem:$0x3FAF] =	sst s10  }
0x38: {  	s10 =	sld [smem:$0x3FB0]  }
0x39: {  	_ = 	snop;
	(pc) =	sbr.ind lr, $3  }
0x3a: {  	_ = 	snop  }
0x3b: {  	_ = 	snop  }
0x3c: {  	p2 =	seq.s32 s10, $0x1;
	s10 =	sld [smem:$0x3FAF]  }
0x3d: {  	_ =	shalt  }
0x3e: {  	_ =	shalt  }
0x3f: {  	_ =	shalt  }
0x40: {  	_ =	shalt  }
0x41: {  	_ =	shalt  }
0x42: {  	_ =	shalt  }
0x43: {  	_ =	shalt  }
0x44: {  	_ =	shalt  }
0x45: {  	_ =	shalt  }
0x46: {  	_ =	shalt  }
0x47: {  	_ =	shalt  }
0x48: {  	_ =	shalt  }
0x49: {  	_ =	shalt  }
0x4a: {  	_ =	shalt  }
0x4b: {  	_ =	shalt  }
0x4c: {  	_ =	shalt  }
0x4d: {  	_ =	shalt  }
0x4e: {  	_ =	shalt  }
0x4f: {  	_ =	shalt  }
0x50: {  	_ =	shalt  }
0x51: {  	_ =	shalt  }
0x52: {  	_ =	shalt  }
0x53: {  	_ =	shalt  }
0x54: {  	_ =	shalt  }
0x55: {  	_ =	shalt  }
0x56: {  	_ =	shalt  }
0x57: {  	_ =	shalt  }
0x58: {  	_ =	shalt  }
0x59: {  	_ =	shalt  }
0x5a: {  	_ =	shalt  }
0x5b: {  	_ =	shalt  }
0x5c: {  	_ =	shalt  }
0x5d: {  	_ =	shalt  }
0x5e: {  	_ =	shalt  }
0x5f: {  	_ =	shalt  }
0x60: {  	_ =	shalt  }
0x61: {  	_ =	shalt  }
0x62: {  	_ =	shalt  }
0x63: {  	_ =	shalt  }
0x64: {  	_ =	shalt  }
0x65: {  	_ =	shalt  }
0x66: {  	_ =	shalt  }
0x67: {  	_ =	shalt  }
0x68: {  	_ =	shalt  }
0x69: {  	_ =	shalt  }
0x6a: {  	_ =	shalt  }
0x6b: {  	_ =	shalt  }
0x6c: {  	_ =	shalt  }
0x6d: {  	_ =	shalt  }
0x6e: {  	_ =	shalt  }
0x6f: {  	_ =	shalt  }
0x70: {  	_ =	shalt  }
0x71: {  	_ =	shalt  }
0x72: {  	_ =	shalt  }
0x73: {  	_ =	shalt  }
0x74: {  	_ =	shalt  }
0x75: {  	_ =	shalt  }
0x76: {  	_ =	shalt  }
0x77: {  	_ =	shalt  }
0x78: {  	_ =	shalt  }
0x79: {  	_ =	shalt  }
0x7a: {  	_ =	shalt  }
0x7b: {  	_ =	shalt  }
0x7c: {  	_ =	shalt  }
0x7d: {  	_ =	shalt  }
0x7e: {  	_ =	shalt  }
0x7f: {  	_ =	shalt  }
0x80: {  	_ =	shalt  }
0x81: {  	_ =	shalt  }
0x82: {  	_ =	shalt  }
0x83: {  	_ =	shalt  }
0x84: {  	_ =	shalt  }
0x85: {  	_ =	shalt  }
0x86: {  	_ =	shalt  }
0x87: {  	_ =	shalt  }
.Lfunc_end0:
.L_simem_size_0:
called_computation.1_lowered:
.L_overlay_start_0:
0x88: {  	s2 =	sld [smem:$0x3FD9]  }
0x89: {  	s3 =	sld [smem:$0x3FFE];
	_ =	sdelay $0x1  }
0x8a: {  	s1 =	srdreg.scid  }
0x8b: {  	s0 =	sand.u32 $0x1, s1  }
0x8c: {  	s14 =	sshll.u32 s0, $0xA;
	s2 =	sadd.s32 s3, s2  }
0x8d: {  	s2 =	sadd.s32 s2, s14  }
0x8e: {  	[smem:$0x3FBB] =	sst s2  }
0x8f: {  	_ = 	snop  }
0x90: {  	s2 =	sld [smem:$0x3FD0];
	_ =	sdelay $0x2  }
0x91: {  	s15 =	simm.s32 $0xA;
	s4 =	simm.s32 $0x10  }
0x92: {  	[smem:s4], [sflag:s15] =	dma.local [hbm:s2], $0x1  }
0x93: {  	_ =	swait.eq [sflag:s15], $0x1  }
0x94: {  	s16 =	sld [smem:$0x10];
	[sflag:s15] =	ssyncset.done $0x0  }
0x95: {  	s17 =	sld [smem:$0x11];
	[sflag:s15] =	ssyncadd.s32 $0xFFFFFFFF  }
0x96: {  	s18 =	sld [smem:$0x12];
	(tm) =	ssettm $0x1  }
0x97: {  	s5 =	sld [smem:$0x3FFB];
	_ =	sdelay $0x3  }
0x98: {  	_ =	strace s5  }
0x99: {  	s5 =	sld [smem:$0x3FFC];
	_ =	sdelay $0x3  }
0x9a: {  	_ =	strace s5  }
0x9b: {  	s5 =	sld [smem:$0x3FFD];
	_ =	sdelay $0x3  }
0x9c: {  	_ =	strace s5  }
0x9d: {  	_ =	strace $0x8FFFFFFF  }
0x9e: {  	s19 =	sld [smem:$0x3FDB];
	_ =	sdelay $0x1  }
0x9f: {  	s6 =	simm.s32 $_scs_section_size  }
0xa0: {  	s7 =	simm.s32 $_size__tile_overlayer_lowered;
	s8 =	simm.s32 $_tile_overlayer_lowered  }
0xa1: {  	s22 =	simm.s32 $0x1BFF;
	s21 =	sshll.u32 s8, $0x1;
	s5 =	sadd.s32 s6, s19  }
0xa2: {  	s9 =	simm.s32 $0x0;
	s20 =	sshll.u32 s7, $0x1;
	s7 =	sadd.s32 s21, s5  }
0xa3: {  	[timem:s9], [sflag:s22] =	dma.local [hbm:s7], s20  }
0xa4: {  	_ =	swait.ge [sflag:s22], s20  }
0xa5: {  	s6 =	ssub.s32 $0x0, s20;
	[sflag:s22] =	ssyncset.done $0x0  }
0xa6: {  	[sflag:s22] =	ssyncadd.s32 s6;
	_ =	sdelay $0x1  }
0xa7: {  	s23 =	simm.s32 $0x1B8B  }
0xa8: {  	_ =	swait.ge [sflag:s23], $0x1  }
0xa9: {  	[sflag:s23] =	ssyncset.done $0x0  }
0xaa: {  	s25 =	simm.s32 $0x1B8E;
	s24 =	sld [smem:$0x3FFE];
	[sflag:s23] =	ssyncadd.s32 $0xFFFFFFFF  }
0xab: {  	s26 =	simm.s32 $execute0_lowered;
	[smem:$0x3FD2] =	sst s25  }
0xac: {  	s7 =	sshll.u32 s26, $0x1;
	_ =	strace $0x80000049;
	[dreg:$0x1] =	wrdreg $0xFFFFFFFF  }
0xad: {  	s28 =	simm.s32 $_size_execute0_lowered;
	s5 =	sadd.s32 s5, s7;
	[dreg:$0x0] =	wrdreg $0x0  }
0xae: {  	s7 =	sshll.u32 s28, $0x1;
	[dreg:$0x2] =	wrdreg s5  }
0xaf: {  	[dreg:$0x3] =	wrdreg s7  }
0xb0: {  	[dreg:$0x4] =	wrdreg $0xC0  }
0xb1: {  	_ =	task [dreg:s9], $0x5FFFF  }
0xb2: {  	[dreg:$0x1] =	wrdreg $0xFFFFFFFF  }
0xb3: {  	[dreg:$0x0] =	wrdreg $0x60  }
0xb4: {  	[dreg:$0x2] =	wrdreg s18  }
0xb5: {  	[dreg:$0x3] =	wrdreg s16  }
0xb6: {  	[dreg:$0x4] =	wrdreg s17  }
0xb7: {  	[dreg:$0x5] =	wrdreg s24  }
0xb8: {  	[dreg:$0x6] =	wrdreg $0xB2200  }
0xb9: {  	[dreg:$0x7] =	wrdreg $0x9  }
0xba: {  	_ =	task.clear_ibuf [dreg:s9], $0x8FFFF;
	_ =	strace $0x90000049  }
0xbb: {  	s29 =	simm.s32 $0x9;
	_ =	strace $0x8000004B  }
0xbc: {  	_ =	swait.ge [sflag:s29], $0x1  }
0xbd: {  	[sflag:s29] =	ssyncadd.s32 $0xFFFFFFFF  }
0xbe: {  	_ =	strace $0x9000004B  }
0xbf: {  	_ =	sfence  }
0xc0: {  	s30 =	sld [smem:$0x0];
	_ =	sdelay $0x2  }
0xc1: {  	s31 =	sshll.u32 s1, $0xD;
	s1 =	sshrl.u32 s1, $0x2  }
0xc2: {  	s3 =	sand.u32 $0x4000, s31;
	s1 =	sadd.s32 s1, s30  }
0xc3: {  	s0 =	sor.u32 s3, s0;
	s1 =	sshll.u32 s1, $0x11  }
0xc4: {  	s0 =	sor.u32 s1, s0  }
0xc5: {  	s0 =	sadd.s32 $0x8F2B, s0  }
0xc6: {  	[sflag:s0] =	ssyncadd.remote.s32 $0x1  }
0xc7: {  	_ =	sfence.sel $0xFFFF  }
0xc8: {  	[dreg:$0x0] =	wrdreg $0xFFFFFFFF;
	(pc) =	sbr.abs _section_cstart, $3  }
0xc9: {  	[dreg:$0x1] =	wrdreg $0xFFFFFFFF  }
0xca: {  	_ =	task.clear_ibuf [dreg:s9], $0x2FFFF;
	_ =	strace $0x9FFFFFFF  }
0xcb: {  	(tm) =	ssettm $0x7FFFFFFF  }
tec
execute0_lowered:
.L_overlay_start_1:
0x0: {  	(tag) =	ssettag $0x1  }
0x1: {  	s1 =	rddreg [dreg:$0x0]  }
0x2: {  	s7 =	rddreg [dreg:$0x1]  }
0x3: {  	s8 =	rddreg [dreg:$0x2]  }
0x4: {  	s5 =	rddreg [dreg:$0x3]  }
0x5: {  	s3 =	rddreg [dreg:$0x4]  }
0x6: {  	s0 =	rddreg [dreg:$0x5]  }
0x7: {  	s2 =	stileid.u32;
	s9 =	srdreg.scid;
	s4 =	simm.s32 $0x0  }
0x8: {  	s15 =	simm.s32 $0x4E20;
	s16 =	simm.s32 $0x6220;
	s17 =	simm.s32 $0x7620  }
0x9: {  	s18 =	simm.s32 $0x8A20;
	s19 =	simm.s32 $0x9E20;
	s20 =	simm.s32 $0x1  }
0xa: {  	s21 =	simm.s32 $0x2;
	s22 =	simm.s32 $0x0;
	s6 =	smul.u32 $0xA000, s2  }
0xb: {  	s9 =	sand.u32 $0x1, s9;
	s10 =	smul.u32 $0x1400, s2;
	[smem:$0x7FF] =	sst s4  }
0xc: {  	s31 =	sshll.u32 s2, $0x6;
	s12 =	smul.u32 $0x14000, s9;
	_ =	strace $0x8000004A  }
0xd: {  	s13 =	sshll.u32 s9, $0x4;
	s9 =	ssub.s32 $0x2, s9;
	s11 =	sshrl.u32 s6, $0x3  }
0xe: {  	s28 =	sor.u32 s2, s13;
	s29 =	sshrl.u32 s9, $0x1;
	s14 =	sadd.s32 s6, s3  }
0xf: {  	s6 =	sor.u32 $0x1C03, s31;
	s13 =	simm.s32 $0x2710;
	s11 =	sadd.s32 s11, s5  }
0x10: {  	s10 =	sadd.s32 s10, s12;
	s12 =	smul.u32 $0x4E2, s28;
	s30 =	ssub.s32 s9, s29  }
0x11: {  	s10 =	sadd.s32 s10, s5;
	s5 =	sadd.s32 $0x29C00, s11;
	s11 =	sshrl.u32 s14, $0x3  }
0x12: {  	s14 =	simm.s32 $0x50;
	s7 =	sadd.s32 s7, s12;
	s8 =	sadd.s32 s8, s12  }
0x13: {  	s9 =	sadd.s32 $0x3DC00, s10;
	s10 =	smax.u32 s30, $0x1;
	s12 =	simm.s32 $0x3  }
.LBB2_1:
0x14: {  	[spmem:s11], [sflag:s6] =	dma.local [hbm:s5], $0x1400  }
0x15: {  	_ =	swait.ge [sflag:s12], $0x1400  }
0x16: {  	[sflag:s12] =	ssyncset.done $0x0  }
0x17: {  	[sflag:s12] =	ssyncadd.s32 $0xFFFFEC00  }
0x18: {  	[tilespmem:s4], [sflag:$0x3] =	stream.linear.gather [hbm4b:s7+s4], $0x2710, $0x38;
	[tilespmem:$0x15220] =	vst v63  }
0x19: {  	_ =	swait.ge [sflag:s12], $0x2710  }
0x1a: {  	[sflag:s12] =	ssyncset.done $0x0  }
0x1b: {  	[sflag:s12] =	ssyncadd.s32 $0xFFFFD8F0  }
0x1c: {  	[tilespmem:s13], [sflag:$0x3] =	stream.linear.gather [hbm4b:s8+s4], $0x2710, $0x38;
	[tilespmem:$0x15220] =	vst v63  }
0x1d: {  	_ =	swait.ge [sflag:s12], $0x2710  }
0x1e: {  	[sflag:s12] =	ssyncset.done $0x0  }
0x1f: {  	[sflag:s12] =	ssyncadd.s32 $0xFFFFD8F0  }
0x20: {  	s23 =	simm.s32 $0x0;
	[bflag:$0x0] =	sbarrier.arrive $0xFFFF  }
0x21: {  	[tilespmem:s15], [sflag:$0x1] =	stream.indirect.gather [hbm4b:s1+s14], $0x40, s23, s14, $0xb8;
	[tilespmem:$0x15220] =	vst v63  }
0x22: {  	s30 =	simm.s32 $0x50  }
0x23: {  	[tilespmem:s16], [sflag:$0x1] =	stream.indirect.gather [hbm4b:s1+s14], $0x40, s30, s14, $0xb8;
	[tilespmem:$0x15220] =	vst v63  }
0x24: {  	s31 =	simm.s32 $0xA0  }
0x25: {  	[tilespmem:s17], [sflag:$0x1] =	stream.indirect.gather [hbm4b:s1+s14], $0x40, s31, s14, $0xb8;
	[tilespmem:$0x15220] =	vst v63  }
0x26: {  	s24 =	simm.s32 $0xF0  }
0x27: {  	[tilespmem:s18], [sflag:$0x1] =	stream.indirect.gather [hbm4b:s1+s14], $0x40, s24, s14, $0xb8;
	[tilespmem:$0x15220] =	vst v63  }
0x28: {  	s25 =	simm.s32 $0x140  }
0x29: {  	[tilespmem:s19], [sflag:$0x1] =	stream.indirect.gather [hbm4b:s1+s14], $0x40, s25, s14, $0xb8;
	[tilespmem:$0x15220] =	vst v63  }
0x2a: {  	_ =	swait.ge [sflag:s20], $0x1400  }
0x2b: {  	[sflag:s20] =	ssyncset.done $0x0  }
0x2c: {  	[sflag:s20] =	ssyncadd.s32 $0xFFFFEC00  }
0x2d: {  	_ =	swait.ge [sflag:s20], $0x1400  }
0x2e: {  	[sflag:s20] =	ssyncset.done $0x0  }
0x2f: {  	[sflag:s20] =	ssyncadd.s32 $0xFFFFEC00  }
0x30: {  	_ =	swait.ge [sflag:s20], $0x1400  }
0x31: {  	[sflag:s20] =	ssyncset.done $0x0  }
0x32: {  	[sflag:s20] =	ssyncadd.s32 $0xFFFFEC00  }
0x33: {  	_ =	swait.ge [sflag:s20], $0x1400  }
0x34: {  	[sflag:s20] =	ssyncset.done $0x0  }
0x35: {  	[sflag:s20] =	ssyncadd.s32 $0xFFFFEC00  }
0x36: {  	_ =	swait.ge [sflag:s20], $0x1400  }
0x37: {  	[sflag:s20] =	ssyncset.done $0x0  }
0x38: {  	s26 =	simm.s32 $0x2710;
	[sflag:s20] =	ssyncadd.s32 $0xFFFFEC00  }
0x39: {  	[spmem:s3] =	stream.indirect.scatter.add.f32 [tilespmem:s15], [sflag:$0x2], $0x40, s26, s14, $0xb8;
	[tilespmem:$0x15220] =	vst v63  }
0x3a: {  	s28 =	simm.s32 $0x2760  }
0x3b: {  	[spmem:s3] =	stream.indirect.scatter.add.f32 [tilespmem:s16], [sflag:$0x2], $0x40, s28, s14, $0xb8;
	[tilespmem:$0x15220] =	vst v63  }
0x3c: {  	s29 =	simm.s32 $0x27B0  }
0x3d: {  	[spmem:s3] =	stream.indirect.scatter.add.f32 [tilespmem:s17], [sflag:$0x2], $0x40, s29, s14, $0xb8;
	[tilespmem:$0x15220] =	vst v63  }
0x3e: {  	s30 =	simm.s32 $0x2800  }
0x3f: {  	[spmem:s3] =	stream.indirect.scatter.add.f32 [tilespmem:s18], [sflag:$0x2], $0x40, s30, s14, $0xb8;
	[tilespmem:$0x15220] =	vst v63  }
0x40: {  	s31 =	simm.s32 $0x2850  }
0x41: {  	[spmem:s3] =	stream.indirect.scatter.add.f32 [tilespmem:s19], [sflag:$0x2], $0x40, s31, s14, $0xb8;
	[tilespmem:$0x15220] =	vst v63  }
0x42: {  	_ =	swait.ge [sflag:s21], $0x1400  }
0x43: {  	[sflag:s21] =	ssyncset.done $0x0  }
0x44: {  	[sflag:s21] =	ssyncadd.s32 $0xFFFFEC00  }
0x45: {  	_ =	swait.ge [sflag:s21], $0x1400  }
0x46: {  	[sflag:s21] =	ssyncset.done $0x0  }
0x47: {  	[sflag:s21] =	ssyncadd.s32 $0xFFFFEC00  }
0x48: {  	_ =	swait.ge [sflag:s21], $0x1400  }
0x49: {  	[sflag:s21] =	ssyncset.done $0x0  }
0x4a: {  	[sflag:s21] =	ssyncadd.s32 $0xFFFFEC00  }
0x4b: {  	_ =	swait.ge [sflag:s21], $0x1400  }
0x4c: {  	[sflag:s21] =	ssyncset.done $0x0  }
0x4d: {  	[sflag:s21] =	ssyncadd.s32 $0xFFFFEC00  }
0x4e: {  	_ =	swait.ge [sflag:s21], $0x1400  }
0x4f: {  	s23 =	simm.s32 $0x640;
	s26 =	simm.s32 $0xC80;
	[sflag:s21] =	ssyncset.done $0x0  }
.LBB2_2:
0x50: {  	s25 =	sshra.s32 s23, $0x2  }
0x51: {  	[sflag:s21] =	ssyncadd.s32 $0xFFFFEC00;
	s23 =	smov.u32 s26;
	s24 =	sadd.s32 $0x640, s26  }
0x52: {  	[tilespmem:s15], [sflag:$0x1] =	stream.indirect.gather [hbm4b:s1+s14], $0x40, s25, s14, $0xb8;
	[tilespmem:$0x15220] =	vst v63  }
0x53: {  	p0 =	sne.s32 s26, $0x9600;
	s26 =	sadd.s32 $0x50, s25  }
0x54: {  	[tilespmem:s16], [sflag:$0x1] =	stream.indirect.gather [hbm4b:s1+s14], $0x40, s26, s14, $0xb8;
	[tilespmem:$0x15220] =	vst v63  }
0x55: {  	s26 =	sadd.s32 $0xA0, s25  }
0x56: {  	[tilespmem:s17], [sflag:$0x1] =	stream.indirect.gather [hbm4b:s1+s14], $0x40, s26, s14, $0xb8;
	[tilespmem:$0x15220] =	vst v63  }
0x57: {  	s26 =	sadd.s32 $0xF0, s25  }
0x58: {  	[tilespmem:s18], [sflag:$0x1] =	stream.indirect.gather [hbm4b:s1+s14], $0x40, s26, s14, $0xb8;
	[tilespmem:$0x15220] =	vst v63  }
0x59: {  	s26 =	sadd.s32 $0x140, s25  }
0x5a: {  	[tilespmem:s19], [sflag:$0x1] =	stream.indirect.gather [hbm4b:s1+s14], $0x40, s26, s14, $0xb8;
	[tilespmem:$0x15220] =	vst v63  }
0x5b: {  	_ =	swait.ge [sflag:s20], $0x1400  }
0x5c: {  	[sflag:s20] =	ssyncset.done $0x0  }
0x5d: {  	[sflag:s20] =	ssyncadd.s32 $0xFFFFEC00  }
0x5e: {  	_ =	swait.ge [sflag:s20], $0x1400  }
0x5f: {  	[sflag:s20] =	ssyncset.done $0x0  }
0x60: {  	[sflag:s20] =	ssyncadd.s32 $0xFFFFEC00  }
0x61: {  	_ =	swait.ge [sflag:s20], $0x1400  }
0x62: {  	[sflag:s20] =	ssyncset.done $0x0  }
0x63: {  	[sflag:s20] =	ssyncadd.s32 $0xFFFFEC00  }
0x64: {  	_ =	swait.ge [sflag:s20], $0x1400  }
0x65: {  	[sflag:s20] =	ssyncset.done $0x0  }
0x66: {  	[sflag:s20] =	ssyncadd.s32 $0xFFFFEC00  }
0x67: {  	_ =	swait.ge [sflag:s20], $0x1400  }
0x68: {  	[sflag:s20] =	ssyncset.done $0x0  }
0x69: {  	s26 =	sadd.s32 $0x2710, s25;
	[sflag:s20] =	ssyncadd.s32 $0xFFFFEC00  }
0x6a: {  	[spmem:s3] =	stream.indirect.scatter.add.f32 [tilespmem:s15], [sflag:$0x2], $0x40, s26, s14, $0xb8;
	[tilespmem:$0x15220] =	vst v63  }
0x6b: {  	s26 =	sadd.s32 $0x2760, s25  }
0x6c: {  	[spmem:s3] =	stream.indirect.scatter.add.f32 [tilespmem:s16], [sflag:$0x2], $0x40, s26, s14, $0xb8;
	[tilespmem:$0x15220] =	vst v63  }
0x6d: {  	s26 =	sadd.s32 $0x27B0, s25  }
0x6e: {  	[spmem:s3] =	stream.indirect.scatter.add.f32 [tilespmem:s17], [sflag:$0x2], $0x40, s26, s14, $0xb8;
	[tilespmem:$0x15220] =	vst v63  }
0x6f: {  	s26 =	sadd.s32 $0x2800, s25  }
0x70: {  	[spmem:s3] =	stream.indirect.scatter.add.f32 [tilespmem:s18], [sflag:$0x2], $0x40, s26, s14, $0xb8;
	[tilespmem:$0x15220] =	vst v63  }
0x71: {  	s25 =	sadd.s32 $0x2850, s25  }
0x72: {  	[spmem:s3] =	stream.indirect.scatter.add.f32 [tilespmem:s19], [sflag:$0x2], $0x40, s25, s14, $0xb8;
	[tilespmem:$0x15220] =	vst v63  }
0x73: {  	_ =	swait.ge [sflag:s21], $0x1400  }
0x74: {  	[sflag:s21] =	ssyncset.done $0x0  }
0x75: {  	[sflag:s21] =	ssyncadd.s32 $0xFFFFEC00  }
0x76: {  	_ =	swait.ge [sflag:s21], $0x1400  }
0x77: {  	[sflag:s21] =	ssyncset.done $0x0  }
0x78: {  	[sflag:s21] =	ssyncadd.s32 $0xFFFFEC00  }
0x79: {  	_ =	swait.ge [sflag:s21], $0x1400  }
0x7a: {  	[sflag:s21] =	ssyncset.done $0x0  }
0x7b: {  	[sflag:s21] =	ssyncadd.s32 $0xFFFFEC00  }
.Ltmp0:
0x7c: {  	_ =	swait.ge [sflag:s21], $0x1400;
	(pc) =	sbr.rel @p0 .LBB2_2-.Ltmp0, $4  }
0x7d: {  	[sflag:s21] =	ssyncset.done $0x0  }
0x7e: {  	[sflag:s21] =	ssyncadd.s32 $0xFFFFEC00  }
0x7f: {  	_ =	swait.ge [sflag:s21], $0x1400  }
0x80: {  	s26 =	smov.u32 s24;
	[sflag:s21] =	ssyncset.done $0x0  }
0x81: {  	s23 =	sshra.s32 s23, $0x2;
	[sflag:s21] =	ssyncadd.s32 $0xFFFFEC00  }
0x82: {  	[tilespmem:s15], [sflag:$0x1] =	stream.indirect.gather [hbm4b:s1+s14], $0x40, s23, s14, $0xb8;
	[tilespmem:$0x15220] =	vst v63  }
0x83: {  	s24 =	sadd.s32 $0x50, s23  }
0x84: {  	[tilespmem:s16], [sflag:$0x1] =	stream.indirect.gather [hbm4b:s1+s14], $0x40, s24, s14, $0xb8;
	[tilespmem:$0x15220] =	vst v63  }
0x85: {  	s31 =	sadd.s32 $0xA0, s23  }
0x86: {  	[tilespmem:s17], [sflag:$0x1] =	stream.indirect.gather [hbm4b:s1+s14], $0x40, s31, s14, $0xb8;
	[tilespmem:$0x15220] =	vst v63  }
0x87: {  	s25 =	sadd.s32 $0xF0, s23  }
0x88: {  	[tilespmem:s18], [sflag:$0x1] =	stream.indirect.gather [hbm4b:s1+s14], $0x40, s25, s14, $0xb8;
	[tilespmem:$0x15220] =	vst v63  }
0x89: {  	s26 =	sadd.s32 $0x140, s23  }
0x8a: {  	[tilespmem:s19], [sflag:$0x1] =	stream.indirect.gather [hbm4b:s1+s14], $0x40, s26, s14, $0xb8;
	[tilespmem:$0x15220] =	vst v63  }
0x8b: {  	_ =	swait.ge [sflag:s20], $0x1400  }
0x8c: {  	[sflag:s20] =	ssyncset.done $0x0  }
0x8d: {  	[sflag:s20] =	ssyncadd.s32 $0xFFFFEC00  }
0x8e: {  	_ =	swait.ge [sflag:s20], $0x1400  }
0x8f: {  	[sflag:s20] =	ssyncset.done $0x0  }
0x90: {  	[sflag:s20] =	ssyncadd.s32 $0xFFFFEC00  }
0x91: {  	_ =	swait.ge [sflag:s20], $0x1400  }
0x92: {  	[sflag:s20] =	ssyncset.done $0x0  }
0x93: {  	[sflag:s20] =	ssyncadd.s32 $0xFFFFEC00  }
0x94: {  	_ =	swait.ge [sflag:s20], $0x1400  }
0x95: {  	[sflag:s20] =	ssyncset.done $0x0  }
0x96: {  	[sflag:s20] =	ssyncadd.s32 $0xFFFFEC00  }
0x97: {  	_ =	swait.ge [sflag:s20], $0x1400  }
0x98: {  	[sflag:s20] =	ssyncset.done $0x0  }
0x99: {  	s28 =	sadd.s32 $0x2710, s23;
	[sflag:s20] =	ssyncadd.s32 $0xFFFFEC00  }
0x9a: {  	[spmem:s3] =	stream.indirect.scatter.add.f32 [tilespmem:s15], [sflag:$0x2], $0x40, s28, s14, $0xb8;
	[tilespmem:$0x15220] =	vst v63  }
0x9b: {  	s29 =	sadd.s32 $0x2760, s23  }
0x9c: {  	[spmem:s3] =	stream.indirect.scatter.add.f32 [tilespmem:s16], [sflag:$0x2], $0x40, s29, s14, $0xb8;
	[tilespmem:$0x15220] =	vst v63  }
0x9d: {  	s30 =	sadd.s32 $0x27B0, s23  }
0x9e: {  	[spmem:s3] =	stream.indirect.scatter.add.f32 [tilespmem:s17], [sflag:$0x2], $0x40, s30, s14, $0xb8;
	[tilespmem:$0x15220] =	vst v63  }
0x9f: {  	s31 =	sadd.s32 $0x2800, s23  }
0xa0: {  	[spmem:s3] =	stream.indirect.scatter.add.f32 [tilespmem:s18], [sflag:$0x2], $0x40, s31, s14, $0xb8;
	[tilespmem:$0x15220] =	vst v63  }
0xa1: {  	s23 =	sadd.s32 $0x2850, s23  }
0xa2: {  	[spmem:s3] =	stream.indirect.scatter.add.f32 [tilespmem:s19], [sflag:$0x2], $0x40, s23, s14, $0xb8;
	[tilespmem:$0x15220] =	vst v63  }
0xa3: {  	_ =	swait.ge [sflag:s21], $0x1400  }
0xa4: {  	[sflag:s21] =	ssyncset.done $0x0  }
0xa5: {  	[sflag:s21] =	ssyncadd.s32 $0xFFFFEC00  }
0xa6: {  	_ =	swait.ge [sflag:s21], $0x1400  }
0xa7: {  	[sflag:s21] =	ssyncset.done $0x0  }
0xa8: {  	[sflag:s21] =	ssyncadd.s32 $0xFFFFEC00  }
0xa9: {  	_ =	swait.ge [sflag:s21], $0x1400  }
0xaa: {  	[sflag:s21] =	ssyncset.done $0x0  }
0xab: {  	[sflag:s21] =	ssyncadd.s32 $0xFFFFEC00  }
0xac: {  	_ =	swait.ge [sflag:s21], $0x1400  }
0xad: {  	[sflag:s21] =	ssyncset.done $0x0  }
0xae: {  	[sflag:s21] =	ssyncadd.s32 $0xFFFFEC00  }
0xaf: {  	_ =	swait.ge [sflag:s21], $0x1400  }
0xb0: {  	s22 =	sadd.s32 $0x1, s22;
	[sflag:s21] =	ssyncset.done $0x0  }
0xb1: {  	p0 =	sne.s32 s22, s10;
	[sflag:s21] =	ssyncadd.s32 $0xFFFFEC00  }
.Ltmp1:
0xb2: {  	[bflag:$0x0] =	sbarrier.arrive $0xFFFF;
	(pc) =	sbr.rel @p0 .LBB2_1-.Ltmp1, $4  }
0xb3: {  	[hbm:s9], [sflag:s6] =	dma.local [spmem:s11], $0x1400  }
0xb4: {  	_ =	swait.ge [sflag:s12], $0x1400  }
0xb5: {  	[sflag:s12] =	ssyncset.done $0x0  }
0xb6: {  	[sflag:s12] =	ssyncadd.s32 $0xFFFFEC00  }
0xb7: {  	_ =	sfence.sel $0x180000  }
0xb8: {  	[bflag:$0x0] =	sbarrier.arrive $0xFFFF  }
0xb9: {  	p0 =	sne.s32 s2, $0x0;
	_ =	strace $0x9000004A  }
0xba: {  	s0 =	sadd.s32 @!p0 $0x100000, s0;
	[bflag:$0x2] =	sbarrier.arrive $0xFFFF  }
0xbb: {  	[sflag:s0] =	ssyncadd.tile.s32 @!p0 $0x1;
	_ =	shalt  }
.Lfunc_end2:
_tile_overlayer_lowered:
.L_overlay_start_2:
0xbc: {  	(tag) =	ssettag $0x2  }
0xbd: {  	s0 =	rddreg [dreg:$0x0];
	s2 =	stileid.u32  }
0xbe: {  	s1 =	rddreg [dreg:$0x1];
	p0 =	sne.s32 s2, $0x0  }
0xbf: {  	s3 =	rddreg [dreg:$0x2];
	[bflag:$0x3] =	sbarrier.arrive $0xFFFF;
	s2 =	simm.s32 @!p0 $0x1C03  }
0xc0: {  	[timem:s3], [sflag:s2] =	dma.local @!p0 [hbm:s0], s1  }
0xc1: {  	s0 =	simm.s32 @!p0 $0x3  }
0xc2: {  	_ =	swait.ge @!p0 [sflag:s0], s1  }
0xc3: {  	s1 =	ssub.s32 @!p0 $0x0, s1;
	[sflag:s0] =	ssyncset.done @!p0 $0x0  }
0xc4: {  	[sflag:s0] =	ssyncadd.s32 @!p0 s1  }
0xc5: {  	[bflag:$0x3] =	sbarrier.arrive $0xFFFF  }
0xc6: {  	_ =	shalt  }

// kernel: kernel.16.cloned.1.call-start
scs
__scs_entry_jumppad:
0x0: {  	(pc) =	sbr.rel $0x88, $3  }
0x1: {  	(tag) =	ssettag $0x0;
	lr =	simm.s32 $0x1  }
0x2: {  	[smem:$0x3F94] =	sst lr;
	_ =	strace $0xD0000000  }
0x3: {  	_ = 	snop  }
0x4: {  	_ = 	snop  }
0x5: {  	_ = 	snop  }
0x6: {  	_ = 	snop  }
0x7: {  	_ = 	snop  }
__scs_overlays_trampoline_lowered:
0x8: {  	[smem:$0x3FA3] =	sst s0  }
0x9: {  	[smem:$0x3FA4] =	sst s1  }
0xa: {  	[smem:$0x3FA5] =	sst s2  }
0xb: {  	[smem:$0x3FA6] =	sst s3  }
0xc: {  	[smem:$0x3FA7] =	sst s4  }
0xd: {  	[smem:$0x3FA8] =	sst s5  }
0xe: {  	[smem:$0x3FA9] =	sst s6  }
0xf: {  	[smem:$0x3FAA] =	sst s7  }
0x10: {  	[smem:$0x3FAB] =	sst s8  }
0x11: {  	[smem:$0x3FAC] =	sst s9;
	s0 =	simm.s32 @!p0 $0x0  }
0x12: {  	s1 =	sld [smem:$0x3F92];
	s0 =	simm.s32 @p0 $0x1  }
0x13: {  	[smem:$0x3FAD] =	sst s0;
	s0 =	simm.s32 @!p1 $0x0  }
0x14: {  	s2 =	sld [smem:$0x3F91];
	s0 =	simm.s32 @p1 $0x1  }
0x15: {  	[smem:$0x3FAE] =	sst s0;
	s0 =	simm.s32 @!p2 $0x0  }
0x16: {  	s3 =	sld [smem:$0x3FDB];
	s0 =	simm.s32 @p2 $0x1  }
0x17: {  	s4 =	simm.s32 $0x1BF5;
	[smem:$0x3FB0] =	sst s0  }
0x18: {  	s0 =	sld [smem:$0x3F93];
	_ =	swait.ge [sflag:s4], $0x0  }
0x19: {  	s7 =	sld [smem:$0x3F94]  }
0x1a: {  	s8 =	sadd.s32 $0xFFFFE003, lr  }
0x1b: {  	s9 =	sadd.s32 $0xFFFFFEF7, lr;
	s5 =	simm.s32 $0xFFFFFFFF;
	p2 =	slt.u32 s8, $0xFFFFF086  }
0x1c: {  	p1 =	slt.u32 s9, $0xF7A;
	s5 =	simm.s32 @!p2 $0x0  }
0x1d: {  	s5 =	simm.s32 @p1 $0x1;
	p0 =	seq.s32 s7, s2  }
0x1e: {  	s7 =	smul.u32 @!p0 $0xF7A, s2;
	p2 =	seq.s32 @!p0 s5, $0x0  }
0x1f: {  	s9 =	smul.u32 $0xF7A, s1;
	s8 =	simm.s32 @!p0 $0x1BF5;
	p2 =	por !p2, p0  }
0x20: {  	[sflag:s8] =	ssyncset.s32 @!p0 $0xFFFFF086;
	s6 =	sadd.s32 @!p0 s3, s7;
	s7 =	simm.s32 @!p0 $0x108  }
0x21: {  	s3 =	sadd.s32 s3, s9;
	s6 =	sadd.s32 @!p0 $0x88, s6;
	s7 =	simm.s32 @p2 $0x1082  }
0x22: {  	[simem:s7], [sflag:s8] =	dma.local @!p0 [hbm:s6], $0xF7A  }
0x23: {  	s9 =	sor.u32 $0xD0000000, s2;
	s6 =	simm.s32 $0x108;
	_ =	swait.ge @!p0 [sflag:s8], $0x0  }
0x24: {  	s3 =	sadd.s32 $0x88, s3;
	s6 =	simm.s32 @!p1 $0x1082;
	[sflag:s4] =	ssyncset.s32 $0xFFFFF086  }
0x25: {  	[simem:s6], [sflag:s4] =	dma.local [hbm:s3], $0xF7A  }
0x26: {  	[smem:$0x3F94] =	sst s1;
	(tag) =	ssettag s2;
	_ =	strace s9  }
0x27: {  	s1 =	sld [smem:$0x3FA4]  }
0x28: {  	s2 =	sld [smem:$0x3FA5]  }
0x29: {  	s4 =	sld [smem:$0x3FA7]  }
0x2a: {  	p0 =	seq.s32 s5, $0x0;
	s5 =	sld [smem:$0x3FA8]  }
0x2b: {  	s6 =	sld [smem:$0x3FA9]  }
0x2c: {  	s7 =	sld [smem:$0x3FAA]  }
0x2d: {  	s3 =	simm.s32 $0x108;
	s8 =	sld [smem:$0x3FAB]  }
0x2e: {  	s3 =	simm.s32 @!p0 $0x1082;
	s9 =	sld [smem:$0x3FAC]  }
0x2f: {  	lr =	sadd.s32 s0, s3;
	s0 =	sld [smem:$0x3FA3]  }
0x30: {  	s3 =	sld [smem:$0x3FA6]  }
0x31: {  	[smem:$0x3FAF] =	sst s10  }
0x32: {  	s10 =	sld [smem:$0x3FAD];
	_ =	sdelay $0x3  }
0x33: {  	p0 =	seq.s32 s10, $0x1;
	s10 =	sld [smem:$0x3FAF];
	_ =	sdelay $0x3  }
0x34: {  	[smem:$0x3FAF] =	sst s10  }
0x35: {  	s10 =	sld [smem:$0x3FAE];
	_ =	sdelay $0x3  }
0x36: {  	p1 =	seq.s32 s10, $0x1;
	s10 =	sld [smem:$0x3FAF];
	_ =	sdelay $0x3  }
0x37: {  	[smem:$0x3FAF] =	sst s10  }
0x38: {  	s10 =	sld [smem:$0x3FB0]  }
0x39: {  	_ = 	snop;
	(pc) =	sbr.ind lr, $3  }
0x3a: {  	_ = 	snop  }
0x3b: {  	_ = 	snop  }
0x3c: {  	p2 =	seq.s32 s10, $0x1;
	s10 =	sld [smem:$0x3FAF]  }
0x3d: {  	_ =	shalt  }
0x3e: {  	_ =	shalt  }
0x3f: {  	_ =	shalt  }
0x40: {  	_ =	shalt  }
0x41: {  	_ =	shalt  }
0x42: {  	_ =	shalt  }
0x43: {  	_ =	shalt  }
0x44: {  	_ =	shalt  }
0x45: {  	_ =	shalt  }
0x46: {  	_ =	shalt  }
0x47: {  	_ =	shalt  }
0x48: {  	_ =	shalt  }
0x49: {  	_ =	shalt  }
0x4a: {  	_ =	shalt  }
0x4b: {  	_ =	shalt  }
0x4c: {  	_ =	shalt  }
0x4d: {  	_ =	shalt  }
0x4e: {  	_ =	shalt  }
0x4f: {  	_ =	shalt  }
0x50: {  	_ =	shalt  }
0x51: {  	_ =	shalt  }
0x52: {  	_ =	shalt  }
0x53: {  	_ =	shalt  }
0x54: {  	_ =	shalt  }
0x55: {  	_ =	shalt  }
0x56: {  	_ =	shalt  }
0x57: {  	_ =	shalt  }
0x58: {  	_ =	shalt  }
0x59: {  	_ =	shalt  }
0x5a: {  	_ =	shalt  }
0x5b: {  	_ =	shalt  }
0x5c: {  	_ =	shalt  }
0x5d: {  	_ =	shalt  }
0x5e: {  	_ =	shalt  }
0x5f: {  	_ =	shalt  }
0x60: {  	_ =	shalt  }
0x61: {  	_ =	shalt  }
0x62: {  	_ =	shalt  }
0x63: {  	_ =	shalt  }
0x64: {  	_ =	shalt  }
0x65: {  	_ =	shalt  }
0x66: {  	_ =	shalt  }
0x67: {  	_ =	shalt  }
0x68: {  	_ =	shalt  }
0x69: {  	_ =	shalt  }
0x6a: {  	_ =	shalt  }
0x6b: {  	_ =	shalt  }
0x6c: {  	_ =	shalt  }
0x6d: {  	_ =	shalt  }
0x6e: {  	_ =	shalt  }
0x6f: {  	_ =	shalt  }
0x70: {  	_ =	shalt  }
0x71: {  	_ =	shalt  }
0x72: {  	_ =	shalt  }
0x73: {  	_ =	shalt  }
0x74: {  	_ =	shalt  }
0x75: {  	_ =	shalt  }
0x76: {  	_ =	shalt  }
0x77: {  	_ =	shalt  }
0x78: {  	_ =	shalt  }
0x79: {  	_ =	shalt  }
0x7a: {  	_ =	shalt  }
0x7b: {  	_ =	shalt  }
0x7c: {  	_ =	shalt  }
0x7d: {  	_ =	shalt  }
0x7e: {  	_ =	shalt  }
0x7f: {  	_ =	shalt  }
0x80: {  	_ =	shalt  }
0x81: {  	_ =	shalt  }
0x82: {  	_ =	shalt  }
0x83: {  	_ =	shalt  }
0x84: {  	_ =	shalt  }
0x85: {  	_ =	shalt  }
0x86: {  	_ =	shalt  }
0x87: {  	_ =	shalt  }
.Lfunc_end0:
.L_simem_size_0:
called_computation.2_lowered:
.L_overlay_start_0:
0x88: {  	s2 =	sld [smem:$0x3FD9]  }
0x89: {  	s3 =	sld [smem:$0x3FFE];
	_ =	sdelay $0x1  }
0x8a: {  	s1 =	srdreg.scid  }
0x8b: {  	s0 =	sand.u32 $0x1, s1  }
0x8c: {  	s14 =	sshll.u32 s0, $0xA;
	s2 =	sadd.s32 s3, s2  }
0x8d: {  	s2 =	sadd.s32 s2, s14  }
0x8e: {  	[smem:$0x3FBB] =	sst s2  }
0x8f: {  	_ = 	snop  }
0x90: {  	s2 =	sld [smem:$0x3FD0];
	_ =	sdelay $0x2  }
0x91: {  	s15 =	simm.s32 $0xA;
	s4 =	simm.s32 $0x10  }
0x92: {  	[smem:s4], [sflag:s15] =	dma.local [hbm:s2], $0x1  }
0x93: {  	_ =	swait.eq [sflag:s15], $0x1  }
0x94: {  	s16 =	sld [smem:$0x10];
	[sflag:s15] =	ssyncset.done $0x0  }
0x95: {  	s17 =	sld [smem:$0x11];
	[sflag:s15] =	ssyncadd.s32 $0xFFFFFFFF  }
0x96: {  	s18 =	sld [smem:$0x12];
	(tm) =	ssettm $0x1  }
0x97: {  	s5 =	sld [smem:$0x3FFB];
	_ =	sdelay $0x3  }
0x98: {  	_ =	strace s5  }
0x99: {  	s5 =	sld [smem:$0x3FFC];
	_ =	sdelay $0x3  }
0x9a: {  	_ =	strace s5  }
0x9b: {  	s5 =	sld [smem:$0x3FFD];
	_ =	sdelay $0x3  }
0x9c: {  	_ =	strace s5  }
0x9d: {  	_ =	strace $0x8FFFFFFF  }
0x9e: {  	s19 =	sld [smem:$0x3FDB];
	_ =	sdelay $0x1  }
0x9f: {  	s6 =	simm.s32 $_scs_section_size  }
0xa0: {  	s7 =	simm.s32 $_size__tile_overlayer_lowered;
	s8 =	simm.s32 $_tile_overlayer_lowered  }
0xa1: {  	s22 =	simm.s32 $0x1BFF;
	s21 =	sshll.u32 s8, $0x1;
	s5 =	sadd.s32 s6, s19  }
0xa2: {  	s9 =	simm.s32 $0x0;
	s20 =	sshll.u32 s7, $0x1;
	s7 =	sadd.s32 s21, s5  }
0xa3: {  	[timem:s9], [sflag:s22] =	dma.local [hbm:s7], s20  }
0xa4: {  	_ =	swait.ge [sflag:s22], s20  }
0xa5: {  	s6 =	ssub.s32 $0x0, s20;
	[sflag:s22] =	ssyncset.done $0x0  }
0xa6: {  	[sflag:s22] =	ssyncadd.s32 s6;
	_ =	sdelay $0x1  }
0xa7: {  	s23 =	simm.s32 $0x1B8B  }
0xa8: {  	_ =	swait.ge [sflag:s23], $0x1  }
0xa9: {  	[sflag:s23] =	ssyncset.done $0x0  }
0xaa: {  	s25 =	simm.s32 $0x1B8E;
	s24 =	sld [smem:$0x3FFE];
	[sflag:s23] =	ssyncadd.s32 $0xFFFFFFFF  }
0xab: {  	s26 =	simm.s32 $execute0_lowered;
	[smem:$0x3FD2] =	sst s25  }
0xac: {  	s7 =	sshll.u32 s26, $0x1;
	_ =	strace $0x8000004C;
	[dreg:$0x1] =	wrdreg $0xFFFFFFFF  }
0xad: {  	s28 =	simm.s32 $_size_execute0_lowered;
	s5 =	sadd.s32 s5, s7;
	[dreg:$0x0] =	wrdreg $0x0  }
0xae: {  	s7 =	sshll.u32 s28, $0x1;
	[dreg:$0x2] =	wrdreg s5  }
0xaf: {  	[dreg:$0x3] =	wrdreg s7  }
0xb0: {  	[dreg:$0x4] =	wrdreg $0xC0  }
0xb1: {  	_ =	task [dreg:s9], $0x5FFFF  }
0xb2: {  	[dreg:$0x1] =	wrdreg $0xFFFFFFFF  }
0xb3: {  	[dreg:$0x0] =	wrdreg $0x60  }
0xb4: {  	[dreg:$0x2] =	wrdreg s18  }
0xb5: {  	[dreg:$0x3] =	wrdreg s16  }
0xb6: {  	[dreg:$0x4] =	wrdreg s17  }
0xb7: {  	[dreg:$0x5] =	wrdreg s24  }
0xb8: {  	[dreg:$0x6] =	wrdreg $0xB2200  }
0xb9: {  	[dreg:$0x7] =	wrdreg $0x9  }
0xba: {  	_ =	task.clear_ibuf [dreg:s9], $0x8FFFF;
	_ =	strace $0x9000004C  }
0xbb: {  	s29 =	simm.s32 $0x9;
	_ =	strace $0x8000004E  }
0xbc: {  	_ =	swait.ge [sflag:s29], $0x1  }
0xbd: {  	[sflag:s29] =	ssyncadd.s32 $0xFFFFFFFF  }
0xbe: {  	_ =	strace $0x9000004E  }
0xbf: {  	_ =	sfence  }
0xc0: {  	s30 =	sld [smem:$0x0];
	_ =	sdelay $0x2  }
0xc1: {  	s31 =	sshll.u32 s1, $0xD;
	s1 =	sshrl.u32 s1, $0x2  }
0xc2: {  	s3 =	sand.u32 $0x4000, s31;
	s1 =	sadd.s32 s1, s30  }
0xc3: {  	s0 =	sor.u32 s3, s0;
	s1 =	sshll.u32 s1, $0x11  }
0xc4: {  	s0 =	sor.u32 s1, s0  }
0xc5: {  	s0 =	sadd.s32 $0x8F2B, s0  }
0xc6: {  	[sflag:s0] =	ssyncadd.remote.s32 $0x1  }
0xc7: {  	_ =	sfence.sel $0xFFFF  }
0xc8: {  	[dreg:$0x0] =	wrdreg $0xFFFFFFFF;
	(pc) =	sbr.abs _section_cstart, $3  }
0xc9: {  	[dreg:$0x1] =	wrdreg $0xFFFFFFFF  }
0xca: {  	_ =	task.clear_ibuf [dreg:s9], $0x2FFFF;
	_ =	strace $0x9FFFFFFF  }
0xcb: {  	(tm) =	ssettm $0x7FFFFFFF  }
tec
execute0_lowered:
.L_overlay_start_1:
0x0: {  	(tag) =	ssettag $0x1  }
0x1: {  	s1 =	rddreg [dreg:$0x0]  }
0x2: {  	s7 =	rddreg [dreg:$0x1]  }
0x3: {  	s8 =	rddreg [dreg:$0x2]  }
0x4: {  	s5 =	rddreg [dreg:$0x3]  }
0x5: {  	s3 =	rddreg [dreg:$0x4]  }
0x6: {  	s0 =	rddreg [dreg:$0x5]  }
0x7: {  	s2 =	stileid.u32;
	s9 =	srdreg.scid;
	s4 =	simm.s32 $0x0  }
0x8: {  	s15 =	simm.s32 $0x4E20;
	s16 =	simm.s32 $0x6220;
	s17 =	simm.s32 $0x7620  }
0x9: {  	s18 =	simm.s32 $0x8A20;
	s19 =	simm.s32 $0x9E20;
	s20 =	simm.s32 $0x1  }
0xa: {  	s21 =	simm.s32 $0x2;
	s22 =	simm.s32 $0x0;
	s6 =	smul.u32 $0xA000, s2  }
0xb: {  	s9 =	sand.u32 $0x1, s9;
	s10 =	smul.u32 $0x1400, s2;
	[smem:$0x7FF] =	sst s4  }
0xc: {  	s31 =	sshll.u32 s2, $0x6;
	s12 =	smul.u32 $0x14000, s9;
	_ =	strace $0x8000004D  }
0xd: {  	s13 =	sshll.u32 s9, $0x4;
	s9 =	ssub.s32 $0x2, s9;
	s11 =	sshrl.u32 s6, $0x3  }
0xe: {  	s28 =	sor.u32 s2, s13;
	s29 =	sshrl.u32 s9, $0x1;
	s14 =	sadd.s32 s6, s3  }
0xf: {  	s6 =	sor.u32 $0x1C03, s31;
	s13 =	simm.s32 $0x2710;
	s11 =	sadd.s32 s11, s5  }
0x10: {  	s10 =	sadd.s32 s10, s12;
	s12 =	smul.u32 $0x4E2, s28;
	s30 =	ssub.s32 s9, s29  }
0x11: {  	s10 =	sadd.s32 s10, s5;
	s5 =	sadd.s32 $0x29C00, s11;
	s11 =	sshrl.u32 s14, $0x3  }
0x12: {  	s14 =	simm.s32 $0x50;
	s7 =	sadd.s32 s7, s12;
	s8 =	sadd.s32 s8, s12  }
0x13: {  	s9 =	sadd.s32 $0x3DC00, s10;
	s10 =	smax.u32 s30, $0x1;
	s12 =	simm.s32 $0x3  }
.LBB2_1:
0x14: {  	[spmem:s11], [sflag:s6] =	dma.local [hbm:s5], $0x1400  }
0x15: {  	_ =	swait.ge [sflag:s12], $0x1400  }
0x16: {  	[sflag:s12] =	ssyncset.done $0x0  }
0x17: {  	[sflag:s12] =	ssyncadd.s32 $0xFFFFEC00  }
0x18: {  	[tilespmem:s4], [sflag:$0x3] =	stream.linear.gather [hbm4b:s7+s4], $0x2710, $0x38;
	[tilespmem:$0x15220] =	vst v63  }
0x19: {  	_ =	swait.ge [sflag:s12], $0x2710  }
0x1a: {  	[sflag:s12] =	ssyncset.done $0x0  }
0x1b: {  	[sflag:s12] =	ssyncadd.s32 $0xFFFFD8F0  }
0x1c: {  	[tilespmem:s13], [sflag:$0x3] =	stream.linear.gather [hbm4b:s8+s4], $0x2710, $0x38;
	[tilespmem:$0x15220] =	vst v63  }
0x1d: {  	_ =	swait.ge [sflag:s12], $0x2710  }
0x1e: {  	[sflag:s12] =	ssyncset.done $0x0  }
0x1f: {  	[sflag:s12] =	ssyncadd.s32 $0xFFFFD8F0  }
0x20: {  	s23 =	simm.s32 $0x0;
	[bflag:$0x0] =	sbarrier.arrive $0xFFFF  }
0x21: {  	[tilespmem:s15], [sflag:$0x1] =	stream.indirect.gather [hbm4b:s1+s14], $0x40, s23, s14, $0xb8;
	[tilespmem:$0x15220] =	vst v63  }
0x22: {  	s30 =	simm.s32 $0x50  }
0x23: {  	[tilespmem:s16], [sflag:$0x1] =	stream.indirect.gather [hbm4b:s1+s14], $0x40, s30, s14, $0xb8;
	[tilespmem:$0x15220] =	vst v63  }
0x24: {  	s31 =	simm.s32 $0xA0  }
0x25: {  	[tilespmem:s17], [sflag:$0x1] =	stream.indirect.gather [hbm4b:s1+s14], $0x40, s31, s14, $0xb8;
	[tilespmem:$0x15220] =	vst v63  }
0x26: {  	s24 =	simm.s32 $0xF0  }
0x27: {  	[tilespmem:s18], [sflag:$0x1] =	stream.indirect.gather [hbm4b:s1+s14], $0x40, s24, s14, $0xb8;
	[tilespmem:$0x15220] =	vst v63  }
0x28: {  	s25 =	simm.s32 $0x140  }
0x29: {  	[tilespmem:s19], [sflag:$0x1] =	stream.indirect.gather [hbm4b:s1+s14], $0x40, s25, s14, $0xb8;
	[tilespmem:$0x15220] =	vst v63  }
0x2a: {  	_ =	swait.ge [sflag:s20], $0x1400  }
0x2b: {  	[sflag:s20] =	ssyncset.done $0x0  }
0x2c: {  	[sflag:s20] =	ssyncadd.s32 $0xFFFFEC00  }
0x2d: {  	_ =	swait.ge [sflag:s20], $0x1400  }
0x2e: {  	[sflag:s20] =	ssyncset.done $0x0  }
0x2f: {  	[sflag:s20] =	ssyncadd.s32 $0xFFFFEC00  }
0x30: {  	_ =	swait.ge [sflag:s20], $0x1400  }
0x31: {  	[sflag:s20] =	ssyncset.done $0x0  }
0x32: {  	[sflag:s20] =	ssyncadd.s32 $0xFFFFEC00  }
0x33: {  	_ =	swait.ge [sflag:s20], $0x1400  }
0x34: {  	[sflag:s20] =	ssyncset.done $0x0  }
0x35: {  	[sflag:s20] =	ssyncadd.s32 $0xFFFFEC00  }
0x36: {  	_ =	swait.ge [sflag:s20], $0x1400  }
0x37: {  	[sflag:s20] =	ssyncset.done $0x0  }
0x38: {  	s26 =	simm.s32 $0x2710;
	[sflag:s20] =	ssyncadd.s32 $0xFFFFEC00  }
0x39: {  	[spmem:s3] =	stream.indirect.scatter.add.f32 [tilespmem:s15], [sflag:$0x2], $0x40, s26, s14, $0xb8;
	[tilespmem:$0x15220] =	vst v63  }
0x3a: {  	s28 =	simm.s32 $0x2760  }
0x3b: {  	[spmem:s3] =	stream.indirect.scatter.add.f32 [tilespmem:s16], [sflag:$0x2], $0x40, s28, s14, $0xb8;
	[tilespmem:$0x15220] =	vst v63  }
0x3c: {  	s29 =	simm.s32 $0x27B0  }
0x3d: {  	[spmem:s3] =	stream.indirect.scatter.add.f32 [tilespmem:s17], [sflag:$0x2], $0x40, s29, s14, $0xb8;
	[tilespmem:$0x15220] =	vst v63  }
0x3e: {  	s30 =	simm.s32 $0x2800  }
0x3f: {  	[spmem:s3] =	stream.indirect.scatter.add.f32 [tilespmem:s18], [sflag:$0x2], $0x40, s30, s14, $0xb8;
	[tilespmem:$0x15220] =	vst v63  }
0x40: {  	s31 =	simm.s32 $0x2850  }
0x41: {  	[spmem:s3] =	stream.indirect.scatter.add.f32 [tilespmem:s19], [sflag:$0x2], $0x40, s31, s14, $0xb8;
	[tilespmem:$0x15220] =	vst v63  }
0x42: {  	_ =	swait.ge [sflag:s21], $0x1400  }
0x43: {  	[sflag:s21] =	ssyncset.done $0x0  }
0x44: {  	[sflag:s21] =	ssyncadd.s32 $0xFFFFEC00  }
0x45: {  	_ =	swait.ge [sflag:s21], $0x1400  }
0x46: {  	[sflag:s21] =	ssyncset.done $0x0  }
0x47: {  	[sflag:s21] =	ssyncadd.s32 $0xFFFFEC00  }
0x48: {  	_ =	swait.ge [sflag:s21], $0x1400  }
0x49: {  	[sflag:s21] =	ssyncset.done $0x0  }
0x4a: {  	[sflag:s21] =	ssyncadd.s32 $0xFFFFEC00  }
0x4b: {  	_ =	swait.ge [sflag:s21], $0x1400  }
0x4c: {  	[sflag:s21] =	ssyncset.done $0x0  }
0x4d: {  	[sflag:s21] =	ssyncadd.s32 $0xFFFFEC00  }
0x4e: {  	_ =	swait.ge [sflag:s21], $0x1400  }
0x4f: {  	s23 =	simm.s32 $0x640;
	s26 =	simm.s32 $0xC80;
	[sflag:s21] =	ssyncset.done $0x0  }
.LBB2_2:
0x50: {  	s25 =	sshra.s32 s23, $0x2  }
0x51: {  	[sflag:s21] =	ssyncadd.s32 $0xFFFFEC00;
	s23 =	smov.u32 s26;
	s24 =	sadd.s32 $0x640, s26  }
0x52: {  	[tilespmem:s15], [sflag:$0x1] =	stream.indirect.gather [hbm4b:s1+s14], $0x40, s25, s14, $0xb8;
	[tilespmem:$0x15220] =	vst v63  }
0x53: {  	p0 =	sne.s32 s26, $0x9600;
	s26 =	sadd.s32 $0x50, s25  }
0x54: {  	[tilespmem:s16], [sflag:$0x1] =	stream.indirect.gather [hbm4b:s1+s14], $0x40, s26, s14, $0xb8;
	[tilespmem:$0x15220] =	vst v63  }
0x55: {  	s26 =	sadd.s32 $0xA0, s25  }
0x56: {  	[tilespmem:s17], [sflag:$0x1] =	stream.indirect.gather [hbm4b:s1+s14], $0x40, s26, s14, $0xb8;
	[tilespmem:$0x15220] =	vst v63  }
0x57: {  	s26 =	sadd.s32 $0xF0, s25  }
0x58: {  	[tilespmem:s18], [sflag:$0x1] =	stream.indirect.gather [hbm4b:s1+s14], $0x40, s26, s14, $0xb8;
	[tilespmem:$0x15220] =	vst v63  }
0x59: {  	s26 =	sadd.s32 $0x140, s25  }
0x5a: {  	[tilespmem:s19], [sflag:$0x1] =	stream.indirect.gather [hbm4b:s1+s14], $0x40, s26, s14, $0xb8;
	[tilespmem:$0x15220] =	vst v63  }
0x5b: {  	_ =	swait.ge [sflag:s20], $0x1400  }
0x5c: {  	[sflag:s20] =	ssyncset.done $0x0  }
0x5d: {  	[sflag:s20] =	ssyncadd.s32 $0xFFFFEC00  }
0x5e: {  	_ =	swait.ge [sflag:s20], $0x1400  }
0x5f: {  	[sflag:s20] =	ssyncset.done $0x0  }
0x60: {  	[sflag:s20] =	ssyncadd.s32 $0xFFFFEC00  }
0x61: {  	_ =	swait.ge [sflag:s20], $0x1400  }
0x62: {  	[sflag:s20] =	ssyncset.done $0x0  }
0x63: {  	[sflag:s20] =	ssyncadd.s32 $0xFFFFEC00  }
0x64: {  	_ =	swait.ge [sflag:s20], $0x1400  }
0x65: {  	[sflag:s20] =	ssyncset.done $0x0  }
0x66: {  	[sflag:s20] =	ssyncadd.s32 $0xFFFFEC00  }
0x67: {  	_ =	swait.ge [sflag:s20], $0x1400  }
0x68: {  	[sflag:s20] =	ssyncset.done $0x0  }
0x69: {  	s26 =	sadd.s32 $0x2710, s25;
	[sflag:s20] =	ssyncadd.s32 $0xFFFFEC00  }
0x6a: {  	[spmem:s3] =	stream.indirect.scatter.add.f32 [tilespmem:s15], [sflag:$0x2], $0x40, s26, s14, $0xb8;
	[tilespmem:$0x15220] =	vst v63  }
0x6b: {  	s26 =	sadd.s32 $0x2760, s25  }
0x6c: {  	[spmem:s3] =	stream.indirect.scatter.add.f32 [tilespmem:s16], [sflag:$0x2], $0x40, s26, s14, $0xb8;
	[tilespmem:$0x15220] =	vst v63  }
0x6d: {  	s26 =	sadd.s32 $0x27B0, s25  }
0x6e: {  	[spmem:s3] =	stream.indirect.scatter.add.f32 [tilespmem:s17], [sflag:$0x2], $0x40, s26, s14, $0xb8;
	[tilespmem:$0x15220] =	vst v63  }
0x6f: {  	s26 =	sadd.s32 $0x2800, s25  }
0x70: {  	[spmem:s3] =	stream.indirect.scatter.add.f32 [tilespmem:s18], [sflag:$0x2], $0x40, s26, s14, $0xb8;
	[tilespmem:$0x15220] =	vst v63  }
0x71: {  	s25 =	sadd.s32 $0x2850, s25  }
0x72: {  	[spmem:s3] =	stream.indirect.scatter.add.f32 [tilespmem:s19], [sflag:$0x2], $0x40, s25, s14, $0xb8;
	[tilespmem:$0x15220] =	vst v63  }
0x73: {  	_ =	swait.ge [sflag:s21], $0x1400  }
0x74: {  	[sflag:s21] =	ssyncset.done $0x0  }
0x75: {  	[sflag:s21] =	ssyncadd.s32 $0xFFFFEC00  }
0x76: {  	_ =	swait.ge [sflag:s21], $0x1400  }
0x77: {  	[sflag:s21] =	ssyncset.done $0x0  }
0x78: {  	[sflag:s21] =	ssyncadd.s32 $0xFFFFEC00  }
0x79: {  	_ =	swait.ge [sflag:s21], $0x1400  }
0x7a: {  	[sflag:s21] =	ssyncset.done $0x0  }
0x7b: {  	[sflag:s21] =	ssyncadd.s32 $0xFFFFEC00  }
.Ltmp0:
0x7c: {  	_ =	swait.ge [sflag:s21], $0x1400;
	(pc) =	sbr.rel @p0 .LBB2_2-.Ltmp0, $4  }
0x7d: {  	[sflag:s21] =	ssyncset.done $0x0  }
0x7e: {  	[sflag:s21] =	ssyncadd.s32 $0xFFFFEC00  }
0x7f: {  	_ =	swait.ge [sflag:s21], $0x1400  }
0x80: {  	s26 =	smov.u32 s24;
	[sflag:s21] =	ssyncset.done $0x0  }
0x81: {  	s23 =	sshra.s32 s23, $0x2;
	[sflag:s21] =	ssyncadd.s32 $0xFFFFEC00  }
0x82: {  	[tilespmem:s15], [sflag:$0x1] =	stream.indirect.gather [hbm4b:s1+s14], $0x40, s23, s14, $0xb8;
	[tilespmem:$0x15220] =	vst v63  }
0x83: {  	s24 =	sadd.s32 $0x50, s23  }
0x84: {  	[tilespmem:s16], [sflag:$0x1] =	stream.indirect.gather [hbm4b:s1+s14], $0x40, s24, s14, $0xb8;
	[tilespmem:$0x15220] =	vst v63  }
0x85: {  	s31 =	sadd.s32 $0xA0, s23  }
0x86: {  	[tilespmem:s17], [sflag:$0x1] =	stream.indirect.gather [hbm4b:s1+s14], $0x40, s31, s14, $0xb8;
	[tilespmem:$0x15220] =	vst v63  }
0x87: {  	s25 =	sadd.s32 $0xF0, s23  }
0x88: {  	[tilespmem:s18], [sflag:$0x1] =	stream.indirect.gather [hbm4b:s1+s14], $0x40, s25, s14, $0xb8;
	[tilespmem:$0x15220] =	vst v63  }
0x89: {  	s26 =	sadd.s32 $0x140, s23  }
0x8a: {  	[tilespmem:s19], [sflag:$0x1] =	stream.indirect.gather [hbm4b:s1+s14], $0x40, s26, s14, $0xb8;
	[tilespmem:$0x15220] =	vst v63  }
0x8b: {  	_ =	swait.ge [sflag:s20], $0x1400  }
0x8c: {  	[sflag:s20] =	ssyncset.done $0x0  }
0x8d: {  	[sflag:s20] =	ssyncadd.s32 $0xFFFFEC00  }
0x8e: {  	_ =	swait.ge [sflag:s20], $0x1400  }
0x8f: {  	[sflag:s20] =	ssyncset.done $0x0  }
0x90: {  	[sflag:s20] =	ssyncadd.s32 $0xFFFFEC00  }
0x91: {  	_ =	swait.ge [sflag:s20], $0x1400  }
0x92: {  	[sflag:s20] =	ssyncset.done $0x0  }
0x93: {  	[sflag:s20] =	ssyncadd.s32 $0xFFFFEC00  }
0x94: {  	_ =	swait.ge [sflag:s20], $0x1400  }
0x95: {  	[sflag:s20] =	ssyncset.done $0x0  }
0x96: {  	[sflag:s20] =	ssyncadd.s32 $0xFFFFEC00  }
0x97: {  	_ =	swait.ge [sflag:s20], $0x1400  }
0x98: {  	[sflag:s20] =	ssyncset.done $0x0  }
0x99: {  	s28 =	sadd.s32 $0x2710, s23;
	[sflag:s20] =	ssyncadd.s32 $0xFFFFEC00  }
0x9a: {  	[spmem:s3] =	stream.indirect.scatter.add.f32 [tilespmem:s15], [sflag:$0x2], $0x40, s28, s14, $0xb8;
	[tilespmem:$0x15220] =	vst v63  }
0x9b: {  	s29 =	sadd.s32 $0x2760, s23  }
0x9c: {  	[spmem:s3] =	stream.indirect.scatter.add.f32 [tilespmem:s16], [sflag:$0x2], $0x40, s29, s14, $0xb8;
	[tilespmem:$0x15220] =	vst v63  }
0x9d: {  	s30 =	sadd.s32 $0x27B0, s23  }
0x9e: {  	[spmem:s3] =	stream.indirect.scatter.add.f32 [tilespmem:s17], [sflag:$0x2], $0x40, s30, s14, $0xb8;
	[tilespmem:$0x15220] =	vst v63  }
0x9f: {  	s31 =	sadd.s32 $0x2800, s23  }
0xa0: {  	[spmem:s3] =	stream.indirect.scatter.add.f32 [tilespmem:s18], [sflag:$0x2], $0x40, s31, s14, $0xb8;
	[tilespmem:$0x15220] =	vst v63  }
0xa1: {  	s23 =	sadd.s32 $0x2850, s23  }
0xa2: {  	[spmem:s3] =	stream.indirect.scatter.add.f32 [tilespmem:s19], [sflag:$0x2], $0x40, s23, s14, $0xb8;
	[tilespmem:$0x15220] =	vst v63  }
0xa3: {  	_ =	swait.ge [sflag:s21], $0x1400  }
0xa4: {  	[sflag:s21] =	ssyncset.done $0x0  }
0xa5: {  	[sflag:s21] =	ssyncadd.s32 $0xFFFFEC00  }
0xa6: {  	_ =	swait.ge [sflag:s21], $0x1400  }
0xa7: {  	[sflag:s21] =	ssyncset.done $0x0  }
0xa8: {  	[sflag:s21] =	ssyncadd.s32 $0xFFFFEC00  }
0xa9: {  	_ =	swait.ge [sflag:s21], $0x1400  }
0xaa: {  	[sflag:s21] =	ssyncset.done $0x0  }
0xab: {  	[sflag:s21] =	ssyncadd.s32 $0xFFFFEC00  }
0xac: {  	_ =	swait.ge [sflag:s21], $0x1400  }
0xad: {  	[sflag:s21] =	ssyncset.done $0x0  }
0xae: {  	[sflag:s21] =	ssyncadd.s32 $0xFFFFEC00  }
0xaf: {  	_ =	swait.ge [sflag:s21], $0x1400  }
0xb0: {  	s22 =	sadd.s32 $0x1, s22;
	[sflag:s21] =	ssyncset.done $0x0  }
0xb1: {  	p0 =	sne.s32 s22, s10;
	[sflag:s21] =	ssyncadd.s32 $0xFFFFEC00  }
.Ltmp1:
0xb2: {  	[bflag:$0x0] =	sbarrier.arrive $0xFFFF;
	(pc) =	sbr.rel @p0 .LBB2_1-.Ltmp1, $4  }
0xb3: {  	[hbm:s9], [sflag:s6] =	dma.local [spmem:s11], $0x1400  }
0xb4: {  	_ =	swait.ge [sflag:s12], $0x1400  }
0xb5: {  	[sflag:s12] =	ssyncset.done $0x0  }
0xb6: {  	[sflag:s12] =	ssyncadd.s32 $0xFFFFEC00  }
0xb7: {  	_ =	sfence.sel $0x180000  }
0xb8: {  	[bflag:$0x0] =	sbarrier.arrive $0xFFFF  }
0xb9: {  	p0 =	sne.s32 s2, $0x0;
	_ =	strace $0x9000004D  }
0xba: {  	s0 =	sadd.s32 @!p0 $0x100000, s0;
	[bflag:$0x2] =	sbarrier.arrive $0xFFFF  }
0xbb: {  	[sflag:s0] =	ssyncadd.tile.s32 @!p0 $0x1;
	_ =	shalt  }
.Lfunc_end2:
_tile_overlayer_lowered:
.L_overlay_start_2:
0xbc: {  	(tag) =	ssettag $0x2  }
0xbd: {  	s0 =	rddreg [dreg:$0x0];
	s2 =	stileid.u32  }
0xbe: {  	s1 =	rddreg [dreg:$0x1];
	p0 =	sne.s32 s2, $0x0  }
0xbf: {  	s3 =	rddreg [dreg:$0x2];
	[bflag:$0x3] =	sbarrier.arrive $0xFFFF;
	s2 =	simm.s32 @!p0 $0x1C03  }
0xc0: {  	[timem:s3], [sflag:s2] =	dma.local @!p0 [hbm:s0], s1  }
0xc1: {  	s0 =	simm.s32 @!p0 $0x3  }
0xc2: {  	_ =	swait.ge @!p0 [sflag:s0], s1  }
0xc3: {  	s1 =	ssub.s32 @!p0 $0x0, s1;
	[sflag:s0] =	ssyncset.done @!p0 $0x0  }
0xc4: {  	[sflag:s0] =	ssyncadd.s32 @!p0 s1  }
0xc5: {  	[bflag:$0x3] =	sbarrier.arrive $0xFFFF  }
0xc6: {  	_ =	shalt  }

// kernel: kernel.19.cloned.1.call-start
scs
__scs_entry_jumppad:
0x0: {  	(pc) =	sbr.rel $0x88, $3  }
0x1: {  	(tag) =	ssettag $0x0;
	lr =	simm.s32 $0x1  }
0x2: {  	[smem:$0x3F94] =	sst lr;
	_ =	strace $0xD0000000  }
0x3: {  	_ = 	snop  }
0x4: {  	_ = 	snop  }
0x5: {  	_ = 	snop  }
0x6: {  	_ = 	snop  }
0x7: {  	_ = 	snop  }
__scs_overlays_trampoline_lowered:
0x8: {  	[smem:$0x3FA3] =	sst s0  }
0x9: {  	[smem:$0x3FA4] =	sst s1  }
0xa: {  	[smem:$0x3FA5] =	sst s2  }
0xb: {  	[smem:$0x3FA6] =	sst s3  }
0xc: {  	[smem:$0x3FA7] =	sst s4  }
0xd: {  	[smem:$0x3FA8] =	sst s5  }
0xe: {  	[smem:$0x3FA9] =	sst s6  }
0xf: {  	[smem:$0x3FAA] =	sst s7  }
0x10: {  	[smem:$0x3FAB] =	sst s8  }
0x11: {  	[smem:$0x3FAC] =	sst s9;
	s0 =	simm.s32 @!p0 $0x0  }
0x12: {  	s1 =	sld [smem:$0x3F92];
	s0 =	simm.s32 @p0 $0x1  }
0x13: {  	[smem:$0x3FAD] =	sst s0;
	s0 =	simm.s32 @!p1 $0x0  }
0x14: {  	s2 =	sld [smem:$0x3F91];
	s0 =	simm.s32 @p1 $0x1  }
0x15: {  	[smem:$0x3FAE] =	sst s0;
	s0 =	simm.s32 @!p2 $0x0  }
0x16: {  	s3 =	sld [smem:$0x3FDB];
	s0 =	simm.s32 @p2 $0x1  }
0x17: {  	s4 =	simm.s32 $0x1BF5;
	[smem:$0x3FB0] =	sst s0  }
0x18: {  	s0 =	sld [smem:$0x3F93];
	_ =	swait.ge [sflag:s4], $0x0  }
0x19: {  	s7 =	sld [smem:$0x3F94]  }
0x1a: {  	s8 =	sadd.s32 $0xFFFFE003, lr  }
0x1b: {  	s9 =	sadd.s32 $0xFFFFFEF7, lr;
	s5 =	simm.s32 $0xFFFFFFFF;
	p2 =	slt.u32 s8, $0xFFFFF086  }
0x1c: {  	p1 =	slt.u32 s9, $0xF7A;
	s5 =	simm.s32 @!p2 $0x0  }
0x1d: {  	s5 =	simm.s32 @p1 $0x1;
	p0 =	seq.s32 s7, s2  }
0x1e: {  	s7 =	smul.u32 @!p0 $0xF7A, s2;
	p2 =	seq.s32 @!p0 s5, $0x0  }
0x1f: {  	s9 =	smul.u32 $0xF7A, s1;
	s8 =	simm.s32 @!p0 $0x1BF5;
	p2 =	por !p2, p0  }
0x20: {  	[sflag:s8] =	ssyncset.s32 @!p0 $0xFFFFF086;
	s6 =	sadd.s32 @!p0 s3, s7;
	s7 =	simm.s32 @!p0 $0x108  }
0x21: {  	s3 =	sadd.s32 s3, s9;
	s6 =	sadd.s32 @!p0 $0x88, s6;
	s7 =	simm.s32 @p2 $0x1082  }
0x22: {  	[simem:s7], [sflag:s8] =	dma.local @!p0 [hbm:s6], $0xF7A  }
0x23: {  	s9 =	sor.u32 $0xD0000000, s2;
	s6 =	simm.s32 $0x108;
	_ =	swait.ge @!p0 [sflag:s8], $0x0  }
0x24: {  	s3 =	sadd.s32 $0x88, s3;
	s6 =	simm.s32 @!p1 $0x1082;
	[sflag:s4] =	ssyncset.s32 $0xFFFFF086  }
0x25: {  	[simem:s6], [sflag:s4] =	dma.local [hbm:s3], $0xF7A  }
0x26: {  	[smem:$0x3F94] =	sst s1;
	(tag) =	ssettag s2;
	_ =	strace s9  }
0x27: {  	s1 =	sld [smem:$0x3FA4]  }
0x28: {  	s2 =	sld [smem:$0x3FA5]  }
0x29: {  	s4 =	sld [smem:$0x3FA7]  }
0x2a: {  	p0 =	seq.s32 s5, $0x0;
	s5 =	sld [smem:$0x3FA8]  }
0x2b: {  	s6 =	sld [smem:$0x3FA9]  }
0x2c: {  	s7 =	sld [smem:$0x3FAA]  }
0x2d: {  	s3 =	simm.s32 $0x108;
	s8 =	sld [smem:$0x3FAB]  }
0x2e: {  	s3 =	simm.s32 @!p0 $0x1082;
	s9 =	sld [smem:$0x3FAC]  }
0x2f: {  	lr =	sadd.s32 s0, s3;
	s0 =	sld [smem:$0x3FA3]  }
0x30: {  	s3 =	sld [smem:$0x3FA6]  }
0x31: {  	[smem:$0x3FAF] =	sst s10  }
0x32: {  	s10 =	sld [smem:$0x3FAD];
	_ =	sdelay $0x3  }
0x33: {  	p0 =	seq.s32 s10, $0x1;
	s10 =	sld [smem:$0x3FAF];
	_ =	sdelay $0x3  }
0x34: {  	[smem:$0x3FAF] =	sst s10  }
0x35: {  	s10 =	sld [smem:$0x3FAE];
	_ =	sdelay $0x3  }
0x36: {  	p1 =	seq.s32 s10, $0x1;
	s10 =	sld [smem:$0x3FAF];
	_ =	sdelay $0x3  }
0x37: {  	[smem:$0x3FAF] =	sst s10  }
0x38: {  	s10 =	sld [smem:$0x3FB0]  }
0x39: {  	_ = 	snop;
	(pc) =	sbr.ind lr, $3  }
0x3a: {  	_ = 	snop  }
0x3b: {  	_ = 	snop  }
0x3c: {  	p2 =	seq.s32 s10, $0x1;
	s10 =	sld [smem:$0x3FAF]  }
0x3d: {  	_ =	shalt  }
0x3e: {  	_ =	shalt  }
0x3f: {  	_ =	shalt  }
0x40: {  	_ =	shalt  }
0x41: {  	_ =	shalt  }
0x42: {  	_ =	shalt  }
0x43: {  	_ =	shalt  }
0x44: {  	_ =	shalt  }
0x45: {  	_ =	shalt  }
0x46: {  	_ =	shalt  }
0x47: {  	_ =	shalt  }
0x48: {  	_ =	shalt  }
0x49: {  	_ =	shalt  }
0x4a: {  	_ =	shalt  }
0x4b: {  	_ =	shalt  }
0x4c: {  	_ =	shalt  }
0x4d: {  	_ =	shalt  }
0x4e: {  	_ =	shalt  }
0x4f: {  	_ =	shalt  }
0x50: {  	_ =	shalt  }
0x51: {  	_ =	shalt  }
0x52: {  	_ =	shalt  }
0x53: {  	_ =	shalt  }
0x54: {  	_ =	shalt  }
0x55: {  	_ =	shalt  }
0x56: {  	_ =	shalt  }
0x57: {  	_ =	shalt  }
0x58: {  	_ =	shalt  }
0x59: {  	_ =	shalt  }
0x5a: {  	_ =	shalt  }
0x5b: {  	_ =	shalt  }
0x5c: {  	_ =	shalt  }
0x5d: {  	_ =	shalt  }
0x5e: {  	_ =	shalt  }
0x5f: {  	_ =	shalt  }
0x60: {  	_ =	shalt  }
0x61: {  	_ =	shalt  }
0x62: {  	_ =	shalt  }
0x63: {  	_ =	shalt  }
0x64: {  	_ =	shalt  }
0x65: {  	_ =	shalt  }
0x66: {  	_ =	shalt  }
0x67: {  	_ =	shalt  }
0x68: {  	_ =	shalt  }
0x69: {  	_ =	shalt  }
0x6a: {  	_ =	shalt  }
0x6b: {  	_ =	shalt  }
0x6c: {  	_ =	shalt  }
0x6d: {  	_ =	shalt  }
0x6e: {  	_ =	shalt  }
0x6f: {  	_ =	shalt  }
0x70: {  	_ =	shalt  }
0x71: {  	_ =	shalt  }
0x72: {  	_ =	shalt  }
0x73: {  	_ =	shalt  }
0x74: {  	_ =	shalt  }
0x75: {  	_ =	shalt  }
0x76: {  	_ =	shalt  }
0x77: {  	_ =	shalt  }
0x78: {  	_ =	shalt  }
0x79: {  	_ =	shalt  }
0x7a: {  	_ =	shalt  }
0x7b: {  	_ =	shalt  }
0x7c: {  	_ =	shalt  }
0x7d: {  	_ =	shalt  }
0x7e: {  	_ =	shalt  }
0x7f: {  	_ =	shalt  }
0x80: {  	_ =	shalt  }
0x81: {  	_ =	shalt  }
0x82: {  	_ =	shalt  }
0x83: {  	_ =	shalt  }
0x84: {  	_ =	shalt  }
0x85: {  	_ =	shalt  }
0x86: {  	_ =	shalt  }
0x87: {  	_ =	shalt  }
.Lfunc_end0:
.L_simem_size_0:
called_computation.3_lowered:
.L_overlay_start_0:
0x88: {  	s2 =	sld [smem:$0x3FD9]  }
0x89: {  	s3 =	sld [smem:$0x3FFE];
	_ =	sdelay $0x1  }
0x8a: {  	s1 =	srdreg.scid  }
0x8b: {  	s0 =	sand.u32 $0x1, s1  }
0x8c: {  	s16 =	sshll.u32 s0, $0xA;
	s2 =	sadd.s32 s3, s2  }
0x8d: {  	s2 =	sadd.s32 s2, s16  }
0x8e: {  	[smem:$0x3FBB] =	sst s2  }
0x8f: {  	_ = 	snop  }
0x90: {  	(tm) =	ssettm $0x1  }
0x91: {  	s17 =	sld [smem:$0x3FFB];
	_ =	sdelay $0x3  }
0x92: {  	_ =	strace s17  }
0x93: {  	s2 =	sld [smem:$0x3FFC];
	_ =	sdelay $0x3  }
0x94: {  	_ =	strace s2  }
0x95: {  	s2 =	sld [smem:$0x3FFD];
	_ =	sdelay $0x3  }
0x96: {  	_ =	strace s2  }
0x97: {  	_ =	strace $0x8FFFFFFF  }
0x98: {  	s18 =	sld [smem:$0x3FDB];
	_ =	sdelay $0x1  }
0x99: {  	s19 =	simm.s32 $_scs_section_size  }
0x9a: {  	s4 =	simm.s32 $_size__tile_overlayer_lowered;
	s5 =	simm.s32 $_tile_overlayer_lowered  }
0x9b: {  	s22 =	simm.s32 $0x1BFF;
	s21 =	sshll.u32 s5, $0x1;
	s2 =	sadd.s32 s19, s18  }
0x9c: {  	s6 =	simm.s32 $0x0;
	s20 =	sshll.u32 s4, $0x1;
	s4 =	sadd.s32 s21, s2  }
0x9d: {  	[timem:s6], [sflag:s22] =	dma.local [hbm:s4], s20  }
0x9e: {  	_ =	swait.ge [sflag:s22], s20  }
0x9f: {  	s3 =	ssub.s32 $0x0, s20;
	[sflag:s22] =	ssyncset.done $0x0  }
0xa0: {  	[sflag:s22] =	ssyncadd.s32 s3;
	_ =	sdelay $0x1  }
0xa1: {  	s23 =	simm.s32 $0x1B8B  }
0xa2: {  	_ =	swait.ge [sflag:s23], $0x1  }
0xa3: {  	[sflag:s23] =	ssyncset.done $0x0  }
0xa4: {  	s25 =	simm.s32 $0x1B8E;
	s24 =	sld [smem:$0x3FFE];
	[sflag:s23] =	ssyncadd.s32 $0xFFFFFFFF  }
0xa5: {  	s26 =	simm.s32 $execute0_lowered;
	[smem:$0x3FD2] =	sst s25  }
0xa6: {  	s4 =	sshll.u32 s26, $0x1;
	_ =	strace $0x8000004F;
	[dreg:$0x1] =	wrdreg $0xFFFFFFFF  }
0xa7: {  	s28 =	simm.s32 $_size_execute0_lowered;
	s2 =	sadd.s32 s2, s4;
	[dreg:$0x0] =	wrdreg $0x0  }
0xa8: {  	s4 =	sshll.u32 s28, $0x1;
	[dreg:$0x2] =	wrdreg s2  }
0xa9: {  	[dreg:$0x3] =	wrdreg s4  }
0xaa: {  	[dreg:$0x4] =	wrdreg $0xC0  }
0xab: {  	_ =	task [dreg:s6], $0x5FFFF  }
0xac: {  	[dreg:$0x1] =	wrdreg $0xFFFFFFFF  }
0xad: {  	[dreg:$0x0] =	wrdreg $0x60  }
0xae: {  	[dreg:$0x2] =	wrdreg s24  }
0xaf: {  	[dreg:$0x3] =	wrdreg $0x9  }
0xb0: {  	_ =	task.clear_ibuf [dreg:s6], $0x4FFFF;
	_ =	strace $0x9000004F  }
0xb1: {  	s29 =	simm.s32 $0x9;
	_ =	strace $0x80000051  }
0xb2: {  	_ =	swait.ge [sflag:s29], $0x1  }
0xb3: {  	[sflag:s29] =	ssyncadd.s32 $0xFFFFFFFF  }
0xb4: {  	_ =	strace $0x90000051  }
0xb5: {  	_ =	sfence  }
0xb6: {  	s30 =	sld [smem:$0x0];
	_ =	sdelay $0x2  }
0xb7: {  	s31 =	sshll.u32 s1, $0xD;
	s1 =	sshrl.u32 s1, $0x2  }
0xb8: {  	s3 =	sand.u32 $0x4000, s31;
	s1 =	sadd.s32 s1, s30  }
0xb9: {  	s0 =	sor.u32 s3, s0;
	s1 =	sshll.u32 s1, $0x11  }
0xba: {  	s0 =	sor.u32 s1, s0  }
0xbb: {  	s0 =	sadd.s32 $0x8F2B, s0  }
0xbc: {  	[sflag:s0] =	ssyncadd.remote.s32 $0x1  }
0xbd: {  	_ =	sfence.sel $0xFFFF  }
0xbe: {  	[dreg:$0x0] =	wrdreg $0xFFFFFFFF;
	(pc) =	sbr.abs _section_cstart, $3  }
0xbf: {  	[dreg:$0x1] =	wrdreg $0xFFFFFFFF  }
0xc0: {  	_ =	task.clear_ibuf [dreg:s6], $0x2FFFF;
	_ =	strace $0x9FFFFFFF  }
0xc1: {  	(tm) =	ssettm $0x7FFFFFFF  }
tec
execute0_lowered:
.L_overlay_start_1:
0x0: {  	(tag) =	ssettag $0x1  }
0x1: {  	s0 =	srdreg.scid  }
0x2: {  	s1 =	rddreg [dreg:$0x0];
	s10 =	stileid.u32  }
0x3: {  	s2 =	simm.s32 $0x0;
	s16 =	simm.s32 $0x4;
	s20 =	simm.s32 $0x50  }
0x4: {  	s21 =	simm.s32 $0x9C40;
	s22 =	simm.s32 $0xC440;
	s23 =	simm.s32 $0xEC40  }
0x5: {  	s24 =	simm.s32 $0x11440;
	s28 =	simm.s32 $0x2;
	s29 =	simm.s32 $0x3  }
0x6: {  	s30 =	simm.s32 $0x0;
	s0 =	sand.u32 $0x1, s0;
	s9 =	smul.u32 $0x2710, s10  }
0x7: {  	[smem:$0x7FF] =	sst s2;
	s3 =	sshll.u32 s0, $0x4;
	s7 =	smul.u32 $0x27100, s0  }
0x8: {  	s6 =	ssub.s32 $0x2, s0;
	s0 =	smul.u32 $0x271000, s0;
	s3 =	sor.u32 s10, s3  }
0x9: {  	s4 =	sadd.s32 $0x2A00, s1;
	_ =	strace $0x80000050;
	s5 =	smul.u32 $0x2710, s3  }
0xa: {  	s8 =	sshrl.u32 s6, $0x1;
	s10 =	smul.u32 $0x27100, s10;
	s3 =	sadd.s32 $0x29C00, s1  }
0xb: {  	s6 =	ssub.s32 s6, s8;
	s7 =	sadd.s32 s9, s7;
	s5 =	sshrl.u32 s5, $0x3  }
0xc: {  	s7 =	sshll.u32 s7, $0x4;
	s9 =	smax.u32 s6, $0x1;
	s5 =	sadd.s32 s5, s1  }
0xd: {  	s1 =	sadd.s32 $0xB4000, s1;
	s25 =	sadd.s32 $0x65C00, s5;
	s26 =	sadd.s32 $0x6F840, s5  }
0xe: {  	s31 =	sadd.s32 $0x79480, s5;
	s8 =	sadd.s32 $0x830C0, s5;
	[dreg:$0x2] =	wrdreg s25  }
0xf: {  	s0 =	sadd.s32 s0, s1;
	s1 =	sadd.s32 s1, s7;
	[dreg:$0x3] =	wrdreg s26  }
0x10: {  	[dreg:$0x4] =	wrdreg s31;
	s10 =	sadd.s32 s10, s0;
	s11 =	sadd.s32 $0x1400, s1  }
0x11: {  	s12 =	sadd.s32 $0xF00, s1;
	s13 =	sadd.s32 $0xA00, s1;
	s14 =	sadd.s32 $0x500, s1  }
0x12: {  	s25 =	simm.s32 $0x13C40;
	s26 =	simm.s32 $0x1;
	s15 =	sadd.s32 $0x4E3400, s10  }
.LBB2_1:
0x13: {  	s0 =	rddreg [dreg:$0x2]  }
0x14: {  	[tilespmem:s2], [sflag:$0x4] =	stream.linear.gather [hbm4b:s0+s2], $0x2710, $0x38;
	[tilespmem:$0x16440] =	vst v63  }
0x15: {  	_ =	swait.ge [sflag:s16], $0x2710  }
0x16: {  	[sflag:s16] =	ssyncset.done $0x0  }
0x17: {  	s1 =	simm.s32 $0x2710;
	s19 =	rddreg [dreg:$0x3];
	[sflag:s16] =	ssyncadd.s32 $0xFFFFD8F0  }
0x18: {  	[tilespmem:s1], [sflag:$0x4] =	stream.linear.gather [hbm4b:s19+s2], $0x2710, $0x38;
	[tilespmem:$0x16440] =	vst v63  }
0x19: {  	_ =	swait.ge [sflag:s16], $0x2710  }
0x1a: {  	[sflag:s16] =	ssyncset.done $0x0  }
0x1b: {  	s6 =	simm.s32 $0x4E20;
	s5 =	rddreg [dreg:$0x4];
	[sflag:s16] =	ssyncadd.s32 $0xFFFFD8F0  }
0x1c: {  	[tilespmem:s6], [sflag:$0x4] =	stream.linear.gather [hbm4b:s5+s2], $0x2710, $0x38;
	[tilespmem:$0x16440] =	vst v63  }
0x1d: {  	_ =	swait.ge [sflag:s16], $0x2710  }
0x1e: {  	[sflag:s16] =	ssyncset.done $0x0  }
0x1f: {  	s7 =	simm.s32 $0x7530;
	[sflag:s16] =	ssyncadd.s32 $0xFFFFD8F0  }
0x20: {  	[tilespmem:s7], [sflag:$0x4] =	stream.linear.gather [hbm4b:s8+s2], $0x2710, $0x38;
	[tilespmem:$0x16440] =	vst v63  }
0x21: {  	_ =	swait.ge [sflag:s16], $0x2710  }
0x22: {  	[sflag:s16] =	ssyncset.done $0x0  }
0x23: {  	s17 =	simm.s32 $0x0;
	[sflag:s16] =	ssyncadd.s32 $0xFFFFD8F0  }
0x24: {  	[tilespmem:s21], [sflag:$0x1] =	stream.indirect.gather [hbm4b:s3+s20], $0x80, s17, s20, $0xb8;
	[tilespmem:$0x16440] =	vst v63  }
0x25: {  	s18 =	simm.s32 $0x50  }
0x26: {  	[tilespmem:s22], [sflag:$0x1] =	stream.indirect.gather [hbm4b:s3+s20], $0x80, s18, s20, $0xb8;
	[tilespmem:$0x16440] =	vst v63  }
0x27: {  	s19 =	simm.s32 $0xA0  }
0x28: {  	[tilespmem:s23], [sflag:$0x1] =	stream.indirect.gather [hbm4b:s3+s20], $0x80, s19, s20, $0xb8;
	[tilespmem:$0x16440] =	vst v63  }
0x29: {  	s1 =	simm.s32 $0xF0  }
0x2a: {  	[tilespmem:s24], [sflag:$0x1] =	stream.indirect.gather [hbm4b:s3+s20], $0x80, s1, s20, $0xb8;
	[tilespmem:$0x16440] =	vst v63  }
0x2b: {  	s5 =	simm.s32 $0x140  }
0x2c: {  	[tilespmem:s25], [sflag:$0x1] =	stream.indirect.gather [hbm4b:s3+s20], $0x80, s5, s20, $0xb8;
	[tilespmem:$0x16440] =	vst v63  }
0x2d: {  	_ =	swait.ge [sflag:s26], $0x2800  }
0x2e: {  	[sflag:s26] =	ssyncset.done $0x0  }
0x2f: {  	[sflag:s26] =	ssyncadd.s32 $0xFFFFD800  }
0x30: {  	_ =	swait.ge [sflag:s26], $0x2800  }
0x31: {  	[sflag:s26] =	ssyncset.done $0x0  }
0x32: {  	[sflag:s26] =	ssyncadd.s32 $0xFFFFD800  }
0x33: {  	_ =	swait.ge [sflag:s26], $0x2800  }
0x34: {  	[sflag:s26] =	ssyncset.done $0x0  }
0x35: {  	[sflag:s26] =	ssyncadd.s32 $0xFFFFD800  }
0x36: {  	_ =	swait.ge [sflag:s26], $0x2800  }
0x37: {  	[sflag:s26] =	ssyncset.done $0x0  }
0x38: {  	[sflag:s26] =	ssyncadd.s32 $0xFFFFD800  }
0x39: {  	_ =	swait.ge [sflag:s26], $0x2800  }
0x3a: {  	[sflag:s26] =	ssyncset.done $0x0  }
0x3b: {  	s6 =	simm.s32 $0x2710;
	[sflag:s26] =	ssyncadd.s32 $0xFFFFD800  }
0x3c: {  	[tilespmem:s21], [sflag:$0x2] =	stream.indirect.gather.add.f32 [hbm:s4], $0x80, s6, s20, $0xb8;
	[tilespmem:$0x16440] =	vst v63  }
0x3d: {  	s7 =	simm.s32 $0x2760  }
0x3e: {  	[tilespmem:s22], [sflag:$0x2] =	stream.indirect.gather.add.f32 [hbm:s4], $0x80, s7, s20, $0xb8;
	[tilespmem:$0x16440] =	vst v63  }
0x3f: {  	s17 =	simm.s32 $0x27B0  }
0x40: {  	[tilespmem:s23], [sflag:$0x2] =	stream.indirect.gather.add.f32 [hbm:s4], $0x80, s17, s20, $0xb8;
	[tilespmem:$0x16440] =	vst v63  }
0x41: {  	s18 =	simm.s32 $0x2800  }
0x42: {  	[tilespmem:s24], [sflag:$0x2] =	stream.indirect.gather.add.f32 [hbm:s4], $0x80, s18, s20, $0xb8;
	[tilespmem:$0x16440] =	vst v63  }
0x43: {  	s19 =	simm.s32 $0x2850  }
0x44: {  	[tilespmem:s25], [sflag:$0x2] =	stream.indirect.gather.add.f32 [hbm:s4], $0x80, s19, s20, $0xb8;
	[tilespmem:$0x16440] =	vst v63  }
0x45: {  	_ =	swait.ge [sflag:s28], $0x2800  }
0x46: {  	[sflag:s28] =	ssyncset.done $0x0  }
0x47: {  	[sflag:s28] =	ssyncadd.s32 $0xFFFFD800  }
0x48: {  	_ =	swait.ge [sflag:s28], $0x2800  }
0x49: {  	[sflag:s28] =	ssyncset.done $0x0  }
0x4a: {  	[sflag:s28] =	ssyncadd.s32 $0xFFFFD800  }
0x4b: {  	_ =	swait.ge [sflag:s28], $0x2800  }
0x4c: {  	[sflag:s28] =	ssyncset.done $0x0  }
0x4d: {  	[sflag:s28] =	ssyncadd.s32 $0xFFFFD800  }
0x4e: {  	_ =	swait.ge [sflag:s28], $0x2800  }
0x4f: {  	[sflag:s28] =	ssyncset.done $0x0  }
0x50: {  	[sflag:s28] =	ssyncadd.s32 $0xFFFFD800  }
0x51: {  	_ =	swait.ge [sflag:s28], $0x2800  }
0x52: {  	[sflag:s28] =	ssyncset.done $0x0  }
0x53: {  	[sflag:s28] =	ssyncadd.s32 $0xFFFFD800  }
0x54: {  	[hbm4b:s10+s2] =	stream.linear.scatter [tilespmem:s21], [sflag:$0x3], $0x2800, $0x38;
	[tilespmem:$0x16440] =	vst v63  }
0x55: {  	_ = 	snop  }
0x56: {  	[hbm4b:s14+s2] =	stream.linear.scatter [tilespmem:s22], [sflag:$0x3], $0x2800, $0x38;
	[tilespmem:$0x16440] =	vst v63  }
0x57: {  	_ = 	snop  }
0x58: {  	[hbm4b:s13+s2] =	stream.linear.scatter [tilespmem:s23], [sflag:$0x3], $0x2800, $0x38;
	[tilespmem:$0x16440] =	vst v63  }
0x59: {  	_ = 	snop  }
0x5a: {  	[hbm4b:s12+s2] =	stream.linear.scatter [tilespmem:s24], [sflag:$0x3], $0x2800, $0x38;
	[tilespmem:$0x16440] =	vst v63  }
0x5b: {  	_ = 	snop  }
0x5c: {  	[hbm4b:s11+s2] =	stream.linear.scatter [tilespmem:s25], [sflag:$0x3], $0x2800, $0x38;
	[tilespmem:$0x16440] =	vst v63  }
0x5d: {  	_ =	swait.ge [sflag:s29], $0x2800  }
0x5e: {  	[sflag:s29] =	ssyncset.done $0x0  }
0x5f: {  	[sflag:s29] =	ssyncadd.s32 $0xFFFFD800  }
0x60: {  	_ =	swait.ge [sflag:s29], $0x2800  }
0x61: {  	[sflag:s29] =	ssyncset.done $0x0  }
0x62: {  	[sflag:s29] =	ssyncadd.s32 $0xFFFFD800  }
0x63: {  	_ =	swait.ge [sflag:s29], $0x2800  }
0x64: {  	[sflag:s29] =	ssyncset.done $0x0  }
0x65: {  	[sflag:s29] =	ssyncadd.s32 $0xFFFFD800  }
0x66: {  	_ =	swait.ge [sflag:s29], $0x2800  }
0x67: {  	s31 =	sadd.s32 $0x1900, s14;
	[sflag:s29] =	ssyncset.done $0x0  }
0x68: {  	s0 =	sadd.s32 $0x1900, s12;
	s1 =	sadd.s32 $0x1900, s13;
	[sflag:s29] =	ssyncadd.s32 $0xFFFFD800  }
0x69: {  	s5 =	simm.s32 $0xC80;
	s17 =	sadd.s32 $0x1900, s11;
	_ =	swait.ge [sflag:s29], $0x2800  }
0x6a: {  	s18 =	sadd.s32 $0x1900, s10;
	s19 =	simm.s32 $0x640;
	[sflag:s29] =	ssyncset.done $0x0  }
.LBB2_2:
0x6b: {  	s6 =	sshra.s32 s19, $0x2  }
0x6c: {  	[sflag:s29] =	ssyncadd.s32 $0xFFFFD800;
	s19 =	smov.u32 s5;
	s7 =	sadd.s32 $0x640, s5  }
0x6d: {  	[tilespmem:s21], [sflag:$0x1] =	stream.indirect.gather [hbm4b:s3+s20], $0x80, s6, s20, $0xb8;
	[tilespmem:$0x16440] =	vst v63  }
0x6e: {  	p0 =	sne.s32 s5, $0x9600;
	s5 =	sadd.s32 $0x50, s6  }
0x6f: {  	[tilespmem:s22], [sflag:$0x1] =	stream.indirect.gather [hbm4b:s3+s20], $0x80, s5, s20, $0xb8;
	[tilespmem:$0x16440] =	vst v63  }
0x70: {  	s5 =	sadd.s32 $0xA0, s6  }
0x71: {  	[tilespmem:s23], [sflag:$0x1] =	stream.indirect.gather [hbm4b:s3+s20], $0x80, s5, s20, $0xb8;
	[tilespmem:$0x16440] =	vst v63  }
0x72: {  	s5 =	sadd.s32 $0xF0, s6  }
0x73: {  	[tilespmem:s24], [sflag:$0x1] =	stream.indirect.gather [hbm4b:s3+s20], $0x80, s5, s20, $0xb8;
	[tilespmem:$0x16440] =	vst v63  }
0x74: {  	s5 =	sadd.s32 $0x140, s6  }
0x75: {  	[tilespmem:s25], [sflag:$0x1] =	stream.indirect.gather [hbm4b:s3+s20], $0x80, s5, s20, $0xb8;
	[tilespmem:$0x16440] =	vst v63  }
0x76: {  	_ =	swait.ge [sflag:s26], $0x2800  }
0x77: {  	[sflag:s26] =	ssyncset.done $0x0  }
0x78: {  	[sflag:s26] =	ssyncadd.s32 $0xFFFFD800  }
0x79: {  	_ =	swait.ge [sflag:s26], $0x2800  }
0x7a: {  	[sflag:s26] =	ssyncset.done $0x0  }
0x7b: {  	[sflag:s26] =	ssyncadd.s32 $0xFFFFD800  }
0x7c: {  	_ =	swait.ge [sflag:s26], $0x2800  }
0x7d: {  	[sflag:s26] =	ssyncset.done $0x0  }
0x7e: {  	[sflag:s26] =	ssyncadd.s32 $0xFFFFD800  }
0x7f: {  	_ =	swait.ge [sflag:s26], $0x2800  }
0x80: {  	[sflag:s26] =	ssyncset.done $0x0  }
0x81: {  	[sflag:s26] =	ssyncadd.s32 $0xFFFFD800  }
0x82: {  	_ =	swait.ge [sflag:s26], $0x2800  }
0x83: {  	[sflag:s26] =	ssyncset.done $0x0  }
0x84: {  	s5 =	sadd.s32 $0x2710, s6;
	[sflag:s26] =	ssyncadd.s32 $0xFFFFD800  }
0x85: {  	[tilespmem:s21], [sflag:$0x2] =	stream.indirect.gather.add.f32 [hbm:s4], $0x80, s5, s20, $0xb8;
	[tilespmem:$0x16440] =	vst v63  }
0x86: {  	s5 =	sadd.s32 $0x2760, s6  }
0x87: {  	[tilespmem:s22], [sflag:$0x2] =	stream.indirect.gather.add.f32 [hbm:s4], $0x80, s5, s20, $0xb8;
	[tilespmem:$0x16440] =	vst v63  }
0x88: {  	s5 =	sadd.s32 $0x27B0, s6  }
0x89: {  	[tilespmem:s23], [sflag:$0x2] =	stream.indirect.gather.add.f32 [hbm:s4], $0x80, s5, s20, $0xb8;
	[tilespmem:$0x16440] =	vst v63  }
0x8a: {  	s5 =	sadd.s32 $0x2800, s6  }
0x8b: {  	[tilespmem:s24], [sflag:$0x2] =	stream.indirect.gather.add.f32 [hbm:s4], $0x80, s5, s20, $0xb8;
	[tilespmem:$0x16440] =	vst v63  }
0x8c: {  	s5 =	sadd.s32 $0x2850, s6  }
0x8d: {  	[tilespmem:s25], [sflag:$0x2] =	stream.indirect.gather.add.f32 [hbm:s4], $0x80, s5, s20, $0xb8;
	[tilespmem:$0x16440] =	vst v63  }
0x8e: {  	_ =	swait.ge [sflag:s28], $0x2800  }
0x8f: {  	[sflag:s28] =	ssyncset.done $0x0  }
0x90: {  	[sflag:s28] =	ssyncadd.s32 $0xFFFFD800  }
0x91: {  	_ =	swait.ge [sflag:s28], $0x2800  }
0x92: {  	[sflag:s28] =	ssyncset.done $0x0  }
0x93: {  	[sflag:s28] =	ssyncadd.s32 $0xFFFFD800  }
0x94: {  	_ =	swait.ge [sflag:s28], $0x2800  }
0x95: {  	[sflag:s28] =	ssyncset.done $0x0  }
0x96: {  	[sflag:s28] =	ssyncadd.s32 $0xFFFFD800  }
0x97: {  	_ =	swait.ge [sflag:s28], $0x2800  }
0x98: {  	[sflag:s28] =	ssyncset.done $0x0  }
0x99: {  	[sflag:s28] =	ssyncadd.s32 $0xFFFFD800  }
0x9a: {  	_ =	swait.ge [sflag:s28], $0x2800  }
0x9b: {  	[sflag:s28] =	ssyncset.done $0x0  }
0x9c: {  	s6 =	simm.s32 $0x0;
	[sflag:s28] =	ssyncadd.s32 $0xFFFFD800  }
0x9d: {  	[hbm4b:s18+s6] =	stream.linear.scatter [tilespmem:s21], [sflag:$0x3], $0x2800, $0x38;
	[tilespmem:$0x16440] =	vst v63  }
0x9e: {  	_ = 	snop  }
0x9f: {  	[hbm4b:s31+s6] =	stream.linear.scatter [tilespmem:s22], [sflag:$0x3], $0x2800, $0x38;
	[tilespmem:$0x16440] =	vst v63  }
0xa0: {  	_ = 	snop  }
0xa1: {  	[hbm4b:s1+s6] =	stream.linear.scatter [tilespmem:s23], [sflag:$0x3], $0x2800, $0x38;
	[tilespmem:$0x16440] =	vst v63  }
0xa2: {  	_ = 	snop  }
0xa3: {  	[hbm4b:s0+s6] =	stream.linear.scatter [tilespmem:s24], [sflag:$0x3], $0x2800, $0x38;
	[tilespmem:$0x16440] =	vst v63  }
0xa4: {  	_ = 	snop  }
0xa5: {  	[hbm4b:s17+s6] =	stream.linear.scatter [tilespmem:s25], [sflag:$0x3], $0x2800, $0x38;
	[tilespmem:$0x16440] =	vst v63  }
0xa6: {  	_ =	swait.ge [sflag:s29], $0x2800  }
0xa7: {  	[sflag:s29] =	ssyncset.done $0x0  }
0xa8: {  	[sflag:s29] =	ssyncadd.s32 $0xFFFFD800  }
0xa9: {  	_ =	swait.ge [sflag:s29], $0x2800  }
0xaa: {  	[sflag:s29] =	ssyncset.done $0x0  }
0xab: {  	[sflag:s29] =	ssyncadd.s32 $0xFFFFD800  }
0xac: {  	_ =	swait.ge [sflag:s29], $0x2800  }
0xad: {  	[sflag:s29] =	ssyncset.done $0x0  }
0xae: {  	[sflag:s29] =	ssyncadd.s32 $0xFFFFD800  }
.Ltmp0:
0xaf: {  	_ =	swait.ge [sflag:s29], $0x2800;
	(pc) =	sbr.rel @p0 .LBB2_2-.Ltmp0, $4  }
0xb0: {  	[sflag:s29] =	ssyncset.done $0x0  }
0xb1: {  	s5 =	smov.u32 s7;
	s31 =	sadd.s32 $0x1900, s31;
	[sflag:s29] =	ssyncadd.s32 $0xFFFFD800  }
0xb2: {  	s1 =	sadd.s32 $0x1900, s1;
	s0 =	sadd.s32 $0x1900, s0;
	_ =	swait.ge [sflag:s29], $0x2800  }
0xb3: {  	s18 =	sadd.s32 $0x1900, s18;
	s17 =	sadd.s32 $0x1900, s17;
	[sflag:s29] =	ssyncset.done $0x0  }
0xb4: {  	s5 =	sshra.s32 s19, $0x2;
	[sflag:s29] =	ssyncadd.s32 $0xFFFFD800  }
0xb5: {  	[tilespmem:s21], [sflag:$0x1] =	stream.indirect.gather [hbm4b:s3+s20], $0x80, s5, s20, $0xb8;
	[tilespmem:$0x16440] =	vst v63  }
0xb6: {  	s7 =	sadd.s32 $0x50, s5  }
0xb7: {  	[tilespmem:s22], [sflag:$0x1] =	stream.indirect.gather [hbm4b:s3+s20], $0x80, s7, s20, $0xb8;
	[tilespmem:$0x16440] =	vst v63  }
0xb8: {  	s19 =	sadd.s32 $0xA0, s5  }
0xb9: {  	[tilespmem:s23], [sflag:$0x1] =	stream.indirect.gather [hbm4b:s3+s20], $0x80, s19, s20, $0xb8;
	[tilespmem:$0x16440] =	vst v63  }
0xba: {  	s19 =	sadd.s32 $0xF0, s5  }
0xbb: {  	[tilespmem:s24], [sflag:$0x1] =	stream.indirect.gather [hbm4b:s3+s20], $0x80, s19, s20, $0xb8;
	[tilespmem:$0x16440] =	vst v63  }
0xbc: {  	s19 =	sadd.s32 $0x140, s5  }
0xbd: {  	[tilespmem:s25], [sflag:$0x1] =	stream.indirect.gather [hbm4b:s3+s20], $0x80, s19, s20, $0xb8;
	[tilespmem:$0x16440] =	vst v63  }
0xbe: {  	_ =	swait.ge [sflag:s26], $0x2800  }
0xbf: {  	[sflag:s26] =	ssyncset.done $0x0  }
0xc0: {  	[sflag:s26] =	ssyncadd.s32 $0xFFFFD800  }
0xc1: {  	_ =	swait.ge [sflag:s26], $0x2800  }
0xc2: {  	[sflag:s26] =	ssyncset.done $0x0  }
0xc3: {  	[sflag:s26] =	ssyncadd.s32 $0xFFFFD800  }
0xc4: {  	_ =	swait.ge [sflag:s26], $0x2800  }
0xc5: {  	[sflag:s26] =	ssyncset.done $0x0  }
0xc6: {  	[sflag:s26] =	ssyncadd.s32 $0xFFFFD800  }
0xc7: {  	_ =	swait.ge [sflag:s26], $0x2800  }
0xc8: {  	[sflag:s26] =	ssyncset.done $0x0  }
0xc9: {  	[sflag:s26] =	ssyncadd.s32 $0xFFFFD800  }
0xca: {  	_ =	swait.ge [sflag:s26], $0x2800  }
0xcb: {  	[sflag:s26] =	ssyncset.done $0x0  }
0xcc: {  	s19 =	sadd.s32 $0x2710, s5;
	[sflag:s26] =	ssyncadd.s32 $0xFFFFD800  }
0xcd: {  	[tilespmem:s21], [sflag:$0x2] =	stream.indirect.gather.add.f32 [hbm:s4], $0x80, s19, s20, $0xb8;
	[tilespmem:$0x16440] =	vst v63  }
0xce: {  	s19 =	sadd.s32 $0x2760, s5  }
0xcf: {  	[tilespmem:s22], [sflag:$0x2] =	stream.indirect.gather.add.f32 [hbm:s4], $0x80, s19, s20, $0xb8;
	[tilespmem:$0x16440] =	vst v63  }
0xd0: {  	s19 =	sadd.s32 $0x27B0, s5  }
0xd1: {  	[tilespmem:s23], [sflag:$0x2] =	stream.indirect.gather.add.f32 [hbm:s4], $0x80, s19, s20, $0xb8;
	[tilespmem:$0x16440] =	vst v63  }
0xd2: {  	s19 =	sadd.s32 $0x2800, s5  }
0xd3: {  	[tilespmem:s24], [sflag:$0x2] =	stream.indirect.gather.add.f32 [hbm:s4], $0x80, s19, s20, $0xb8;
	[tilespmem:$0x16440] =	vst v63  }
0xd4: {  	s5 =	sadd.s32 $0x2850, s5  }
0xd5: {  	[tilespmem:s25], [sflag:$0x2] =	stream.indirect.gather.add.f32 [hbm:s4], $0x80, s5, s20, $0xb8;
	[tilespmem:$0x16440] =	vst v63  }
0xd6: {  	_ =	swait.ge [sflag:s28], $0x2800  }
0xd7: {  	[sflag:s28] =	ssyncset.done $0x0  }
0xd8: {  	[sflag:s28] =	ssyncadd.s32 $0xFFFFD800  }
0xd9: {  	_ =	swait.ge [sflag:s28], $0x2800  }
0xda: {  	[sflag:s28] =	ssyncset.done $0x0  }
0xdb: {  	[sflag:s28] =	ssyncadd.s32 $0xFFFFD800  }
0xdc: {  	_ =	swait.ge [sflag:s28], $0x2800  }
0xdd: {  	[sflag:s28] =	ssyncset.done $0x0  }
0xde: {  	[sflag:s28] =	ssyncadd.s32 $0xFFFFD800  }
0xdf: {  	_ =	swait.ge [sflag:s28], $0x2800  }
0xe0: {  	[sflag:s28] =	ssyncset.done $0x0  }
0xe1: {  	[sflag:s28] =	ssyncadd.s32 $0xFFFFD800  }
0xe2: {  	_ =	swait.ge [sflag:s28], $0x2800  }
0xe3: {  	[sflag:s28] =	ssyncset.done $0x0  }
0xe4: {  	[sflag:s28] =	ssyncadd.s32 $0xFFFFD800  }
0xe5: {  	[hbm4b:s18+s6] =	stream.linear.scatter [tilespmem:s21], [sflag:$0x3], $0x2800, $0x38;
	[tilespmem:$0x16440] =	vst v63  }
0xe6: {  	_ = 	snop  }
0xe7: {  	[hbm4b:s31+s6] =	stream.linear.scatter [tilespmem:s22], [sflag:$0x3], $0x2800, $0x38;
	[tilespmem:$0x16440] =	vst v63  }
0xe8: {  	_ = 	snop  }
0xe9: {  	[hbm4b:s1+s6] =	stream.linear.scatter [tilespmem:s23], [sflag:$0x3], $0x2800, $0x38;
	[tilespmem:$0x16440] =	vst v63  }
0xea: {  	_ = 	snop  }
0xeb: {  	[hbm4b:s0+s6] =	stream.linear.scatter [tilespmem:s24], [sflag:$0x3], $0x2800, $0x38;
	[tilespmem:$0x16440] =	vst v63  }
0xec: {  	_ = 	snop  }
0xed: {  	[hbm4b:s17+s6] =	stream.linear.scatter [tilespmem:s25], [sflag:$0x3], $0x2800, $0x38;
	[tilespmem:$0x16440] =	vst v63  }
0xee: {  	_ =	swait.ge [sflag:s29], $0x2800  }
0xef: {  	[sflag:s29] =	ssyncset.done $0x0  }
0xf0: {  	[sflag:s29] =	ssyncadd.s32 $0xFFFFD800  }
0xf1: {  	_ =	swait.ge [sflag:s29], $0x2800  }
0xf2: {  	[sflag:s29] =	ssyncset.done $0x0  }
0xf3: {  	[sflag:s29] =	ssyncadd.s32 $0xFFFFD800  }
0xf4: {  	_ =	swait.ge [sflag:s29], $0x2800  }
0xf5: {  	[sflag:s29] =	ssyncset.done $0x0  }
0xf6: {  	[sflag:s29] =	ssyncadd.s32 $0xFFFFD800  }
0xf7: {  	p1 =	por $0x1, $0x1;
	_ =	swait.ge [sflag:s29], $0x2800  }
.Ltmp1:
0xf8: {  	[sflag:s29] =	ssyncset.done $0x0;
	(pc) =	sbr.rel @!p1 .LBB2_6-.Ltmp1, $4  }
0xf9: {  	[sflag:s29] =	ssyncadd.s32 $0xFFFFD800  }
0xfa: {  	_ =	swait.ge [sflag:s29], $0x2800  }
0xfb: {  	p0 =	por $0x0, $0x0;
	[sflag:s29] =	ssyncset.done $0x0  }
0xfc: {  	s5 =	simm.s32 $0x0;
	s31 =	smov.u32 s15;
	[sflag:s29] =	ssyncadd.s32 $0xFFFFD800  }
0xfd: {  	s0 =	simm.s32 $0x4E20  }
0xfe: {  	[tilespmem:s21], [sflag:$0x1] =	stream.indirect.gather [hbm4b:s3+s20], $0x80, s0, s20, $0xb8;
	[tilespmem:$0x16440] =	vst v63  }
0xff: {  	s5 =	simm.s32 $0x4E70  }
0x100: {  	[tilespmem:s22], [sflag:$0x1] =	stream.indirect.gather [hbm4b:s3+s20], $0x80, s5, s20, $0xb8;
	[tilespmem:$0x16440] =	vst v63  }
0x101: {  	s6 =	simm.s32 $0x4EC0  }
0x102: {  	[tilespmem:s23], [sflag:$0x1] =	stream.indirect.gather [hbm4b:s3+s20], $0x80, s6, s20, $0xb8;
	[tilespmem:$0x16440] =	vst v63  }
0x103: {  	s7 =	simm.s32 $0x4F10  }
0x104: {  	[tilespmem:s24], [sflag:$0x1] =	stream.indirect.gather [hbm4b:s3+s20], $0x80, s7, s20, $0xb8;
	[tilespmem:$0x16440] =	vst v63  }
0x105: {  	s17 =	simm.s32 $0x4F60  }
0x106: {  	[tilespmem:s25], [sflag:$0x1] =	stream.indirect.gather [hbm4b:s3+s20], $0x80, s17, s20, $0xb8;
	[tilespmem:$0x16440] =	vst v63  }
0x107: {  	_ =	swait.ge [sflag:s26], $0x2800  }
0x108: {  	[sflag:s26] =	ssyncset.done $0x0  }
0x109: {  	[sflag:s26] =	ssyncadd.s32 $0xFFFFD800  }
0x10a: {  	_ =	swait.ge [sflag:s26], $0x2800  }
0x10b: {  	[sflag:s26] =	ssyncset.done $0x0  }
0x10c: {  	[sflag:s26] =	ssyncadd.s32 $0xFFFFD800  }
0x10d: {  	_ =	swait.ge [sflag:s26], $0x2800  }
0x10e: {  	[sflag:s26] =	ssyncset.done $0x0  }
0x10f: {  	[sflag:s26] =	ssyncadd.s32 $0xFFFFD800  }
0x110: {  	_ =	swait.ge [sflag:s26], $0x2800  }
0x111: {  	[sflag:s26] =	ssyncset.done $0x0  }
0x112: {  	[sflag:s26] =	ssyncadd.s32 $0xFFFFD800  }
0x113: {  	_ =	swait.ge [sflag:s26], $0x2800  }
0x114: {  	[sflag:s26] =	ssyncset.done $0x0  }
0x115: {  	s18 =	simm.s32 $0x7530;
	[sflag:s26] =	ssyncadd.s32 $0xFFFFD800  }
0x116: {  	[tilespmem:s21], [sflag:$0x2] =	stream.indirect.gather.add.f32 [hbm:s4], $0x80, s18, s20, $0xb8;
	[tilespmem:$0x16440] =	vst v63  }
0x117: {  	s19 =	simm.s32 $0x7580  }
0x118: {  	[tilespmem:s22], [sflag:$0x2] =	stream.indirect.gather.add.f32 [hbm:s4], $0x80, s19, s20, $0xb8;
	[tilespmem:$0x16440] =	vst v63  }
0x119: {  	s1 =	simm.s32 $0x75D0  }
0x11a: {  	[tilespmem:s23], [sflag:$0x2] =	stream.indirect.gather.add.f32 [hbm:s4], $0x80, s1, s20, $0xb8;
	[tilespmem:$0x16440] =	vst v63  }
0x11b: {  	s5 =	simm.s32 $0x7620  }
0x11c: {  	[tilespmem:s24], [sflag:$0x2] =	stream.indirect.gather.add.f32 [hbm:s4], $0x80, s5, s20, $0xb8;
	[tilespmem:$0x16440] =	vst v63  }
0x11d: {  	s6 =	simm.s32 $0x7670  }
0x11e: {  	[tilespmem:s25], [sflag:$0x2] =	stream.indirect.gather.add.f32 [hbm:s4], $0x80, s6, s20, $0xb8;
	[tilespmem:$0x16440] =	vst v63  }
0x11f: {  	_ =	swait.ge [sflag:s28], $0x2800  }
0x120: {  	[sflag:s28] =	ssyncset.done $0x0  }
0x121: {  	[sflag:s28] =	ssyncadd.s32 $0xFFFFD800  }
0x122: {  	_ =	swait.ge [sflag:s28], $0x2800  }
0x123: {  	[sflag:s28] =	ssyncset.done $0x0  }
0x124: {  	[sflag:s28] =	ssyncadd.s32 $0xFFFFD800  }
0x125: {  	_ =	swait.ge [sflag:s28], $0x2800  }
0x126: {  	[sflag:s28] =	ssyncset.done $0x0  }
0x127: {  	[sflag:s28] =	ssyncadd.s32 $0xFFFFD800  }
0x128: {  	_ =	swait.ge [sflag:s28], $0x2800  }
0x129: {  	[sflag:s28] =	ssyncset.done $0x0  }
0x12a: {  	[sflag:s28] =	ssyncadd.s32 $0xFFFFD800  }
0x12b: {  	_ =	swait.ge [sflag:s28], $0x2800  }
0x12c: {  	[sflag:s28] =	ssyncset.done $0x0  }
0x12d: {  	s7 =	sadd.s32 $0xFFFFEC00, s15;
	[sflag:s28] =	ssyncadd.s32 $0xFFFFD800  }
0x12e: {  	[hbm4b:s7+s2] =	stream.linear.scatter [tilespmem:s21], [sflag:$0x3], $0x2800, $0x38;
	[tilespmem:$0x16440] =	vst v63  }
0x12f: {  	s17 =	sadd.s32 $0xFFFFF100, s15  }
0x130: {  	[hbm4b:s17+s2] =	stream.linear.scatter [tilespmem:s22], [sflag:$0x3], $0x2800, $0x38;
	[tilespmem:$0x16440] =	vst v63  }
0x131: {  	s18 =	sadd.s32 $0xFFFFF600, s15  }
0x132: {  	[hbm4b:s18+s2] =	stream.linear.scatter [tilespmem:s23], [sflag:$0x3], $0x2800, $0x38;
	[tilespmem:$0x16440] =	vst v63  }
0x133: {  	s19 =	sadd.s32 $0xFFFFFB00, s15  }
0x134: {  	[hbm4b:s19+s2] =	stream.linear.scatter [tilespmem:s24], [sflag:$0x3], $0x2800, $0x38;
	[tilespmem:$0x16440] =	vst v63  }
0x135: {  	_ = 	snop  }
0x136: {  	[hbm4b:s15+s2] =	stream.linear.scatter [tilespmem:s25], [sflag:$0x3], $0x2800, $0x38;
	[tilespmem:$0x16440] =	vst v63  }
0x137: {  	_ =	swait.ge [sflag:s29], $0x2800  }
0x138: {  	[sflag:s29] =	ssyncset.done $0x0  }
0x139: {  	[sflag:s29] =	ssyncadd.s32 $0xFFFFD800  }
0x13a: {  	_ =	swait.ge [sflag:s29], $0x2800  }
0x13b: {  	[sflag:s29] =	ssyncset.done $0x0  }
0x13c: {  	[sflag:s29] =	ssyncadd.s32 $0xFFFFD800  }
0x13d: {  	_ =	swait.ge [sflag:s29], $0x2800  }
0x13e: {  	[sflag:s29] =	ssyncset.done $0x0  }
0x13f: {  	p1 =	por $0x1, $0x1;
	[sflag:s29] =	ssyncadd.s32 $0xFFFFD800  }
.Ltmp2:
0x140: {  	_ =	swait.ge [sflag:s29], $0x2800;
	(pc) =	sbr.rel @!p1 .LBB2_6-.Ltmp2, $4  }
0x141: {  	[sflag:s29] =	ssyncset.done $0x0  }
0x142: {  	[sflag:s29] =	ssyncadd.s32 $0xFFFFD800  }
0x143: {  	s31 =	sadd.s32 $0x1900, s15;
	p0 =	por $0x1, $0x1;
	_ =	swait.ge [sflag:s29], $0x2800  }
0x144: {  	s5 =	simm.s32 $0x190;
	s6 =	simm.s32 $0xC80;
	[sflag:s29] =	ssyncset.done $0x0  }
.LBB2_5:
0x145: {  	s7 =	sadd.s32 $0x4E20, s5  }
0x146: {  	[sflag:s29] =	ssyncadd.s32 $0xFFFFD800;
	s1 =	smov.u32 s6;
	s0 =	sadd.s32 $0x640, s6  }
0x147: {  	[tilespmem:s21], [sflag:$0x1] =	stream.indirect.gather [hbm4b:s3+s20], $0x80, s7, s20, $0xb8;
	[tilespmem:$0x16440] =	vst v63  }
0x148: {  	p1 =	sne.s32 s6, $0x9600;
	s6 =	sadd.s32 $0x4E70, s5  }
0x149: {  	[tilespmem:s22], [sflag:$0x1] =	stream.indirect.gather [hbm4b:s3+s20], $0x80, s6, s20, $0xb8;
	[tilespmem:$0x16440] =	vst v63  }
0x14a: {  	s6 =	sadd.s32 $0x4EC0, s5  }
0x14b: {  	[tilespmem:s23], [sflag:$0x1] =	stream.indirect.gather [hbm4b:s3+s20], $0x80, s6, s20, $0xb8;
	[tilespmem:$0x16440] =	vst v63  }
0x14c: {  	s6 =	sadd.s32 $0x4F10, s5  }
0x14d: {  	[tilespmem:s24], [sflag:$0x1] =	stream.indirect.gather [hbm4b:s3+s20], $0x80, s6, s20, $0xb8;
	[tilespmem:$0x16440] =	vst v63  }
0x14e: {  	s6 =	sadd.s32 $0x4F60, s5  }
0x14f: {  	[tilespmem:s25], [sflag:$0x1] =	stream.indirect.gather [hbm4b:s3+s20], $0x80, s6, s20, $0xb8;
	[tilespmem:$0x16440] =	vst v63  }
0x150: {  	_ =	swait.ge [sflag:s26], $0x2800  }
0x151: {  	[sflag:s26] =	ssyncset.done $0x0  }
0x152: {  	[sflag:s26] =	ssyncadd.s32 $0xFFFFD800  }
0x153: {  	_ =	swait.ge [sflag:s26], $0x2800  }
0x154: {  	[sflag:s26] =	ssyncset.done $0x0  }
0x155: {  	[sflag:s26] =	ssyncadd.s32 $0xFFFFD800  }
0x156: {  	_ =	swait.ge [sflag:s26], $0x2800  }
0x157: {  	[sflag:s26] =	ssyncset.done $0x0  }
0x158: {  	[sflag:s26] =	ssyncadd.s32 $0xFFFFD800  }
0x159: {  	_ =	swait.ge [sflag:s26], $0x2800  }
0x15a: {  	[sflag:s26] =	ssyncset.done $0x0  }
0x15b: {  	[sflag:s26] =	ssyncadd.s32 $0xFFFFD800  }
0x15c: {  	_ =	swait.ge [sflag:s26], $0x2800  }
0x15d: {  	[sflag:s26] =	ssyncset.done $0x0  }
0x15e: {  	s6 =	sadd.s32 $0x7530, s5;
	[sflag:s26] =	ssyncadd.s32 $0xFFFFD800  }
0x15f: {  	[tilespmem:s21], [sflag:$0x2] =	stream.indirect.gather.add.f32 [hbm:s4], $0x80, s6, s20, $0xb8;
	[tilespmem:$0x16440] =	vst v63  }
0x160: {  	s6 =	sadd.s32 $0x7580, s5  }
0x161: {  	[tilespmem:s22], [sflag:$0x2] =	stream.indirect.gather.add.f32 [hbm:s4], $0x80, s6, s20, $0xb8;
	[tilespmem:$0x16440] =	vst v63  }
0x162: {  	s6 =	sadd.s32 $0x75D0, s5  }
0x163: {  	[tilespmem:s23], [sflag:$0x2] =	stream.indirect.gather.add.f32 [hbm:s4], $0x80, s6, s20, $0xb8;
	[tilespmem:$0x16440] =	vst v63  }
0x164: {  	s6 =	sadd.s32 $0x7620, s5  }
0x165: {  	[tilespmem:s24], [sflag:$0x2] =	stream.indirect.gather.add.f32 [hbm:s4], $0x80, s6, s20, $0xb8;
	[tilespmem:$0x16440] =	vst v63  }
0x166: {  	s5 =	sadd.s32 $0x7670, s5  }
0x167: {  	[tilespmem:s25], [sflag:$0x2] =	stream.indirect.gather.add.f32 [hbm:s4], $0x80, s5, s20, $0xb8;
	[tilespmem:$0x16440] =	vst v63  }
0x168: {  	_ =	swait.ge [sflag:s28], $0x2800  }
0x169: {  	[sflag:s28] =	ssyncset.done $0x0  }
0x16a: {  	[sflag:s28] =	ssyncadd.s32 $0xFFFFD800  }
0x16b: {  	_ =	swait.ge [sflag:s28], $0x2800  }
0x16c: {  	[sflag:s28] =	ssyncset.done $0x0  }
0x16d: {  	[sflag:s28] =	ssyncadd.s32 $0xFFFFD800  }
0x16e: {  	_ =	swait.ge [sflag:s28], $0x2800  }
0x16f: {  	[sflag:s28] =	ssyncset.done $0x0  }
0x170: {  	[sflag:s28] =	ssyncadd.s32 $0xFFFFD800  }
0x171: {  	_ =	swait.ge [sflag:s28], $0x2800  }
0x172: {  	[sflag:s28] =	ssyncset.done $0x0  }
0x173: {  	[sflag:s28] =	ssyncadd.s32 $0xFFFFD800  }
0x174: {  	_ =	swait.ge [sflag:s28], $0x2800  }
0x175: {  	[sflag:s28] =	ssyncset.done $0x0  }
0x176: {  	s5 =	sadd.s32 $0xFFFFEC00, s31;
	[sflag:s28] =	ssyncadd.s32 $0xFFFFD800  }
0x177: {  	[hbm4b:s5+s2] =	stream.linear.scatter [tilespmem:s21], [sflag:$0x3], $0x2800, $0x38;
	[tilespmem:$0x16440] =	vst v63  }
0x178: {  	s5 =	sadd.s32 $0xFFFFF100, s31  }
0x179: {  	[hbm4b:s5+s2] =	stream.linear.scatter [tilespmem:s22], [sflag:$0x3], $0x2800, $0x38;
	[tilespmem:$0x16440] =	vst v63  }
0x17a: {  	s5 =	sadd.s32 $0xFFFFF600, s31  }
0x17b: {  	[hbm4b:s5+s2] =	stream.linear.scatter [tilespmem:s23], [sflag:$0x3], $0x2800, $0x38;
	[tilespmem:$0x16440] =	vst v63  }
0x17c: {  	s5 =	sadd.s32 $0xFFFFFB00, s31  }
0x17d: {  	[hbm4b:s5+s2] =	stream.linear.scatter [tilespmem:s24], [sflag:$0x3], $0x2800, $0x38;
	[tilespmem:$0x16440] =	vst v63  }
0x17e: {  	_ = 	snop  }
0x17f: {  	[hbm4b:s31+s2] =	stream.linear.scatter [tilespmem:s25], [sflag:$0x3], $0x2800, $0x38;
	[tilespmem:$0x16440] =	vst v63  }
0x180: {  	_ =	swait.ge [sflag:s29], $0x2800  }
0x181: {  	[sflag:s29] =	ssyncset.done $0x0  }
0x182: {  	[sflag:s29] =	ssyncadd.s32 $0xFFFFD800  }
0x183: {  	_ =	swait.ge [sflag:s29], $0x2800  }
0x184: {  	[sflag:s29] =	ssyncset.done $0x0  }
0x185: {  	[sflag:s29] =	ssyncadd.s32 $0xFFFFD800  }
0x186: {  	_ =	swait.ge [sflag:s29], $0x2800  }
0x187: {  	[sflag:s29] =	ssyncset.done $0x0  }
0x188: {  	[sflag:s29] =	ssyncadd.s32 $0xFFFFD800  }
.Ltmp3:
0x189: {  	_ =	swait.ge [sflag:s29], $0x2800;
	(pc) =	sbr.rel @p1 .LBB2_5-.Ltmp3, $4  }
0x18a: {  	[sflag:s29] =	ssyncset.done $0x0  }
0x18b: {  	[sflag:s29] =	ssyncadd.s32 $0xFFFFD800  }
0x18c: {  	s6 =	smov.u32 s0;
	_ =	swait.ge [sflag:s29], $0x2800  }
0x18d: {  	s5 =	sshra.s32 s1, $0x2;
	s31 =	sadd.s32 $0x1900, s31;
	[sflag:s29] =	ssyncset.done $0x0  }
.LBB2_6:
0x18e: {  	s0 =	sadd.s32 $0x4E20, s5;
	[sflag:s29] =	ssyncadd.s32 @p0 $0xFFFFD800  }
0x18f: {  	[tilespmem:s21], [sflag:$0x1] =	stream.indirect.gather [hbm4b:s3+s20], $0x80, s0, s20, $0xb8;
	[tilespmem:$0x16440] =	vst v63  }
0x190: {  	s19 =	sadd.s32 $0x4E70, s5  }
0x191: {  	[tilespmem:s22], [sflag:$0x1] =	stream.indirect.gather [hbm4b:s3+s20], $0x80, s19, s20, $0xb8;
	[tilespmem:$0x16440] =	vst v63  }
0x192: {  	s1 =	sadd.s32 $0x4EC0, s5  }
0x193: {  	[tilespmem:s23], [sflag:$0x1] =	stream.indirect.gather [hbm4b:s3+s20], $0x80, s1, s20, $0xb8;
	[tilespmem:$0x16440] =	vst v63  }
0x194: {  	s6 =	sadd.s32 $0x4F10, s5  }
0x195: {  	[tilespmem:s24], [sflag:$0x1] =	stream.indirect.gather [hbm4b:s3+s20], $0x80, s6, s20, $0xb8;
	[tilespmem:$0x16440] =	vst v63  }
0x196: {  	s7 =	sadd.s32 $0x4F60, s5  }
0x197: {  	[tilespmem:s25], [sflag:$0x1] =	stream.indirect.gather [hbm4b:s3+s20], $0x80, s7, s20, $0xb8;
	[tilespmem:$0x16440] =	vst v63  }
0x198: {  	_ =	swait.ge [sflag:s26], $0x2800  }
0x199: {  	[sflag:s26] =	ssyncset.done $0x0  }
0x19a: {  	[sflag:s26] =	ssyncadd.s32 $0xFFFFD800  }
0x19b: {  	_ =	swait.ge [sflag:s26], $0x2800  }
0x19c: {  	[sflag:s26] =	ssyncset.done $0x0  }
0x19d: {  	[sflag:s26] =	ssyncadd.s32 $0xFFFFD800  }
0x19e: {  	_ =	swait.ge [sflag:s26], $0x2800  }
0x19f: {  	[sflag:s26] =	ssyncset.done $0x0  }
0x1a0: {  	[sflag:s26] =	ssyncadd.s32 $0xFFFFD800  }
0x1a1: {  	_ =	swait.ge [sflag:s26], $0x2800  }
0x1a2: {  	[sflag:s26] =	ssyncset.done $0x0  }
0x1a3: {  	[sflag:s26] =	ssyncadd.s32 $0xFFFFD800  }
0x1a4: {  	_ =	swait.ge [sflag:s26], $0x2800  }
0x1a5: {  	[sflag:s26] =	ssyncset.done $0x0  }
0x1a6: {  	s17 =	sadd.s32 $0x7530, s5;
	[sflag:s26] =	ssyncadd.s32 $0xFFFFD800  }
0x1a7: {  	[tilespmem:s21], [sflag:$0x2] =	stream.indirect.gather.add.f32 [hbm:s4], $0x80, s17, s20, $0xb8;
	[tilespmem:$0x16440] =	vst v63  }
0x1a8: {  	s18 =	sadd.s32 $0x7580, s5  }
0x1a9: {  	[tilespmem:s22], [sflag:$0x2] =	stream.indirect.gather.add.f32 [hbm:s4], $0x80, s18, s20, $0xb8;
	[tilespmem:$0x16440] =	vst v63  }
0x1aa: {  	s19 =	sadd.s32 $0x75D0, s5  }
0x1ab: {  	[tilespmem:s23], [sflag:$0x2] =	stream.indirect.gather.add.f32 [hbm:s4], $0x80, s19, s20, $0xb8;
	[tilespmem:$0x16440] =	vst v63  }
0x1ac: {  	s1 =	sadd.s32 $0x7620, s5  }
0x1ad: {  	[tilespmem:s24], [sflag:$0x2] =	stream.indirect.gather.add.f32 [hbm:s4], $0x80, s1, s20, $0xb8;
	[tilespmem:$0x16440] =	vst v63  }
0x1ae: {  	s6 =	sadd.s32 $0x7670, s5  }
0x1af: {  	[tilespmem:s25], [sflag:$0x2] =	stream.indirect.gather.add.f32 [hbm:s4], $0x80, s6, s20, $0xb8;
	[tilespmem:$0x16440] =	vst v63  }
0x1b0: {  	_ =	swait.ge [sflag:s28], $0x2800  }
0x1b1: {  	[sflag:s28] =	ssyncset.done $0x0  }
0x1b2: {  	[sflag:s28] =	ssyncadd.s32 $0xFFFFD800  }
0x1b3: {  	_ =	swait.ge [sflag:s28], $0x2800  }
0x1b4: {  	[sflag:s28] =	ssyncset.done $0x0  }
0x1b5: {  	[sflag:s28] =	ssyncadd.s32 $0xFFFFD800  }
0x1b6: {  	_ =	swait.ge [sflag:s28], $0x2800  }
0x1b7: {  	[sflag:s28] =	ssyncset.done $0x0  }
0x1b8: {  	[sflag:s28] =	ssyncadd.s32 $0xFFFFD800  }
0x1b9: {  	_ =	swait.ge [sflag:s28], $0x2800  }
0x1ba: {  	[sflag:s28] =	ssyncset.done $0x0  }
0x1bb: {  	[sflag:s28] =	ssyncadd.s32 $0xFFFFD800  }
0x1bc: {  	_ =	swait.ge [sflag:s28], $0x2800  }
0x1bd: {  	[sflag:s28] =	ssyncset.done $0x0  }
0x1be: {  	s7 =	sadd.s32 $0xFFFFEC00, s31;
	[sflag:s28] =	ssyncadd.s32 $0xFFFFD800  }
0x1bf: {  	[hbm4b:s7+s2] =	stream.linear.scatter [tilespmem:s21], [sflag:$0x3], $0x2800, $0x38;
	[tilespmem:$0x16440] =	vst v63  }
0x1c0: {  	s17 =	sadd.s32 $0xFFFFF100, s31  }
0x1c1: {  	[hbm4b:s17+s2] =	stream.linear.scatter [tilespmem:s22], [sflag:$0x3], $0x2800, $0x38;
	[tilespmem:$0x16440] =	vst v63  }
0x1c2: {  	s18 =	sadd.s32 $0xFFFFF600, s31  }
0x1c3: {  	[hbm4b:s18+s2] =	stream.linear.scatter [tilespmem:s23], [sflag:$0x3], $0x2800, $0x38;
	[tilespmem:$0x16440] =	vst v63  }
0x1c4: {  	s19 =	sadd.s32 $0xFFFFFB00, s31  }
0x1c5: {  	[hbm4b:s19+s2] =	stream.linear.scatter [tilespmem:s24], [sflag:$0x3], $0x2800, $0x38;
	[tilespmem:$0x16440] =	vst v63  }
0x1c6: {  	_ = 	snop  }
0x1c7: {  	[hbm4b:s31+s2] =	stream.linear.scatter [tilespmem:s25], [sflag:$0x3], $0x2800, $0x38;
	[tilespmem:$0x16440] =	vst v63  }
0x1c8: {  	_ =	swait.ge [sflag:s29], $0x2800  }
0x1c9: {  	[sflag:s29] =	ssyncset.done $0x0  }
0x1ca: {  	[sflag:s29] =	ssyncadd.s32 $0xFFFFD800  }
0x1cb: {  	_ =	swait.ge [sflag:s29], $0x2800  }
0x1cc: {  	[sflag:s29] =	ssyncset.done $0x0  }
0x1cd: {  	[sflag:s29] =	ssyncadd.s32 $0xFFFFD800  }
0x1ce: {  	_ =	swait.ge [sflag:s29], $0x2800  }
0x1cf: {  	[sflag:s29] =	ssyncset.done $0x0  }
0x1d0: {  	s30 =	sadd.s32 $0x1, s30;
	[sflag:s29] =	ssyncadd.s32 $0xFFFFD800  }
0x1d1: {  	p0 =	sne.s32 s30, s9;
	_ =	swait.ge [sflag:s29], $0x2800  }
.Ltmp4:
0x1d2: {  	[sflag:s29] =	ssyncset.done $0x0;
	(pc) =	sbr.rel @p0 .LBB2_1-.Ltmp4, $4  }
0x1d3: {  	[sflag:s29] =	ssyncadd.s32 $0xFFFFD800  }
0x1d4: {  	_ =	swait.ge [sflag:s29], $0x2800  }
0x1d5: {  	[sflag:s29] =	ssyncset.done $0x0  }
0x1d6: {  	[sflag:s29] =	ssyncadd.s32 $0xFFFFD800  }
0x1d7: {  	_ =	sfence.sel $0x180000  }
0x1d8: {  	[bflag:$0x0] =	sbarrier.arrive $0xFFFF  }
0x1d9: {  	_ =	strace $0x90000050  }
0x1da: {  	s0 =	stileid.u32;
	[bflag:$0x2] =	sbarrier.arrive $0xFFFF  }
0x1db: {  	p0 =	sne.s32 s0, $0x0;
	s0 =	rddreg [dreg:$0x1]  }
0x1dc: {  	s0 =	sadd.s32 @!p0 $0x100000, s0  }
0x1dd: {  	[sflag:s0] =	ssyncadd.tile.s32 @!p0 $0x1;
	_ =	shalt  }
.Lfunc_end2:
_tile_overlayer_lowered:
.L_overlay_start_2:
0x1de: {  	(tag) =	ssettag $0x2  }
0x1df: {  	s0 =	rddreg [dreg:$0x0];
	s2 =	stileid.u32  }
0x1e0: {  	s1 =	rddreg [dreg:$0x1];
	p0 =	sne.s32 s2, $0x0  }
0x1e1: {  	s3 =	rddreg [dreg:$0x2];
	[bflag:$0x3] =	sbarrier.arrive $0xFFFF;
	s2 =	simm.s32 @!p0 $0x1C04  }
0x1e2: {  	[timem:s3], [sflag:s2] =	dma.local @!p0 [hbm:s0], s1  }
0x1e3: {  	s0 =	simm.s32 @!p0 $0x4  }
0x1e4: {  	_ =	swait.ge @!p0 [sflag:s0], s1  }
0x1e5: {  	s1 =	ssub.s32 @!p0 $0x0, s1;
	[sflag:s0] =	ssyncset.done @!p0 $0x0  }
0x1e6: {  	[sflag:s0] =	ssyncadd.s32 @!p0 s1  }
0x1e7: {  	[bflag:$0x3] =	sbarrier.arrive $0xFFFF  }
0x1e8: {  	_ =	shalt  }

</sc_bundles>
